<compile_context>
chip_gen: v7x
topology: tpu7x:2x2x1
jax: 0.10.2.dev20260603
libtpu: 0.0.44.dev20260713+nightly
codegen_flags: <defaults>
</compile_context>

<pallas_src>
import functools

import numpy as np

import jax
import jax.numpy as jnp
from jax import lax
from jax.experimental import pallas as pl
from jax.experimental.pallas import tpu as pltpu
from jax.experimental.pallas import tpu_sc as plsc

_NC = 2
_NS = 16
_NW = _NC * _NS

_B = 4096
_L = 200
_D = 64
_BLK = _B // _NW
_NBUF = 4


def _sc_body(xt_hbm, tok2_hbm, pos_hbm, out_hbm,
             idx_v, pos_v, gbuf0, gbuf1, gbuf2, gbuf3, tbuf,
             gsem0, gsem1, gsem2, gsem3, osem0, osem1):
    wid = lax.axis_index("s") * _NC + lax.axis_index("c")
    b0 = wid * _BLK
    tok_hbm = tok2_hbm

    pltpu.sync_copy(xt_hbm.at[:, pl.ds(b0, _BLK)], idx_v)
    pltpu.sync_copy(pos_hbm, pos_v)

    gbufs = (gbuf0, gbuf1, gbuf2, gbuf3)
    gsems = (gsem0, gsem1, gsem2, gsem3)
    osems = (osem0, osem1)

    lanes = lax.iota(jnp.int32, 16)
    dvecs = [16 * k + lanes for k in range(4)]

    def fire_gather(l, slot):
        @pl.when(l < _L)
        def _():
            pltpu.async_copy(tok_hbm.at[idx_v.at[l]], gbufs[slot],
                             gsems[slot])

    def substep(l, u):
        fire_gather(l + _NBUF - 1, (u + _NBUF - 1) % _NBUF)
        pv = [pos_v[l, pl.ds(16 * k, 16)] for k in range(4)]
        @pl.when(l >= 2)
        def _reclaim():
            for s in range(8):
                pltpu.make_async_copy(
                    tbuf.at[u % 2, pl.ds(8 * s, 8), pl.ds(0, _BLK)],
                    out_hbm.at[0, s, wid], osems[u % 2]).wait()
        pltpu.make_async_copy(tok_hbm.at[idx_v.at[l]], gbufs[u],
                              gsems[u]).wait()
        dst = tbuf.at[u % 2]
        gb = gbufs[u]

        @plsc.parallel_loop(0, _BLK, 1, unroll=8)
        def _rows(b):
            bvec = jnp.full((16,), b, dtype=jnp.int32)
            for k in range(4):
                v = gb[b, pl.ds(16 * k, 16)] + pv[k]
                plsc.store_scatter(dst, [dvecs[k], bvec], v)

        for s in range(8):
            pltpu.async_copy(
                tbuf.at[u % 2, pl.ds(8 * s, 8), pl.ds(0, _BLK)],
                out_hbm.at[l, s, wid], osems[u % 2])

    for l in range(_NBUF - 1):
        fire_gather(l, l)

    def step(i, _):
        for u in range(_NBUF):
            substep(_NBUF * i + u, u)
        return _

    lax.fori_loop(0, _L // _NBUF, step, 0, unroll=False)
    for u in range(2):
        for s in range(8):
            pltpu.make_async_copy(
                tbuf.at[u, pl.ds(8 * s, 8), pl.ds(0, _BLK)],
                out_hbm.at[0, s, wid], osems[u]).wait()


@jax.jit
def _tok_pos_embed(xt, token_table, pos_table):
    kfn = functools.partial(
        pl.kernel,
        out_type=jax.ShapeDtypeStruct((_L, 8, _NW, 8, _BLK), jnp.float32),
        mesh=plsc.VectorSubcoreMesh(core_axis_name="c", subcore_axis_name="s"),
        scratch_types=[
            pltpu.VMEM((_L, _BLK), jnp.int32),
            pltpu.VMEM((_L, _D), jnp.float32),
            pltpu.VMEM((_BLK, _D), jnp.float32),
            pltpu.VMEM((_BLK, _D), jnp.float32),
            pltpu.VMEM((_BLK, _D), jnp.float32),
            pltpu.VMEM((_BLK, _D), jnp.float32),
            pltpu.VMEM((2, _D, 129), jnp.float32),
            pltpu.SemaphoreType.DMA,
            pltpu.SemaphoreType.DMA,
            pltpu.SemaphoreType.DMA,
            pltpu.SemaphoreType.DMA,
            pltpu.SemaphoreType.DMA,
            pltpu.SemaphoreType.DMA,
        ],
        compiler_params=pltpu.CompilerParams(use_tc_tiling_on_sc=False,
                                             needs_layout_passes=False),
    )(_sc_body)
    return kfn(xt, token_table, pos_table)


def kernel(x, token_table, pos_table):
    xt = x.astype(jnp.int32).T
    out5 = _tok_pos_embed(xt, token_table, pos_table)
    return out5.transpose(2, 4, 0, 1, 3).reshape(_B, _L, _D)

# --- scband reference (transcript-rebuilt; emitter-appended) ---
"""Pipeline reference for scband-token-and-position-embedding-13211319402906 (READ-ONLY COPY).

The authoritative reference and input builder live on the scoring server;
editing this copy changes nothing except your own understanding.
"""

import jax, jax.numpy as jnp
import numpy as np

MAXLEN = 200
VOCAB = 1000000
EMBED_DIM = 64

def setup_inputs(seed: int = 0) -> dict:
    key = jax.random.key(seed)
    k_x, k_tok, k_pos = jax.random.split(key, 3)
    x = jax.random.randint(k_x, (4096, 200), 0, VOCAB, dtype=jnp.int64 if jax.config.jax_enable_x64 else jnp.int32)
    token_table = jax.random.normal(k_tok, (VOCAB, EMBED_DIM), dtype=jnp.float32) * 0.02
    pos_table = jax.random.normal(k_pos, (MAXLEN, EMBED_DIM), dtype=jnp.float32) * 0.02
    return {"x": x, "token_table": token_table, "pos_table": pos_table}

def reference(x, token_table, pos_table):
    # Faithful translation of TokenAndPositionEmbedding.call in inference mode
    # (dropout is identity when training is falsy in Keras).
    seqlen = x.shape[-1]
    positions = jnp.arange(seqlen)
    token_embeddings = jnp.take(token_table, x, axis=0)          # [B, L, D] gather
    position_embeddings = jnp.take(pos_table, positions, axis=0)  # [L, D]
    embeddings = token_embeddings + position_embeddings[None, :, :]
    return embeddings

if __name__ == "__main__":
    import jax
    _d = setup_inputs()
    print(jax.jit(kernel)(*tuple(_d.values())))

</pallas_src>

<mosaic_0001>
#map = affine_map<(d0, d1) -> (0, 0)>
#map1 = affine_map<(d0, d1) -> (0, 0, 0, 0, 0)>
module attributes {stable_mosaic.version = 14 : i64} {
  func.func @_sc_body(%arg0: i32, %arg1: i32, %arg2: memref<200x4096xi32, #tpu.memory_space<hbm>>, %arg3: memref<1000000x64xf32, #tpu.memory_space<hbm>>, %arg4: memref<200x64xf32, #tpu.memory_space<hbm>>, %arg5: memref<200x8x32x8x128xf32, #tpu.memory_space<hbm>>, %arg6: memref<200x128xi32, #tpu.memory_space<vmem>>, %arg7: memref<200x64xf32, #tpu.memory_space<vmem>>, %arg8: memref<128x64xf32, #tpu.memory_space<vmem>>, %arg9: memref<128x64xf32, #tpu.memory_space<vmem>>, %arg10: memref<128x64xf32, #tpu.memory_space<vmem>>, %arg11: memref<128x64xf32, #tpu.memory_space<vmem>>, %arg12: memref<2x64x129xf32, #tpu.memory_space<vmem>>, %arg13: memref<!tpu.dma_semaphore, #tpu.memory_space<semaphore_mem>>, %arg14: memref<!tpu.dma_semaphore, #tpu.memory_space<semaphore_mem>>, %arg15: memref<!tpu.dma_semaphore, #tpu.memory_space<semaphore_mem>>, %arg16: memref<!tpu.dma_semaphore, #tpu.memory_space<semaphore_mem>>, %arg17: memref<!tpu.dma_semaphore, #tpu.memory_space<semaphore_mem>>, %arg18: memref<!tpu.dma_semaphore, #tpu.memory_space<semaphore_mem>>) attributes {dimension_semantics = [#tpu.dimension_semantics<core_parallel>, #tpu.dimension_semantics<subcore_parallel>], iteration_bounds = array<i64: 2, 16>, scalar_prefetch = 0 : i64, scratch_operands = 13 : i64, tpu.core_type = #tpu.core_type<sc_vector_subcore>, window_params = [{transform_indices = #map}, {transform_indices = #map}, {transform_indices = #map}, {transform_indices = #map1}]} {
    %mul3A = arith.constant 2 : i32
    %mul3A_0 = arith.muli %arg1, %mul3A : i32
    %add3A = arith.addi %mul3A_0, %arg0 : i32
    %mul3A_1 = arith.constant 128 : i32
    %mul3A_2 = arith.muli %add3A, %mul3A_1 : i32
    "tpu.region"() ({
      %run_scoped3A = tpu.sem_alloc : memref<!tpu.dma_semaphore, #tpu.memory_space<semaphore_mem>>
      %dma_start3A_343 = arith.constant 0 : i32
      %dma_start3A_344 = tpu.memref_slice %arg2[%dma_start3A_343, %mul3A_2] : memref<200x4096xi32, #tpu.memory_space<hbm>> -> memref<200x128xi32, #tpu.memory_space<hbm>>
      %dma_start3A_345 = arith.constant 0 : i32
      %dma_start3A_346 = tpu.memref_slice %arg2[%dma_start3A_345, %mul3A_2] : memref<200x4096xi32, #tpu.memory_space<hbm>> -> memref<200x128xi32, #tpu.memory_space<hbm>>
      tpu.enqueue_dma source(%dma_start3A_346 : memref<200x128xi32, #tpu.memory_space<hbm>>) target(%arg6 : memref<200x128xi32, #tpu.memory_space<vmem>>) target_semaphore(%run_scoped3A : memref<!tpu.dma_semaphore, #tpu.memory_space<semaphore_mem>>)
      %dma_wait3A_347 = arith.constant 0 : i32
      %dma_wait3A_348 = tpu.memref_slice %arg2[%dma_wait3A_347, %mul3A_2] : memref<200x4096xi32, #tpu.memory_space<hbm>> -> memref<200x128xi32, #tpu.memory_space<hbm>>
      %dma_wait3A_349 = arith.constant 0 : i32
      %dma_wait3A_350 = tpu.memref_slice %arg2[%dma_wait3A_349, %mul3A_2] : memref<200x4096xi32, #tpu.memory_space<hbm>> -> memref<200x128xi32, #tpu.memory_space<hbm>>
      tpu.wait_dma2 semaphore(%run_scoped3A : memref<!tpu.dma_semaphore, #tpu.memory_space<semaphore_mem>>) src(%dma_wait3A_350 : memref<200x128xi32, #tpu.memory_space<hbm>>) dst(%arg6 : memref<200x128xi32, #tpu.memory_space<vmem>>)
      tpu.yield
    }) : () -> ()
    "tpu.region"() ({
      %run_scoped3A = tpu.sem_alloc : memref<!tpu.dma_semaphore, #tpu.memory_space<semaphore_mem>>
      tpu.enqueue_dma source(%arg4 : memref<200x64xf32, #tpu.memory_space<hbm>>) target(%arg7 : memref<200x64xf32, #tpu.memory_space<vmem>>) target_semaphore(%run_scoped3A : memref<!tpu.dma_semaphore, #tpu.memory_space<semaphore_mem>>)
      tpu.wait_dma2 semaphore(%run_scoped3A : memref<!tpu.dma_semaphore, #tpu.memory_space<semaphore_mem>>) src(%arg4 : memref<200x64xf32, #tpu.memory_space<hbm>>) dst(%arg7 : memref<200x64xf32, #tpu.memory_space<vmem>>)
      tpu.yield
    }) : () -> ()
    %iota3A = tpu.iota {dimensions = array<i32: 0>} : vector<16xi32>
    %add3A_3 = arith.constant 0 : i32
    %add3A_4 = vector.broadcast %add3A_3 : i32 to vector<16xi32>
    %add3A_5 = arith.addi %add3A_4, %iota3A : vector<16xi32>
    %add3A_6 = arith.constant 16 : i32
    %add3A_7 = vector.broadcast %add3A_6 : i32 to vector<16xi32>
    %add3A_8 = arith.addi %add3A_7, %iota3A : vector<16xi32>
    %add3A_9 = arith.constant 32 : i32
    %add3A_10 = vector.broadcast %add3A_9 : i32 to vector<16xi32>
    %add3A_11 = arith.addi %add3A_10, %iota3A : vector<16xi32>
    %add3A_12 = arith.constant 48 : i32
    %add3A_13 = vector.broadcast %add3A_12 : i32 to vector<16xi32>
    %add3A_14 = arith.addi %add3A_13, %iota3A : vector<16xi32>
    %dma_start3A = arith.constant 0 : i32
    %dma_start3A_15 = arith.constant 0 : i32
    %dma_start3A_16 = tpu.memref_slice %arg6[%dma_start3A, %dma_start3A_15] : memref<200x128xi32, #tpu.memory_space<vmem>> -> memref<1x128xi32, #tpu.memory_space<vmem>>
    %dma_start3A_17 = tpu.memref_squeeze %dma_start3A_16 : memref<1x128xi32, #tpu.memory_space<vmem>> -> memref<128xi32, #tpu.memory_space<vmem>>
    %dma_start3A_18 = arith.constant 0 : i32
    %dma_start3A_19 = arith.constant 0 : i32
    %dma_start3A_20 = tpu.memref_slice %arg3[%dma_start3A_18, %dma_start3A_19] : memref<1000000x64xf32, #tpu.memory_space<hbm>> -> memref<1000000x64xf32, #tpu.memory_space<hbm>>
    tpu.enqueue_indirect_dma source(%dma_start3A_20 : memref<1000000x64xf32, #tpu.memory_space<hbm>>) target(%arg8 : memref<128x64xf32, #tpu.memory_space<vmem>>) offsets(%dma_start3A_17 : memref<128xi32, #tpu.memory_space<vmem>>) semaphore(%arg13 : memref<!tpu.dma_semaphore, #tpu.memory_space<semaphore_mem>>)
    %dma_start3A_21 = arith.constant 1 : i32
    %dma_start3A_22 = arith.constant 0 : i32
    %dma_start3A_23 = tpu.memref_slice %arg6[%dma_start3A_21, %dma_start3A_22] : memref<200x128xi32, #tpu.memory_space<vmem>> -> memref<1x128xi32, #tpu.memory_space<vmem>>
    %dma_start3A_24 = tpu.memref_squeeze %dma_start3A_23 : memref<1x128xi32, #tpu.memory_space<vmem>> -> memref<128xi32, #tpu.memory_space<vmem>>
    %dma_start3A_25 = arith.constant 0 : i32
    %dma_start3A_26 = arith.constant 0 : i32
    %dma_start3A_27 = tpu.memref_slice %arg3[%dma_start3A_25, %dma_start3A_26] : memref<1000000x64xf32, #tpu.memory_space<hbm>> -> memref<1000000x64xf32, #tpu.memory_space<hbm>>
    tpu.enqueue_indirect_dma source(%dma_start3A_27 : memref<1000000x64xf32, #tpu.memory_space<hbm>>) target(%arg9 : memref<128x64xf32, #tpu.memory_space<vmem>>) offsets(%dma_start3A_24 : memref<128xi32, #tpu.memory_space<vmem>>) semaphore(%arg14 : memref<!tpu.dma_semaphore, #tpu.memory_space<semaphore_mem>>)
    %dma_start3A_28 = arith.constant 2 : i32
    %dma_start3A_29 = arith.constant 0 : i32
    %dma_start3A_30 = tpu.memref_slice %arg6[%dma_start3A_28, %dma_start3A_29] : memref<200x128xi32, #tpu.memory_space<vmem>> -> memref<1x128xi32, #tpu.memory_space<vmem>>
    %dma_start3A_31 = tpu.memref_squeeze %dma_start3A_30 : memref<1x128xi32, #tpu.memory_space<vmem>> -> memref<128xi32, #tpu.memory_space<vmem>>
    %dma_start3A_32 = arith.constant 0 : i32
    %dma_start3A_33 = arith.constant 0 : i32
    %dma_start3A_34 = tpu.memref_slice %arg3[%dma_start3A_32, %dma_start3A_33] : memref<1000000x64xf32, #tpu.memory_space<hbm>> -> memref<1000000x64xf32, #tpu.memory_space<hbm>>
    tpu.enqueue_indirect_dma source(%dma_start3A_34 : memref<1000000x64xf32, #tpu.memory_space<hbm>>) target(%arg10 : memref<128x64xf32, #tpu.memory_space<vmem>>) offsets(%dma_start3A_31 : memref<128xi32, #tpu.memory_space<vmem>>) semaphore(%arg15 : memref<!tpu.dma_semaphore, #tpu.memory_space<semaphore_mem>>)
    %scan3A = arith.constant 0 : i32
    %scan3A_35 = arith.constant 0 : i32
    %scan3A_36 = arith.constant 50 : i32
    %scan3A_37 = arith.addi %scan3A_35, %scan3A_36 : i32
    %scan3A_38 = arith.constant 1 : i32
    scf.for %scan3A_343 = %scan3A_35 to %scan3A_37 step %scan3A_38  : i32 {
      %mul3A_344 = arith.constant 4 : i32
      %mul3A_345 = arith.muli %mul3A_344, %scan3A_343 : i32
      %add3A_346 = arith.constant 0 : i32
      %add3A_347 = arith.addi %mul3A_345, %add3A_346 : i32
      %add3A_348 = arith.constant 4 : i32
      %add3A_349 = arith.addi %add3A_347, %add3A_348 : i32
      %sub3A = arith.constant 1 : i32
      %sub3A_350 = arith.subi %add3A_349, %sub3A : i32
      %lt3A = arith.constant 200 : i32
      %lt3A_351 = arith.cmpi slt, %sub3A_350, %lt3A : i32
      %convert_element_type3A = arith.extui %lt3A_351 : i1 to i32
      %cond3A = arith.constant 0 : i32
      %cond3A_352 = arith.cmpi ne, %convert_element_type3A, %cond3A : i32
      scf.if %cond3A_352 {
        %dma_start3A_1073 = arith.constant 0 : i32
        %dma_start3A_1074 = tpu.memref_slice %arg6[%sub3A_350, %dma_start3A_1073] : memref<200x128xi32, #tpu.memory_space<vmem>> -> memref<1x128xi32, #tpu.memory_space<vmem>>
        %dma_start3A_1075 = tpu.memref_squeeze %dma_start3A_1074 : memref<1x128xi32, #tpu.memory_space<vmem>> -> memref<128xi32, #tpu.memory_space<vmem>>
        %dma_start3A_1076 = arith.constant 0 : i32
        %dma_start3A_1077 = arith.constant 0 : i32
        %dma_start3A_1078 = tpu.memref_slice %arg3[%dma_start3A_1076, %dma_start3A_1077] : memref<1000000x64xf32, #tpu.memory_space<hbm>> -> memref<1000000x64xf32, #tpu.memory_space<hbm>>
        tpu.enqueue_indirect_dma source(%dma_start3A_1078 : memref<1000000x64xf32, #tpu.memory_space<hbm>>) target(%arg11 : memref<128x64xf32, #tpu.memory_space<vmem>>) offsets(%dma_start3A_1075 : memref<128xi32, #tpu.memory_space<vmem>>) semaphore(%arg16 : memref<!tpu.dma_semaphore, #tpu.memory_space<semaphore_mem>>)
      } else {
      }
      %get3A = arith.index_cast %add3A_347 : i32 to index
      %get3A_353 = arith.constant 0 : index
      %get3A_354 = tpu.vector_load %arg7[%get3A, %get3A_353] {strides = array<i32>} : memref<200x64xf32, #tpu.memory_space<vmem>>, vector<16xf32>,
      %get3A_355 = arith.index_cast %add3A_347 : i32 to index
      %get3A_356 = arith.constant 16 : index
      %get3A_357 = tpu.vector_load %arg7[%get3A_355, %get3A_356] {strides = array<i32>} : memref<200x64xf32, #tpu.memory_space<vmem>>, vector<16xf32>,
      %get3A_358 = arith.index_cast %add3A_347 : i32 to index
      %get3A_359 = arith.constant 32 : index
      %get3A_360 = tpu.vector_load %arg7[%get3A_358, %get3A_359] {strides = array<i32>} : memref<200x64xf32, #tpu.memory_space<vmem>>, vector<16xf32>,
      %get3A_361 = arith.index_cast %add3A_347 : i32 to index
      %get3A_362 = arith.constant 48 : index
      %get3A_363 = tpu.vector_load %arg7[%get3A_361, %get3A_362] {strides = array<i32>} : memref<200x64xf32, #tpu.memory_space<vmem>>, vector<16xf32>,
      %ge3A = arith.constant 2 : i32
      %ge3A_364 = arith.cmpi sge, %add3A_347, %ge3A : i32
      %convert_element_type3A_365 = arith.extui %ge3A_364 : i1 to i32
      %cond3A_366 = arith.constant 0 : i32
      %cond3A_367 = arith.cmpi ne, %convert_element_type3A_365, %cond3A_366 : i32
      scf.if %cond3A_367 {
        %dma_wait3A_1073 = arith.constant 0 : i32
        %dma_wait3A_1074 = arith.constant 0 : i32
        %dma_wait3A_1075 = arith.constant 0 : i32
        %dma_wait3A_1076 = arith.constant 0 : i32
        %dma_wait3A_1077 = arith.constant 0 : i32
        %dma_wait3A_1078 = tpu.memref_slice %arg12[%dma_wait3A_1073, %dma_wait3A_1076, %dma_wait3A_1077] : memref<2x64x129xf32, #tpu.memory_space<vmem>> -> memref<1x8x128xf32, #tpu.memory_space<vmem>>
        %dma_wait3A_1079 = tpu.memref_squeeze %dma_wait3A_1078 : memref<1x8x128xf32, #tpu.memory_space<vmem>> -> memref<8x128xf32, #tpu.memory_space<vmem>>
        %dma_wait3A_1080 = arith.constant 0 : i32
        %dma_wait3A_1081 = arith.constant 0 : i32
        %dma_wait3A_1082 = tpu.memref_slice %arg5[%dma_wait3A_1074, %dma_wait3A_1075, %add3A, %dma_wait3A_1080, %dma_wait3A_1081] : memref<200x8x32x8x128xf32, #tpu.memory_space<hbm>> -> memref<1x1x1x8x128xf32, #tpu.memory_space<hbm>>
        %dma_wait3A_1083 = tpu.memref_squeeze %dma_wait3A_1082 : memref<1x1x1x8x128xf32, #tpu.memory_space<hbm>> -> memref<8x128xf32, #tpu.memory_space<hbm>>
        %dma_wait3A_1084 = arith.constant 0 : i32
        %dma_wait3A_1085 = arith.constant 0 : i32
        %dma_wait3A_1086 = tpu.memref_slice %arg5[%dma_wait3A_1074, %dma_wait3A_1075, %add3A, %dma_wait3A_1084, %dma_wait3A_1085] : memref<200x8x32x8x128xf32, #tpu.memory_space<hbm>> -> memref<1x1x1x8x128xf32, #tpu.memory_space<hbm>>
        %dma_wait3A_1087 = tpu.memref_squeeze %dma_wait3A_1086 : memref<1x1x1x8x128xf32, #tpu.memory_space<hbm>> -> memref<8x128xf32, #tpu.memory_space<hbm>>
        %dma_wait3A_1088 = arith.constant 0 : i32
        %dma_wait3A_1089 = arith.constant 0 : i32
        %dma_wait3A_1090 = tpu.memref_slice %arg12[%dma_wait3A_1073, %dma_wait3A_1088, %dma_wait3A_1089] : memref<2x64x129xf32, #tpu.memory_space<vmem>> -> memref<1x8x128xf32, #tpu.memory_space<vmem>>
        %dma_wait3A_1091 = tpu.memref_squeeze %dma_wait3A_1090 : memref<1x8x128xf32, #tpu.memory_space<vmem>> -> memref<8x128xf32, #tpu.memory_space<vmem>>
        tpu.wait_dma2 semaphore(%arg17 : memref<!tpu.dma_semaphore, #tpu.memory_space<semaphore_mem>>) src(%dma_wait3A_1091 : memref<8x128xf32, #tpu.memory_space<vmem>>) dst(%dma_wait3A_1087 : memref<8x128xf32, #tpu.memory_space<hbm>>)
        %dma_wait3A_1092 = arith.constant 0 : i32
        %dma_wait3A_1093 = arith.constant 0 : i32
        %dma_wait3A_1094 = arith.constant 1 : i32
        %dma_wait3A_1095 = arith.constant 8 : i32
        %dma_wait3A_1096 = arith.constant 0 : i32
        %dma_wait3A_1097 = tpu.memref_slice %arg12[%dma_wait3A_1092, %dma_wait3A_1095, %dma_wait3A_1096] : memref<2x64x129xf32, #tpu.memory_space<vmem>> -> memref<1x8x128xf32, #tpu.memory_space<vmem>>
        %dma_wait3A_1098 = tpu.memref_squeeze %dma_wait3A_1097 : memref<1x8x128xf32, #tpu.memory_space<vmem>> -> memref<8x128xf32, #tpu.memory_space<vmem>>
        %dma_wait3A_1099 = arith.constant 0 : i32
        %dma_wait3A_1100 = arith.constant 0 : i32
        %dma_wait3A_1101 = tpu.memref_slice %arg5[%dma_wait3A_1093, %dma_wait3A_1094, %add3A, %dma_wait3A_1099, %dma_wait3A_1100] : memref<200x8x32x8x128xf32, #tpu.memory_space<hbm>> -> memref<1x1x1x8x128xf32, #tpu.memory_space<hbm>>
        %dma_wait3A_1102 = tpu.memref_squeeze %dma_wait3A_1101 : memref<1x1x1x8x128xf32, #tpu.memory_space<hbm>> -> memref<8x128xf32, #tpu.memory_space<hbm>>
        %dma_wait3A_1103 = arith.constant 0 : i32
        %dma_wait3A_1104 = arith.constant 0 : i32
        %dma_wait3A_1105 = tpu.memref_slice %arg5[%dma_wait3A_1093, %dma_wait3A_1094, %add3A, %dma_wait3A_1103, %dma_wait3A_1104] : memref<200x8x32x8x128xf32, #tpu.memory_space<hbm>> -> memref<1x1x1x8x128xf32, #tpu.memory_space<hbm>>
        %dma_wait3A_1106 = tpu.memref_squeeze %dma_wait3A_1105 : memref<1x1x1x8x128xf32, #tpu.memory_space<hbm>> -> memref<8x128xf32, #tpu.memory_space<hbm>>
        %dma_wait3A_1107 = arith.constant 8 : i32
        %dma_wait3A_1108 = arith.constant 0 : i32
        %dma_wait3A_1109 = tpu.memref_slice %arg12[%dma_wait3A_1092, %dma_wait3A_1107, %dma_wait3A_1108] : memref<2x64x129xf32, #tpu.memory_space<vmem>> -> memref<1x8x128xf32, #tpu.memory_space<vmem>>
        %dma_wait3A_1110 = tpu.memref_squeeze %dma_wait3A_1109 : memref<1x8x128xf32, #tpu.memory_space<vmem>> -> memref<8x128xf32, #tpu.memory_space<vmem>>
        tpu.wait_dma2 semaphore(%arg17 : memref<!tpu.dma_semaphore, #tpu.memory_space<semaphore_mem>>) src(%dma_wait3A_1110 : memref<8x128xf32, #tpu.memory_space<vmem>>) dst(%dma_wait3A_1106 : memref<8x128xf32, #tpu.memory_space<hbm>>)
        %dma_wait3A_1111 = arith.constant 0 : i32
        %dma_wait3A_1112 = arith.constant 0 : i32
        %dma_wait3A_1113 = arith.constant 2 : i32
        %dma_wait3A_1114 = arith.constant 16 : i32
        %dma_wait3A_1115 = arith.constant 0 : i32
        %dma_wait3A_1116 = tpu.memref_slice %arg12[%dma_wait3A_1111, %dma_wait3A_1114, %dma_wait3A_1115] : memref<2x64x129xf32, #tpu.memory_space<vmem>> -> memref<1x8x128xf32, #tpu.memory_space<vmem>>
        %dma_wait3A_1117 = tpu.memref_squeeze %dma_wait3A_1116 : memref<1x8x128xf32, #tpu.memory_space<vmem>> -> memref<8x128xf32, #tpu.memory_space<vmem>>
        %dma_wait3A_1118 = arith.constant 0 : i32
        %dma_wait3A_1119 = arith.constant 0 : i32
        %dma_wait3A_1120 = tpu.memref_slice %arg5[%dma_wait3A_1112, %dma_wait3A_1113, %add3A, %dma_wait3A_1118, %dma_wait3A_1119] : memref<200x8x32x8x128xf32, #tpu.memory_space<hbm>> -> memref<1x1x1x8x128xf32, #tpu.memory_space<hbm>>
        %dma_wait3A_1121 = tpu.memref_squeeze %dma_wait3A_1120 : memref<1x1x1x8x128xf32, #tpu.memory_space<hbm>> -> memref<8x128xf32, #tpu.memory_space<hbm>>
        %dma_wait3A_1122 = arith.constant 0 : i32
        %dma_wait3A_1123 = arith.constant 0 : i32
        %dma_wait3A_1124 = tpu.memref_slice %arg5[%dma_wait3A_1112, %dma_wait3A_1113, %add3A, %dma_wait3A_1122, %dma_wait3A_1123] : memref<200x8x32x8x128xf32, #tpu.memory_space<hbm>> -> memref<1x1x1x8x128xf32, #tpu.memory_space<hbm>>
        %dma_wait3A_1125 = tpu.memref_squeeze %dma_wait3A_1124 : memref<1x1x1x8x128xf32, #tpu.memory_space<hbm>> -> memref<8x128xf32, #tpu.memory_space<hbm>>
        %dma_wait3A_1126 = arith.constant 16 : i32
        %dma_wait3A_1127 = arith.constant 0 : i32
        %dma_wait3A_1128 = tpu.memref_slice %arg12[%dma_wait3A_1111, %dma_wait3A_1126, %dma_wait3A_1127] : memref<2x64x129xf32, #tpu.memory_space<vmem>> -> memref<1x8x128xf32, #tpu.memory_space<vmem>>
        %dma_wait3A_1129 = tpu.memref_squeeze %dma_wait3A_1128 : memref<1x8x128xf32, #tpu.memory_space<vmem>> -> memref<8x128xf32, #tpu.memory_space<vmem>>
        tpu.wait_dma2 semaphore(%arg17 : memref<!tpu.dma_semaphore, #tpu.memory_space<semaphore_mem>>) src(%dma_wait3A_1129 : memref<8x128xf32, #tpu.memory_space<vmem>>) dst(%dma_wait3A_1125 : memref<8x128xf32, #tpu.memory_space<hbm>>)
        %dma_wait3A_1130 = arith.constant 0 : i32
        %dma_wait3A_1131 = arith.constant 0 : i32
        %dma_wait3A_1132 = arith.constant 3 : i32
        %dma_wait3A_1133 = arith.constant 24 : i32
        %dma_wait3A_1134 = arith.constant 0 : i32
        %dma_wait3A_1135 = tpu.memref_slice %arg12[%dma_wait3A_1130, %dma_wait3A_1133, %dma_wait3A_1134] : memref<2x64x129xf32, #tpu.memory_space<vmem>> -> memref<1x8x128xf32, #tpu.memory_space<vmem>>
        %dma_wait3A_1136 = tpu.memref_squeeze %dma_wait3A_1135 : memref<1x8x128xf32, #tpu.memory_space<vmem>> -> memref<8x128xf32, #tpu.memory_space<vmem>>
        %dma_wait3A_1137 = arith.constant 0 : i32
        %dma_wait3A_1138 = arith.constant 0 : i32
        %dma_wait3A_1139 = tpu.memref_slice %arg5[%dma_wait3A_1131, %dma_wait3A_1132, %add3A, %dma_wait3A_1137, %dma_wait3A_1138] : memref<200x8x32x8x128xf32, #tpu.memory_space<hbm>> -> memref<1x1x1x8x128xf32, #tpu.memory_space<hbm>>
        %dma_wait3A_1140 = tpu.memref_squeeze %dma_wait3A_1139 : memref<1x1x1x8x128xf32, #tpu.memory_space<hbm>> -> memref<8x128xf32, #tpu.memory_space<hbm>>
        %dma_wait3A_1141 = arith.constant 0 : i32
        %dma_wait3A_1142 = arith.constant 0 : i32
        %dma_wait3A_1143 = tpu.memref_slice %arg5[%dma_wait3A_1131, %dma_wait3A_1132, %add3A, %dma_wait3A_1141, %dma_wait3A_1142] : memref<200x8x32x8x128xf32, #tpu.memory_space<hbm>> -> memref<1x1x1x8x128xf32, #tpu.memory_space<hbm>>
        %dma_wait3A_1144 = tpu.memref_squeeze %dma_wait3A_1143 : memref<1x1x1x8x128xf32, #tpu.memory_space<hbm>> -> memref<8x128xf32, #tpu.memory_space<hbm>>
        %dma_wait3A_1145 = arith.constant 24 : i32
        %dma_wait3A_1146 = arith.constant 0 : i32
        %dma_wait3A_1147 = tpu.memref_slice %arg12[%dma_wait3A_1130, %dma_wait3A_1145, %dma_wait3A_1146] : memref<2x64x129xf32, #tpu.memory_space<vmem>> -> memref<1x8x128xf32, #tpu.memory_space<vmem>>
        %dma_wait3A_1148 = tpu.memref_squeeze %dma_wait3A_1147 : memref<1x8x128xf32, #tpu.memory_space<vmem>> -> memref<8x128xf32, #tpu.memory_space<vmem>>
        tpu.wait_dma2 semaphore(%arg17 : memref<!tpu.dma_semaphore, #tpu.memory_space<semaphore_mem>>) src(%dma_wait3A_1148 : memref<8x128xf32, #tpu.memory_space<vmem>>) dst(%dma_wait3A_1144 : memref<8x128xf32, #tpu.memory_space<hbm>>)
        %dma_wait3A_1149 = arith.constant 0 : i32
        %dma_wait3A_1150 = arith.constant 0 : i32
        %dma_wait3A_1151 = arith.constant 4 : i32
        %dma_wait3A_1152 = arith.constant 32 : i32
        %dma_wait3A_1153 = arith.constant 0 : i32
        %dma_wait3A_1154 = tpu.memref_slice %arg12[%dma_wait3A_1149, %dma_wait3A_1152, %dma_wait3A_1153] : memref<2x64x129xf32, #tpu.memory_space<vmem>> -> memref<1x8x128xf32, #tpu.memory_space<vmem>>
        %dma_wait3A_1155 = tpu.memref_squeeze %dma_wait3A_1154 : memref<1x8x128xf32, #tpu.memory_space<vmem>> -> memref<8x128xf32, #tpu.memory_space<vmem>>
        %dma_wait3A_1156 = arith.constant 0 : i32
        %dma_wait3A_1157 = arith.constant 0 : i32
        %dma_wait3A_1158 = tpu.memref_slice %arg5[%dma_wait3A_1150, %dma_wait3A_1151, %add3A, %dma_wait3A_1156, %dma_wait3A_1157] : memref<200x8x32x8x128xf32, #tpu.memory_space<hbm>> -> memref<1x1x1x8x128xf32, #tpu.memory_space<hbm>>
        %dma_wait3A_1159 = tpu.memref_squeeze %dma_wait3A_1158 : memref<1x1x1x8x128xf32, #tpu.memory_space<hbm>> -> memref<8x128xf32, #tpu.memory_space<hbm>>
        %dma_wait3A_1160 = arith.constant 0 : i32
        %dma_wait3A_1161 = arith.constant 0 : i32
        %dma_wait3A_1162 = tpu.memref_slice %arg5[%dma_wait3A_1150, %dma_wait3A_1151, %add3A, %dma_wait3A_1160, %dma_wait3A_1161] : memref<200x8x32x8x128xf32, #tpu.memory_space<hbm>> -> memref<1x1x1x8x128xf32, #tpu.memory_space<hbm>>
        %dma_wait3A_1163 = tpu.memref_squeeze %dma_wait3A_1162 : memref<1x1x1x8x128xf32, #tpu.memory_space<hbm>> -> memref<8x128xf32, #tpu.memory_space<hbm>>
        %dma_wait3A_1164 = arith.constant 32 : i32
        %dma_wait3A_1165 = arith.constant 0 : i32
        %dma_wait3A_1166 = tpu.memref_slice %arg12[%dma_wait3A_1149, %dma_wait3A_1164, %dma_wait3A_1165] : memref<2x64x129xf32, #tpu.memory_space<vmem>> -> memref<1x8x128xf32, #tpu.memory_space<vmem>>
        %dma_wait3A_1167 = tpu.memref_squeeze %dma_wait3A_1166 : memref<1x8x128xf32, #tpu.memory_space<vmem>> -> memref<8x128xf32, #tpu.memory_space<vmem>>
        tpu.wait_dma2 semaphore(%arg17 : memref<!tpu.dma_semaphore, #tpu.memory_space<semaphore_mem>>) src(%dma_wait3A_1167 : memref<8x128xf32, #tpu.memory_space<vmem>>) dst(%dma_wait3A_1163 : memref<8x128xf32, #tpu.memory_space<hbm>>)
        %dma_wait3A_1168 = arith.constant 0 : i32
        %dma_wait3A_1169 = arith.constant 0 : i32
        %dma_wait3A_1170 = arith.constant 5 : i32
        %dma_wait3A_1171 = arith.constant 40 : i32
        %dma_wait3A_1172 = arith.constant 0 : i32
        %dma_wait3A_1173 = tpu.memref_slice %arg12[%dma_wait3A_1168, %dma_wait3A_1171, %dma_wait3A_1172] : memref<2x64x129xf32, #tpu.memory_space<vmem>> -> memref<1x8x128xf32, #tpu.memory_space<vmem>>
        %dma_wait3A_1174 = tpu.memref_squeeze %dma_wait3A_1173 : memref<1x8x128xf32, #tpu.memory_space<vmem>> -> memref<8x128xf32, #tpu.memory_space<vmem>>
        %dma_wait3A_1175 = arith.constant 0 : i32
        %dma_wait3A_1176 = arith.constant 0 : i32
        %dma_wait3A_1177 = tpu.memref_slice %arg5[%dma_wait3A_1169, %dma_wait3A_1170, %add3A, %dma_wait3A_1175, %dma_wait3A_1176] : memref<200x8x32x8x128xf32, #tpu.memory_space<hbm>> -> memref<1x1x1x8x128xf32, #tpu.memory_space<hbm>>
        %dma_wait3A_1178 = tpu.memref_squeeze %dma_wait3A_1177 : memref<1x1x1x8x128xf32, #tpu.memory_space<hbm>> -> memref<8x128xf32, #tpu.memory_space<hbm>>
        %dma_wait3A_1179 = arith.constant 0 : i32
        %dma_wait3A_1180 = arith.constant 0 : i32
        %dma_wait3A_1181 = tpu.memref_slice %arg5[%dma_wait3A_1169, %dma_wait3A_1170, %add3A, %dma_wait3A_1179, %dma_wait3A_1180] : memref<200x8x32x8x128xf32, #tpu.memory_space<hbm>> -> memref<1x1x1x8x128xf32, #tpu.memory_space<hbm>>
        %dma_wait3A_1182 = tpu.memref_squeeze %dma_wait3A_1181 : memref<1x1x1x8x128xf32, #tpu.memory_space<hbm>> -> memref<8x128xf32, #tpu.memory_space<hbm>>
        %dma_wait3A_1183 = arith.constant 40 : i32
        %dma_wait3A_1184 = arith.constant 0 : i32
        %dma_wait3A_1185 = tpu.memref_slice %arg12[%dma_wait3A_1168, %dma_wait3A_1183, %dma_wait3A_1184] : memref<2x64x129xf32, #tpu.memory_space<vmem>> -> memref<1x8x128xf32, #tpu.memory_space<vmem>>
        %dma_wait3A_1186 = tpu.memref_squeeze %dma_wait3A_1185 : memref<1x8x128xf32, #tpu.memory_space<vmem>> -> memref<8x128xf32, #tpu.memory_space<vmem>>
        tpu.wait_dma2 semaphore(%arg17 : memref<!tpu.dma_semaphore, #tpu.memory_space<semaphore_mem>>) src(%dma_wait3A_1186 : memref<8x128xf32, #tpu.memory_space<vmem>>) dst(%dma_wait3A_1182 : memref<8x128xf32, #tpu.memory_space<hbm>>)
        %dma_wait3A_1187 = arith.constant 0 : i32
        %dma_wait3A_1188 = arith.constant 0 : i32
        %dma_wait3A_1189 = arith.constant 6 : i32
        %dma_wait3A_1190 = arith.constant 48 : i32
        %dma_wait3A_1191 = arith.constant 0 : i32
        %dma_wait3A_1192 = tpu.memref_slice %arg12[%dma_wait3A_1187, %dma_wait3A_1190, %dma_wait3A_1191] : memref<2x64x129xf32, #tpu.memory_space<vmem>> -> memref<1x8x128xf32, #tpu.memory_space<vmem>>
        %dma_wait3A_1193 = tpu.memref_squeeze %dma_wait3A_1192 : memref<1x8x128xf32, #tpu.memory_space<vmem>> -> memref<8x128xf32, #tpu.memory_space<vmem>>
        %dma_wait3A_1194 = arith.constant 0 : i32
        %dma_wait3A_1195 = arith.constant 0 : i32
        %dma_wait3A_1196 = tpu.memref_slice %arg5[%dma_wait3A_1188, %dma_wait3A_1189, %add3A, %dma_wait3A_1194, %dma_wait3A_1195] : memref<200x8x32x8x128xf32, #tpu.memory_space<hbm>> -> memref<1x1x1x8x128xf32, #tpu.memory_space<hbm>>
        %dma_wait3A_1197 = tpu.memref_squeeze %dma_wait3A_1196 : memref<1x1x1x8x128xf32, #tpu.memory_space<hbm>> -> memref<8x128xf32, #tpu.memory_space<hbm>>
        %dma_wait3A_1198 = arith.constant 0 : i32
        %dma_wait3A_1199 = arith.constant 0 : i32
        %dma_wait3A_1200 = tpu.memref_slice %arg5[%dma_wait3A_1188, %dma_wait3A_1189, %add3A, %dma_wait3A_1198, %dma_wait3A_1199] : memref<200x8x32x8x128xf32, #tpu.memory_space<hbm>> -> memref<1x1x1x8x128xf32, #tpu.memory_space<hbm>>
        %dma_wait3A_1201 = tpu.memref_squeeze %dma_wait3A_1200 : memref<1x1x1x8x128xf32, #tpu.memory_space<hbm>> -> memref<8x128xf32, #tpu.memory_space<hbm>>
        %dma_wait3A_1202 = arith.constant 48 : i32
        %dma_wait3A_1203 = arith.constant 0 : i32
        %dma_wait3A_1204 = tpu.memref_slice %arg12[%dma_wait3A_1187, %dma_wait3A_1202, %dma_wait3A_1203] : memref<2x64x129xf32, #tpu.memory_space<vmem>> -> memref<1x8x128xf32, #tpu.memory_space<vmem>>
        %dma_wait3A_1205 = tpu.memref_squeeze %dma_wait3A_1204 : memref<1x8x128xf32, #tpu.memory_space<vmem>> -> memref<8x128xf32, #tpu.memory_space<vmem>>
        tpu.wait_dma2 semaphore(%arg17 : memref<!tpu.dma_semaphore, #tpu.memory_space<semaphore_mem>>) src(%dma_wait3A_1205 : memref<8x128xf32, #tpu.memory_space<vmem>>) dst(%dma_wait3A_1201 : memref<8x128xf32, #tpu.memory_space<hbm>>)
        %dma_wait3A_1206 = arith.constant 0 : i32
        %dma_wait3A_1207 = arith.constant 0 : i32
        %dma_wait3A_1208 = arith.constant 7 : i32
        %dma_wait3A_1209 = arith.constant 56 : i32
        %dma_wait3A_1210 = arith.constant 0 : i32
        %dma_wait3A_1211 = tpu.memref_slice %arg12[%dma_wait3A_1206, %dma_wait3A_1209, %dma_wait3A_1210] : memref<2x64x129xf32, #tpu.memory_space<vmem>> -> memref<1x8x128xf32, #tpu.memory_space<vmem>>
        %dma_wait3A_1212 = tpu.memref_squeeze %dma_wait3A_1211 : memref<1x8x128xf32, #tpu.memory_space<vmem>> -> memref<8x128xf32, #tpu.memory_space<vmem>>
        %dma_wait3A_1213 = arith.constant 0 : i32
        %dma_wait3A_1214 = arith.constant 0 : i32
        %dma_wait3A_1215 = tpu.memref_slice %arg5[%dma_wait3A_1207, %dma_wait3A_1208, %add3A, %dma_wait3A_1213, %dma_wait3A_1214] : memref<200x8x32x8x128xf32, #tpu.memory_space<hbm>> -> memref<1x1x1x8x128xf32, #tpu.memory_space<hbm>>
        %dma_wait3A_1216 = tpu.memref_squeeze %dma_wait3A_1215 : memref<1x1x1x8x128xf32, #tpu.memory_space<hbm>> -> memref<8x128xf32, #tpu.memory_space<hbm>>
        %dma_wait3A_1217 = arith.constant 0 : i32
        %dma_wait3A_1218 = arith.constant 0 : i32
        %dma_wait3A_1219 = tpu.memref_slice %arg5[%dma_wait3A_1207, %dma_wait3A_1208, %add3A, %dma_wait3A_1217, %dma_wait3A_1218] : memref<200x8x32x8x128xf32, #tpu.memory_space<hbm>> -> memref<1x1x1x8x128xf32, #tpu.memory_space<hbm>>
        %dma_wait3A_1220 = tpu.memref_squeeze %dma_wait3A_1219 : memref<1x1x1x8x128xf32, #tpu.memory_space<hbm>> -> memref<8x128xf32, #tpu.memory_space<hbm>>
        %dma_wait3A_1221 = arith.constant 56 : i32
        %dma_wait3A_1222 = arith.constant 0 : i32
        %dma_wait3A_1223 = tpu.memref_slice %arg12[%dma_wait3A_1206, %dma_wait3A_1221, %dma_wait3A_1222] : memref<2x64x129xf32, #tpu.memory_space<vmem>> -> memref<1x8x128xf32, #tpu.memory_space<vmem>>
        %dma_wait3A_1224 = tpu.memref_squeeze %dma_wait3A_1223 : memref<1x8x128xf32, #tpu.memory_space<vmem>> -> memref<8x128xf32, #tpu.memory_space<vmem>>
        tpu.wait_dma2 semaphore(%arg17 : memref<!tpu.dma_semaphore, #tpu.memory_space<semaphore_mem>>) src(%dma_wait3A_1224 : memref<8x128xf32, #tpu.memory_space<vmem>>) dst(%dma_wait3A_1220 : memref<8x128xf32, #tpu.memory_space<hbm>>)
      } else {
      }
      %dma_wait3A_368 = arith.constant 0 : i32
      %dma_wait3A_369 = tpu.memref_slice %arg6[%add3A_347, %dma_wait3A_368] : memref<200x128xi32, #tpu.memory_space<vmem>> -> memref<1x128xi32, #tpu.memory_space<vmem>>
      %dma_wait3A_370 = tpu.memref_squeeze %dma_wait3A_369 : memref<1x128xi32, #tpu.memory_space<vmem>> -> memref<128xi32, #tpu.memory_space<vmem>>
      %dma_wait3A_371 = arith.constant 0 : i32
      %dma_wait3A_372 = arith.constant 0 : i32
      %dma_wait3A_373 = tpu.memref_slice %arg3[%dma_wait3A_371, %dma_wait3A_372] : memref<1000000x64xf32, #tpu.memory_space<hbm>> -> memref<1000000x64xf32, #tpu.memory_space<hbm>>
      tpu.wait_indirect_dma semaphore(%arg13 : memref<!tpu.dma_semaphore, #tpu.memory_space<semaphore_mem>>) src(%dma_wait3A_373 : memref<1000000x64xf32, #tpu.memory_space<hbm>>) dst(%arg8 : memref<128x64xf32, #tpu.memory_space<vmem>>)
      %parallel_loop3A = arith.constant 0 : i32
      %parallel_loop3A_374 = arith.constant 128 : i32
      %parallel_loop3A_375 = arith.constant 1 : i32
      %parallel_loop3A_376 = arith.constant 0 : i32
      scf.for %parallel_loop3A_1073 = %parallel_loop3A to %parallel_loop3A_374 step %parallel_loop3A_375  : i32 {
        %parallel_loop3A_1074 = vector.broadcast %parallel_loop3A_1073 : i32 to vector<16xi32>
        %parallel_loop3A_1075 = arith.index_cast %parallel_loop3A_1073 : i32 to index
        %parallel_loop3A_1076 = arith.constant 0 : index
        %parallel_loop3A_1077 = tpu.vector_load %arg8[%parallel_loop3A_1075, %parallel_loop3A_1076] {strides = array<i32>} : memref<128x64xf32, #tpu.memory_space<vmem>>, vector<16xf32>,
        %parallel_loop3A_1078 = arith.addf %parallel_loop3A_1077, %get3A_354 : vector<16xf32>
        %parallel_loop3A_1079 = arith.constant 0 : i32
        %parallel_loop3A_1080 = arith.constant 0 : i32
        %parallel_loop3A_1081 = tpu.memref_slice %arg12[%parallel_loop3A_376, %parallel_loop3A_1079, %parallel_loop3A_1080] : memref<2x64x129xf32, #tpu.memory_space<vmem>> -> memref<1x64x129xf32, #tpu.memory_space<vmem>>
        %parallel_loop3A_1082 = tpu.memref_squeeze %parallel_loop3A_1081 : memref<1x64x129xf32, #tpu.memory_space<vmem>> -> memref<64x129xf32, #tpu.memory_space<vmem>>
        tpu.vector_store_idx %parallel_loop3A_1082[%add3A_5, %parallel_loop3A_1074], %parallel_loop3A_1078 : memref<64x129xf32, #tpu.memory_space<vmem>>[vector<16xi32>, vector<16xi32>], vector<16xf32>,
        %parallel_loop3A_1083 = arith.index_cast %parallel_loop3A_1073 : i32 to index
        %parallel_loop3A_1084 = arith.constant 16 : index
        %parallel_loop3A_1085 = tpu.vector_load %arg8[%parallel_loop3A_1083, %parallel_loop3A_1084] {strides = array<i32>} : memref<128x64xf32, #tpu.memory_space<vmem>>, vector<16xf32>,
        %parallel_loop3A_1086 = arith.addf %parallel_loop3A_1085, %get3A_357 : vector<16xf32>
        %parallel_loop3A_1087 = arith.constant 0 : i32
        %parallel_loop3A_1088 = arith.constant 0 : i32
        %parallel_loop3A_1089 = tpu.memref_slice %arg12[%parallel_loop3A_376, %parallel_loop3A_1087, %parallel_loop3A_1088] : memref<2x64x129xf32, #tpu.memory_space<vmem>> -> memref<1x64x129xf32, #tpu.memory_space<vmem>>
        %parallel_loop3A_1090 = tpu.memref_squeeze %parallel_loop3A_1089 : memref<1x64x129xf32, #tpu.memory_space<vmem>> -> memref<64x129xf32, #tpu.memory_space<vmem>>
        tpu.vector_store_idx %parallel_loop3A_1090[%add3A_8, %parallel_loop3A_1074], %parallel_loop3A_1086 : memref<64x129xf32, #tpu.memory_space<vmem>>[vector<16xi32>, vector<16xi32>], vector<16xf32>,
        %parallel_loop3A_1091 = arith.index_cast %parallel_loop3A_1073 : i32 to index
        %parallel_loop3A_1092 = arith.constant 32 : index
        %parallel_loop3A_1093 = tpu.vector_load %arg8[%parallel_loop3A_1091, %parallel_loop3A_1092] {strides = array<i32>} : memref<128x64xf32, #tpu.memory_space<vmem>>, vector<16xf32>,
        %parallel_loop3A_1094 = arith.addf %parallel_loop3A_1093, %get3A_360 : vector<16xf32>
        %parallel_loop3A_1095 = arith.constant 0 : i32
        %parallel_loop3A_1096 = arith.constant 0 : i32
        %parallel_loop3A_1097 = tpu.memref_slice %arg12[%parallel_loop3A_376, %parallel_loop3A_1095, %parallel_loop3A_1096] : memref<2x64x129xf32, #tpu.memory_space<vmem>> -> memref<1x64x129xf32, #tpu.memory_space<vmem>>
        %parallel_loop3A_1098 = tpu.memref_squeeze %parallel_loop3A_1097 : memref<1x64x129xf32, #tpu.memory_space<vmem>> -> memref<64x129xf32, #tpu.memory_space<vmem>>
        tpu.vector_store_idx %parallel_loop3A_1098[%add3A_11, %parallel_loop3A_1074], %parallel_loop3A_1094 : memref<64x129xf32, #tpu.memory_space<vmem>>[vector<16xi32>, vector<16xi32>], vector<16xf32>,
        %parallel_loop3A_1099 = arith.index_cast %parallel_loop3A_1073 : i32 to index
        %parallel_loop3A_1100 = arith.constant 48 : index
        %parallel_loop3A_1101 = tpu.vector_load %arg8[%parallel_loop3A_1099, %parallel_loop3A_1100] {strides = array<i32>} : memref<128x64xf32, #tpu.memory_space<vmem>>, vector<16xf32>,
        %parallel_loop3A_1102 = arith.addf %parallel_loop3A_1101, %get3A_363 : vector<16xf32>
        %parallel_loop3A_1103 = arith.constant 0 : i32
        %parallel_loop3A_1104 = arith.constant 0 : i32
        %parallel_loop3A_1105 = tpu.memref_slice %arg12[%parallel_loop3A_376, %parallel_loop3A_1103, %parallel_loop3A_1104] : memref<2x64x129xf32, #tpu.memory_space<vmem>> -> memref<1x64x129xf32, #tpu.memory_space<vmem>>
        %parallel_loop3A_1106 = tpu.memref_squeeze %parallel_loop3A_1105 : memref<1x64x129xf32, #tpu.memory_space<vmem>> -> memref<64x129xf32, #tpu.memory_space<vmem>>
        tpu.vector_store_idx %parallel_loop3A_1106[%add3A_14, %parallel_loop3A_1074], %parallel_loop3A_1102 : memref<64x129xf32, #tpu.memory_space<vmem>>[vector<16xi32>, vector<16xi32>], vector<16xf32>,
      } {sc.loop_unroll_factor = 8 : i64, sc.parallel_access}
      %dma_start3A_377 = arith.constant 0 : i32
      %dma_start3A_378 = arith.constant 0 : i32
      %dma_start3A_379 = arith.constant 0 : i32
      %dma_start3A_380 = arith.constant 0 : i32
      %dma_start3A_381 = tpu.memref_slice %arg12[%dma_start3A_377, %dma_start3A_379, %dma_start3A_380] : memref<2x64x129xf32, #tpu.memory_space<vmem>> -> memref<1x8x128xf32, #tpu.memory_space<vmem>>
      %dma_start3A_382 = tpu.memref_squeeze %dma_start3A_381 : memref<1x8x128xf32, #tpu.memory_space<vmem>> -> memref<8x128xf32, #tpu.memory_space<vmem>>
      %dma_start3A_383 = arith.constant 0 : i32
      %dma_start3A_384 = arith.constant 0 : i32
      %dma_start3A_385 = tpu.memref_slice %arg5[%add3A_347, %dma_start3A_378, %add3A, %dma_start3A_383, %dma_start3A_384] : memref<200x8x32x8x128xf32, #tpu.memory_space<hbm>> -> memref<1x1x1x8x128xf32, #tpu.memory_space<hbm>>
      %dma_start3A_386 = tpu.memref_squeeze %dma_start3A_385 : memref<1x1x1x8x128xf32, #tpu.memory_space<hbm>> -> memref<8x128xf32, #tpu.memory_space<hbm>>
      %dma_start3A_387 = arith.constant 0 : i32
      %dma_start3A_388 = arith.constant 0 : i32
      %dma_start3A_389 = tpu.memref_slice %arg5[%add3A_347, %dma_start3A_378, %add3A, %dma_start3A_387, %dma_start3A_388] : memref<200x8x32x8x128xf32, #tpu.memory_space<hbm>> -> memref<1x1x1x8x128xf32, #tpu.memory_space<hbm>>
      %dma_start3A_390 = tpu.memref_squeeze %dma_start3A_389 : memref<1x1x1x8x128xf32, #tpu.memory_space<hbm>> -> memref<8x128xf32, #tpu.memory_space<hbm>>
      %dma_start3A_391 = arith.constant 0 : i32
      %dma_start3A_392 = arith.constant 0 : i32
      %dma_start3A_393 = tpu.memref_slice %arg12[%dma_start3A_377, %dma_start3A_391, %dma_start3A_392] : memref<2x64x129xf32, #tpu.memory_space<vmem>> -> memref<1x8x128xf32, #tpu.memory_space<vmem>>
      %dma_start3A_394 = tpu.memref_squeeze %dma_start3A_393 : memref<1x8x128xf32, #tpu.memory_space<vmem>> -> memref<8x128xf32, #tpu.memory_space<vmem>>
      tpu.enqueue_dma source(%dma_start3A_394 : memref<8x128xf32, #tpu.memory_space<vmem>>) target(%dma_start3A_390 : memref<8x128xf32, #tpu.memory_space<hbm>>) target_semaphore(%arg17 : memref<!tpu.dma_semaphore, #tpu.memory_space<semaphore_mem>>)
      %dma_start3A_395 = arith.constant 0 : i32
      %dma_start3A_396 = arith.constant 1 : i32
      %dma_start3A_397 = arith.constant 8 : i32
      %dma_start3A_398 = arith.constant 0 : i32
      %dma_start3A_399 = tpu.memref_slice %arg12[%dma_start3A_395, %dma_start3A_397, %dma_start3A_398] : memref<2x64x129xf32, #tpu.memory_space<vmem>> -> memref<1x8x128xf32, #tpu.memory_space<vmem>>
      %dma_start3A_400 = tpu.memref_squeeze %dma_start3A_399 : memref<1x8x128xf32, #tpu.memory_space<vmem>> -> memref<8x128xf32, #tpu.memory_space<vmem>>
      %dma_start3A_401 = arith.constant 0 : i32
      %dma_start3A_402 = arith.constant 0 : i32
      %dma_start3A_403 = tpu.memref_slice %arg5[%add3A_347, %dma_start3A_396, %add3A, %dma_start3A_401, %dma_start3A_402] : memref<200x8x32x8x128xf32, #tpu.memory_space<hbm>> -> memref<1x1x1x8x128xf32, #tpu.memory_space<hbm>>
      %dma_start3A_404 = tpu.memref_squeeze %dma_start3A_403 : memref<1x1x1x8x128xf32, #tpu.memory_space<hbm>> -> memref<8x128xf32, #tpu.memory_space<hbm>>
      %dma_start3A_405 = arith.constant 0 : i32
      %dma_start3A_406 = arith.constant 0 : i32
      %dma_start3A_407 = tpu.memref_slice %arg5[%add3A_347, %dma_start3A_396, %add3A, %dma_start3A_405, %dma_start3A_406] : memref<200x8x32x8x128xf32, #tpu.memory_space<hbm>> -> memref<1x1x1x8x128xf32, #tpu.memory_space<hbm>>
      %dma_start3A_408 = tpu.memref_squeeze %dma_start3A_407 : memref<1x1x1x8x128xf32, #tpu.memory_space<hbm>> -> memref<8x128xf32, #tpu.memory_space<hbm>>
      %dma_start3A_409 = arith.constant 8 : i32
      %dma_start3A_410 = arith.constant 0 : i32
      %dma_start3A_411 = tpu.memref_slice %arg12[%dma_start3A_395, %dma_start3A_409, %dma_start3A_410] : memref<2x64x129xf32, #tpu.memory_space<vmem>> -> memref<1x8x128xf32, #tpu.memory_space<vmem>>
      %dma_start3A_412 = tpu.memref_squeeze %dma_start3A_411 : memref<1x8x128xf32, #tpu.memory_space<vmem>> -> memref<8x128xf32, #tpu.memory_space<vmem>>
      tpu.enqueue_dma source(%dma_start3A_412 : memref<8x128xf32, #tpu.memory_space<vmem>>) target(%dma_start3A_408 : memref<8x128xf32, #tpu.memory_space<hbm>>) target_semaphore(%arg17 : memref<!tpu.dma_semaphore, #tpu.memory_space<semaphore_mem>>)
      %dma_start3A_413 = arith.constant 0 : i32
      %dma_start3A_414 = arith.constant 2 : i32
      %dma_start3A_415 = arith.constant 16 : i32
      %dma_start3A_416 = arith.constant 0 : i32
      %dma_start3A_417 = tpu.memref_slice %arg12[%dma_start3A_413, %dma_start3A_415, %dma_start3A_416] : memref<2x64x129xf32, #tpu.memory_space<vmem>> -> memref<1x8x128xf32, #tpu.memory_space<vmem>>
      %dma_start3A_418 = tpu.memref_squeeze %dma_start3A_417 : memref<1x8x128xf32, #tpu.memory_space<vmem>> -> memref<8x128xf32, #tpu.memory_space<vmem>>
      %dma_start3A_419 = arith.constant 0 : i32
      %dma_start3A_420 = arith.constant 0 : i32
      %dma_start3A_421 = tpu.memref_slice %arg5[%add3A_347, %dma_start3A_414, %add3A, %dma_start3A_419, %dma_start3A_420] : memref<200x8x32x8x128xf32, #tpu.memory_space<hbm>> -> memref<1x1x1x8x128xf32, #tpu.memory_space<hbm>>
      %dma_start3A_422 = tpu.memref_squeeze %dma_start3A_421 : memref<1x1x1x8x128xf32, #tpu.memory_space<hbm>> -> memref<8x128xf32, #tpu.memory_space<hbm>>
      %dma_start3A_423 = arith.constant 0 : i32
      %dma_start3A_424 = arith.constant 0 : i32
      %dma_start3A_425 = tpu.memref_slice %arg5[%add3A_347, %dma_start3A_414, %add3A, %dma_start3A_423, %dma_start3A_424] : memref<200x8x32x8x128xf32, #tpu.memory_space<hbm>> -> memref<1x1x1x8x128xf32, #tpu.memory_space<hbm>>
      %dma_start3A_426 = tpu.memref_squeeze %dma_start3A_425 : memref<1x1x1x8x128xf32, #tpu.memory_space<hbm>> -> memref<8x128xf32, #tpu.memory_space<hbm>>
      %dma_start3A_427 = arith.constant 16 : i32
      %dma_start3A_428 = arith.constant 0 : i32
      %dma_start3A_429 = tpu.memref_slice %arg12[%dma_start3A_413, %dma_start3A_427, %dma_start3A_428] : memref<2x64x129xf32, #tpu.memory_space<vmem>> -> memref<1x8x128xf32, #tpu.memory_space<vmem>>
      %dma_start3A_430 = tpu.memref_squeeze %dma_start3A_429 : memref<1x8x128xf32, #tpu.memory_space<vmem>> -> memref<8x128xf32, #tpu.memory_space<vmem>>
      tpu.enqueue_dma source(%dma_start3A_430 : memref<8x128xf32, #tpu.memory_space<vmem>>) target(%dma_start3A_426 : memref<8x128xf32, #tpu.memory_space<hbm>>) target_semaphore(%arg17 : memref<!tpu.dma_semaphore, #tpu.memory_space<semaphore_mem>>)
      %dma_start3A_431 = arith.constant 0 : i32
      %dma_start3A_432 = arith.constant 3 : i32
      %dma_start3A_433 = arith.constant 24 : i32
      %dma_start3A_434 = arith.constant 0 : i32
      %dma_start3A_435 = tpu.memref_slice %arg12[%dma_start3A_431, %dma_start3A_433, %dma_start3A_434] : memref<2x64x129xf32, #tpu.memory_space<vmem>> -> memref<1x8x128xf32, #tpu.memory_space<vmem>>
      %dma_start3A_436 = tpu.memref_squeeze %dma_start3A_435 : memref<1x8x128xf32, #tpu.memory_space<vmem>> -> memref<8x128xf32, #tpu.memory_space<vmem>>
      %dma_start3A_437 = arith.constant 0 : i32
      %dma_start3A_438 = arith.constant 0 : i32
      %dma_start3A_439 = tpu.memref_slice %arg5[%add3A_347, %dma_start3A_432, %add3A, %dma_start3A_437, %dma_start3A_438] : memref<200x8x32x8x128xf32, #tpu.memory_space<hbm>> -> memref<1x1x1x8x128xf32, #tpu.memory_space<hbm>>
      %dma_start3A_440 = tpu.memref_squeeze %dma_start3A_439 : memref<1x1x1x8x128xf32, #tpu.memory_space<hbm>> -> memref<8x128xf32, #tpu.memory_space<hbm>>
      %dma_start3A_441 = arith.constant 0 : i32
      %dma_start3A_442 = arith.constant 0 : i32
      %dma_start3A_443 = tpu.memref_slice %arg5[%add3A_347, %dma_start3A_432, %add3A, %dma_start3A_441, %dma_start3A_442] : memref<200x8x32x8x128xf32, #tpu.memory_space<hbm>> -> memref<1x1x1x8x128xf32, #tpu.memory_space<hbm>>
      %dma_start3A_444 = tpu.memref_squeeze %dma_start3A_443 : memref<1x1x1x8x128xf32, #tpu.memory_space<hbm>> -> memref<8x128xf32, #tpu.memory_space<hbm>>
      %dma_start3A_445 = arith.constant 24 : i32
      %dma_start3A_446 = arith.constant 0 : i32
      %dma_start3A_447 = tpu.memref_slice %arg12[%dma_start3A_431, %dma_start3A_445, %dma_start3A_446] : memref<2x64x129xf32, #tpu.memory_space<vmem>> -> memref<1x8x128xf32, #tpu.memory_space<vmem>>
      %dma_start3A_448 = tpu.memref_squeeze %dma_start3A_447 : memref<1x8x128xf32, #tpu.memory_space<vmem>> -> memref<8x128xf32, #tpu.memory_space<vmem>>
      tpu.enqueue_dma source(%dma_start3A_448 : memref<8x128xf32, #tpu.memory_space<vmem>>) target(%dma_start3A_444 : memref<8x128xf32, #tpu.memory_space<hbm>>) target_semaphore(%arg17 : memref<!tpu.dma_semaphore, #tpu.memory_space<semaphore_mem>>)
      %dma_start3A_449 = arith.constant 0 : i32
      %dma_start3A_450 = arith.constant 4 : i32
      %dma_start3A_451 = arith.constant 32 : i32
      %dma_start3A_452 = arith.constant 0 : i32
      %dma_start3A_453 = tpu.memref_slice %arg12[%dma_start3A_449, %dma_start3A_451, %dma_start3A_452] : memref<2x64x129xf32, #tpu.memory_space<vmem>> -> memref<1x8x128xf32, #tpu.memory_space<vmem>>
      %dma_start3A_454 = tpu.memref_squeeze %dma_start3A_453 : memref<1x8x128xf32, #tpu.memory_space<vmem>> -> memref<8x128xf32, #tpu.memory_space<vmem>>
      %dma_start3A_455 = arith.constant 0 : i32
      %dma_start3A_456 = arith.constant 0 : i32
      %dma_start3A_457 = tpu.memref_slice %arg5[%add3A_347, %dma_start3A_450, %add3A, %dma_start3A_455, %dma_start3A_456] : memref<200x8x32x8x128xf32, #tpu.memory_space<hbm>> -> memref<1x1x1x8x128xf32, #tpu.memory_space<hbm>>
      %dma_start3A_458 = tpu.memref_squeeze %dma_start3A_457 : memref<1x1x1x8x128xf32, #tpu.memory_space<hbm>> -> memref<8x128xf32, #tpu.memory_space<hbm>>
      %dma_start3A_459 = arith.constant 0 : i32
      %dma_start3A_460 = arith.constant 0 : i32
      %dma_start3A_461 = tpu.memref_slice %arg5[%add3A_347, %dma_start3A_450, %add3A, %dma_start3A_459, %dma_start3A_460] : memref<200x8x32x8x128xf32, #tpu.memory_space<hbm>> -> memref<1x1x1x8x128xf32, #tpu.memory_space<hbm>>
      %dma_start3A_462 = tpu.memref_squeeze %dma_start3A_461 : memref<1x1x1x8x128xf32, #tpu.memory_space<hbm>> -> memref<8x128xf32, #tpu.memory_space<hbm>>
      %dma_start3A_463 = arith.constant 32 : i32
      %dma_start3A_464 = arith.constant 0 : i32
      %dma_start3A_465 = tpu.memref_slice %arg12[%dma_start3A_449, %dma_start3A_463, %dma_start3A_464] : memref<2x64x129xf32, #tpu.memory_space<vmem>> -> memref<1x8x128xf32, #tpu.memory_space<vmem>>
      %dma_start3A_466 = tpu.memref_squeeze %dma_start3A_465 : memref<1x8x128xf32, #tpu.memory_space<vmem>> -> memref<8x128xf32, #tpu.memory_space<vmem>>
      tpu.enqueue_dma source(%dma_start3A_466 : memref<8x128xf32, #tpu.memory_space<vmem>>) target(%dma_start3A_462 : memref<8x128xf32, #tpu.memory_space<hbm>>) target_semaphore(%arg17 : memref<!tpu.dma_semaphore, #tpu.memory_space<semaphore_mem>>)
      %dma_start3A_467 = arith.constant 0 : i32
      %dma_start3A_468 = arith.constant 5 : i32
      %dma_start3A_469 = arith.constant 40 : i32
      %dma_start3A_470 = arith.constant 0 : i32
      %dma_start3A_471 = tpu.memref_slice %arg12[%dma_start3A_467, %dma_start3A_469, %dma_start3A_470] : memref<2x64x129xf32, #tpu.memory_space<vmem>> -> memref<1x8x128xf32, #tpu.memory_space<vmem>>
      %dma_start3A_472 = tpu.memref_squeeze %dma_start3A_471 : memref<1x8x128xf32, #tpu.memory_space<vmem>> -> memref<8x128xf32, #tpu.memory_space<vmem>>
      %dma_start3A_473 = arith.constant 0 : i32
      %dma_start3A_474 = arith.constant 0 : i32
      %dma_start3A_475 = tpu.memref_slice %arg5[%add3A_347, %dma_start3A_468, %add3A, %dma_start3A_473, %dma_start3A_474] : memref<200x8x32x8x128xf32, #tpu.memory_space<hbm>> -> memref<1x1x1x8x128xf32, #tpu.memory_space<hbm>>
      %dma_start3A_476 = tpu.memref_squeeze %dma_start3A_475 : memref<1x1x1x8x128xf32, #tpu.memory_space<hbm>> -> memref<8x128xf32, #tpu.memory_space<hbm>>
      %dma_start3A_477 = arith.constant 0 : i32
      %dma_start3A_478 = arith.constant 0 : i32
      %dma_start3A_479 = tpu.memref_slice %arg5[%add3A_347, %dma_start3A_468, %add3A, %dma_start3A_477, %dma_start3A_478] : memref<200x8x32x8x128xf32, #tpu.memory_space<hbm>> -> memref<1x1x1x8x128xf32, #tpu.memory_space<hbm>>
      %dma_start3A_480 = tpu.memref_squeeze %dma_start3A_479 : memref<1x1x1x8x128xf32, #tpu.memory_space<hbm>> -> memref<8x128xf32, #tpu.memory_space<hbm>>
      %dma_start3A_481 = arith.constant 40 : i32
      %dma_start3A_482 = arith.constant 0 : i32
      %dma_start3A_483 = tpu.memref_slice %arg12[%dma_start3A_467, %dma_start3A_481, %dma_start3A_482] : memref<2x64x129xf32, #tpu.memory_space<vmem>> -> memref<1x8x128xf32, #tpu.memory_space<vmem>>
      %dma_start3A_484 = tpu.memref_squeeze %dma_start3A_483 : memref<1x8x128xf32, #tpu.memory_space<vmem>> -> memref<8x128xf32, #tpu.memory_space<vmem>>
      tpu.enqueue_dma source(%dma_start3A_484 : memref<8x128xf32, #tpu.memory_space<vmem>>) target(%dma_start3A_480 : memref<8x128xf32, #tpu.memory_space<hbm>>) target_semaphore(%arg17 : memref<!tpu.dma_semaphore, #tpu.memory_space<semaphore_mem>>)
      %dma_start3A_485 = arith.constant 0 : i32
      %dma_start3A_486 = arith.constant 6 : i32
      %dma_start3A_487 = arith.constant 48 : i32
      %dma_start3A_488 = arith.constant 0 : i32
      %dma_start3A_489 = tpu.memref_slice %arg12[%dma_start3A_485, %dma_start3A_487, %dma_start3A_488] : memref<2x64x129xf32, #tpu.memory_space<vmem>> -> memref<1x8x128xf32, #tpu.memory_space<vmem>>
      %dma_start3A_490 = tpu.memref_squeeze %dma_start3A_489 : memref<1x8x128xf32, #tpu.memory_space<vmem>> -> memref<8x128xf32, #tpu.memory_space<vmem>>
      %dma_start3A_491 = arith.constant 0 : i32
      %dma_start3A_492 = arith.constant 0 : i32
      %dma_start3A_493 = tpu.memref_slice %arg5[%add3A_347, %dma_start3A_486, %add3A, %dma_start3A_491, %dma_start3A_492] : memref<200x8x32x8x128xf32, #tpu.memory_space<hbm>> -> memref<1x1x1x8x128xf32, #tpu.memory_space<hbm>>
      %dma_start3A_494 = tpu.memref_squeeze %dma_start3A_493 : memref<1x1x1x8x128xf32, #tpu.memory_space<hbm>> -> memref<8x128xf32, #tpu.memory_space<hbm>>
      %dma_start3A_495 = arith.constant 0 : i32
      %dma_start3A_496 = arith.constant 0 : i32
      %dma_start3A_497 = tpu.memref_slice %arg5[%add3A_347, %dma_start3A_486, %add3A, %dma_start3A_495, %dma_start3A_496] : memref<200x8x32x8x128xf32, #tpu.memory_space<hbm>> -> memref<1x1x1x8x128xf32, #tpu.memory_space<hbm>>
      %dma_start3A_498 = tpu.memref_squeeze %dma_start3A_497 : memref<1x1x1x8x128xf32, #tpu.memory_space<hbm>> -> memref<8x128xf32, #tpu.memory_space<hbm>>
      %dma_start3A_499 = arith.constant 48 : i32
      %dma_start3A_500 = arith.constant 0 : i32
      %dma_start3A_501 = tpu.memref_slice %arg12[%dma_start3A_485, %dma_start3A_499, %dma_start3A_500] : memref<2x64x129xf32, #tpu.memory_space<vmem>> -> memref<1x8x128xf32, #tpu.memory_space<vmem>>
      %dma_start3A_502 = tpu.memref_squeeze %dma_start3A_501 : memref<1x8x128xf32, #tpu.memory_space<vmem>> -> memref<8x128xf32, #tpu.memory_space<vmem>>
      tpu.enqueue_dma source(%dma_start3A_502 : memref<8x128xf32, #tpu.memory_space<vmem>>) target(%dma_start3A_498 : memref<8x128xf32, #tpu.memory_space<hbm>>) target_semaphore(%arg17 : memref<!tpu.dma_semaphore, #tpu.memory_space<semaphore_mem>>)
      %dma_start3A_503 = arith.constant 0 : i32
      %dma_start3A_504 = arith.constant 7 : i32
      %dma_start3A_505 = arith.constant 56 : i32
      %dma_start3A_506 = arith.constant 0 : i32
      %dma_start3A_507 = tpu.memref_slice %arg12[%dma_start3A_503, %dma_start3A_505, %dma_start3A_506] : memref<2x64x129xf32, #tpu.memory_space<vmem>> -> memref<1x8x128xf32, #tpu.memory_space<vmem>>
      %dma_start3A_508 = tpu.memref_squeeze %dma_start3A_507 : memref<1x8x128xf32, #tpu.memory_space<vmem>> -> memref<8x128xf32, #tpu.memory_space<vmem>>
      %dma_start3A_509 = arith.constant 0 : i32
      %dma_start3A_510 = arith.constant 0 : i32
      %dma_start3A_511 = tpu.memref_slice %arg5[%add3A_347, %dma_start3A_504, %add3A, %dma_start3A_509, %dma_start3A_510] : memref<200x8x32x8x128xf32, #tpu.memory_space<hbm>> -> memref<1x1x1x8x128xf32, #tpu.memory_space<hbm>>
      %dma_start3A_512 = tpu.memref_squeeze %dma_start3A_511 : memref<1x1x1x8x128xf32, #tpu.memory_space<hbm>> -> memref<8x128xf32, #tpu.memory_space<hbm>>
      %dma_start3A_513 = arith.constant 0 : i32
      %dma_start3A_514 = arith.constant 0 : i32
      %dma_start3A_515 = tpu.memref_slice %arg5[%add3A_347, %dma_start3A_504, %add3A, %dma_start3A_513, %dma_start3A_514] : memref<200x8x32x8x128xf32, #tpu.memory_space<hbm>> -> memref<1x1x1x8x128xf32, #tpu.memory_space<hbm>>
      %dma_start3A_516 = tpu.memref_squeeze %dma_start3A_515 : memref<1x1x1x8x128xf32, #tpu.memory_space<hbm>> -> memref<8x128xf32, #tpu.memory_space<hbm>>
      %dma_start3A_517 = arith.constant 56 : i32
      %dma_start3A_518 = arith.constant 0 : i32
      %dma_start3A_519 = tpu.memref_slice %arg12[%dma_start3A_503, %dma_start3A_517, %dma_start3A_518] : memref<2x64x129xf32, #tpu.memory_space<vmem>> -> memref<1x8x128xf32, #tpu.memory_space<vmem>>
      %dma_start3A_520 = tpu.memref_squeeze %dma_start3A_519 : memref<1x8x128xf32, #tpu.memory_space<vmem>> -> memref<8x128xf32, #tpu.memory_space<vmem>>
      tpu.enqueue_dma source(%dma_start3A_520 : memref<8x128xf32, #tpu.memory_space<vmem>>) target(%dma_start3A_516 : memref<8x128xf32, #tpu.memory_space<hbm>>) target_semaphore(%arg17 : memref<!tpu.dma_semaphore, #tpu.memory_space<semaphore_mem>>)
      %mul3A_521 = arith.constant 4 : i32
      %mul3A_522 = arith.muli %mul3A_521, %scan3A_343 : i32
      %add3A_523 = arith.constant 1 : i32
      %add3A_524 = arith.addi %mul3A_522, %add3A_523 : i32
      %add3A_525 = arith.constant 4 : i32
      %add3A_526 = arith.addi %add3A_524, %add3A_525 : i32
      %sub3A_527 = arith.constant 1 : i32
      %sub3A_528 = arith.subi %add3A_526, %sub3A_527 : i32
      %lt3A_529 = arith.constant 200 : i32
      %lt3A_530 = arith.cmpi slt, %sub3A_528, %lt3A_529 : i32
      %convert_element_type3A_531 = arith.extui %lt3A_530 : i1 to i32
      %cond3A_532 = arith.constant 0 : i32
      %cond3A_533 = arith.cmpi ne, %convert_element_type3A_531, %cond3A_532 : i32
      scf.if %cond3A_533 {
        %dma_start3A_1073 = arith.constant 0 : i32
        %dma_start3A_1074 = tpu.memref_slice %arg6[%sub3A_528, %dma_start3A_1073] : memref<200x128xi32, #tpu.memory_space<vmem>> -> memref<1x128xi32, #tpu.memory_space<vmem>>
        %dma_start3A_1075 = tpu.memref_squeeze %dma_start3A_1074 : memref<1x128xi32, #tpu.memory_space<vmem>> -> memref<128xi32, #tpu.memory_space<vmem>>
        %dma_start3A_1076 = arith.constant 0 : i32
        %dma_start3A_1077 = arith.constant 0 : i32
        %dma_start3A_1078 = tpu.memref_slice %arg3[%dma_start3A_1076, %dma_start3A_1077] : memref<1000000x64xf32, #tpu.memory_space<hbm>> -> memref<1000000x64xf32, #tpu.memory_space<hbm>>
        tpu.enqueue_indirect_dma source(%dma_start3A_1078 : memref<1000000x64xf32, #tpu.memory_space<hbm>>) target(%arg8 : memref<128x64xf32, #tpu.memory_space<vmem>>) offsets(%dma_start3A_1075 : memref<128xi32, #tpu.memory_space<vmem>>) semaphore(%arg13 : memref<!tpu.dma_semaphore, #tpu.memory_space<semaphore_mem>>)
      } else {
      }
      %get3A_534 = arith.index_cast %add3A_524 : i32 to index
      %get3A_535 = arith.constant 0 : index
      %get3A_536 = tpu.vector_load %arg7[%get3A_534, %get3A_535] {strides = array<i32>} : memref<200x64xf32, #tpu.memory_space<vmem>>, vector<16xf32>,
      %get3A_537 = arith.index_cast %add3A_524 : i32 to index
      %get3A_538 = arith.constant 16 : index
      %get3A_539 = tpu.vector_load %arg7[%get3A_537, %get3A_538] {strides = array<i32>} : memref<200x64xf32, #tpu.memory_space<vmem>>, vector<16xf32>,
      %get3A_540 = arith.index_cast %add3A_524 : i32 to index
      %get3A_541 = arith.constant 32 : index
      %get3A_542 = tpu.vector_load %arg7[%get3A_540, %get3A_541] {strides = array<i32>} : memref<200x64xf32, #tpu.memory_space<vmem>>, vector<16xf32>,
      %get3A_543 = arith.index_cast %add3A_524 : i32 to index
      %get3A_544 = arith.constant 48 : index
      %get3A_545 = tpu.vector_load %arg7[%get3A_543, %get3A_544] {strides = array<i32>} : memref<200x64xf32, #tpu.memory_space<vmem>>, vector<16xf32>,
      %ge3A_546 = arith.constant 2 : i32
      %ge3A_547 = arith.cmpi sge, %add3A_524, %ge3A_546 : i32
      %convert_element_type3A_548 = arith.extui %ge3A_547 : i1 to i32
      %cond3A_549 = arith.constant 0 : i32
      %cond3A_550 = arith.cmpi ne, %convert_element_type3A_548, %cond3A_549 : i32
      scf.if %cond3A_550 {
        %dma_wait3A_1073 = arith.constant 1 : i32
        %dma_wait3A_1074 = arith.constant 0 : i32
        %dma_wait3A_1075 = arith.constant 0 : i32
        %dma_wait3A_1076 = arith.constant 0 : i32
        %dma_wait3A_1077 = arith.constant 0 : i32
        %dma_wait3A_1078 = tpu.memref_slice %arg12[%dma_wait3A_1073, %dma_wait3A_1076, %dma_wait3A_1077] : memref<2x64x129xf32, #tpu.memory_space<vmem>> -> memref<1x8x128xf32, #tpu.memory_space<vmem>>
        %dma_wait3A_1079 = tpu.memref_squeeze %dma_wait3A_1078 : memref<1x8x128xf32, #tpu.memory_space<vmem>> -> memref<8x128xf32, #tpu.memory_space<vmem>>
        %dma_wait3A_1080 = arith.constant 0 : i32
        %dma_wait3A_1081 = arith.constant 0 : i32
        %dma_wait3A_1082 = tpu.memref_slice %arg5[%dma_wait3A_1074, %dma_wait3A_1075, %add3A, %dma_wait3A_1080, %dma_wait3A_1081] : memref<200x8x32x8x128xf32, #tpu.memory_space<hbm>> -> memref<1x1x1x8x128xf32, #tpu.memory_space<hbm>>
        %dma_wait3A_1083 = tpu.memref_squeeze %dma_wait3A_1082 : memref<1x1x1x8x128xf32, #tpu.memory_space<hbm>> -> memref<8x128xf32, #tpu.memory_space<hbm>>
        %dma_wait3A_1084 = arith.constant 0 : i32
        %dma_wait3A_1085 = arith.constant 0 : i32
        %dma_wait3A_1086 = tpu.memref_slice %arg5[%dma_wait3A_1074, %dma_wait3A_1075, %add3A, %dma_wait3A_1084, %dma_wait3A_1085] : memref<200x8x32x8x128xf32, #tpu.memory_space<hbm>> -> memref<1x1x1x8x128xf32, #tpu.memory_space<hbm>>
        %dma_wait3A_1087 = tpu.memref_squeeze %dma_wait3A_1086 : memref<1x1x1x8x128xf32, #tpu.memory_space<hbm>> -> memref<8x128xf32, #tpu.memory_space<hbm>>
        %dma_wait3A_1088 = arith.constant 0 : i32
        %dma_wait3A_1089 = arith.constant 0 : i32
        %dma_wait3A_1090 = tpu.memref_slice %arg12[%dma_wait3A_1073, %dma_wait3A_1088, %dma_wait3A_1089] : memref<2x64x129xf32, #tpu.memory_space<vmem>> -> memref<1x8x128xf32, #tpu.memory_space<vmem>>
        %dma_wait3A_1091 = tpu.memref_squeeze %dma_wait3A_1090 : memref<1x8x128xf32, #tpu.memory_space<vmem>> -> memref<8x128xf32, #tpu.memory_space<vmem>>
        tpu.wait_dma2 semaphore(%arg18 : memref<!tpu.dma_semaphore, #tpu.memory_space<semaphore_mem>>) src(%dma_wait3A_1091 : memref<8x128xf32, #tpu.memory_space<vmem>>) dst(%dma_wait3A_1087 : memref<8x128xf32, #tpu.memory_space<hbm>>)
        %dma_wait3A_1092 = arith.constant 1 : i32
        %dma_wait3A_1093 = arith.constant 0 : i32
        %dma_wait3A_1094 = arith.constant 1 : i32
        %dma_wait3A_1095 = arith.constant 8 : i32
        %dma_wait3A_1096 = arith.constant 0 : i32
        %dma_wait3A_1097 = tpu.memref_slice %arg12[%dma_wait3A_1092, %dma_wait3A_1095, %dma_wait3A_1096] : memref<2x64x129xf32, #tpu.memory_space<vmem>> -> memref<1x8x128xf32, #tpu.memory_space<vmem>>
        %dma_wait3A_1098 = tpu.memref_squeeze %dma_wait3A_1097 : memref<1x8x128xf32, #tpu.memory_space<vmem>> -> memref<8x128xf32, #tpu.memory_space<vmem>>
        %dma_wait3A_1099 = arith.constant 0 : i32
        %dma_wait3A_1100 = arith.constant 0 : i32
        %dma_wait3A_1101 = tpu.memref_slice %arg5[%dma_wait3A_1093, %dma_wait3A_1094, %add3A, %dma_wait3A_1099, %dma_wait3A_1100] : memref<200x8x32x8x128xf32, #tpu.memory_space<hbm>> -> memref<1x1x1x8x128xf32, #tpu.memory_space<hbm>>
        %dma_wait3A_1102 = tpu.memref_squeeze %dma_wait3A_1101 : memref<1x1x1x8x128xf32, #tpu.memory_space<hbm>> -> memref<8x128xf32, #tpu.memory_space<hbm>>
        %dma_wait3A_1103 = arith.constant 0 : i32
        %dma_wait3A_1104 = arith.constant 0 : i32
        %dma_wait3A_1105 = tpu.memref_slice %arg5[%dma_wait3A_1093, %dma_wait3A_1094, %add3A, %dma_wait3A_1103, %dma_wait3A_1104] : memref<200x8x32x8x128xf32, #tpu.memory_space<hbm>> -> memref<1x1x1x8x128xf32, #tpu.memory_space<hbm>>
        %dma_wait3A_1106 = tpu.memref_squeeze %dma_wait3A_1105 : memref<1x1x1x8x128xf32, #tpu.memory_space<hbm>> -> memref<8x128xf32, #tpu.memory_space<hbm>>
        %dma_wait3A_1107 = arith.constant 8 : i32
        %dma_wait3A_1108 = arith.constant 0 : i32
        %dma_wait3A_1109 = tpu.memref_slice %arg12[%dma_wait3A_1092, %dma_wait3A_1107, %dma_wait3A_1108] : memref<2x64x129xf32, #tpu.memory_space<vmem>> -> memref<1x8x128xf32, #tpu.memory_space<vmem>>
        %dma_wait3A_1110 = tpu.memref_squeeze %dma_wait3A_1109 : memref<1x8x128xf32, #tpu.memory_space<vmem>> -> memref<8x128xf32, #tpu.memory_space<vmem>>
        tpu.wait_dma2 semaphore(%arg18 : memref<!tpu.dma_semaphore, #tpu.memory_space<semaphore_mem>>) src(%dma_wait3A_1110 : memref<8x128xf32, #tpu.memory_space<vmem>>) dst(%dma_wait3A_1106 : memref<8x128xf32, #tpu.memory_space<hbm>>)
        %dma_wait3A_1111 = arith.constant 1 : i32
        %dma_wait3A_1112 = arith.constant 0 : i32
        %dma_wait3A_1113 = arith.constant 2 : i32
        %dma_wait3A_1114 = arith.constant 16 : i32
        %dma_wait3A_1115 = arith.constant 0 : i32
        %dma_wait3A_1116 = tpu.memref_slice %arg12[%dma_wait3A_1111, %dma_wait3A_1114, %dma_wait3A_1115] : memref<2x64x129xf32, #tpu.memory_space<vmem>> -> memref<1x8x128xf32, #tpu.memory_space<vmem>>
        %dma_wait3A_1117 = tpu.memref_squeeze %dma_wait3A_1116 : memref<1x8x128xf32, #tpu.memory_space<vmem>> -> memref<8x128xf32, #tpu.memory_space<vmem>>
        %dma_wait3A_1118 = arith.constant 0 : i32
        %dma_wait3A_1119 = arith.constant 0 : i32
        %dma_wait3A_1120 = tpu.memref_slice %arg5[%dma_wait3A_1112, %dma_wait3A_1113, %add3A, %dma_wait3A_1118, %dma_wait3A_1119] : memref<200x8x32x8x128xf32, #tpu.memory_space<hbm>> -> memref<1x1x1x8x128xf32, #tpu.memory_space<hbm>>
        %dma_wait3A_1121 = tpu.memref_squeeze %dma_wait3A_1120 : memref<1x1x1x8x128xf32, #tpu.memory_space<hbm>> -> memref<8x128xf32, #tpu.memory_space<hbm>>
        %dma_wait3A_1122 = arith.constant 0 : i32
        %dma_wait3A_1123 = arith.constant 0 : i32
        %dma_wait3A_1124 = tpu.memref_slice %arg5[%dma_wait3A_1112, %dma_wait3A_1113, %add3A, %dma_wait3A_1122, %dma_wait3A_1123] : memref<200x8x32x8x128xf32, #tpu.memory_space<hbm>> -> memref<1x1x1x8x128xf32, #tpu.memory_space<hbm>>
        %dma_wait3A_1125 = tpu.memref_squeeze %dma_wait3A_1124 : memref<1x1x1x8x128xf32, #tpu.memory_space<hbm>> -> memref<8x128xf32, #tpu.memory_space<hbm>>
        %dma_wait3A_1126 = arith.constant 16 : i32
        %dma_wait3A_1127 = arith.constant 0 : i32
        %dma_wait3A_1128 = tpu.memref_slice %arg12[%dma_wait3A_1111, %dma_wait3A_1126, %dma_wait3A_1127] : memref<2x64x129xf32, #tpu.memory_space<vmem>> -> memref<1x8x128xf32, #tpu.memory_space<vmem>>
        %dma_wait3A_1129 = tpu.memref_squeeze %dma_wait3A_1128 : memref<1x8x128xf32, #tpu.memory_space<vmem>> -> memref<8x128xf32, #tpu.memory_space<vmem>>
        tpu.wait_dma2 semaphore(%arg18 : memref<!tpu.dma_semaphore, #tpu.memory_space<semaphore_mem>>) src(%dma_wait3A_1129 : memref<8x128xf32, #tpu.memory_space<vmem>>) dst(%dma_wait3A_1125 : memref<8x128xf32, #tpu.memory_space<hbm>>)
        %dma_wait3A_1130 = arith.constant 1 : i32
        %dma_wait3A_1131 = arith.constant 0 : i32
        %dma_wait3A_1132 = arith.constant 3 : i32
        %dma_wait3A_1133 = arith.constant 24 : i32
        %dma_wait3A_1134 = arith.constant 0 : i32
        %dma_wait3A_1135 = tpu.memref_slice %arg12[%dma_wait3A_1130, %dma_wait3A_1133, %dma_wait3A_1134] : memref<2x64x129xf32, #tpu.memory_space<vmem>> -> memref<1x8x128xf32, #tpu.memory_space<vmem>>
        %dma_wait3A_1136 = tpu.memref_squeeze %dma_wait3A_1135 : memref<1x8x128xf32, #tpu.memory_space<vmem>> -> memref<8x128xf32, #tpu.memory_space<vmem>>
        %dma_wait3A_1137 = arith.constant 0 : i32
        %dma_wait3A_1138 = arith.constant 0 : i32
        %dma_wait3A_1139 = tpu.memref_slice %arg5[%dma_wait3A_1131, %dma_wait3A_1132, %add3A, %dma_wait3A_1137, %dma_wait3A_1138] : memref<200x8x32x8x128xf32, #tpu.memory_space<hbm>> -> memref<1x1x1x8x128xf32, #tpu.memory_space<hbm>>
        %dma_wait3A_1140 = tpu.memref_squeeze %dma_wait3A_1139 : memref<1x1x1x8x128xf32, #tpu.memory_space<hbm>> -> memref<8x128xf32, #tpu.memory_space<hbm>>
        %dma_wait3A_1141 = arith.constant 0 : i32
        %dma_wait3A_1142 = arith.constant 0 : i32
        %dma_wait3A_1143 = tpu.memref_slice %arg5[%dma_wait3A_1131, %dma_wait3A_1132, %add3A, %dma_wait3A_1141, %dma_wait3A_1142] : memref<200x8x32x8x128xf32, #tpu.memory_space<hbm>> -> memref<1x1x1x8x128xf32, #tpu.memory_space<hbm>>
        %dma_wait3A_1144 = tpu.memref_squeeze %dma_wait3A_1143 : memref<1x1x1x8x128xf32, #tpu.memory_space<hbm>> -> memref<8x128xf32, #tpu.memory_space<hbm>>
        %dma_wait3A_1145 = arith.constant 24 : i32
        %dma_wait3A_1146 = arith.constant 0 : i32
        %dma_wait3A_1147 = tpu.memref_slice %arg12[%dma_wait3A_1130, %dma_wait3A_1145, %dma_wait3A_1146] : memref<2x64x129xf32, #tpu.memory_space<vmem>> -> memref<1x8x128xf32, #tpu.memory_space<vmem>>
        %dma_wait3A_1148 = tpu.memref_squeeze %dma_wait3A_1147 : memref<1x8x128xf32, #tpu.memory_space<vmem>> -> memref<8x128xf32, #tpu.memory_space<vmem>>
        tpu.wait_dma2 semaphore(%arg18 : memref<!tpu.dma_semaphore, #tpu.memory_space<semaphore_mem>>) src(%dma_wait3A_1148 : memref<8x128xf32, #tpu.memory_space<vmem>>) dst(%dma_wait3A_1144 : memref<8x128xf32, #tpu.memory_space<hbm>>)
        %dma_wait3A_1149 = arith.constant 1 : i32
        %dma_wait3A_1150 = arith.constant 0 : i32
        %dma_wait3A_1151 = arith.constant 4 : i32
        %dma_wait3A_1152 = arith.constant 32 : i32
        %dma_wait3A_1153 = arith.constant 0 : i32
        %dma_wait3A_1154 = tpu.memref_slice %arg12[%dma_wait3A_1149, %dma_wait3A_1152, %dma_wait3A_1153] : memref<2x64x129xf32, #tpu.memory_space<vmem>> -> memref<1x8x128xf32, #tpu.memory_space<vmem>>
        %dma_wait3A_1155 = tpu.memref_squeeze %dma_wait3A_1154 : memref<1x8x128xf32, #tpu.memory_space<vmem>> -> memref<8x128xf32, #tpu.memory_space<vmem>>
        %dma_wait3A_1156 = arith.constant 0 : i32
        %dma_wait3A_1157 = arith.constant 0 : i32
        %dma_wait3A_1158 = tpu.memref_slice %arg5[%dma_wait3A_1150, %dma_wait3A_1151, %add3A, %dma_wait3A_1156, %dma_wait3A_1157] : memref<200x8x32x8x128xf32, #tpu.memory_space<hbm>> -> memref<1x1x1x8x128xf32, #tpu.memory_space<hbm>>
        %dma_wait3A_1159 = tpu.memref_squeeze %dma_wait3A_1158 : memref<1x1x1x8x128xf32, #tpu.memory_space<hbm>> -> memref<8x128xf32, #tpu.memory_space<hbm>>
        %dma_wait3A_1160 = arith.constant 0 : i32
        %dma_wait3A_1161 = arith.constant 0 : i32
        %dma_wait3A_1162 = tpu.memref_slice %arg5[%dma_wait3A_1150, %dma_wait3A_1151, %add3A, %dma_wait3A_1160, %dma_wait3A_1161] : memref<200x8x32x8x128xf32, #tpu.memory_space<hbm>> -> memref<1x1x1x8x128xf32, #tpu.memory_space<hbm>>
        %dma_wait3A_1163 = tpu.memref_squeeze %dma_wait3A_1162 : memref<1x1x1x8x128xf32, #tpu.memory_space<hbm>> -> memref<8x128xf32, #tpu.memory_space<hbm>>
        %dma_wait3A_1164 = arith.constant 32 : i32
        %dma_wait3A_1165 = arith.constant 0 : i32
        %dma_wait3A_1166 = tpu.memref_slice %arg12[%dma_wait3A_1149, %dma_wait3A_1164, %dma_wait3A_1165] : memref<2x64x129xf32, #tpu.memory_space<vmem>> -> memref<1x8x128xf32, #tpu.memory_space<vmem>>
        %dma_wait3A_1167 = tpu.memref_squeeze %dma_wait3A_1166 : memref<1x8x128xf32, #tpu.memory_space<vmem>> -> memref<8x128xf32, #tpu.memory_space<vmem>>
        tpu.wait_dma2 semaphore(%arg18 : memref<!tpu.dma_semaphore, #tpu.memory_space<semaphore_mem>>) src(%dma_wait3A_1167 : memref<8x128xf32, #tpu.memory_space<vmem>>) dst(%dma_wait3A_1163 : memref<8x128xf32, #tpu.memory_space<hbm>>)
        %dma_wait3A_1168 = arith.constant 1 : i32
        %dma_wait3A_1169 = arith.constant 0 : i32
        %dma_wait3A_1170 = arith.constant 5 : i32
        %dma_wait3A_1171 = arith.constant 40 : i32
        %dma_wait3A_1172 = arith.constant 0 : i32
        %dma_wait3A_1173 = tpu.memref_slice %arg12[%dma_wait3A_1168, %dma_wait3A_1171, %dma_wait3A_1172] : memref<2x64x129xf32, #tpu.memory_space<vmem>> -> memref<1x8x128xf32, #tpu.memory_space<vmem>>
        %dma_wait3A_1174 = tpu.memref_squeeze %dma_wait3A_1173 : memref<1x8x128xf32, #tpu.memory_space<vmem>> -> memref<8x128xf32, #tpu.memory_space<vmem>>
        %dma_wait3A_1175 = arith.constant 0 : i32
        %dma_wait3A_1176 = arith.constant 0 : i32
        %dma_wait3A_1177 = tpu.memref_slice %arg5[%dma_wait3A_1169, %dma_wait3A_1170, %add3A, %dma_wait3A_1175, %dma_wait3A_1176] : memref<200x8x32x8x128xf32, #tpu.memory_space<hbm>> -> memref<1x1x1x8x128xf32, #tpu.memory_space<hbm>>
        %dma_wait3A_1178 = tpu.memref_squeeze %dma_wait3A_1177 : memref<1x1x1x8x128xf32, #tpu.memory_space<hbm>> -> memref<8x128xf32, #tpu.memory_space<hbm>>
        %dma_wait3A_1179 = arith.constant 0 : i32
        %dma_wait3A_1180 = arith.constant 0 : i32
        %dma_wait3A_1181 = tpu.memref_slice %arg5[%dma_wait3A_1169, %dma_wait3A_1170, %add3A, %dma_wait3A_1179, %dma_wait3A_1180] : memref<200x8x32x8x128xf32, #tpu.memory_space<hbm>> -> memref<1x1x1x8x128xf32, #tpu.memory_space<hbm>>
        %dma_wait3A_1182 = tpu.memref_squeeze %dma_wait3A_1181 : memref<1x1x1x8x128xf32, #tpu.memory_space<hbm>> -> memref<8x128xf32, #tpu.memory_space<hbm>>
        %dma_wait3A_1183 = arith.constant 40 : i32
        %dma_wait3A_1184 = arith.constant 0 : i32
        %dma_wait3A_1185 = tpu.memref_slice %arg12[%dma_wait3A_1168, %dma_wait3A_1183, %dma_wait3A_1184] : memref<2x64x129xf32, #tpu.memory_space<vmem>> -> memref<1x8x128xf32, #tpu.memory_space<vmem>>
        %dma_wait3A_1186 = tpu.memref_squeeze %dma_wait3A_1185 : memref<1x8x128xf32, #tpu.memory_space<vmem>> -> memref<8x128xf32, #tpu.memory_space<vmem>>
        tpu.wait_dma2 semaphore(%arg18 : memref<!tpu.dma_semaphore, #tpu.memory_space<semaphore_mem>>) src(%dma_wait3A_1186 : memref<8x128xf32, #tpu.memory_space<vmem>>) dst(%dma_wait3A_1182 : memref<8x128xf32, #tpu.memory_space<hbm>>)
        %dma_wait3A_1187 = arith.constant 1 : i32
        %dma_wait3A_1188 = arith.constant 0 : i32
        %dma_wait3A_1189 = arith.constant 6 : i32
        %dma_wait3A_1190 = arith.constant 48 : i32
        %dma_wait3A_1191 = arith.constant 0 : i32
        %dma_wait3A_1192 = tpu.memref_slice %arg12[%dma_wait3A_1187, %dma_wait3A_1190, %dma_wait3A_1191] : memref<2x64x129xf32, #tpu.memory_space<vmem>> -> memref<1x8x128xf32, #tpu.memory_space<vmem>>
        %dma_wait3A_1193 = tpu.memref_squeeze %dma_wait3A_1192 : memref<1x8x128xf32, #tpu.memory_space<vmem>> -> memref<8x128xf32, #tpu.memory_space<vmem>>
        %dma_wait3A_1194 = arith.constant 0 : i32
        %dma_wait3A_1195 = arith.constant 0 : i32
        %dma_wait3A_1196 = tpu.memref_slice %arg5[%dma_wait3A_1188, %dma_wait3A_1189, %add3A, %dma_wait3A_1194, %dma_wait3A_1195] : memref<200x8x32x8x128xf32, #tpu.memory_space<hbm>> -> memref<1x1x1x8x128xf32, #tpu.memory_space<hbm>>
        %dma_wait3A_1197 = tpu.memref_squeeze %dma_wait3A_1196 : memref<1x1x1x8x128xf32, #tpu.memory_space<hbm>> -> memref<8x128xf32, #tpu.memory_space<hbm>>
        %dma_wait3A_1198 = arith.constant 0 : i32
        %dma_wait3A_1199 = arith.constant 0 : i32
        %dma_wait3A_1200 = tpu.memref_slice %arg5[%dma_wait3A_1188, %dma_wait3A_1189, %add3A, %dma_wait3A_1198, %dma_wait3A_1199] : memref<200x8x32x8x128xf32, #tpu.memory_space<hbm>> -> memref<1x1x1x8x128xf32, #tpu.memory_space<hbm>>
        %dma_wait3A_1201 = tpu.memref_squeeze %dma_wait3A_1200 : memref<1x1x1x8x128xf32, #tpu.memory_space<hbm>> -> memref<8x128xf32, #tpu.memory_space<hbm>>
        %dma_wait3A_1202 = arith.constant 48 : i32
        %dma_wait3A_1203 = arith.constant 0 : i32
        %dma_wait3A_1204 = tpu.memref_slice %arg12[%dma_wait3A_1187, %dma_wait3A_1202, %dma_wait3A_1203] : memref<2x64x129xf32, #tpu.memory_space<vmem>> -> memref<1x8x128xf32, #tpu.memory_space<vmem>>
        %dma_wait3A_1205 = tpu.memref_squeeze %dma_wait3A_1204 : memref<1x8x128xf32, #tpu.memory_space<vmem>> -> memref<8x128xf32, #tpu.memory_space<vmem>>
        tpu.wait_dma2 semaphore(%arg18 : memref<!tpu.dma_semaphore, #tpu.memory_space<semaphore_mem>>) src(%dma_wait3A_1205 : memref<8x128xf32, #tpu.memory_space<vmem>>) dst(%dma_wait3A_1201 : memref<8x128xf32, #tpu.memory_space<hbm>>)
        %dma_wait3A_1206 = arith.constant 1 : i32
        %dma_wait3A_1207 = arith.constant 0 : i32
        %dma_wait3A_1208 = arith.constant 7 : i32
        %dma_wait3A_1209 = arith.constant 56 : i32
        %dma_wait3A_1210 = arith.constant 0 : i32
        %dma_wait3A_1211 = tpu.memref_slice %arg12[%dma_wait3A_1206, %dma_wait3A_1209, %dma_wait3A_1210] : memref<2x64x129xf32, #tpu.memory_space<vmem>> -> memref<1x8x128xf32, #tpu.memory_space<vmem>>
        %dma_wait3A_1212 = tpu.memref_squeeze %dma_wait3A_1211 : memref<1x8x128xf32, #tpu.memory_space<vmem>> -> memref<8x128xf32, #tpu.memory_space<vmem>>
        %dma_wait3A_1213 = arith.constant 0 : i32
        %dma_wait3A_1214 = arith.constant 0 : i32
        %dma_wait3A_1215 = tpu.memref_slice %arg5[%dma_wait3A_1207, %dma_wait3A_1208, %add3A, %dma_wait3A_1213, %dma_wait3A_1214] : memref<200x8x32x8x128xf32, #tpu.memory_space<hbm>> -> memref<1x1x1x8x128xf32, #tpu.memory_space<hbm>>
        %dma_wait3A_1216 = tpu.memref_squeeze %dma_wait3A_1215 : memref<1x1x1x8x128xf32, #tpu.memory_space<hbm>> -> memref<8x128xf32, #tpu.memory_space<hbm>>
        %dma_wait3A_1217 = arith.constant 0 : i32
        %dma_wait3A_1218 = arith.constant 0 : i32
        %dma_wait3A_1219 = tpu.memref_slice %arg5[%dma_wait3A_1207, %dma_wait3A_1208, %add3A, %dma_wait3A_1217, %dma_wait3A_1218] : memref<200x8x32x8x128xf32, #tpu.memory_space<hbm>> -> memref<1x1x1x8x128xf32, #tpu.memory_space<hbm>>
        %dma_wait3A_1220 = tpu.memref_squeeze %dma_wait3A_1219 : memref<1x1x1x8x128xf32, #tpu.memory_space<hbm>> -> memref<8x128xf32, #tpu.memory_space<hbm>>
        %dma_wait3A_1221 = arith.constant 56 : i32
        %dma_wait3A_1222 = arith.constant 0 : i32
        %dma_wait3A_1223 = tpu.memref_slice %arg12[%dma_wait3A_1206, %dma_wait3A_1221, %dma_wait3A_1222] : memref<2x64x129xf32, #tpu.memory_space<vmem>> -> memref<1x8x128xf32, #tpu.memory_space<vmem>>
        %dma_wait3A_1224 = tpu.memref_squeeze %dma_wait3A_1223 : memref<1x8x128xf32, #tpu.memory_space<vmem>> -> memref<8x128xf32, #tpu.memory_space<vmem>>
        tpu.wait_dma2 semaphore(%arg18 : memref<!tpu.dma_semaphore, #tpu.memory_space<semaphore_mem>>) src(%dma_wait3A_1224 : memref<8x128xf32, #tpu.memory_space<vmem>>) dst(%dma_wait3A_1220 : memref<8x128xf32, #tpu.memory_space<hbm>>)
      } else {
      }
      %dma_wait3A_551 = arith.constant 0 : i32
      %dma_wait3A_552 = tpu.memref_slice %arg6[%add3A_524, %dma_wait3A_551] : memref<200x128xi32, #tpu.memory_space<vmem>> -> memref<1x128xi32, #tpu.memory_space<vmem>>
      %dma_wait3A_553 = tpu.memref_squeeze %dma_wait3A_552 : memref<1x128xi32, #tpu.memory_space<vmem>> -> memref<128xi32, #tpu.memory_space<vmem>>
      %dma_wait3A_554 = arith.constant 0 : i32
      %dma_wait3A_555 = arith.constant 0 : i32
      %dma_wait3A_556 = tpu.memref_slice %arg3[%dma_wait3A_554, %dma_wait3A_555] : memref<1000000x64xf32, #tpu.memory_space<hbm>> -> memref<1000000x64xf32, #tpu.memory_space<hbm>>
      tpu.wait_indirect_dma semaphore(%arg14 : memref<!tpu.dma_semaphore, #tpu.memory_space<semaphore_mem>>) src(%dma_wait3A_556 : memref<1000000x64xf32, #tpu.memory_space<hbm>>) dst(%arg9 : memref<128x64xf32, #tpu.memory_space<vmem>>)
      %parallel_loop3A_557 = arith.constant 0 : i32
      %parallel_loop3A_558 = arith.constant 128 : i32
      %parallel_loop3A_559 = arith.constant 1 : i32
      %parallel_loop3A_560 = arith.constant 1 : i32
      scf.for %parallel_loop3A_1073 = %parallel_loop3A_557 to %parallel_loop3A_558 step %parallel_loop3A_559  : i32 {
        %parallel_loop3A_1074 = vector.broadcast %parallel_loop3A_1073 : i32 to vector<16xi32>
        %parallel_loop3A_1075 = arith.index_cast %parallel_loop3A_1073 : i32 to index
        %parallel_loop3A_1076 = arith.constant 0 : index
        %parallel_loop3A_1077 = tpu.vector_load %arg9[%parallel_loop3A_1075, %parallel_loop3A_1076] {strides = array<i32>} : memref<128x64xf32, #tpu.memory_space<vmem>>, vector<16xf32>,
        %parallel_loop3A_1078 = arith.addf %parallel_loop3A_1077, %get3A_536 : vector<16xf32>
        %parallel_loop3A_1079 = arith.constant 0 : i32
        %parallel_loop3A_1080 = arith.constant 0 : i32
        %parallel_loop3A_1081 = tpu.memref_slice %arg12[%parallel_loop3A_560, %parallel_loop3A_1079, %parallel_loop3A_1080] : memref<2x64x129xf32, #tpu.memory_space<vmem>> -> memref<1x64x129xf32, #tpu.memory_space<vmem>>
        %parallel_loop3A_1082 = tpu.memref_squeeze %parallel_loop3A_1081 : memref<1x64x129xf32, #tpu.memory_space<vmem>> -> memref<64x129xf32, #tpu.memory_space<vmem>>
        tpu.vector_store_idx %parallel_loop3A_1082[%add3A_5, %parallel_loop3A_1074], %parallel_loop3A_1078 : memref<64x129xf32, #tpu.memory_space<vmem>>[vector<16xi32>, vector<16xi32>], vector<16xf32>,
        %parallel_loop3A_1083 = arith.index_cast %parallel_loop3A_1073 : i32 to index
        %parallel_loop3A_1084 = arith.constant 16 : index
        %parallel_loop3A_1085 = tpu.vector_load %arg9[%parallel_loop3A_1083, %parallel_loop3A_1084] {strides = array<i32>} : memref<128x64xf32, #tpu.memory_space<vmem>>, vector<16xf32>,
        %parallel_loop3A_1086 = arith.addf %parallel_loop3A_1085, %get3A_539 : vector<16xf32>
        %parallel_loop3A_1087 = arith.constant 0 : i32
        %parallel_loop3A_1088 = arith.constant 0 : i32
        %parallel_loop3A_1089 = tpu.memref_slice %arg12[%parallel_loop3A_560, %parallel_loop3A_1087, %parallel_loop3A_1088] : memref<2x64x129xf32, #tpu.memory_space<vmem>> -> memref<1x64x129xf32, #tpu.memory_space<vmem>>
        %parallel_loop3A_1090 = tpu.memref_squeeze %parallel_loop3A_1089 : memref<1x64x129xf32, #tpu.memory_space<vmem>> -> memref<64x129xf32, #tpu.memory_space<vmem>>
        tpu.vector_store_idx %parallel_loop3A_1090[%add3A_8, %parallel_loop3A_1074], %parallel_loop3A_1086 : memref<64x129xf32, #tpu.memory_space<vmem>>[vector<16xi32>, vector<16xi32>], vector<16xf32>,
        %parallel_loop3A_1091 = arith.index_cast %parallel_loop3A_1073 : i32 to index
        %parallel_loop3A_1092 = arith.constant 32 : index
        %parallel_loop3A_1093 = tpu.vector_load %arg9[%parallel_loop3A_1091, %parallel_loop3A_1092] {strides = array<i32>} : memref<128x64xf32, #tpu.memory_space<vmem>>, vector<16xf32>,
        %parallel_loop3A_1094 = arith.addf %parallel_loop3A_1093, %get3A_542 : vector<16xf32>
        %parallel_loop3A_1095 = arith.constant 0 : i32
        %parallel_loop3A_1096 = arith.constant 0 : i32
        %parallel_loop3A_1097 = tpu.memref_slice %arg12[%parallel_loop3A_560, %parallel_loop3A_1095, %parallel_loop3A_1096] : memref<2x64x129xf32, #tpu.memory_space<vmem>> -> memref<1x64x129xf32, #tpu.memory_space<vmem>>
        %parallel_loop3A_1098 = tpu.memref_squeeze %parallel_loop3A_1097 : memref<1x64x129xf32, #tpu.memory_space<vmem>> -> memref<64x129xf32, #tpu.memory_space<vmem>>
        tpu.vector_store_idx %parallel_loop3A_1098[%add3A_11, %parallel_loop3A_1074], %parallel_loop3A_1094 : memref<64x129xf32, #tpu.memory_space<vmem>>[vector<16xi32>, vector<16xi32>], vector<16xf32>,
        %parallel_loop3A_1099 = arith.index_cast %parallel_loop3A_1073 : i32 to index
        %parallel_loop3A_1100 = arith.constant 48 : index
        %parallel_loop3A_1101 = tpu.vector_load %arg9[%parallel_loop3A_1099, %parallel_loop3A_1100] {strides = array<i32>} : memref<128x64xf32, #tpu.memory_space<vmem>>, vector<16xf32>,
        %parallel_loop3A_1102 = arith.addf %parallel_loop3A_1101, %get3A_545 : vector<16xf32>
        %parallel_loop3A_1103 = arith.constant 0 : i32
        %parallel_loop3A_1104 = arith.constant 0 : i32
        %parallel_loop3A_1105 = tpu.memref_slice %arg12[%parallel_loop3A_560, %parallel_loop3A_1103, %parallel_loop3A_1104] : memref<2x64x129xf32, #tpu.memory_space<vmem>> -> memref<1x64x129xf32, #tpu.memory_space<vmem>>
        %parallel_loop3A_1106 = tpu.memref_squeeze %parallel_loop3A_1105 : memref<1x64x129xf32, #tpu.memory_space<vmem>> -> memref<64x129xf32, #tpu.memory_space<vmem>>
        tpu.vector_store_idx %parallel_loop3A_1106[%add3A_14, %parallel_loop3A_1074], %parallel_loop3A_1102 : memref<64x129xf32, #tpu.memory_space<vmem>>[vector<16xi32>, vector<16xi32>], vector<16xf32>,
      } {sc.loop_unroll_factor = 8 : i64, sc.parallel_access}
      %dma_start3A_561 = arith.constant 1 : i32
      %dma_start3A_562 = arith.constant 0 : i32
      %dma_start3A_563 = arith.constant 0 : i32
      %dma_start3A_564 = arith.constant 0 : i32
      %dma_start3A_565 = tpu.memref_slice %arg12[%dma_start3A_561, %dma_start3A_563, %dma_start3A_564] : memref<2x64x129xf32, #tpu.memory_space<vmem>> -> memref<1x8x128xf32, #tpu.memory_space<vmem>>
      %dma_start3A_566 = tpu.memref_squeeze %dma_start3A_565 : memref<1x8x128xf32, #tpu.memory_space<vmem>> -> memref<8x128xf32, #tpu.memory_space<vmem>>
      %dma_start3A_567 = arith.constant 0 : i32
      %dma_start3A_568 = arith.constant 0 : i32
      %dma_start3A_569 = tpu.memref_slice %arg5[%add3A_524, %dma_start3A_562, %add3A, %dma_start3A_567, %dma_start3A_568] : memref<200x8x32x8x128xf32, #tpu.memory_space<hbm>> -> memref<1x1x1x8x128xf32, #tpu.memory_space<hbm>>
      %dma_start3A_570 = tpu.memref_squeeze %dma_start3A_569 : memref<1x1x1x8x128xf32, #tpu.memory_space<hbm>> -> memref<8x128xf32, #tpu.memory_space<hbm>>
      %dma_start3A_571 = arith.constant 0 : i32
      %dma_start3A_572 = arith.constant 0 : i32
      %dma_start3A_573 = tpu.memref_slice %arg5[%add3A_524, %dma_start3A_562, %add3A, %dma_start3A_571, %dma_start3A_572] : memref<200x8x32x8x128xf32, #tpu.memory_space<hbm>> -> memref<1x1x1x8x128xf32, #tpu.memory_space<hbm>>
      %dma_start3A_574 = tpu.memref_squeeze %dma_start3A_573 : memref<1x1x1x8x128xf32, #tpu.memory_space<hbm>> -> memref<8x128xf32, #tpu.memory_space<hbm>>
      %dma_start3A_575 = arith.constant 0 : i32
      %dma_start3A_576 = arith.constant 0 : i32
      %dma_start3A_577 = tpu.memref_slice %arg12[%dma_start3A_561, %dma_start3A_575, %dma_start3A_576] : memref<2x64x129xf32, #tpu.memory_space<vmem>> -> memref<1x8x128xf32, #tpu.memory_space<vmem>>
      %dma_start3A_578 = tpu.memref_squeeze %dma_start3A_577 : memref<1x8x128xf32, #tpu.memory_space<vmem>> -> memref<8x128xf32, #tpu.memory_space<vmem>>
      tpu.enqueue_dma source(%dma_start3A_578 : memref<8x128xf32, #tpu.memory_space<vmem>>) target(%dma_start3A_574 : memref<8x128xf32, #tpu.memory_space<hbm>>) target_semaphore(%arg18 : memref<!tpu.dma_semaphore, #tpu.memory_space<semaphore_mem>>)
      %dma_start3A_579 = arith.constant 1 : i32
      %dma_start3A_580 = arith.constant 1 : i32
      %dma_start3A_581 = arith.constant 8 : i32
      %dma_start3A_582 = arith.constant 0 : i32
      %dma_start3A_583 = tpu.memref_slice %arg12[%dma_start3A_579, %dma_start3A_581, %dma_start3A_582] : memref<2x64x129xf32, #tpu.memory_space<vmem>> -> memref<1x8x128xf32, #tpu.memory_space<vmem>>
      %dma_start3A_584 = tpu.memref_squeeze %dma_start3A_583 : memref<1x8x128xf32, #tpu.memory_space<vmem>> -> memref<8x128xf32, #tpu.memory_space<vmem>>
      %dma_start3A_585 = arith.constant 0 : i32
      %dma_start3A_586 = arith.constant 0 : i32
      %dma_start3A_587 = tpu.memref_slice %arg5[%add3A_524, %dma_start3A_580, %add3A, %dma_start3A_585, %dma_start3A_586] : memref<200x8x32x8x128xf32, #tpu.memory_space<hbm>> -> memref<1x1x1x8x128xf32, #tpu.memory_space<hbm>>
      %dma_start3A_588 = tpu.memref_squeeze %dma_start3A_587 : memref<1x1x1x8x128xf32, #tpu.memory_space<hbm>> -> memref<8x128xf32, #tpu.memory_space<hbm>>
      %dma_start3A_589 = arith.constant 0 : i32
      %dma_start3A_590 = arith.constant 0 : i32
      %dma_start3A_591 = tpu.memref_slice %arg5[%add3A_524, %dma_start3A_580, %add3A, %dma_start3A_589, %dma_start3A_590] : memref<200x8x32x8x128xf32, #tpu.memory_space<hbm>> -> memref<1x1x1x8x128xf32, #tpu.memory_space<hbm>>
      %dma_start3A_592 = tpu.memref_squeeze %dma_start3A_591 : memref<1x1x1x8x128xf32, #tpu.memory_space<hbm>> -> memref<8x128xf32, #tpu.memory_space<hbm>>
      %dma_start3A_593 = arith.constant 8 : i32
      %dma_start3A_594 = arith.constant 0 : i32
      %dma_start3A_595 = tpu.memref_slice %arg12[%dma_start3A_579, %dma_start3A_593, %dma_start3A_594] : memref<2x64x129xf32, #tpu.memory_space<vmem>> -> memref<1x8x128xf32, #tpu.memory_space<vmem>>
      %dma_start3A_596 = tpu.memref_squeeze %dma_start3A_595 : memref<1x8x128xf32, #tpu.memory_space<vmem>> -> memref<8x128xf32, #tpu.memory_space<vmem>>
      tpu.enqueue_dma source(%dma_start3A_596 : memref<8x128xf32, #tpu.memory_space<vmem>>) target(%dma_start3A_592 : memref<8x128xf32, #tpu.memory_space<hbm>>) target_semaphore(%arg18 : memref<!tpu.dma_semaphore, #tpu.memory_space<semaphore_mem>>)
      %dma_start3A_597 = arith.constant 1 : i32
      %dma_start3A_598 = arith.constant 2 : i32
      %dma_start3A_599 = arith.constant 16 : i32
      %dma_start3A_600 = arith.constant 0 : i32
      %dma_start3A_601 = tpu.memref_slice %arg12[%dma_start3A_597, %dma_start3A_599, %dma_start3A_600] : memref<2x64x129xf32, #tpu.memory_space<vmem>> -> memref<1x8x128xf32, #tpu.memory_space<vmem>>
      %dma_start3A_602 = tpu.memref_squeeze %dma_start3A_601 : memref<1x8x128xf32, #tpu.memory_space<vmem>> -> memref<8x128xf32, #tpu.memory_space<vmem>>
      %dma_start3A_603 = arith.constant 0 : i32
      %dma_start3A_604 = arith.constant 0 : i32
      %dma_start3A_605 = tpu.memref_slice %arg5[%add3A_524, %dma_start3A_598, %add3A, %dma_start3A_603, %dma_start3A_604] : memref<200x8x32x8x128xf32, #tpu.memory_space<hbm>> -> memref<1x1x1x8x128xf32, #tpu.memory_space<hbm>>
      %dma_start3A_606 = tpu.memref_squeeze %dma_start3A_605 : memref<1x1x1x8x128xf32, #tpu.memory_space<hbm>> -> memref<8x128xf32, #tpu.memory_space<hbm>>
      %dma_start3A_607 = arith.constant 0 : i32
      %dma_start3A_608 = arith.constant 0 : i32
      %dma_start3A_609 = tpu.memref_slice %arg5[%add3A_524, %dma_start3A_598, %add3A, %dma_start3A_607, %dma_start3A_608] : memref<200x8x32x8x128xf32, #tpu.memory_space<hbm>> -> memref<1x1x1x8x128xf32, #tpu.memory_space<hbm>>
      %dma_start3A_610 = tpu.memref_squeeze %dma_start3A_609 : memref<1x1x1x8x128xf32, #tpu.memory_space<hbm>> -> memref<8x128xf32, #tpu.memory_space<hbm>>
      %dma_start3A_611 = arith.constant 16 : i32
      %dma_start3A_612 = arith.constant 0 : i32
      %dma_start3A_613 = tpu.memref_slice %arg12[%dma_start3A_597, %dma_start3A_611, %dma_start3A_612] : memref<2x64x129xf32, #tpu.memory_space<vmem>> -> memref<1x8x128xf32, #tpu.memory_space<vmem>>
      %dma_start3A_614 = tpu.memref_squeeze %dma_start3A_613 : memref<1x8x128xf32, #tpu.memory_space<vmem>> -> memref<8x128xf32, #tpu.memory_space<vmem>>
      tpu.enqueue_dma source(%dma_start3A_614 : memref<8x128xf32, #tpu.memory_space<vmem>>) target(%dma_start3A_610 : memref<8x128xf32, #tpu.memory_space<hbm>>) target_semaphore(%arg18 : memref<!tpu.dma_semaphore, #tpu.memory_space<semaphore_mem>>)
      %dma_start3A_615 = arith.constant 1 : i32
      %dma_start3A_616 = arith.constant 3 : i32
      %dma_start3A_617 = arith.constant 24 : i32
      %dma_start3A_618 = arith.constant 0 : i32
      %dma_start3A_619 = tpu.memref_slice %arg12[%dma_start3A_615, %dma_start3A_617, %dma_start3A_618] : memref<2x64x129xf32, #tpu.memory_space<vmem>> -> memref<1x8x128xf32, #tpu.memory_space<vmem>>
      %dma_start3A_620 = tpu.memref_squeeze %dma_start3A_619 : memref<1x8x128xf32, #tpu.memory_space<vmem>> -> memref<8x128xf32, #tpu.memory_space<vmem>>
      %dma_start3A_621 = arith.constant 0 : i32
      %dma_start3A_622 = arith.constant 0 : i32
      %dma_start3A_623 = tpu.memref_slice %arg5[%add3A_524, %dma_start3A_616, %add3A, %dma_start3A_621, %dma_start3A_622] : memref<200x8x32x8x128xf32, #tpu.memory_space<hbm>> -> memref<1x1x1x8x128xf32, #tpu.memory_space<hbm>>
      %dma_start3A_624 = tpu.memref_squeeze %dma_start3A_623 : memref<1x1x1x8x128xf32, #tpu.memory_space<hbm>> -> memref<8x128xf32, #tpu.memory_space<hbm>>
      %dma_start3A_625 = arith.constant 0 : i32
      %dma_start3A_626 = arith.constant 0 : i32
      %dma_start3A_627 = tpu.memref_slice %arg5[%add3A_524, %dma_start3A_616, %add3A, %dma_start3A_625, %dma_start3A_626] : memref<200x8x32x8x128xf32, #tpu.memory_space<hbm>> -> memref<1x1x1x8x128xf32, #tpu.memory_space<hbm>>
      %dma_start3A_628 = tpu.memref_squeeze %dma_start3A_627 : memref<1x1x1x8x128xf32, #tpu.memory_space<hbm>> -> memref<8x128xf32, #tpu.memory_space<hbm>>
      %dma_start3A_629 = arith.constant 24 : i32
      %dma_start3A_630 = arith.constant 0 : i32
      %dma_start3A_631 = tpu.memref_slice %arg12[%dma_start3A_615, %dma_start3A_629, %dma_start3A_630] : memref<2x64x129xf32, #tpu.memory_space<vmem>> -> memref<1x8x128xf32, #tpu.memory_space<vmem>>
      %dma_start3A_632 = tpu.memref_squeeze %dma_start3A_631 : memref<1x8x128xf32, #tpu.memory_space<vmem>> -> memref<8x128xf32, #tpu.memory_space<vmem>>
      tpu.enqueue_dma source(%dma_start3A_632 : memref<8x128xf32, #tpu.memory_space<vmem>>) target(%dma_start3A_628 : memref<8x128xf32, #tpu.memory_space<hbm>>) target_semaphore(%arg18 : memref<!tpu.dma_semaphore, #tpu.memory_space<semaphore_mem>>)
      %dma_start3A_633 = arith.constant 1 : i32
      %dma_start3A_634 = arith.constant 4 : i32
      %dma_start3A_635 = arith.constant 32 : i32
      %dma_start3A_636 = arith.constant 0 : i32
      %dma_start3A_637 = tpu.memref_slice %arg12[%dma_start3A_633, %dma_start3A_635, %dma_start3A_636] : memref<2x64x129xf32, #tpu.memory_space<vmem>> -> memref<1x8x128xf32, #tpu.memory_space<vmem>>
      %dma_start3A_638 = tpu.memref_squeeze %dma_start3A_637 : memref<1x8x128xf32, #tpu.memory_space<vmem>> -> memref<8x128xf32, #tpu.memory_space<vmem>>
      %dma_start3A_639 = arith.constant 0 : i32
      %dma_start3A_640 = arith.constant 0 : i32
      %dma_start3A_641 = tpu.memref_slice %arg5[%add3A_524, %dma_start3A_634, %add3A, %dma_start3A_639, %dma_start3A_640] : memref<200x8x32x8x128xf32, #tpu.memory_space<hbm>> -> memref<1x1x1x8x128xf32, #tpu.memory_space<hbm>>
      %dma_start3A_642 = tpu.memref_squeeze %dma_start3A_641 : memref<1x1x1x8x128xf32, #tpu.memory_space<hbm>> -> memref<8x128xf32, #tpu.memory_space<hbm>>
      %dma_start3A_643 = arith.constant 0 : i32
      %dma_start3A_644 = arith.constant 0 : i32
      %dma_start3A_645 = tpu.memref_slice %arg5[%add3A_524, %dma_start3A_634, %add3A, %dma_start3A_643, %dma_start3A_644] : memref<200x8x32x8x128xf32, #tpu.memory_space<hbm>> -> memref<1x1x1x8x128xf32, #tpu.memory_space<hbm>>
      %dma_start3A_646 = tpu.memref_squeeze %dma_start3A_645 : memref<1x1x1x8x128xf32, #tpu.memory_space<hbm>> -> memref<8x128xf32, #tpu.memory_space<hbm>>
      %dma_start3A_647 = arith.constant 32 : i32
      %dma_start3A_648 = arith.constant 0 : i32
      %dma_start3A_649 = tpu.memref_slice %arg12[%dma_start3A_633, %dma_start3A_647, %dma_start3A_648] : memref<2x64x129xf32, #tpu.memory_space<vmem>> -> memref<1x8x128xf32, #tpu.memory_space<vmem>>
      %dma_start3A_650 = tpu.memref_squeeze %dma_start3A_649 : memref<1x8x128xf32, #tpu.memory_space<vmem>> -> memref<8x128xf32, #tpu.memory_space<vmem>>
      tpu.enqueue_dma source(%dma_start3A_650 : memref<8x128xf32, #tpu.memory_space<vmem>>) target(%dma_start3A_646 : memref<8x128xf32, #tpu.memory_space<hbm>>) target_semaphore(%arg18 : memref<!tpu.dma_semaphore, #tpu.memory_space<semaphore_mem>>)
      %dma_start3A_651 = arith.constant 1 : i32
      %dma_start3A_652 = arith.constant 5 : i32
      %dma_start3A_653 = arith.constant 40 : i32
      %dma_start3A_654 = arith.constant 0 : i32
      %dma_start3A_655 = tpu.memref_slice %arg12[%dma_start3A_651, %dma_start3A_653, %dma_start3A_654] : memref<2x64x129xf32, #tpu.memory_space<vmem>> -> memref<1x8x128xf32, #tpu.memory_space<vmem>>
      %dma_start3A_656 = tpu.memref_squeeze %dma_start3A_655 : memref<1x8x128xf32, #tpu.memory_space<vmem>> -> memref<8x128xf32, #tpu.memory_space<vmem>>
      %dma_start3A_657 = arith.constant 0 : i32
      %dma_start3A_658 = arith.constant 0 : i32
      %dma_start3A_659 = tpu.memref_slice %arg5[%add3A_524, %dma_start3A_652, %add3A, %dma_start3A_657, %dma_start3A_658] : memref<200x8x32x8x128xf32, #tpu.memory_space<hbm>> -> memref<1x1x1x8x128xf32, #tpu.memory_space<hbm>>
      %dma_start3A_660 = tpu.memref_squeeze %dma_start3A_659 : memref<1x1x1x8x128xf32, #tpu.memory_space<hbm>> -> memref<8x128xf32, #tpu.memory_space<hbm>>
      %dma_start3A_661 = arith.constant 0 : i32
      %dma_start3A_662 = arith.constant 0 : i32
      %dma_start3A_663 = tpu.memref_slice %arg5[%add3A_524, %dma_start3A_652, %add3A, %dma_start3A_661, %dma_start3A_662] : memref<200x8x32x8x128xf32, #tpu.memory_space<hbm>> -> memref<1x1x1x8x128xf32, #tpu.memory_space<hbm>>
      %dma_start3A_664 = tpu.memref_squeeze %dma_start3A_663 : memref<1x1x1x8x128xf32, #tpu.memory_space<hbm>> -> memref<8x128xf32, #tpu.memory_space<hbm>>
      %dma_start3A_665 = arith.constant 40 : i32
      %dma_start3A_666 = arith.constant 0 : i32
      %dma_start3A_667 = tpu.memref_slice %arg12[%dma_start3A_651, %dma_start3A_665, %dma_start3A_666] : memref<2x64x129xf32, #tpu.memory_space<vmem>> -> memref<1x8x128xf32, #tpu.memory_space<vmem>>
      %dma_start3A_668 = tpu.memref_squeeze %dma_start3A_667 : memref<1x8x128xf32, #tpu.memory_space<vmem>> -> memref<8x128xf32, #tpu.memory_space<vmem>>
      tpu.enqueue_dma source(%dma_start3A_668 : memref<8x128xf32, #tpu.memory_space<vmem>>) target(%dma_start3A_664 : memref<8x128xf32, #tpu.memory_space<hbm>>) target_semaphore(%arg18 : memref<!tpu.dma_semaphore, #tpu.memory_space<semaphore_mem>>)
      %dma_start3A_669 = arith.constant 1 : i32
      %dma_start3A_670 = arith.constant 6 : i32
      %dma_start3A_671 = arith.constant 48 : i32
      %dma_start3A_672 = arith.constant 0 : i32
      %dma_start3A_673 = tpu.memref_slice %arg12[%dma_start3A_669, %dma_start3A_671, %dma_start3A_672] : memref<2x64x129xf32, #tpu.memory_space<vmem>> -> memref<1x8x128xf32, #tpu.memory_space<vmem>>
      %dma_start3A_674 = tpu.memref_squeeze %dma_start3A_673 : memref<1x8x128xf32, #tpu.memory_space<vmem>> -> memref<8x128xf32, #tpu.memory_space<vmem>>
      %dma_start3A_675 = arith.constant 0 : i32
      %dma_start3A_676 = arith.constant 0 : i32
      %dma_start3A_677 = tpu.memref_slice %arg5[%add3A_524, %dma_start3A_670, %add3A, %dma_start3A_675, %dma_start3A_676] : memref<200x8x32x8x128xf32, #tpu.memory_space<hbm>> -> memref<1x1x1x8x128xf32, #tpu.memory_space<hbm>>
      %dma_start3A_678 = tpu.memref_squeeze %dma_start3A_677 : memref<1x1x1x8x128xf32, #tpu.memory_space<hbm>> -> memref<8x128xf32, #tpu.memory_space<hbm>>
      %dma_start3A_679 = arith.constant 0 : i32
      %dma_start3A_680 = arith.constant 0 : i32
      %dma_start3A_681 = tpu.memref_slice %arg5[%add3A_524, %dma_start3A_670, %add3A, %dma_start3A_679, %dma_start3A_680] : memref<200x8x32x8x128xf32, #tpu.memory_space<hbm>> -> memref<1x1x1x8x128xf32, #tpu.memory_space<hbm>>
      %dma_start3A_682 = tpu.memref_squeeze %dma_start3A_681 : memref<1x1x1x8x128xf32, #tpu.memory_space<hbm>> -> memref<8x128xf32, #tpu.memory_space<hbm>>
      %dma_start3A_683 = arith.constant 48 : i32
      %dma_start3A_684 = arith.constant 0 : i32
      %dma_start3A_685 = tpu.memref_slice %arg12[%dma_start3A_669, %dma_start3A_683, %dma_start3A_684] : memref<2x64x129xf32, #tpu.memory_space<vmem>> -> memref<1x8x128xf32, #tpu.memory_space<vmem>>
      %dma_start3A_686 = tpu.memref_squeeze %dma_start3A_685 : memref<1x8x128xf32, #tpu.memory_space<vmem>> -> memref<8x128xf32, #tpu.memory_space<vmem>>
      tpu.enqueue_dma source(%dma_start3A_686 : memref<8x128xf32, #tpu.memory_space<vmem>>) target(%dma_start3A_682 : memref<8x128xf32, #tpu.memory_space<hbm>>) target_semaphore(%arg18 : memref<!tpu.dma_semaphore, #tpu.memory_space<semaphore_mem>>)
      %dma_start3A_687 = arith.constant 1 : i32
      %dma_start3A_688 = arith.constant 7 : i32
      %dma_start3A_689 = arith.constant 56 : i32
      %dma_start3A_690 = arith.constant 0 : i32
      %dma_start3A_691 = tpu.memref_slice %arg12[%dma_start3A_687, %dma_start3A_689, %dma_start3A_690] : memref<2x64x129xf32, #tpu.memory_space<vmem>> -> memref<1x8x128xf32, #tpu.memory_space<vmem>>
      %dma_start3A_692 = tpu.memref_squeeze %dma_start3A_691 : memref<1x8x128xf32, #tpu.memory_space<vmem>> -> memref<8x128xf32, #tpu.memory_space<vmem>>
      %dma_start3A_693 = arith.constant 0 : i32
      %dma_start3A_694 = arith.constant 0 : i32
      %dma_start3A_695 = tpu.memref_slice %arg5[%add3A_524, %dma_start3A_688, %add3A, %dma_start3A_693, %dma_start3A_694] : memref<200x8x32x8x128xf32, #tpu.memory_space<hbm>> -> memref<1x1x1x8x128xf32, #tpu.memory_space<hbm>>
      %dma_start3A_696 = tpu.memref_squeeze %dma_start3A_695 : memref<1x1x1x8x128xf32, #tpu.memory_space<hbm>> -> memref<8x128xf32, #tpu.memory_space<hbm>>
      %dma_start3A_697 = arith.constant 0 : i32
      %dma_start3A_698 = arith.constant 0 : i32
      %dma_start3A_699 = tpu.memref_slice %arg5[%add3A_524, %dma_start3A_688, %add3A, %dma_start3A_697, %dma_start3A_698] : memref<200x8x32x8x128xf32, #tpu.memory_space<hbm>> -> memref<1x1x1x8x128xf32, #tpu.memory_space<hbm>>
      %dma_start3A_700 = tpu.memref_squeeze %dma_start3A_699 : memref<1x1x1x8x128xf32, #tpu.memory_space<hbm>> -> memref<8x128xf32, #tpu.memory_space<hbm>>
      %dma_start3A_701 = arith.constant 56 : i32
      %dma_start3A_702 = arith.constant 0 : i32
      %dma_start3A_703 = tpu.memref_slice %arg12[%dma_start3A_687, %dma_start3A_701, %dma_start3A_702] : memref<2x64x129xf32, #tpu.memory_space<vmem>> -> memref<1x8x128xf32, #tpu.memory_space<vmem>>
      %dma_start3A_704 = tpu.memref_squeeze %dma_start3A_703 : memref<1x8x128xf32, #tpu.memory_space<vmem>> -> memref<8x128xf32, #tpu.memory_space<vmem>>
      tpu.enqueue_dma source(%dma_start3A_704 : memref<8x128xf32, #tpu.memory_space<vmem>>) target(%dma_start3A_700 : memref<8x128xf32, #tpu.memory_space<hbm>>) target_semaphore(%arg18 : memref<!tpu.dma_semaphore, #tpu.memory_space<semaphore_mem>>)
      %mul3A_705 = arith.constant 4 : i32
      %mul3A_706 = arith.muli %mul3A_705, %scan3A_343 : i32
      %add3A_707 = arith.constant 2 : i32
      %add3A_708 = arith.addi %mul3A_706, %add3A_707 : i32
      %add3A_709 = arith.constant 4 : i32
      %add3A_710 = arith.addi %add3A_708, %add3A_709 : i32
      %sub3A_711 = arith.constant 1 : i32
      %sub3A_712 = arith.subi %add3A_710, %sub3A_711 : i32
      %lt3A_713 = arith.constant 200 : i32
      %lt3A_714 = arith.cmpi slt, %sub3A_712, %lt3A_713 : i32
      %convert_element_type3A_715 = arith.extui %lt3A_714 : i1 to i32
      %cond3A_716 = arith.constant 0 : i32
      %cond3A_717 = arith.cmpi ne, %convert_element_type3A_715, %cond3A_716 : i32
      scf.if %cond3A_717 {
        %dma_start3A_1073 = arith.constant 0 : i32
        %dma_start3A_1074 = tpu.memref_slice %arg6[%sub3A_712, %dma_start3A_1073] : memref<200x128xi32, #tpu.memory_space<vmem>> -> memref<1x128xi32, #tpu.memory_space<vmem>>
        %dma_start3A_1075 = tpu.memref_squeeze %dma_start3A_1074 : memref<1x128xi32, #tpu.memory_space<vmem>> -> memref<128xi32, #tpu.memory_space<vmem>>
        %dma_start3A_1076 = arith.constant 0 : i32
        %dma_start3A_1077 = arith.constant 0 : i32
        %dma_start3A_1078 = tpu.memref_slice %arg3[%dma_start3A_1076, %dma_start3A_1077] : memref<1000000x64xf32, #tpu.memory_space<hbm>> -> memref<1000000x64xf32, #tpu.memory_space<hbm>>
        tpu.enqueue_indirect_dma source(%dma_start3A_1078 : memref<1000000x64xf32, #tpu.memory_space<hbm>>) target(%arg9 : memref<128x64xf32, #tpu.memory_space<vmem>>) offsets(%dma_start3A_1075 : memref<128xi32, #tpu.memory_space<vmem>>) semaphore(%arg14 : memref<!tpu.dma_semaphore, #tpu.memory_space<semaphore_mem>>)
      } else {
      }
      %get3A_718 = arith.index_cast %add3A_708 : i32 to index
      %get3A_719 = arith.constant 0 : index
      %get3A_720 = tpu.vector_load %arg7[%get3A_718, %get3A_719] {strides = array<i32>} : memref<200x64xf32, #tpu.memory_space<vmem>>, vector<16xf32>,
      %get3A_721 = arith.index_cast %add3A_708 : i32 to index
      %get3A_722 = arith.constant 16 : index
      %get3A_723 = tpu.vector_load %arg7[%get3A_721, %get3A_722] {strides = array<i32>} : memref<200x64xf32, #tpu.memory_space<vmem>>, vector<16xf32>,
      %get3A_724 = arith.index_cast %add3A_708 : i32 to index
      %get3A_725 = arith.constant 32 : index
      %get3A_726 = tpu.vector_load %arg7[%get3A_724, %get3A_725] {strides = array<i32>} : memref<200x64xf32, #tpu.memory_space<vmem>>, vector<16xf32>,
      %get3A_727 = arith.index_cast %add3A_708 : i32 to index
      %get3A_728 = arith.constant 48 : index
      %get3A_729 = tpu.vector_load %arg7[%get3A_727, %get3A_728] {strides = array<i32>} : memref<200x64xf32, #tpu.memory_space<vmem>>, vector<16xf32>,
      %ge3A_730 = arith.constant 2 : i32
      %ge3A_731 = arith.cmpi sge, %add3A_708, %ge3A_730 : i32
      %convert_element_type3A_732 = arith.extui %ge3A_731 : i1 to i32
      %cond3A_733 = arith.constant 0 : i32
      %cond3A_734 = arith.cmpi ne, %convert_element_type3A_732, %cond3A_733 : i32
      scf.if %cond3A_734 {
        %dma_wait3A_1073 = arith.constant 0 : i32
        %dma_wait3A_1074 = arith.constant 0 : i32
        %dma_wait3A_1075 = arith.constant 0 : i32
        %dma_wait3A_1076 = arith.constant 0 : i32
        %dma_wait3A_1077 = arith.constant 0 : i32
        %dma_wait3A_1078 = tpu.memref_slice %arg12[%dma_wait3A_1073, %dma_wait3A_1076, %dma_wait3A_1077] : memref<2x64x129xf32, #tpu.memory_space<vmem>> -> memref<1x8x128xf32, #tpu.memory_space<vmem>>
        %dma_wait3A_1079 = tpu.memref_squeeze %dma_wait3A_1078 : memref<1x8x128xf32, #tpu.memory_space<vmem>> -> memref<8x128xf32, #tpu.memory_space<vmem>>
        %dma_wait3A_1080 = arith.constant 0 : i32
        %dma_wait3A_1081 = arith.constant 0 : i32
        %dma_wait3A_1082 = tpu.memref_slice %arg5[%dma_wait3A_1074, %dma_wait3A_1075, %add3A, %dma_wait3A_1080, %dma_wait3A_1081] : memref<200x8x32x8x128xf32, #tpu.memory_space<hbm>> -> memref<1x1x1x8x128xf32, #tpu.memory_space<hbm>>
        %dma_wait3A_1083 = tpu.memref_squeeze %dma_wait3A_1082 : memref<1x1x1x8x128xf32, #tpu.memory_space<hbm>> -> memref<8x128xf32, #tpu.memory_space<hbm>>
        %dma_wait3A_1084 = arith.constant 0 : i32
        %dma_wait3A_1085 = arith.constant 0 : i32
        %dma_wait3A_1086 = tpu.memref_slice %arg5[%dma_wait3A_1074, %dma_wait3A_1075, %add3A, %dma_wait3A_1084, %dma_wait3A_1085] : memref<200x8x32x8x128xf32, #tpu.memory_space<hbm>> -> memref<1x1x1x8x128xf32, #tpu.memory_space<hbm>>
        %dma_wait3A_1087 = tpu.memref_squeeze %dma_wait3A_1086 : memref<1x1x1x8x128xf32, #tpu.memory_space<hbm>> -> memref<8x128xf32, #tpu.memory_space<hbm>>
        %dma_wait3A_1088 = arith.constant 0 : i32
        %dma_wait3A_1089 = arith.constant 0 : i32
        %dma_wait3A_1090 = tpu.memref_slice %arg12[%dma_wait3A_1073, %dma_wait3A_1088, %dma_wait3A_1089] : memref<2x64x129xf32, #tpu.memory_space<vmem>> -> memref<1x8x128xf32, #tpu.memory_space<vmem>>
        %dma_wait3A_1091 = tpu.memref_squeeze %dma_wait3A_1090 : memref<1x8x128xf32, #tpu.memory_space<vmem>> -> memref<8x128xf32, #tpu.memory_space<vmem>>
        tpu.wait_dma2 semaphore(%arg17 : memref<!tpu.dma_semaphore, #tpu.memory_space<semaphore_mem>>) src(%dma_wait3A_1091 : memref<8x128xf32, #tpu.memory_space<vmem>>) dst(%dma_wait3A_1087 : memref<8x128xf32, #tpu.memory_space<hbm>>)
        %dma_wait3A_1092 = arith.constant 0 : i32
        %dma_wait3A_1093 = arith.constant 0 : i32
        %dma_wait3A_1094 = arith.constant 1 : i32
        %dma_wait3A_1095 = arith.constant 8 : i32
        %dma_wait3A_1096 = arith.constant 0 : i32
        %dma_wait3A_1097 = tpu.memref_slice %arg12[%dma_wait3A_1092, %dma_wait3A_1095, %dma_wait3A_1096] : memref<2x64x129xf32, #tpu.memory_space<vmem>> -> memref<1x8x128xf32, #tpu.memory_space<vmem>>
        %dma_wait3A_1098 = tpu.memref_squeeze %dma_wait3A_1097 : memref<1x8x128xf32, #tpu.memory_space<vmem>> -> memref<8x128xf32, #tpu.memory_space<vmem>>
        %dma_wait3A_1099 = arith.constant 0 : i32
        %dma_wait3A_1100 = arith.constant 0 : i32
        %dma_wait3A_1101 = tpu.memref_slice %arg5[%dma_wait3A_1093, %dma_wait3A_1094, %add3A, %dma_wait3A_1099, %dma_wait3A_1100] : memref<200x8x32x8x128xf32, #tpu.memory_space<hbm>> -> memref<1x1x1x8x128xf32, #tpu.memory_space<hbm>>
        %dma_wait3A_1102 = tpu.memref_squeeze %dma_wait3A_1101 : memref<1x1x1x8x128xf32, #tpu.memory_space<hbm>> -> memref<8x128xf32, #tpu.memory_space<hbm>>
        %dma_wait3A_1103 = arith.constant 0 : i32
        %dma_wait3A_1104 = arith.constant 0 : i32
        %dma_wait3A_1105 = tpu.memref_slice %arg5[%dma_wait3A_1093, %dma_wait3A_1094, %add3A, %dma_wait3A_1103, %dma_wait3A_1104] : memref<200x8x32x8x128xf32, #tpu.memory_space<hbm>> -> memref<1x1x1x8x128xf32, #tpu.memory_space<hbm>>
        %dma_wait3A_1106 = tpu.memref_squeeze %dma_wait3A_1105 : memref<1x1x1x8x128xf32, #tpu.memory_space<hbm>> -> memref<8x128xf32, #tpu.memory_space<hbm>>
        %dma_wait3A_1107 = arith.constant 8 : i32
        %dma_wait3A_1108 = arith.constant 0 : i32
        %dma_wait3A_1109 = tpu.memref_slice %arg12[%dma_wait3A_1092, %dma_wait3A_1107, %dma_wait3A_1108] : memref<2x64x129xf32, #tpu.memory_space<vmem>> -> memref<1x8x128xf32, #tpu.memory_space<vmem>>
        %dma_wait3A_1110 = tpu.memref_squeeze %dma_wait3A_1109 : memref<1x8x128xf32, #tpu.memory_space<vmem>> -> memref<8x128xf32, #tpu.memory_space<vmem>>
        tpu.wait_dma2 semaphore(%arg17 : memref<!tpu.dma_semaphore, #tpu.memory_space<semaphore_mem>>) src(%dma_wait3A_1110 : memref<8x128xf32, #tpu.memory_space<vmem>>) dst(%dma_wait3A_1106 : memref<8x128xf32, #tpu.memory_space<hbm>>)
        %dma_wait3A_1111 = arith.constant 0 : i32
        %dma_wait3A_1112 = arith.constant 0 : i32
        %dma_wait3A_1113 = arith.constant 2 : i32
        %dma_wait3A_1114 = arith.constant 16 : i32
        %dma_wait3A_1115 = arith.constant 0 : i32
        %dma_wait3A_1116 = tpu.memref_slice %arg12[%dma_wait3A_1111, %dma_wait3A_1114, %dma_wait3A_1115] : memref<2x64x129xf32, #tpu.memory_space<vmem>> -> memref<1x8x128xf32, #tpu.memory_space<vmem>>
        %dma_wait3A_1117 = tpu.memref_squeeze %dma_wait3A_1116 : memref<1x8x128xf32, #tpu.memory_space<vmem>> -> memref<8x128xf32, #tpu.memory_space<vmem>>
        %dma_wait3A_1118 = arith.constant 0 : i32
        %dma_wait3A_1119 = arith.constant 0 : i32
        %dma_wait3A_1120 = tpu.memref_slice %arg5[%dma_wait3A_1112, %dma_wait3A_1113, %add3A, %dma_wait3A_1118, %dma_wait3A_1119] : memref<200x8x32x8x128xf32, #tpu.memory_space<hbm>> -> memref<1x1x1x8x128xf32, #tpu.memory_space<hbm>>
        %dma_wait3A_1121 = tpu.memref_squeeze %dma_wait3A_1120 : memref<1x1x1x8x128xf32, #tpu.memory_space<hbm>> -> memref<8x128xf32, #tpu.memory_space<hbm>>
        %dma_wait3A_1122 = arith.constant 0 : i32
        %dma_wait3A_1123 = arith.constant 0 : i32
        %dma_wait3A_1124 = tpu.memref_slice %arg5[%dma_wait3A_1112, %dma_wait3A_1113, %add3A, %dma_wait3A_1122, %dma_wait3A_1123] : memref<200x8x32x8x128xf32, #tpu.memory_space<hbm>> -> memref<1x1x1x8x128xf32, #tpu.memory_space<hbm>>
        %dma_wait3A_1125 = tpu.memref_squeeze %dma_wait3A_1124 : memref<1x1x1x8x128xf32, #tpu.memory_space<hbm>> -> memref<8x128xf32, #tpu.memory_space<hbm>>
        %dma_wait3A_1126 = arith.constant 16 : i32
        %dma_wait3A_1127 = arith.constant 0 : i32
        %dma_wait3A_1128 = tpu.memref_slice %arg12[%dma_wait3A_1111, %dma_wait3A_1126, %dma_wait3A_1127] : memref<2x64x129xf32, #tpu.memory_space<vmem>> -> memref<1x8x128xf32, #tpu.memory_space<vmem>>
        %dma_wait3A_1129 = tpu.memref_squeeze %dma_wait3A_1128 : memref<1x8x128xf32, #tpu.memory_space<vmem>> -> memref<8x128xf32, #tpu.memory_space<vmem>>
        tpu.wait_dma2 semaphore(%arg17 : memref<!tpu.dma_semaphore, #tpu.memory_space<semaphore_mem>>) src(%dma_wait3A_1129 : memref<8x128xf32, #tpu.memory_space<vmem>>) dst(%dma_wait3A_1125 : memref<8x128xf32, #tpu.memory_space<hbm>>)
        %dma_wait3A_1130 = arith.constant 0 : i32
        %dma_wait3A_1131 = arith.constant 0 : i32
        %dma_wait3A_1132 = arith.constant 3 : i32
        %dma_wait3A_1133 = arith.constant 24 : i32
        %dma_wait3A_1134 = arith.constant 0 : i32
        %dma_wait3A_1135 = tpu.memref_slice %arg12[%dma_wait3A_1130, %dma_wait3A_1133, %dma_wait3A_1134] : memref<2x64x129xf32, #tpu.memory_space<vmem>> -> memref<1x8x128xf32, #tpu.memory_space<vmem>>
        %dma_wait3A_1136 = tpu.memref_squeeze %dma_wait3A_1135 : memref<1x8x128xf32, #tpu.memory_space<vmem>> -> memref<8x128xf32, #tpu.memory_space<vmem>>
        %dma_wait3A_1137 = arith.constant 0 : i32
        %dma_wait3A_1138 = arith.constant 0 : i32
        %dma_wait3A_1139 = tpu.memref_slice %arg5[%dma_wait3A_1131, %dma_wait3A_1132, %add3A, %dma_wait3A_1137, %dma_wait3A_1138] : memref<200x8x32x8x128xf32, #tpu.memory_space<hbm>> -> memref<1x1x1x8x128xf32, #tpu.memory_space<hbm>>
        %dma_wait3A_1140 = tpu.memref_squeeze %dma_wait3A_1139 : memref<1x1x1x8x128xf32, #tpu.memory_space<hbm>> -> memref<8x128xf32, #tpu.memory_space<hbm>>
        %dma_wait3A_1141 = arith.constant 0 : i32
        %dma_wait3A_1142 = arith.constant 0 : i32
        %dma_wait3A_1143 = tpu.memref_slice %arg5[%dma_wait3A_1131, %dma_wait3A_1132, %add3A, %dma_wait3A_1141, %dma_wait3A_1142] : memref<200x8x32x8x128xf32, #tpu.memory_space<hbm>> -> memref<1x1x1x8x128xf32, #tpu.memory_space<hbm>>
        %dma_wait3A_1144 = tpu.memref_squeeze %dma_wait3A_1143 : memref<1x1x1x8x128xf32, #tpu.memory_space<hbm>> -> memref<8x128xf32, #tpu.memory_space<hbm>>
        %dma_wait3A_1145 = arith.constant 24 : i32
        %dma_wait3A_1146 = arith.constant 0 : i32
        %dma_wait3A_1147 = tpu.memref_slice %arg12[%dma_wait3A_1130, %dma_wait3A_1145, %dma_wait3A_1146] : memref<2x64x129xf32, #tpu.memory_space<vmem>> -> memref<1x8x128xf32, #tpu.memory_space<vmem>>
        %dma_wait3A_1148 = tpu.memref_squeeze %dma_wait3A_1147 : memref<1x8x128xf32, #tpu.memory_space<vmem>> -> memref<8x128xf32, #tpu.memory_space<vmem>>
        tpu.wait_dma2 semaphore(%arg17 : memref<!tpu.dma_semaphore, #tpu.memory_space<semaphore_mem>>) src(%dma_wait3A_1148 : memref<8x128xf32, #tpu.memory_space<vmem>>) dst(%dma_wait3A_1144 : memref<8x128xf32, #tpu.memory_space<hbm>>)
        %dma_wait3A_1149 = arith.constant 0 : i32
        %dma_wait3A_1150 = arith.constant 0 : i32
        %dma_wait3A_1151 = arith.constant 4 : i32
        %dma_wait3A_1152 = arith.constant 32 : i32
        %dma_wait3A_1153 = arith.constant 0 : i32
        %dma_wait3A_1154 = tpu.memref_slice %arg12[%dma_wait3A_1149, %dma_wait3A_1152, %dma_wait3A_1153] : memref<2x64x129xf32, #tpu.memory_space<vmem>> -> memref<1x8x128xf32, #tpu.memory_space<vmem>>
        %dma_wait3A_1155 = tpu.memref_squeeze %dma_wait3A_1154 : memref<1x8x128xf32, #tpu.memory_space<vmem>> -> memref<8x128xf32, #tpu.memory_space<vmem>>
        %dma_wait3A_1156 = arith.constant 0 : i32
        %dma_wait3A_1157 = arith.constant 0 : i32
        %dma_wait3A_1158 = tpu.memref_slice %arg5[%dma_wait3A_1150, %dma_wait3A_1151, %add3A, %dma_wait3A_1156, %dma_wait3A_1157] : memref<200x8x32x8x128xf32, #tpu.memory_space<hbm>> -> memref<1x1x1x8x128xf32, #tpu.memory_space<hbm>>
        %dma_wait3A_1159 = tpu.memref_squeeze %dma_wait3A_1158 : memref<1x1x1x8x128xf32, #tpu.memory_space<hbm>> -> memref<8x128xf32, #tpu.memory_space<hbm>>
        %dma_wait3A_1160 = arith.constant 0 : i32
        %dma_wait3A_1161 = arith.constant 0 : i32
        %dma_wait3A_1162 = tpu.memref_slice %arg5[%dma_wait3A_1150, %dma_wait3A_1151, %add3A, %dma_wait3A_1160, %dma_wait3A_1161] : memref<200x8x32x8x128xf32, #tpu.memory_space<hbm>> -> memref<1x1x1x8x128xf32, #tpu.memory_space<hbm>>
        %dma_wait3A_1163 = tpu.memref_squeeze %dma_wait3A_1162 : memref<1x1x1x8x128xf32, #tpu.memory_space<hbm>> -> memref<8x128xf32, #tpu.memory_space<hbm>>
        %dma_wait3A_1164 = arith.constant 32 : i32
        %dma_wait3A_1165 = arith.constant 0 : i32
        %dma_wait3A_1166 = tpu.memref_slice %arg12[%dma_wait3A_1149, %dma_wait3A_1164, %dma_wait3A_1165] : memref<2x64x129xf32, #tpu.memory_space<vmem>> -> memref<1x8x128xf32, #tpu.memory_space<vmem>>
        %dma_wait3A_1167 = tpu.memref_squeeze %dma_wait3A_1166 : memref<1x8x128xf32, #tpu.memory_space<vmem>> -> memref<8x128xf32, #tpu.memory_space<vmem>>
        tpu.wait_dma2 semaphore(%arg17 : memref<!tpu.dma_semaphore, #tpu.memory_space<semaphore_mem>>) src(%dma_wait3A_1167 : memref<8x128xf32, #tpu.memory_space<vmem>>) dst(%dma_wait3A_1163 : memref<8x128xf32, #tpu.memory_space<hbm>>)
        %dma_wait3A_1168 = arith.constant 0 : i32
        %dma_wait3A_1169 = arith.constant 0 : i32
        %dma_wait3A_1170 = arith.constant 5 : i32
        %dma_wait3A_1171 = arith.constant 40 : i32
        %dma_wait3A_1172 = arith.constant 0 : i32
        %dma_wait3A_1173 = tpu.memref_slice %arg12[%dma_wait3A_1168, %dma_wait3A_1171, %dma_wait3A_1172] : memref<2x64x129xf32, #tpu.memory_space<vmem>> -> memref<1x8x128xf32, #tpu.memory_space<vmem>>
        %dma_wait3A_1174 = tpu.memref_squeeze %dma_wait3A_1173 : memref<1x8x128xf32, #tpu.memory_space<vmem>> -> memref<8x128xf32, #tpu.memory_space<vmem>>
        %dma_wait3A_1175 = arith.constant 0 : i32
        %dma_wait3A_1176 = arith.constant 0 : i32
        %dma_wait3A_1177 = tpu.memref_slice %arg5[%dma_wait3A_1169, %dma_wait3A_1170, %add3A, %dma_wait3A_1175, %dma_wait3A_1176] : memref<200x8x32x8x128xf32, #tpu.memory_space<hbm>> -> memref<1x1x1x8x128xf32, #tpu.memory_space<hbm>>
        %dma_wait3A_1178 = tpu.memref_squeeze %dma_wait3A_1177 : memref<1x1x1x8x128xf32, #tpu.memory_space<hbm>> -> memref<8x128xf32, #tpu.memory_space<hbm>>
        %dma_wait3A_1179 = arith.constant 0 : i32
        %dma_wait3A_1180 = arith.constant 0 : i32
        %dma_wait3A_1181 = tpu.memref_slice %arg5[%dma_wait3A_1169, %dma_wait3A_1170, %add3A, %dma_wait3A_1179, %dma_wait3A_1180] : memref<200x8x32x8x128xf32, #tpu.memory_space<hbm>> -> memref<1x1x1x8x128xf32, #tpu.memory_space<hbm>>
        %dma_wait3A_1182 = tpu.memref_squeeze %dma_wait3A_1181 : memref<1x1x1x8x128xf32, #tpu.memory_space<hbm>> -> memref<8x128xf32, #tpu.memory_space<hbm>>
        %dma_wait3A_1183 = arith.constant 40 : i32
        %dma_wait3A_1184 = arith.constant 0 : i32
        %dma_wait3A_1185 = tpu.memref_slice %arg12[%dma_wait3A_1168, %dma_wait3A_1183, %dma_wait3A_1184] : memref<2x64x129xf32, #tpu.memory_space<vmem>> -> memref<1x8x128xf32, #tpu.memory_space<vmem>>
        %dma_wait3A_1186 = tpu.memref_squeeze %dma_wait3A_1185 : memref<1x8x128xf32, #tpu.memory_space<vmem>> -> memref<8x128xf32, #tpu.memory_space<vmem>>
        tpu.wait_dma2 semaphore(%arg17 : memref<!tpu.dma_semaphore, #tpu.memory_space<semaphore_mem>>) src(%dma_wait3A_1186 : memref<8x128xf32, #tpu.memory_space<vmem>>) dst(%dma_wait3A_1182 : memref<8x128xf32, #tpu.memory_space<hbm>>)
        %dma_wait3A_1187 = arith.constant 0 : i32
        %dma_wait3A_1188 = arith.constant 0 : i32
        %dma_wait3A_1189 = arith.constant 6 : i32
        %dma_wait3A_1190 = arith.constant 48 : i32
        %dma_wait3A_1191 = arith.constant 0 : i32
        %dma_wait3A_1192 = tpu.memref_slice %arg12[%dma_wait3A_1187, %dma_wait3A_1190, %dma_wait3A_1191] : memref<2x64x129xf32, #tpu.memory_space<vmem>> -> memref<1x8x128xf32, #tpu.memory_space<vmem>>
        %dma_wait3A_1193 = tpu.memref_squeeze %dma_wait3A_1192 : memref<1x8x128xf32, #tpu.memory_space<vmem>> -> memref<8x128xf32, #tpu.memory_space<vmem>>
        %dma_wait3A_1194 = arith.constant 0 : i32
        %dma_wait3A_1195 = arith.constant 0 : i32
        %dma_wait3A_1196 = tpu.memref_slice %arg5[%dma_wait3A_1188, %dma_wait3A_1189, %add3A, %dma_wait3A_1194, %dma_wait3A_1195] : memref<200x8x32x8x128xf32, #tpu.memory_space<hbm>> -> memref<1x1x1x8x128xf32, #tpu.memory_space<hbm>>
        %dma_wait3A_1197 = tpu.memref_squeeze %dma_wait3A_1196 : memref<1x1x1x8x128xf32, #tpu.memory_space<hbm>> -> memref<8x128xf32, #tpu.memory_space<hbm>>
        %dma_wait3A_1198 = arith.constant 0 : i32
        %dma_wait3A_1199 = arith.constant 0 : i32
        %dma_wait3A_1200 = tpu.memref_slice %arg5[%dma_wait3A_1188, %dma_wait3A_1189, %add3A, %dma_wait3A_1198, %dma_wait3A_1199] : memref<200x8x32x8x128xf32, #tpu.memory_space<hbm>> -> memref<1x1x1x8x128xf32, #tpu.memory_space<hbm>>
        %dma_wait3A_1201 = tpu.memref_squeeze %dma_wait3A_1200 : memref<1x1x1x8x128xf32, #tpu.memory_space<hbm>> -> memref<8x128xf32, #tpu.memory_space<hbm>>
        %dma_wait3A_1202 = arith.constant 48 : i32
        %dma_wait3A_1203 = arith.constant 0 : i32
        %dma_wait3A_1204 = tpu.memref_slice %arg12[%dma_wait3A_1187, %dma_wait3A_1202, %dma_wait3A_1203] : memref<2x64x129xf32, #tpu.memory_space<vmem>> -> memref<1x8x128xf32, #tpu.memory_space<vmem>>
        %dma_wait3A_1205 = tpu.memref_squeeze %dma_wait3A_1204 : memref<1x8x128xf32, #tpu.memory_space<vmem>> -> memref<8x128xf32, #tpu.memory_space<vmem>>
        tpu.wait_dma2 semaphore(%arg17 : memref<!tpu.dma_semaphore, #tpu.memory_space<semaphore_mem>>) src(%dma_wait3A_1205 : memref<8x128xf32, #tpu.memory_space<vmem>>) dst(%dma_wait3A_1201 : memref<8x128xf32, #tpu.memory_space<hbm>>)
        %dma_wait3A_1206 = arith.constant 0 : i32
        %dma_wait3A_1207 = arith.constant 0 : i32
        %dma_wait3A_1208 = arith.constant 7 : i32
        %dma_wait3A_1209 = arith.constant 56 : i32
        %dma_wait3A_1210 = arith.constant 0 : i32
        %dma_wait3A_1211 = tpu.memref_slice %arg12[%dma_wait3A_1206, %dma_wait3A_1209, %dma_wait3A_1210] : memref<2x64x129xf32, #tpu.memory_space<vmem>> -> memref<1x8x128xf32, #tpu.memory_space<vmem>>
        %dma_wait3A_1212 = tpu.memref_squeeze %dma_wait3A_1211 : memref<1x8x128xf32, #tpu.memory_space<vmem>> -> memref<8x128xf32, #tpu.memory_space<vmem>>
        %dma_wait3A_1213 = arith.constant 0 : i32
        %dma_wait3A_1214 = arith.constant 0 : i32
        %dma_wait3A_1215 = tpu.memref_slice %arg5[%dma_wait3A_1207, %dma_wait3A_1208, %add3A, %dma_wait3A_1213, %dma_wait3A_1214] : memref<200x8x32x8x128xf32, #tpu.memory_space<hbm>> -> memref<1x1x1x8x128xf32, #tpu.memory_space<hbm>>
        %dma_wait3A_1216 = tpu.memref_squeeze %dma_wait3A_1215 : memref<1x1x1x8x128xf32, #tpu.memory_space<hbm>> -> memref<8x128xf32, #tpu.memory_space<hbm>>
        %dma_wait3A_1217 = arith.constant 0 : i32
        %dma_wait3A_1218 = arith.constant 0 : i32
        %dma_wait3A_1219 = tpu.memref_slice %arg5[%dma_wait3A_1207, %dma_wait3A_1208, %add3A, %dma_wait3A_1217, %dma_wait3A_1218] : memref<200x8x32x8x128xf32, #tpu.memory_space<hbm>> -> memref<1x1x1x8x128xf32, #tpu.memory_space<hbm>>
        %dma_wait3A_1220 = tpu.memref_squeeze %dma_wait3A_1219 : memref<1x1x1x8x128xf32, #tpu.memory_space<hbm>> -> memref<8x128xf32, #tpu.memory_space<hbm>>
        %dma_wait3A_1221 = arith.constant 56 : i32
        %dma_wait3A_1222 = arith.constant 0 : i32
        %dma_wait3A_1223 = tpu.memref_slice %arg12[%dma_wait3A_1206, %dma_wait3A_1221, %dma_wait3A_1222] : memref<2x64x129xf32, #tpu.memory_space<vmem>> -> memref<1x8x128xf32, #tpu.memory_space<vmem>>
        %dma_wait3A_1224 = tpu.memref_squeeze %dma_wait3A_1223 : memref<1x8x128xf32, #tpu.memory_space<vmem>> -> memref<8x128xf32, #tpu.memory_space<vmem>>
        tpu.wait_dma2 semaphore(%arg17 : memref<!tpu.dma_semaphore, #tpu.memory_space<semaphore_mem>>) src(%dma_wait3A_1224 : memref<8x128xf32, #tpu.memory_space<vmem>>) dst(%dma_wait3A_1220 : memref<8x128xf32, #tpu.memory_space<hbm>>)
      } else {
      }
      %dma_wait3A_735 = arith.constant 0 : i32
      %dma_wait3A_736 = tpu.memref_slice %arg6[%add3A_708, %dma_wait3A_735] : memref<200x128xi32, #tpu.memory_space<vmem>> -> memref<1x128xi32, #tpu.memory_space<vmem>>
      %dma_wait3A_737 = tpu.memref_squeeze %dma_wait3A_736 : memref<1x128xi32, #tpu.memory_space<vmem>> -> memref<128xi32, #tpu.memory_space<vmem>>
      %dma_wait3A_738 = arith.constant 0 : i32
      %dma_wait3A_739 = arith.constant 0 : i32
      %dma_wait3A_740 = tpu.memref_slice %arg3[%dma_wait3A_738, %dma_wait3A_739] : memref<1000000x64xf32, #tpu.memory_space<hbm>> -> memref<1000000x64xf32, #tpu.memory_space<hbm>>
      tpu.wait_indirect_dma semaphore(%arg15 : memref<!tpu.dma_semaphore, #tpu.memory_space<semaphore_mem>>) src(%dma_wait3A_740 : memref<1000000x64xf32, #tpu.memory_space<hbm>>) dst(%arg10 : memref<128x64xf32, #tpu.memory_space<vmem>>)
      %parallel_loop3A_741 = arith.constant 0 : i32
      %parallel_loop3A_742 = arith.constant 128 : i32
      %parallel_loop3A_743 = arith.constant 1 : i32
      %parallel_loop3A_744 = arith.constant 0 : i32
      scf.for %parallel_loop3A_1073 = %parallel_loop3A_741 to %parallel_loop3A_742 step %parallel_loop3A_743  : i32 {
        %parallel_loop3A_1074 = vector.broadcast %parallel_loop3A_1073 : i32 to vector<16xi32>
        %parallel_loop3A_1075 = arith.index_cast %parallel_loop3A_1073 : i32 to index
        %parallel_loop3A_1076 = arith.constant 0 : index
        %parallel_loop3A_1077 = tpu.vector_load %arg10[%parallel_loop3A_1075, %parallel_loop3A_1076] {strides = array<i32>} : memref<128x64xf32, #tpu.memory_space<vmem>>, vector<16xf32>,
        %parallel_loop3A_1078 = arith.addf %parallel_loop3A_1077, %get3A_720 : vector<16xf32>
        %parallel_loop3A_1079 = arith.constant 0 : i32
        %parallel_loop3A_1080 = arith.constant 0 : i32
        %parallel_loop3A_1081 = tpu.memref_slice %arg12[%parallel_loop3A_744, %parallel_loop3A_1079, %parallel_loop3A_1080] : memref<2x64x129xf32, #tpu.memory_space<vmem>> -> memref<1x64x129xf32, #tpu.memory_space<vmem>>
        %parallel_loop3A_1082 = tpu.memref_squeeze %parallel_loop3A_1081 : memref<1x64x129xf32, #tpu.memory_space<vmem>> -> memref<64x129xf32, #tpu.memory_space<vmem>>
        tpu.vector_store_idx %parallel_loop3A_1082[%add3A_5, %parallel_loop3A_1074], %parallel_loop3A_1078 : memref<64x129xf32, #tpu.memory_space<vmem>>[vector<16xi32>, vector<16xi32>], vector<16xf32>,
        %parallel_loop3A_1083 = arith.index_cast %parallel_loop3A_1073 : i32 to index
        %parallel_loop3A_1084 = arith.constant 16 : index
        %parallel_loop3A_1085 = tpu.vector_load %arg10[%parallel_loop3A_1083, %parallel_loop3A_1084] {strides = array<i32>} : memref<128x64xf32, #tpu.memory_space<vmem>>, vector<16xf32>,
        %parallel_loop3A_1086 = arith.addf %parallel_loop3A_1085, %get3A_723 : vector<16xf32>
        %parallel_loop3A_1087 = arith.constant 0 : i32
        %parallel_loop3A_1088 = arith.constant 0 : i32
        %parallel_loop3A_1089 = tpu.memref_slice %arg12[%parallel_loop3A_744, %parallel_loop3A_1087, %parallel_loop3A_1088] : memref<2x64x129xf32, #tpu.memory_space<vmem>> -> memref<1x64x129xf32, #tpu.memory_space<vmem>>
        %parallel_loop3A_1090 = tpu.memref_squeeze %parallel_loop3A_1089 : memref<1x64x129xf32, #tpu.memory_space<vmem>> -> memref<64x129xf32, #tpu.memory_space<vmem>>
        tpu.vector_store_idx %parallel_loop3A_1090[%add3A_8, %parallel_loop3A_1074], %parallel_loop3A_1086 : memref<64x129xf32, #tpu.memory_space<vmem>>[vector<16xi32>, vector<16xi32>], vector<16xf32>,
        %parallel_loop3A_1091 = arith.index_cast %parallel_loop3A_1073 : i32 to index
        %parallel_loop3A_1092 = arith.constant 32 : index
        %parallel_loop3A_1093 = tpu.vector_load %arg10[%parallel_loop3A_1091, %parallel_loop3A_1092] {strides = array<i32>} : memref<128x64xf32, #tpu.memory_space<vmem>>, vector<16xf32>,
        %parallel_loop3A_1094 = arith.addf %parallel_loop3A_1093, %get3A_726 : vector<16xf32>
        %parallel_loop3A_1095 = arith.constant 0 : i32
        %parallel_loop3A_1096 = arith.constant 0 : i32
        %parallel_loop3A_1097 = tpu.memref_slice %arg12[%parallel_loop3A_744, %parallel_loop3A_1095, %parallel_loop3A_1096] : memref<2x64x129xf32, #tpu.memory_space<vmem>> -> memref<1x64x129xf32, #tpu.memory_space<vmem>>
        %parallel_loop3A_1098 = tpu.memref_squeeze %parallel_loop3A_1097 : memref<1x64x129xf32, #tpu.memory_space<vmem>> -> memref<64x129xf32, #tpu.memory_space<vmem>>
        tpu.vector_store_idx %parallel_loop3A_1098[%add3A_11, %parallel_loop3A_1074], %parallel_loop3A_1094 : memref<64x129xf32, #tpu.memory_space<vmem>>[vector<16xi32>, vector<16xi32>], vector<16xf32>,
        %parallel_loop3A_1099 = arith.index_cast %parallel_loop3A_1073 : i32 to index
        %parallel_loop3A_1100 = arith.constant 48 : index
        %parallel_loop3A_1101 = tpu.vector_load %arg10[%parallel_loop3A_1099, %parallel_loop3A_1100] {strides = array<i32>} : memref<128x64xf32, #tpu.memory_space<vmem>>, vector<16xf32>,
        %parallel_loop3A_1102 = arith.addf %parallel_loop3A_1101, %get3A_729 : vector<16xf32>
        %parallel_loop3A_1103 = arith.constant 0 : i32
        %parallel_loop3A_1104 = arith.constant 0 : i32
        %parallel_loop3A_1105 = tpu.memref_slice %arg12[%parallel_loop3A_744, %parallel_loop3A_1103, %parallel_loop3A_1104] : memref<2x64x129xf32, #tpu.memory_space<vmem>> -> memref<1x64x129xf32, #tpu.memory_space<vmem>>
        %parallel_loop3A_1106 = tpu.memref_squeeze %parallel_loop3A_1105 : memref<1x64x129xf32, #tpu.memory_space<vmem>> -> memref<64x129xf32, #tpu.memory_space<vmem>>
        tpu.vector_store_idx %parallel_loop3A_1106[%add3A_14, %parallel_loop3A_1074], %parallel_loop3A_1102 : memref<64x129xf32, #tpu.memory_space<vmem>>[vector<16xi32>, vector<16xi32>], vector<16xf32>,
      } {sc.loop_unroll_factor = 8 : i64, sc.parallel_access}
      %dma_start3A_745 = arith.constant 0 : i32
      %dma_start3A_746 = arith.constant 0 : i32
      %dma_start3A_747 = arith.constant 0 : i32
      %dma_start3A_748 = arith.constant 0 : i32
      %dma_start3A_749 = tpu.memref_slice %arg12[%dma_start3A_745, %dma_start3A_747, %dma_start3A_748] : memref<2x64x129xf32, #tpu.memory_space<vmem>> -> memref<1x8x128xf32, #tpu.memory_space<vmem>>
      %dma_start3A_750 = tpu.memref_squeeze %dma_start3A_749 : memref<1x8x128xf32, #tpu.memory_space<vmem>> -> memref<8x128xf32, #tpu.memory_space<vmem>>
      %dma_start3A_751 = arith.constant 0 : i32
      %dma_start3A_752 = arith.constant 0 : i32
      %dma_start3A_753 = tpu.memref_slice %arg5[%add3A_708, %dma_start3A_746, %add3A, %dma_start3A_751, %dma_start3A_752] : memref<200x8x32x8x128xf32, #tpu.memory_space<hbm>> -> memref<1x1x1x8x128xf32, #tpu.memory_space<hbm>>
      %dma_start3A_754 = tpu.memref_squeeze %dma_start3A_753 : memref<1x1x1x8x128xf32, #tpu.memory_space<hbm>> -> memref<8x128xf32, #tpu.memory_space<hbm>>
      %dma_start3A_755 = arith.constant 0 : i32
      %dma_start3A_756 = arith.constant 0 : i32
      %dma_start3A_757 = tpu.memref_slice %arg5[%add3A_708, %dma_start3A_746, %add3A, %dma_start3A_755, %dma_start3A_756] : memref<200x8x32x8x128xf32, #tpu.memory_space<hbm>> -> memref<1x1x1x8x128xf32, #tpu.memory_space<hbm>>
      %dma_start3A_758 = tpu.memref_squeeze %dma_start3A_757 : memref<1x1x1x8x128xf32, #tpu.memory_space<hbm>> -> memref<8x128xf32, #tpu.memory_space<hbm>>
      %dma_start3A_759 = arith.constant 0 : i32
      %dma_start3A_760 = arith.constant 0 : i32
      %dma_start3A_761 = tpu.memref_slice %arg12[%dma_start3A_745, %dma_start3A_759, %dma_start3A_760] : memref<2x64x129xf32, #tpu.memory_space<vmem>> -> memref<1x8x128xf32, #tpu.memory_space<vmem>>
      %dma_start3A_762 = tpu.memref_squeeze %dma_start3A_761 : memref<1x8x128xf32, #tpu.memory_space<vmem>> -> memref<8x128xf32, #tpu.memory_space<vmem>>
      tpu.enqueue_dma source(%dma_start3A_762 : memref<8x128xf32, #tpu.memory_space<vmem>>) target(%dma_start3A_758 : memref<8x128xf32, #tpu.memory_space<hbm>>) target_semaphore(%arg17 : memref<!tpu.dma_semaphore, #tpu.memory_space<semaphore_mem>>)
      %dma_start3A_763 = arith.constant 0 : i32
      %dma_start3A_764 = arith.constant 1 : i32
      %dma_start3A_765 = arith.constant 8 : i32
      %dma_start3A_766 = arith.constant 0 : i32
      %dma_start3A_767 = tpu.memref_slice %arg12[%dma_start3A_763, %dma_start3A_765, %dma_start3A_766] : memref<2x64x129xf32, #tpu.memory_space<vmem>> -> memref<1x8x128xf32, #tpu.memory_space<vmem>>
      %dma_start3A_768 = tpu.memref_squeeze %dma_start3A_767 : memref<1x8x128xf32, #tpu.memory_space<vmem>> -> memref<8x128xf32, #tpu.memory_space<vmem>>
      %dma_start3A_769 = arith.constant 0 : i32
      %dma_start3A_770 = arith.constant 0 : i32
      %dma_start3A_771 = tpu.memref_slice %arg5[%add3A_708, %dma_start3A_764, %add3A, %dma_start3A_769, %dma_start3A_770] : memref<200x8x32x8x128xf32, #tpu.memory_space<hbm>> -> memref<1x1x1x8x128xf32, #tpu.memory_space<hbm>>
      %dma_start3A_772 = tpu.memref_squeeze %dma_start3A_771 : memref<1x1x1x8x128xf32, #tpu.memory_space<hbm>> -> memref<8x128xf32, #tpu.memory_space<hbm>>
      %dma_start3A_773 = arith.constant 0 : i32
      %dma_start3A_774 = arith.constant 0 : i32
      %dma_start3A_775 = tpu.memref_slice %arg5[%add3A_708, %dma_start3A_764, %add3A, %dma_start3A_773, %dma_start3A_774] : memref<200x8x32x8x128xf32, #tpu.memory_space<hbm>> -> memref<1x1x1x8x128xf32, #tpu.memory_space<hbm>>
      %dma_start3A_776 = tpu.memref_squeeze %dma_start3A_775 : memref<1x1x1x8x128xf32, #tpu.memory_space<hbm>> -> memref<8x128xf32, #tpu.memory_space<hbm>>
      %dma_start3A_777 = arith.constant 8 : i32
      %dma_start3A_778 = arith.constant 0 : i32
      %dma_start3A_779 = tpu.memref_slice %arg12[%dma_start3A_763, %dma_start3A_777, %dma_start3A_778] : memref<2x64x129xf32, #tpu.memory_space<vmem>> -> memref<1x8x128xf32, #tpu.memory_space<vmem>>
      %dma_start3A_780 = tpu.memref_squeeze %dma_start3A_779 : memref<1x8x128xf32, #tpu.memory_space<vmem>> -> memref<8x128xf32, #tpu.memory_space<vmem>>
      tpu.enqueue_dma source(%dma_start3A_780 : memref<8x128xf32, #tpu.memory_space<vmem>>) target(%dma_start3A_776 : memref<8x128xf32, #tpu.memory_space<hbm>>) target_semaphore(%arg17 : memref<!tpu.dma_semaphore, #tpu.memory_space<semaphore_mem>>)
      %dma_start3A_781 = arith.constant 0 : i32
      %dma_start3A_782 = arith.constant 2 : i32
      %dma_start3A_783 = arith.constant 16 : i32
      %dma_start3A_784 = arith.constant 0 : i32
      %dma_start3A_785 = tpu.memref_slice %arg12[%dma_start3A_781, %dma_start3A_783, %dma_start3A_784] : memref<2x64x129xf32, #tpu.memory_space<vmem>> -> memref<1x8x128xf32, #tpu.memory_space<vmem>>
      %dma_start3A_786 = tpu.memref_squeeze %dma_start3A_785 : memref<1x8x128xf32, #tpu.memory_space<vmem>> -> memref<8x128xf32, #tpu.memory_space<vmem>>
      %dma_start3A_787 = arith.constant 0 : i32
      %dma_start3A_788 = arith.constant 0 : i32
      %dma_start3A_789 = tpu.memref_slice %arg5[%add3A_708, %dma_start3A_782, %add3A, %dma_start3A_787, %dma_start3A_788] : memref<200x8x32x8x128xf32, #tpu.memory_space<hbm>> -> memref<1x1x1x8x128xf32, #tpu.memory_space<hbm>>
      %dma_start3A_790 = tpu.memref_squeeze %dma_start3A_789 : memref<1x1x1x8x128xf32, #tpu.memory_space<hbm>> -> memref<8x128xf32, #tpu.memory_space<hbm>>
      %dma_start3A_791 = arith.constant 0 : i32
      %dma_start3A_792 = arith.constant 0 : i32
      %dma_start3A_793 = tpu.memref_slice %arg5[%add3A_708, %dma_start3A_782, %add3A, %dma_start3A_791, %dma_start3A_792] : memref<200x8x32x8x128xf32, #tpu.memory_space<hbm>> -> memref<1x1x1x8x128xf32, #tpu.memory_space<hbm>>
      %dma_start3A_794 = tpu.memref_squeeze %dma_start3A_793 : memref<1x1x1x8x128xf32, #tpu.memory_space<hbm>> -> memref<8x128xf32, #tpu.memory_space<hbm>>
      %dma_start3A_795 = arith.constant 16 : i32
      %dma_start3A_796 = arith.constant 0 : i32
      %dma_start3A_797 = tpu.memref_slice %arg12[%dma_start3A_781, %dma_start3A_795, %dma_start3A_796] : memref<2x64x129xf32, #tpu.memory_space<vmem>> -> memref<1x8x128xf32, #tpu.memory_space<vmem>>
      %dma_start3A_798 = tpu.memref_squeeze %dma_start3A_797 : memref<1x8x128xf32, #tpu.memory_space<vmem>> -> memref<8x128xf32, #tpu.memory_space<vmem>>
      tpu.enqueue_dma source(%dma_start3A_798 : memref<8x128xf32, #tpu.memory_space<vmem>>) target(%dma_start3A_794 : memref<8x128xf32, #tpu.memory_space<hbm>>) target_semaphore(%arg17 : memref<!tpu.dma_semaphore, #tpu.memory_space<semaphore_mem>>)
      %dma_start3A_799 = arith.constant 0 : i32
      %dma_start3A_800 = arith.constant 3 : i32
      %dma_start3A_801 = arith.constant 24 : i32
      %dma_start3A_802 = arith.constant 0 : i32
      %dma_start3A_803 = tpu.memref_slice %arg12[%dma_start3A_799, %dma_start3A_801, %dma_start3A_802] : memref<2x64x129xf32, #tpu.memory_space<vmem>> -> memref<1x8x128xf32, #tpu.memory_space<vmem>>
      %dma_start3A_804 = tpu.memref_squeeze %dma_start3A_803 : memref<1x8x128xf32, #tpu.memory_space<vmem>> -> memref<8x128xf32, #tpu.memory_space<vmem>>
      %dma_start3A_805 = arith.constant 0 : i32
      %dma_start3A_806 = arith.constant 0 : i32
      %dma_start3A_807 = tpu.memref_slice %arg5[%add3A_708, %dma_start3A_800, %add3A, %dma_start3A_805, %dma_start3A_806] : memref<200x8x32x8x128xf32, #tpu.memory_space<hbm>> -> memref<1x1x1x8x128xf32, #tpu.memory_space<hbm>>
      %dma_start3A_808 = tpu.memref_squeeze %dma_start3A_807 : memref<1x1x1x8x128xf32, #tpu.memory_space<hbm>> -> memref<8x128xf32, #tpu.memory_space<hbm>>
      %dma_start3A_809 = arith.constant 0 : i32
      %dma_start3A_810 = arith.constant 0 : i32
      %dma_start3A_811 = tpu.memref_slice %arg5[%add3A_708, %dma_start3A_800, %add3A, %dma_start3A_809, %dma_start3A_810] : memref<200x8x32x8x128xf32, #tpu.memory_space<hbm>> -> memref<1x1x1x8x128xf32, #tpu.memory_space<hbm>>
      %dma_start3A_812 = tpu.memref_squeeze %dma_start3A_811 : memref<1x1x1x8x128xf32, #tpu.memory_space<hbm>> -> memref<8x128xf32, #tpu.memory_space<hbm>>
      %dma_start3A_813 = arith.constant 24 : i32
      %dma_start3A_814 = arith.constant 0 : i32
      %dma_start3A_815 = tpu.memref_slice %arg12[%dma_start3A_799, %dma_start3A_813, %dma_start3A_814] : memref<2x64x129xf32, #tpu.memory_space<vmem>> -> memref<1x8x128xf32, #tpu.memory_space<vmem>>
      %dma_start3A_816 = tpu.memref_squeeze %dma_start3A_815 : memref<1x8x128xf32, #tpu.memory_space<vmem>> -> memref<8x128xf32, #tpu.memory_space<vmem>>
      tpu.enqueue_dma source(%dma_start3A_816 : memref<8x128xf32, #tpu.memory_space<vmem>>) target(%dma_start3A_812 : memref<8x128xf32, #tpu.memory_space<hbm>>) target_semaphore(%arg17 : memref<!tpu.dma_semaphore, #tpu.memory_space<semaphore_mem>>)
      %dma_start3A_817 = arith.constant 0 : i32
      %dma_start3A_818 = arith.constant 4 : i32
      %dma_start3A_819 = arith.constant 32 : i32
      %dma_start3A_820 = arith.constant 0 : i32
      %dma_start3A_821 = tpu.memref_slice %arg12[%dma_start3A_817, %dma_start3A_819, %dma_start3A_820] : memref<2x64x129xf32, #tpu.memory_space<vmem>> -> memref<1x8x128xf32, #tpu.memory_space<vmem>>
      %dma_start3A_822 = tpu.memref_squeeze %dma_start3A_821 : memref<1x8x128xf32, #tpu.memory_space<vmem>> -> memref<8x128xf32, #tpu.memory_space<vmem>>
      %dma_start3A_823 = arith.constant 0 : i32
      %dma_start3A_824 = arith.constant 0 : i32
      %dma_start3A_825 = tpu.memref_slice %arg5[%add3A_708, %dma_start3A_818, %add3A, %dma_start3A_823, %dma_start3A_824] : memref<200x8x32x8x128xf32, #tpu.memory_space<hbm>> -> memref<1x1x1x8x128xf32, #tpu.memory_space<hbm>>
      %dma_start3A_826 = tpu.memref_squeeze %dma_start3A_825 : memref<1x1x1x8x128xf32, #tpu.memory_space<hbm>> -> memref<8x128xf32, #tpu.memory_space<hbm>>
      %dma_start3A_827 = arith.constant 0 : i32
      %dma_start3A_828 = arith.constant 0 : i32
      %dma_start3A_829 = tpu.memref_slice %arg5[%add3A_708, %dma_start3A_818, %add3A, %dma_start3A_827, %dma_start3A_828] : memref<200x8x32x8x128xf32, #tpu.memory_space<hbm>> -> memref<1x1x1x8x128xf32, #tpu.memory_space<hbm>>
      %dma_start3A_830 = tpu.memref_squeeze %dma_start3A_829 : memref<1x1x1x8x128xf32, #tpu.memory_space<hbm>> -> memref<8x128xf32, #tpu.memory_space<hbm>>
      %dma_start3A_831 = arith.constant 32 : i32
      %dma_start3A_832 = arith.constant 0 : i32
      %dma_start3A_833 = tpu.memref_slice %arg12[%dma_start3A_817, %dma_start3A_831, %dma_start3A_832] : memref<2x64x129xf32, #tpu.memory_space<vmem>> -> memref<1x8x128xf32, #tpu.memory_space<vmem>>
      %dma_start3A_834 = tpu.memref_squeeze %dma_start3A_833 : memref<1x8x128xf32, #tpu.memory_space<vmem>> -> memref<8x128xf32, #tpu.memory_space<vmem>>
      tpu.enqueue_dma source(%dma_start3A_834 : memref<8x128xf32, #tpu.memory_space<vmem>>) target(%dma_start3A_830 : memref<8x128xf32, #tpu.memory_space<hbm>>) target_semaphore(%arg17 : memref<!tpu.dma_semaphore, #tpu.memory_space<semaphore_mem>>)
      %dma_start3A_835 = arith.constant 0 : i32
      %dma_start3A_836 = arith.constant 5 : i32
      %dma_start3A_837 = arith.constant 40 : i32
      %dma_start3A_838 = arith.constant 0 : i32
      %dma_start3A_839 = tpu.memref_slice %arg12[%dma_start3A_835, %dma_start3A_837, %dma_start3A_838] : memref<2x64x129xf32, #tpu.memory_space<vmem>> -> memref<1x8x128xf32, #tpu.memory_space<vmem>>
      %dma_start3A_840 = tpu.memref_squeeze %dma_start3A_839 : memref<1x8x128xf32, #tpu.memory_space<vmem>> -> memref<8x128xf32, #tpu.memory_space<vmem>>
      %dma_start3A_841 = arith.constant 0 : i32
      %dma_start3A_842 = arith.constant 0 : i32
      %dma_start3A_843 = tpu.memref_slice %arg5[%add3A_708, %dma_start3A_836, %add3A, %dma_start3A_841, %dma_start3A_842] : memref<200x8x32x8x128xf32, #tpu.memory_space<hbm>> -> memref<1x1x1x8x128xf32, #tpu.memory_space<hbm>>
      %dma_start3A_844 = tpu.memref_squeeze %dma_start3A_843 : memref<1x1x1x8x128xf32, #tpu.memory_space<hbm>> -> memref<8x128xf32, #tpu.memory_space<hbm>>
      %dma_start3A_845 = arith.constant 0 : i32
      %dma_start3A_846 = arith.constant 0 : i32
      %dma_start3A_847 = tpu.memref_slice %arg5[%add3A_708, %dma_start3A_836, %add3A, %dma_start3A_845, %dma_start3A_846] : memref<200x8x32x8x128xf32, #tpu.memory_space<hbm>> -> memref<1x1x1x8x128xf32, #tpu.memory_space<hbm>>
      %dma_start3A_848 = tpu.memref_squeeze %dma_start3A_847 : memref<1x1x1x8x128xf32, #tpu.memory_space<hbm>> -> memref<8x128xf32, #tpu.memory_space<hbm>>
      %dma_start3A_849 = arith.constant 40 : i32
      %dma_start3A_850 = arith.constant 0 : i32
      %dma_start3A_851 = tpu.memref_slice %arg12[%dma_start3A_835, %dma_start3A_849, %dma_start3A_850] : memref<2x64x129xf32, #tpu.memory_space<vmem>> -> memref<1x8x128xf32, #tpu.memory_space<vmem>>
      %dma_start3A_852 = tpu.memref_squeeze %dma_start3A_851 : memref<1x8x128xf32, #tpu.memory_space<vmem>> -> memref<8x128xf32, #tpu.memory_space<vmem>>
      tpu.enqueue_dma source(%dma_start3A_852 : memref<8x128xf32, #tpu.memory_space<vmem>>) target(%dma_start3A_848 : memref<8x128xf32, #tpu.memory_space<hbm>>) target_semaphore(%arg17 : memref<!tpu.dma_semaphore, #tpu.memory_space<semaphore_mem>>)
      %dma_start3A_853 = arith.constant 0 : i32
      %dma_start3A_854 = arith.constant 6 : i32
      %dma_start3A_855 = arith.constant 48 : i32
      %dma_start3A_856 = arith.constant 0 : i32
      %dma_start3A_857 = tpu.memref_slice %arg12[%dma_start3A_853, %dma_start3A_855, %dma_start3A_856] : memref<2x64x129xf32, #tpu.memory_space<vmem>> -> memref<1x8x128xf32, #tpu.memory_space<vmem>>
      %dma_start3A_858 = tpu.memref_squeeze %dma_start3A_857 : memref<1x8x128xf32, #tpu.memory_space<vmem>> -> memref<8x128xf32, #tpu.memory_space<vmem>>
      %dma_start3A_859 = arith.constant 0 : i32
      %dma_start3A_860 = arith.constant 0 : i32
      %dma_start3A_861 = tpu.memref_slice %arg5[%add3A_708, %dma_start3A_854, %add3A, %dma_start3A_859, %dma_start3A_860] : memref<200x8x32x8x128xf32, #tpu.memory_space<hbm>> -> memref<1x1x1x8x128xf32, #tpu.memory_space<hbm>>
      %dma_start3A_862 = tpu.memref_squeeze %dma_start3A_861 : memref<1x1x1x8x128xf32, #tpu.memory_space<hbm>> -> memref<8x128xf32, #tpu.memory_space<hbm>>
      %dma_start3A_863 = arith.constant 0 : i32
      %dma_start3A_864 = arith.constant 0 : i32
      %dma_start3A_865 = tpu.memref_slice %arg5[%add3A_708, %dma_start3A_854, %add3A, %dma_start3A_863, %dma_start3A_864] : memref<200x8x32x8x128xf32, #tpu.memory_space<hbm>> -> memref<1x1x1x8x128xf32, #tpu.memory_space<hbm>>
      %dma_start3A_866 = tpu.memref_squeeze %dma_start3A_865 : memref<1x1x1x8x128xf32, #tpu.memory_space<hbm>> -> memref<8x128xf32, #tpu.memory_space<hbm>>
      %dma_start3A_867 = arith.constant 48 : i32
      %dma_start3A_868 = arith.constant 0 : i32
      %dma_start3A_869 = tpu.memref_slice %arg12[%dma_start3A_853, %dma_start3A_867, %dma_start3A_868] : memref<2x64x129xf32, #tpu.memory_space<vmem>> -> memref<1x8x128xf32, #tpu.memory_space<vmem>>
      %dma_start3A_870 = tpu.memref_squeeze %dma_start3A_869 : memref<1x8x128xf32, #tpu.memory_space<vmem>> -> memref<8x128xf32, #tpu.memory_space<vmem>>
      tpu.enqueue_dma source(%dma_start3A_870 : memref<8x128xf32, #tpu.memory_space<vmem>>) target(%dma_start3A_866 : memref<8x128xf32, #tpu.memory_space<hbm>>) target_semaphore(%arg17 : memref<!tpu.dma_semaphore, #tpu.memory_space<semaphore_mem>>)
      %dma_start3A_871 = arith.constant 0 : i32
      %dma_start3A_872 = arith.constant 7 : i32
      %dma_start3A_873 = arith.constant 56 : i32
      %dma_start3A_874 = arith.constant 0 : i32
      %dma_start3A_875 = tpu.memref_slice %arg12[%dma_start3A_871, %dma_start3A_873, %dma_start3A_874] : memref<2x64x129xf32, #tpu.memory_space<vmem>> -> memref<1x8x128xf32, #tpu.memory_space<vmem>>
      %dma_start3A_876 = tpu.memref_squeeze %dma_start3A_875 : memref<1x8x128xf32, #tpu.memory_space<vmem>> -> memref<8x128xf32, #tpu.memory_space<vmem>>
      %dma_start3A_877 = arith.constant 0 : i32
      %dma_start3A_878 = arith.constant 0 : i32
      %dma_start3A_879 = tpu.memref_slice %arg5[%add3A_708, %dma_start3A_872, %add3A, %dma_start3A_877, %dma_start3A_878] : memref<200x8x32x8x128xf32, #tpu.memory_space<hbm>> -> memref<1x1x1x8x128xf32, #tpu.memory_space<hbm>>
      %dma_start3A_880 = tpu.memref_squeeze %dma_start3A_879 : memref<1x1x1x8x128xf32, #tpu.memory_space<hbm>> -> memref<8x128xf32, #tpu.memory_space<hbm>>
      %dma_start3A_881 = arith.constant 0 : i32
      %dma_start3A_882 = arith.constant 0 : i32
      %dma_start3A_883 = tpu.memref_slice %arg5[%add3A_708, %dma_start3A_872, %add3A, %dma_start3A_881, %dma_start3A_882] : memref<200x8x32x8x128xf32, #tpu.memory_space<hbm>> -> memref<1x1x1x8x128xf32, #tpu.memory_space<hbm>>
      %dma_start3A_884 = tpu.memref_squeeze %dma_start3A_883 : memref<1x1x1x8x128xf32, #tpu.memory_space<hbm>> -> memref<8x128xf32, #tpu.memory_space<hbm>>
      %dma_start3A_885 = arith.constant 56 : i32
      %dma_start3A_886 = arith.constant 0 : i32
      %dma_start3A_887 = tpu.memref_slice %arg12[%dma_start3A_871, %dma_start3A_885, %dma_start3A_886] : memref<2x64x129xf32, #tpu.memory_space<vmem>> -> memref<1x8x128xf32, #tpu.memory_space<vmem>>
      %dma_start3A_888 = tpu.memref_squeeze %dma_start3A_887 : memref<1x8x128xf32, #tpu.memory_space<vmem>> -> memref<8x128xf32, #tpu.memory_space<vmem>>
      tpu.enqueue_dma source(%dma_start3A_888 : memref<8x128xf32, #tpu.memory_space<vmem>>) target(%dma_start3A_884 : memref<8x128xf32, #tpu.memory_space<hbm>>) target_semaphore(%arg17 : memref<!tpu.dma_semaphore, #tpu.memory_space<semaphore_mem>>)
      %mul3A_889 = arith.constant 4 : i32
      %mul3A_890 = arith.muli %mul3A_889, %scan3A_343 : i32
      %add3A_891 = arith.constant 3 : i32
      %add3A_892 = arith.addi %mul3A_890, %add3A_891 : i32
      %add3A_893 = arith.constant 4 : i32
      %add3A_894 = arith.addi %add3A_892, %add3A_893 : i32
      %sub3A_895 = arith.constant 1 : i32
      %sub3A_896 = arith.subi %add3A_894, %sub3A_895 : i32
      %lt3A_897 = arith.constant 200 : i32
      %lt3A_898 = arith.cmpi slt, %sub3A_896, %lt3A_897 : i32
      %convert_element_type3A_899 = arith.extui %lt3A_898 : i1 to i32
      %cond3A_900 = arith.constant 0 : i32
      %cond3A_901 = arith.cmpi ne, %convert_element_type3A_899, %cond3A_900 : i32
      scf.if %cond3A_901 {
        %dma_start3A_1073 = arith.constant 0 : i32
        %dma_start3A_1074 = tpu.memref_slice %arg6[%sub3A_896, %dma_start3A_1073] : memref<200x128xi32, #tpu.memory_space<vmem>> -> memref<1x128xi32, #tpu.memory_space<vmem>>
        %dma_start3A_1075 = tpu.memref_squeeze %dma_start3A_1074 : memref<1x128xi32, #tpu.memory_space<vmem>> -> memref<128xi32, #tpu.memory_space<vmem>>
        %dma_start3A_1076 = arith.constant 0 : i32
        %dma_start3A_1077 = arith.constant 0 : i32
        %dma_start3A_1078 = tpu.memref_slice %arg3[%dma_start3A_1076, %dma_start3A_1077] : memref<1000000x64xf32, #tpu.memory_space<hbm>> -> memref<1000000x64xf32, #tpu.memory_space<hbm>>
        tpu.enqueue_indirect_dma source(%dma_start3A_1078 : memref<1000000x64xf32, #tpu.memory_space<hbm>>) target(%arg10 : memref<128x64xf32, #tpu.memory_space<vmem>>) offsets(%dma_start3A_1075 : memref<128xi32, #tpu.memory_space<vmem>>) semaphore(%arg15 : memref<!tpu.dma_semaphore, #tpu.memory_space<semaphore_mem>>)
      } else {
      }
      %get3A_902 = arith.index_cast %add3A_892 : i32 to index
      %get3A_903 = arith.constant 0 : index
      %get3A_904 = tpu.vector_load %arg7[%get3A_902, %get3A_903] {strides = array<i32>} : memref<200x64xf32, #tpu.memory_space<vmem>>, vector<16xf32>,
      %get3A_905 = arith.index_cast %add3A_892 : i32 to index
      %get3A_906 = arith.constant 16 : index
      %get3A_907 = tpu.vector_load %arg7[%get3A_905, %get3A_906] {strides = array<i32>} : memref<200x64xf32, #tpu.memory_space<vmem>>, vector<16xf32>,
      %get3A_908 = arith.index_cast %add3A_892 : i32 to index
      %get3A_909 = arith.constant 32 : index
      %get3A_910 = tpu.vector_load %arg7[%get3A_908, %get3A_909] {strides = array<i32>} : memref<200x64xf32, #tpu.memory_space<vmem>>, vector<16xf32>,
      %get3A_911 = arith.index_cast %add3A_892 : i32 to index
      %get3A_912 = arith.constant 48 : index
      %get3A_913 = tpu.vector_load %arg7[%get3A_911, %get3A_912] {strides = array<i32>} : memref<200x64xf32, #tpu.memory_space<vmem>>, vector<16xf32>,
      %ge3A_914 = arith.constant 2 : i32
      %ge3A_915 = arith.cmpi sge, %add3A_892, %ge3A_914 : i32
      %convert_element_type3A_916 = arith.extui %ge3A_915 : i1 to i32
      %cond3A_917 = arith.constant 0 : i32
      %cond3A_918 = arith.cmpi ne, %convert_element_type3A_916, %cond3A_917 : i32
      scf.if %cond3A_918 {
        %dma_wait3A_1073 = arith.constant 1 : i32
        %dma_wait3A_1074 = arith.constant 0 : i32
        %dma_wait3A_1075 = arith.constant 0 : i32
        %dma_wait3A_1076 = arith.constant 0 : i32
        %dma_wait3A_1077 = arith.constant 0 : i32
        %dma_wait3A_1078 = tpu.memref_slice %arg12[%dma_wait3A_1073, %dma_wait3A_1076, %dma_wait3A_1077] : memref<2x64x129xf32, #tpu.memory_space<vmem>> -> memref<1x8x128xf32, #tpu.memory_space<vmem>>
        %dma_wait3A_1079 = tpu.memref_squeeze %dma_wait3A_1078 : memref<1x8x128xf32, #tpu.memory_space<vmem>> -> memref<8x128xf32, #tpu.memory_space<vmem>>
        %dma_wait3A_1080 = arith.constant 0 : i32
        %dma_wait3A_1081 = arith.constant 0 : i32
        %dma_wait3A_1082 = tpu.memref_slice %arg5[%dma_wait3A_1074, %dma_wait3A_1075, %add3A, %dma_wait3A_1080, %dma_wait3A_1081] : memref<200x8x32x8x128xf32, #tpu.memory_space<hbm>> -> memref<1x1x1x8x128xf32, #tpu.memory_space<hbm>>
        %dma_wait3A_1083 = tpu.memref_squeeze %dma_wait3A_1082 : memref<1x1x1x8x128xf32, #tpu.memory_space<hbm>> -> memref<8x128xf32, #tpu.memory_space<hbm>>
        %dma_wait3A_1084 = arith.constant 0 : i32
        %dma_wait3A_1085 = arith.constant 0 : i32
        %dma_wait3A_1086 = tpu.memref_slice %arg5[%dma_wait3A_1074, %dma_wait3A_1075, %add3A, %dma_wait3A_1084, %dma_wait3A_1085] : memref<200x8x32x8x128xf32, #tpu.memory_space<hbm>> -> memref<1x1x1x8x128xf32, #tpu.memory_space<hbm>>
        %dma_wait3A_1087 = tpu.memref_squeeze %dma_wait3A_1086 : memref<1x1x1x8x128xf32, #tpu.memory_space<hbm>> -> memref<8x128xf32, #tpu.memory_space<hbm>>
        %dma_wait3A_1088 = arith.constant 0 : i32
        %dma_wait3A_1089 = arith.constant 0 : i32
        %dma_wait3A_1090 = tpu.memref_slice %arg12[%dma_wait3A_1073, %dma_wait3A_1088, %dma_wait3A_1089] : memref<2x64x129xf32, #tpu.memory_space<vmem>> -> memref<1x8x128xf32, #tpu.memory_space<vmem>>
        %dma_wait3A_1091 = tpu.memref_squeeze %dma_wait3A_1090 : memref<1x8x128xf32, #tpu.memory_space<vmem>> -> memref<8x128xf32, #tpu.memory_space<vmem>>
        tpu.wait_dma2 semaphore(%arg18 : memref<!tpu.dma_semaphore, #tpu.memory_space<semaphore_mem>>) src(%dma_wait3A_1091 : memref<8x128xf32, #tpu.memory_space<vmem>>) dst(%dma_wait3A_1087 : memref<8x128xf32, #tpu.memory_space<hbm>>)
        %dma_wait3A_1092 = arith.constant 1 : i32
        %dma_wait3A_1093 = arith.constant 0 : i32
        %dma_wait3A_1094 = arith.constant 1 : i32
        %dma_wait3A_1095 = arith.constant 8 : i32
        %dma_wait3A_1096 = arith.constant 0 : i32
        %dma_wait3A_1097 = tpu.memref_slice %arg12[%dma_wait3A_1092, %dma_wait3A_1095, %dma_wait3A_1096] : memref<2x64x129xf32, #tpu.memory_space<vmem>> -> memref<1x8x128xf32, #tpu.memory_space<vmem>>
        %dma_wait3A_1098 = tpu.memref_squeeze %dma_wait3A_1097 : memref<1x8x128xf32, #tpu.memory_space<vmem>> -> memref<8x128xf32, #tpu.memory_space<vmem>>
        %dma_wait3A_1099 = arith.constant 0 : i32
        %dma_wait3A_1100 = arith.constant 0 : i32
        %dma_wait3A_1101 = tpu.memref_slice %arg5[%dma_wait3A_1093, %dma_wait3A_1094, %add3A, %dma_wait3A_1099, %dma_wait3A_1100] : memref<200x8x32x8x128xf32, #tpu.memory_space<hbm>> -> memref<1x1x1x8x128xf32, #tpu.memory_space<hbm>>
        %dma_wait3A_1102 = tpu.memref_squeeze %dma_wait3A_1101 : memref<1x1x1x8x128xf32, #tpu.memory_space<hbm>> -> memref<8x128xf32, #tpu.memory_space<hbm>>
        %dma_wait3A_1103 = arith.constant 0 : i32
        %dma_wait3A_1104 = arith.constant 0 : i32
        %dma_wait3A_1105 = tpu.memref_slice %arg5[%dma_wait3A_1093, %dma_wait3A_1094, %add3A, %dma_wait3A_1103, %dma_wait3A_1104] : memref<200x8x32x8x128xf32, #tpu.memory_space<hbm>> -> memref<1x1x1x8x128xf32, #tpu.memory_space<hbm>>
        %dma_wait3A_1106 = tpu.memref_squeeze %dma_wait3A_1105 : memref<1x1x1x8x128xf32, #tpu.memory_space<hbm>> -> memref<8x128xf32, #tpu.memory_space<hbm>>
        %dma_wait3A_1107 = arith.constant 8 : i32
        %dma_wait3A_1108 = arith.constant 0 : i32
        %dma_wait3A_1109 = tpu.memref_slice %arg12[%dma_wait3A_1092, %dma_wait3A_1107, %dma_wait3A_1108] : memref<2x64x129xf32, #tpu.memory_space<vmem>> -> memref<1x8x128xf32, #tpu.memory_space<vmem>>
        %dma_wait3A_1110 = tpu.memref_squeeze %dma_wait3A_1109 : memref<1x8x128xf32, #tpu.memory_space<vmem>> -> memref<8x128xf32, #tpu.memory_space<vmem>>
        tpu.wait_dma2 semaphore(%arg18 : memref<!tpu.dma_semaphore, #tpu.memory_space<semaphore_mem>>) src(%dma_wait3A_1110 : memref<8x128xf32, #tpu.memory_space<vmem>>) dst(%dma_wait3A_1106 : memref<8x128xf32, #tpu.memory_space<hbm>>)
        %dma_wait3A_1111 = arith.constant 1 : i32
        %dma_wait3A_1112 = arith.constant 0 : i32
        %dma_wait3A_1113 = arith.constant 2 : i32
        %dma_wait3A_1114 = arith.constant 16 : i32
        %dma_wait3A_1115 = arith.constant 0 : i32
        %dma_wait3A_1116 = tpu.memref_slice %arg12[%dma_wait3A_1111, %dma_wait3A_1114, %dma_wait3A_1115] : memref<2x64x129xf32, #tpu.memory_space<vmem>> -> memref<1x8x128xf32, #tpu.memory_space<vmem>>
        %dma_wait3A_1117 = tpu.memref_squeeze %dma_wait3A_1116 : memref<1x8x128xf32, #tpu.memory_space<vmem>> -> memref<8x128xf32, #tpu.memory_space<vmem>>
        %dma_wait3A_1118 = arith.constant 0 : i32
        %dma_wait3A_1119 = arith.constant 0 : i32
        %dma_wait3A_1120 = tpu.memref_slice %arg5[%dma_wait3A_1112, %dma_wait3A_1113, %add3A, %dma_wait3A_1118, %dma_wait3A_1119] : memref<200x8x32x8x128xf32, #tpu.memory_space<hbm>> -> memref<1x1x1x8x128xf32, #tpu.memory_space<hbm>>
        %dma_wait3A_1121 = tpu.memref_squeeze %dma_wait3A_1120 : memref<1x1x1x8x128xf32, #tpu.memory_space<hbm>> -> memref<8x128xf32, #tpu.memory_space<hbm>>
        %dma_wait3A_1122 = arith.constant 0 : i32
        %dma_wait3A_1123 = arith.constant 0 : i32
        %dma_wait3A_1124 = tpu.memref_slice %arg5[%dma_wait3A_1112, %dma_wait3A_1113, %add3A, %dma_wait3A_1122, %dma_wait3A_1123] : memref<200x8x32x8x128xf32, #tpu.memory_space<hbm>> -> memref<1x1x1x8x128xf32, #tpu.memory_space<hbm>>
        %dma_wait3A_1125 = tpu.memref_squeeze %dma_wait3A_1124 : memref<1x1x1x8x128xf32, #tpu.memory_space<hbm>> -> memref<8x128xf32, #tpu.memory_space<hbm>>
        %dma_wait3A_1126 = arith.constant 16 : i32
        %dma_wait3A_1127 = arith.constant 0 : i32
        %dma_wait3A_1128 = tpu.memref_slice %arg12[%dma_wait3A_1111, %dma_wait3A_1126, %dma_wait3A_1127] : memref<2x64x129xf32, #tpu.memory_space<vmem>> -> memref<1x8x128xf32, #tpu.memory_space<vmem>>
        %dma_wait3A_1129 = tpu.memref_squeeze %dma_wait3A_1128 : memref<1x8x128xf32, #tpu.memory_space<vmem>> -> memref<8x128xf32, #tpu.memory_space<vmem>>
        tpu.wait_dma2 semaphore(%arg18 : memref<!tpu.dma_semaphore, #tpu.memory_space<semaphore_mem>>) src(%dma_wait3A_1129 : memref<8x128xf32, #tpu.memory_space<vmem>>) dst(%dma_wait3A_1125 : memref<8x128xf32, #tpu.memory_space<hbm>>)
        %dma_wait3A_1130 = arith.constant 1 : i32
        %dma_wait3A_1131 = arith.constant 0 : i32
        %dma_wait3A_1132 = arith.constant 3 : i32
        %dma_wait3A_1133 = arith.constant 24 : i32
        %dma_wait3A_1134 = arith.constant 0 : i32
        %dma_wait3A_1135 = tpu.memref_slice %arg12[%dma_wait3A_1130, %dma_wait3A_1133, %dma_wait3A_1134] : memref<2x64x129xf32, #tpu.memory_space<vmem>> -> memref<1x8x128xf32, #tpu.memory_space<vmem>>
        %dma_wait3A_1136 = tpu.memref_squeeze %dma_wait3A_1135 : memref<1x8x128xf32, #tpu.memory_space<vmem>> -> memref<8x128xf32, #tpu.memory_space<vmem>>
        %dma_wait3A_1137 = arith.constant 0 : i32
        %dma_wait3A_1138 = arith.constant 0 : i32
        %dma_wait3A_1139 = tpu.memref_slice %arg5[%dma_wait3A_1131, %dma_wait3A_1132, %add3A, %dma_wait3A_1137, %dma_wait3A_1138] : memref<200x8x32x8x128xf32, #tpu.memory_space<hbm>> -> memref<1x1x1x8x128xf32, #tpu.memory_space<hbm>>
        %dma_wait3A_1140 = tpu.memref_squeeze %dma_wait3A_1139 : memref<1x1x1x8x128xf32, #tpu.memory_space<hbm>> -> memref<8x128xf32, #tpu.memory_space<hbm>>
        %dma_wait3A_1141 = arith.constant 0 : i32
        %dma_wait3A_1142 = arith.constant 0 : i32
        %dma_wait3A_1143 = tpu.memref_slice %arg5[%dma_wait3A_1131, %dma_wait3A_1132, %add3A, %dma_wait3A_1141, %dma_wait3A_1142] : memref<200x8x32x8x128xf32, #tpu.memory_space<hbm>> -> memref<1x1x1x8x128xf32, #tpu.memory_space<hbm>>
        %dma_wait3A_1144 = tpu.memref_squeeze %dma_wait3A_1143 : memref<1x1x1x8x128xf32, #tpu.memory_space<hbm>> -> memref<8x128xf32, #tpu.memory_space<hbm>>
        %dma_wait3A_1145 = arith.constant 24 : i32
        %dma_wait3A_1146 = arith.constant 0 : i32
        %dma_wait3A_1147 = tpu.memref_slice %arg12[%dma_wait3A_1130, %dma_wait3A_1145, %dma_wait3A_1146] : memref<2x64x129xf32, #tpu.memory_space<vmem>> -> memref<1x8x128xf32, #tpu.memory_space<vmem>>
        %dma_wait3A_1148 = tpu.memref_squeeze %dma_wait3A_1147 : memref<1x8x128xf32, #tpu.memory_space<vmem>> -> memref<8x128xf32, #tpu.memory_space<vmem>>
        tpu.wait_dma2 semaphore(%arg18 : memref<!tpu.dma_semaphore, #tpu.memory_space<semaphore_mem>>) src(%dma_wait3A_1148 : memref<8x128xf32, #tpu.memory_space<vmem>>) dst(%dma_wait3A_1144 : memref<8x128xf32, #tpu.memory_space<hbm>>)
        %dma_wait3A_1149 = arith.constant 1 : i32
        %dma_wait3A_1150 = arith.constant 0 : i32
        %dma_wait3A_1151 = arith.constant 4 : i32
        %dma_wait3A_1152 = arith.constant 32 : i32
        %dma_wait3A_1153 = arith.constant 0 : i32
        %dma_wait3A_1154 = tpu.memref_slice %arg12[%dma_wait3A_1149, %dma_wait3A_1152, %dma_wait3A_1153] : memref<2x64x129xf32, #tpu.memory_space<vmem>> -> memref<1x8x128xf32, #tpu.memory_space<vmem>>
        %dma_wait3A_1155 = tpu.memref_squeeze %dma_wait3A_1154 : memref<1x8x128xf32, #tpu.memory_space<vmem>> -> memref<8x128xf32, #tpu.memory_space<vmem>>
        %dma_wait3A_1156 = arith.constant 0 : i32
        %dma_wait3A_1157 = arith.constant 0 : i32
        %dma_wait3A_1158 = tpu.memref_slice %arg5[%dma_wait3A_1150, %dma_wait3A_1151, %add3A, %dma_wait3A_1156, %dma_wait3A_1157] : memref<200x8x32x8x128xf32, #tpu.memory_space<hbm>> -> memref<1x1x1x8x128xf32, #tpu.memory_space<hbm>>
        %dma_wait3A_1159 = tpu.memref_squeeze %dma_wait3A_1158 : memref<1x1x1x8x128xf32, #tpu.memory_space<hbm>> -> memref<8x128xf32, #tpu.memory_space<hbm>>
        %dma_wait3A_1160 = arith.constant 0 : i32
        %dma_wait3A_1161 = arith.constant 0 : i32
        %dma_wait3A_1162 = tpu.memref_slice %arg5[%dma_wait3A_1150, %dma_wait3A_1151, %add3A, %dma_wait3A_1160, %dma_wait3A_1161] : memref<200x8x32x8x128xf32, #tpu.memory_space<hbm>> -> memref<1x1x1x8x128xf32, #tpu.memory_space<hbm>>
        %dma_wait3A_1163 = tpu.memref_squeeze %dma_wait3A_1162 : memref<1x1x1x8x128xf32, #tpu.memory_space<hbm>> -> memref<8x128xf32, #tpu.memory_space<hbm>>
        %dma_wait3A_1164 = arith.constant 32 : i32
        %dma_wait3A_1165 = arith.constant 0 : i32
        %dma_wait3A_1166 = tpu.memref_slice %arg12[%dma_wait3A_1149, %dma_wait3A_1164, %dma_wait3A_1165] : memref<2x64x129xf32, #tpu.memory_space<vmem>> -> memref<1x8x128xf32, #tpu.memory_space<vmem>>
        %dma_wait3A_1167 = tpu.memref_squeeze %dma_wait3A_1166 : memref<1x8x128xf32, #tpu.memory_space<vmem>> -> memref<8x128xf32, #tpu.memory_space<vmem>>
        tpu.wait_dma2 semaphore(%arg18 : memref<!tpu.dma_semaphore, #tpu.memory_space<semaphore_mem>>) src(%dma_wait3A_1167 : memref<8x128xf32, #tpu.memory_space<vmem>>) dst(%dma_wait3A_1163 : memref<8x128xf32, #tpu.memory_space<hbm>>)
        %dma_wait3A_1168 = arith.constant 1 : i32
        %dma_wait3A_1169 = arith.constant 0 : i32
        %dma_wait3A_1170 = arith.constant 5 : i32
        %dma_wait3A_1171 = arith.constant 40 : i32
        %dma_wait3A_1172 = arith.constant 0 : i32
        %dma_wait3A_1173 = tpu.memref_slice %arg12[%dma_wait3A_1168, %dma_wait3A_1171, %dma_wait3A_1172] : memref<2x64x129xf32, #tpu.memory_space<vmem>> -> memref<1x8x128xf32, #tpu.memory_space<vmem>>
        %dma_wait3A_1174 = tpu.memref_squeeze %dma_wait3A_1173 : memref<1x8x128xf32, #tpu.memory_space<vmem>> -> memref<8x128xf32, #tpu.memory_space<vmem>>
        %dma_wait3A_1175 = arith.constant 0 : i32
        %dma_wait3A_1176 = arith.constant 0 : i32
        %dma_wait3A_1177 = tpu.memref_slice %arg5[%dma_wait3A_1169, %dma_wait3A_1170, %add3A, %dma_wait3A_1175, %dma_wait3A_1176] : memref<200x8x32x8x128xf32, #tpu.memory_space<hbm>> -> memref<1x1x1x8x128xf32, #tpu.memory_space<hbm>>
        %dma_wait3A_1178 = tpu.memref_squeeze %dma_wait3A_1177 : memref<1x1x1x8x128xf32, #tpu.memory_space<hbm>> -> memref<8x128xf32, #tpu.memory_space<hbm>>
        %dma_wait3A_1179 = arith.constant 0 : i32
        %dma_wait3A_1180 = arith.constant 0 : i32
        %dma_wait3A_1181 = tpu.memref_slice %arg5[%dma_wait3A_1169, %dma_wait3A_1170, %add3A, %dma_wait3A_1179, %dma_wait3A_1180] : memref<200x8x32x8x128xf32, #tpu.memory_space<hbm>> -> memref<1x1x1x8x128xf32, #tpu.memory_space<hbm>>
        %dma_wait3A_1182 = tpu.memref_squeeze %dma_wait3A_1181 : memref<1x1x1x8x128xf32, #tpu.memory_space<hbm>> -> memref<8x128xf32, #tpu.memory_space<hbm>>
        %dma_wait3A_1183 = arith.constant 40 : i32
        %dma_wait3A_1184 = arith.constant 0 : i32
        %dma_wait3A_1185 = tpu.memref_slice %arg12[%dma_wait3A_1168, %dma_wait3A_1183, %dma_wait3A_1184] : memref<2x64x129xf32, #tpu.memory_space<vmem>> -> memref<1x8x128xf32, #tpu.memory_space<vmem>>
        %dma_wait3A_1186 = tpu.memref_squeeze %dma_wait3A_1185 : memref<1x8x128xf32, #tpu.memory_space<vmem>> -> memref<8x128xf32, #tpu.memory_space<vmem>>
        tpu.wait_dma2 semaphore(%arg18 : memref<!tpu.dma_semaphore, #tpu.memory_space<semaphore_mem>>) src(%dma_wait3A_1186 : memref<8x128xf32, #tpu.memory_space<vmem>>) dst(%dma_wait3A_1182 : memref<8x128xf32, #tpu.memory_space<hbm>>)
        %dma_wait3A_1187 = arith.constant 1 : i32
        %dma_wait3A_1188 = arith.constant 0 : i32
        %dma_wait3A_1189 = arith.constant 6 : i32
        %dma_wait3A_1190 = arith.constant 48 : i32
        %dma_wait3A_1191 = arith.constant 0 : i32
        %dma_wait3A_1192 = tpu.memref_slice %arg12[%dma_wait3A_1187, %dma_wait3A_1190, %dma_wait3A_1191] : memref<2x64x129xf32, #tpu.memory_space<vmem>> -> memref<1x8x128xf32, #tpu.memory_space<vmem>>
        %dma_wait3A_1193 = tpu.memref_squeeze %dma_wait3A_1192 : memref<1x8x128xf32, #tpu.memory_space<vmem>> -> memref<8x128xf32, #tpu.memory_space<vmem>>
        %dma_wait3A_1194 = arith.constant 0 : i32
        %dma_wait3A_1195 = arith.constant 0 : i32
        %dma_wait3A_1196 = tpu.memref_slice %arg5[%dma_wait3A_1188, %dma_wait3A_1189, %add3A, %dma_wait3A_1194, %dma_wait3A_1195] : memref<200x8x32x8x128xf32, #tpu.memory_space<hbm>> -> memref<1x1x1x8x128xf32, #tpu.memory_space<hbm>>
        %dma_wait3A_1197 = tpu.memref_squeeze %dma_wait3A_1196 : memref<1x1x1x8x128xf32, #tpu.memory_space<hbm>> -> memref<8x128xf32, #tpu.memory_space<hbm>>
        %dma_wait3A_1198 = arith.constant 0 : i32
        %dma_wait3A_1199 = arith.constant 0 : i32
        %dma_wait3A_1200 = tpu.memref_slice %arg5[%dma_wait3A_1188, %dma_wait3A_1189, %add3A, %dma_wait3A_1198, %dma_wait3A_1199] : memref<200x8x32x8x128xf32, #tpu.memory_space<hbm>> -> memref<1x1x1x8x128xf32, #tpu.memory_space<hbm>>
        %dma_wait3A_1201 = tpu.memref_squeeze %dma_wait3A_1200 : memref<1x1x1x8x128xf32, #tpu.memory_space<hbm>> -> memref<8x128xf32, #tpu.memory_space<hbm>>
        %dma_wait3A_1202 = arith.constant 48 : i32
        %dma_wait3A_1203 = arith.constant 0 : i32
        %dma_wait3A_1204 = tpu.memref_slice %arg12[%dma_wait3A_1187, %dma_wait3A_1202, %dma_wait3A_1203] : memref<2x64x129xf32, #tpu.memory_space<vmem>> -> memref<1x8x128xf32, #tpu.memory_space<vmem>>
        %dma_wait3A_1205 = tpu.memref_squeeze %dma_wait3A_1204 : memref<1x8x128xf32, #tpu.memory_space<vmem>> -> memref<8x128xf32, #tpu.memory_space<vmem>>
        tpu.wait_dma2 semaphore(%arg18 : memref<!tpu.dma_semaphore, #tpu.memory_space<semaphore_mem>>) src(%dma_wait3A_1205 : memref<8x128xf32, #tpu.memory_space<vmem>>) dst(%dma_wait3A_1201 : memref<8x128xf32, #tpu.memory_space<hbm>>)
        %dma_wait3A_1206 = arith.constant 1 : i32
        %dma_wait3A_1207 = arith.constant 0 : i32
        %dma_wait3A_1208 = arith.constant 7 : i32
        %dma_wait3A_1209 = arith.constant 56 : i32
        %dma_wait3A_1210 = arith.constant 0 : i32
        %dma_wait3A_1211 = tpu.memref_slice %arg12[%dma_wait3A_1206, %dma_wait3A_1209, %dma_wait3A_1210] : memref<2x64x129xf32, #tpu.memory_space<vmem>> -> memref<1x8x128xf32, #tpu.memory_space<vmem>>
        %dma_wait3A_1212 = tpu.memref_squeeze %dma_wait3A_1211 : memref<1x8x128xf32, #tpu.memory_space<vmem>> -> memref<8x128xf32, #tpu.memory_space<vmem>>
        %dma_wait3A_1213 = arith.constant 0 : i32
        %dma_wait3A_1214 = arith.constant 0 : i32
        %dma_wait3A_1215 = tpu.memref_slice %arg5[%dma_wait3A_1207, %dma_wait3A_1208, %add3A, %dma_wait3A_1213, %dma_wait3A_1214] : memref<200x8x32x8x128xf32, #tpu.memory_space<hbm>> -> memref<1x1x1x8x128xf32, #tpu.memory_space<hbm>>
        %dma_wait3A_1216 = tpu.memref_squeeze %dma_wait3A_1215 : memref<1x1x1x8x128xf32, #tpu.memory_space<hbm>> -> memref<8x128xf32, #tpu.memory_space<hbm>>
        %dma_wait3A_1217 = arith.constant 0 : i32
        %dma_wait3A_1218 = arith.constant 0 : i32
        %dma_wait3A_1219 = tpu.memref_slice %arg5[%dma_wait3A_1207, %dma_wait3A_1208, %add3A, %dma_wait3A_1217, %dma_wait3A_1218] : memref<200x8x32x8x128xf32, #tpu.memory_space<hbm>> -> memref<1x1x1x8x128xf32, #tpu.memory_space<hbm>>
        %dma_wait3A_1220 = tpu.memref_squeeze %dma_wait3A_1219 : memref<1x1x1x8x128xf32, #tpu.memory_space<hbm>> -> memref<8x128xf32, #tpu.memory_space<hbm>>
        %dma_wait3A_1221 = arith.constant 56 : i32
        %dma_wait3A_1222 = arith.constant 0 : i32
        %dma_wait3A_1223 = tpu.memref_slice %arg12[%dma_wait3A_1206, %dma_wait3A_1221, %dma_wait3A_1222] : memref<2x64x129xf32, #tpu.memory_space<vmem>> -> memref<1x8x128xf32, #tpu.memory_space<vmem>>
        %dma_wait3A_1224 = tpu.memref_squeeze %dma_wait3A_1223 : memref<1x8x128xf32, #tpu.memory_space<vmem>> -> memref<8x128xf32, #tpu.memory_space<vmem>>
        tpu.wait_dma2 semaphore(%arg18 : memref<!tpu.dma_semaphore, #tpu.memory_space<semaphore_mem>>) src(%dma_wait3A_1224 : memref<8x128xf32, #tpu.memory_space<vmem>>) dst(%dma_wait3A_1220 : memref<8x128xf32, #tpu.memory_space<hbm>>)
      } else {
      }
      %dma_wait3A_919 = arith.constant 0 : i32
      %dma_wait3A_920 = tpu.memref_slice %arg6[%add3A_892, %dma_wait3A_919] : memref<200x128xi32, #tpu.memory_space<vmem>> -> memref<1x128xi32, #tpu.memory_space<vmem>>
      %dma_wait3A_921 = tpu.memref_squeeze %dma_wait3A_920 : memref<1x128xi32, #tpu.memory_space<vmem>> -> memref<128xi32, #tpu.memory_space<vmem>>
      %dma_wait3A_922 = arith.constant 0 : i32
      %dma_wait3A_923 = arith.constant 0 : i32
      %dma_wait3A_924 = tpu.memref_slice %arg3[%dma_wait3A_922, %dma_wait3A_923] : memref<1000000x64xf32, #tpu.memory_space<hbm>> -> memref<1000000x64xf32, #tpu.memory_space<hbm>>
      tpu.wait_indirect_dma semaphore(%arg16 : memref<!tpu.dma_semaphore, #tpu.memory_space<semaphore_mem>>) src(%dma_wait3A_924 : memref<1000000x64xf32, #tpu.memory_space<hbm>>) dst(%arg11 : memref<128x64xf32, #tpu.memory_space<vmem>>)
      %parallel_loop3A_925 = arith.constant 0 : i32
      %parallel_loop3A_926 = arith.constant 128 : i32
      %parallel_loop3A_927 = arith.constant 1 : i32
      %parallel_loop3A_928 = arith.constant 1 : i32
      scf.for %parallel_loop3A_1073 = %parallel_loop3A_925 to %parallel_loop3A_926 step %parallel_loop3A_927  : i32 {
        %parallel_loop3A_1074 = vector.broadcast %parallel_loop3A_1073 : i32 to vector<16xi32>
        %parallel_loop3A_1075 = arith.index_cast %parallel_loop3A_1073 : i32 to index
        %parallel_loop3A_1076 = arith.constant 0 : index
        %parallel_loop3A_1077 = tpu.vector_load %arg11[%parallel_loop3A_1075, %parallel_loop3A_1076] {strides = array<i32>} : memref<128x64xf32, #tpu.memory_space<vmem>>, vector<16xf32>,
        %parallel_loop3A_1078 = arith.addf %parallel_loop3A_1077, %get3A_904 : vector<16xf32>
        %parallel_loop3A_1079 = arith.constant 0 : i32
        %parallel_loop3A_1080 = arith.constant 0 : i32
        %parallel_loop3A_1081 = tpu.memref_slice %arg12[%parallel_loop3A_928, %parallel_loop3A_1079, %parallel_loop3A_1080] : memref<2x64x129xf32, #tpu.memory_space<vmem>> -> memref<1x64x129xf32, #tpu.memory_space<vmem>>
        %parallel_loop3A_1082 = tpu.memref_squeeze %parallel_loop3A_1081 : memref<1x64x129xf32, #tpu.memory_space<vmem>> -> memref<64x129xf32, #tpu.memory_space<vmem>>
        tpu.vector_store_idx %parallel_loop3A_1082[%add3A_5, %parallel_loop3A_1074], %parallel_loop3A_1078 : memref<64x129xf32, #tpu.memory_space<vmem>>[vector<16xi32>, vector<16xi32>], vector<16xf32>,
        %parallel_loop3A_1083 = arith.index_cast %parallel_loop3A_1073 : i32 to index
        %parallel_loop3A_1084 = arith.constant 16 : index
        %parallel_loop3A_1085 = tpu.vector_load %arg11[%parallel_loop3A_1083, %parallel_loop3A_1084] {strides = array<i32>} : memref<128x64xf32, #tpu.memory_space<vmem>>, vector<16xf32>,
        %parallel_loop3A_1086 = arith.addf %parallel_loop3A_1085, %get3A_907 : vector<16xf32>
        %parallel_loop3A_1087 = arith.constant 0 : i32
        %parallel_loop3A_1088 = arith.constant 0 : i32
        %parallel_loop3A_1089 = tpu.memref_slice %arg12[%parallel_loop3A_928, %parallel_loop3A_1087, %parallel_loop3A_1088] : memref<2x64x129xf32, #tpu.memory_space<vmem>> -> memref<1x64x129xf32, #tpu.memory_space<vmem>>
        %parallel_loop3A_1090 = tpu.memref_squeeze %parallel_loop3A_1089 : memref<1x64x129xf32, #tpu.memory_space<vmem>> -> memref<64x129xf32, #tpu.memory_space<vmem>>
        tpu.vector_store_idx %parallel_loop3A_1090[%add3A_8, %parallel_loop3A_1074], %parallel_loop3A_1086 : memref<64x129xf32, #tpu.memory_space<vmem>>[vector<16xi32>, vector<16xi32>], vector<16xf32>,
        %parallel_loop3A_1091 = arith.index_cast %parallel_loop3A_1073 : i32 to index
        %parallel_loop3A_1092 = arith.constant 32 : index
        %parallel_loop3A_1093 = tpu.vector_load %arg11[%parallel_loop3A_1091, %parallel_loop3A_1092] {strides = array<i32>} : memref<128x64xf32, #tpu.memory_space<vmem>>, vector<16xf32>,
        %parallel_loop3A_1094 = arith.addf %parallel_loop3A_1093, %get3A_910 : vector<16xf32>
        %parallel_loop3A_1095 = arith.constant 0 : i32
        %parallel_loop3A_1096 = arith.constant 0 : i32
        %parallel_loop3A_1097 = tpu.memref_slice %arg12[%parallel_loop3A_928, %parallel_loop3A_1095, %parallel_loop3A_1096] : memref<2x64x129xf32, #tpu.memory_space<vmem>> -> memref<1x64x129xf32, #tpu.memory_space<vmem>>
        %parallel_loop3A_1098 = tpu.memref_squeeze %parallel_loop3A_1097 : memref<1x64x129xf32, #tpu.memory_space<vmem>> -> memref<64x129xf32, #tpu.memory_space<vmem>>
        tpu.vector_store_idx %parallel_loop3A_1098[%add3A_11, %parallel_loop3A_1074], %parallel_loop3A_1094 : memref<64x129xf32, #tpu.memory_space<vmem>>[vector<16xi32>, vector<16xi32>], vector<16xf32>,
        %parallel_loop3A_1099 = arith.index_cast %parallel_loop3A_1073 : i32 to index
        %parallel_loop3A_1100 = arith.constant 48 : index
        %parallel_loop3A_1101 = tpu.vector_load %arg11[%parallel_loop3A_1099, %parallel_loop3A_1100] {strides = array<i32>} : memref<128x64xf32, #tpu.memory_space<vmem>>, vector<16xf32>,
        %parallel_loop3A_1102 = arith.addf %parallel_loop3A_1101, %get3A_913 : vector<16xf32>
        %parallel_loop3A_1103 = arith.constant 0 : i32
        %parallel_loop3A_1104 = arith.constant 0 : i32
        %parallel_loop3A_1105 = tpu.memref_slice %arg12[%parallel_loop3A_928, %parallel_loop3A_1103, %parallel_loop3A_1104] : memref<2x64x129xf32, #tpu.memory_space<vmem>> -> memref<1x64x129xf32, #tpu.memory_space<vmem>>
        %parallel_loop3A_1106 = tpu.memref_squeeze %parallel_loop3A_1105 : memref<1x64x129xf32, #tpu.memory_space<vmem>> -> memref<64x129xf32, #tpu.memory_space<vmem>>
        tpu.vector_store_idx %parallel_loop3A_1106[%add3A_14, %parallel_loop3A_1074], %parallel_loop3A_1102 : memref<64x129xf32, #tpu.memory_space<vmem>>[vector<16xi32>, vector<16xi32>], vector<16xf32>,
      } {sc.loop_unroll_factor = 8 : i64, sc.parallel_access}
      %dma_start3A_929 = arith.constant 1 : i32
      %dma_start3A_930 = arith.constant 0 : i32
      %dma_start3A_931 = arith.constant 0 : i32
      %dma_start3A_932 = arith.constant 0 : i32
      %dma_start3A_933 = tpu.memref_slice %arg12[%dma_start3A_929, %dma_start3A_931, %dma_start3A_932] : memref<2x64x129xf32, #tpu.memory_space<vmem>> -> memref<1x8x128xf32, #tpu.memory_space<vmem>>
      %dma_start3A_934 = tpu.memref_squeeze %dma_start3A_933 : memref<1x8x128xf32, #tpu.memory_space<vmem>> -> memref<8x128xf32, #tpu.memory_space<vmem>>
      %dma_start3A_935 = arith.constant 0 : i32
      %dma_start3A_936 = arith.constant 0 : i32
      %dma_start3A_937 = tpu.memref_slice %arg5[%add3A_892, %dma_start3A_930, %add3A, %dma_start3A_935, %dma_start3A_936] : memref<200x8x32x8x128xf32, #tpu.memory_space<hbm>> -> memref<1x1x1x8x128xf32, #tpu.memory_space<hbm>>
      %dma_start3A_938 = tpu.memref_squeeze %dma_start3A_937 : memref<1x1x1x8x128xf32, #tpu.memory_space<hbm>> -> memref<8x128xf32, #tpu.memory_space<hbm>>
      %dma_start3A_939 = arith.constant 0 : i32
      %dma_start3A_940 = arith.constant 0 : i32
      %dma_start3A_941 = tpu.memref_slice %arg5[%add3A_892, %dma_start3A_930, %add3A, %dma_start3A_939, %dma_start3A_940] : memref<200x8x32x8x128xf32, #tpu.memory_space<hbm>> -> memref<1x1x1x8x128xf32, #tpu.memory_space<hbm>>
      %dma_start3A_942 = tpu.memref_squeeze %dma_start3A_941 : memref<1x1x1x8x128xf32, #tpu.memory_space<hbm>> -> memref<8x128xf32, #tpu.memory_space<hbm>>
      %dma_start3A_943 = arith.constant 0 : i32
      %dma_start3A_944 = arith.constant 0 : i32
      %dma_start3A_945 = tpu.memref_slice %arg12[%dma_start3A_929, %dma_start3A_943, %dma_start3A_944] : memref<2x64x129xf32, #tpu.memory_space<vmem>> -> memref<1x8x128xf32, #tpu.memory_space<vmem>>
      %dma_start3A_946 = tpu.memref_squeeze %dma_start3A_945 : memref<1x8x128xf32, #tpu.memory_space<vmem>> -> memref<8x128xf32, #tpu.memory_space<vmem>>
      tpu.enqueue_dma source(%dma_start3A_946 : memref<8x128xf32, #tpu.memory_space<vmem>>) target(%dma_start3A_942 : memref<8x128xf32, #tpu.memory_space<hbm>>) target_semaphore(%arg18 : memref<!tpu.dma_semaphore, #tpu.memory_space<semaphore_mem>>)
      %dma_start3A_947 = arith.constant 1 : i32
      %dma_start3A_948 = arith.constant 1 : i32
      %dma_start3A_949 = arith.constant 8 : i32
      %dma_start3A_950 = arith.constant 0 : i32
      %dma_start3A_951 = tpu.memref_slice %arg12[%dma_start3A_947, %dma_start3A_949, %dma_start3A_950] : memref<2x64x129xf32, #tpu.memory_space<vmem>> -> memref<1x8x128xf32, #tpu.memory_space<vmem>>
      %dma_start3A_952 = tpu.memref_squeeze %dma_start3A_951 : memref<1x8x128xf32, #tpu.memory_space<vmem>> -> memref<8x128xf32, #tpu.memory_space<vmem>>
      %dma_start3A_953 = arith.constant 0 : i32
      %dma_start3A_954 = arith.constant 0 : i32
      %dma_start3A_955 = tpu.memref_slice %arg5[%add3A_892, %dma_start3A_948, %add3A, %dma_start3A_953, %dma_start3A_954] : memref<200x8x32x8x128xf32, #tpu.memory_space<hbm>> -> memref<1x1x1x8x128xf32, #tpu.memory_space<hbm>>
      %dma_start3A_956 = tpu.memref_squeeze %dma_start3A_955 : memref<1x1x1x8x128xf32, #tpu.memory_space<hbm>> -> memref<8x128xf32, #tpu.memory_space<hbm>>
      %dma_start3A_957 = arith.constant 0 : i32
      %dma_start3A_958 = arith.constant 0 : i32
      %dma_start3A_959 = tpu.memref_slice %arg5[%add3A_892, %dma_start3A_948, %add3A, %dma_start3A_957, %dma_start3A_958] : memref<200x8x32x8x128xf32, #tpu.memory_space<hbm>> -> memref<1x1x1x8x128xf32, #tpu.memory_space<hbm>>
      %dma_start3A_960 = tpu.memref_squeeze %dma_start3A_959 : memref<1x1x1x8x128xf32, #tpu.memory_space<hbm>> -> memref<8x128xf32, #tpu.memory_space<hbm>>
      %dma_start3A_961 = arith.constant 8 : i32
      %dma_start3A_962 = arith.constant 0 : i32
      %dma_start3A_963 = tpu.memref_slice %arg12[%dma_start3A_947, %dma_start3A_961, %dma_start3A_962] : memref<2x64x129xf32, #tpu.memory_space<vmem>> -> memref<1x8x128xf32, #tpu.memory_space<vmem>>
      %dma_start3A_964 = tpu.memref_squeeze %dma_start3A_963 : memref<1x8x128xf32, #tpu.memory_space<vmem>> -> memref<8x128xf32, #tpu.memory_space<vmem>>
      tpu.enqueue_dma source(%dma_start3A_964 : memref<8x128xf32, #tpu.memory_space<vmem>>) target(%dma_start3A_960 : memref<8x128xf32, #tpu.memory_space<hbm>>) target_semaphore(%arg18 : memref<!tpu.dma_semaphore, #tpu.memory_space<semaphore_mem>>)
      %dma_start3A_965 = arith.constant 1 : i32
      %dma_start3A_966 = arith.constant 2 : i32
      %dma_start3A_967 = arith.constant 16 : i32
      %dma_start3A_968 = arith.constant 0 : i32
      %dma_start3A_969 = tpu.memref_slice %arg12[%dma_start3A_965, %dma_start3A_967, %dma_start3A_968] : memref<2x64x129xf32, #tpu.memory_space<vmem>> -> memref<1x8x128xf32, #tpu.memory_space<vmem>>
      %dma_start3A_970 = tpu.memref_squeeze %dma_start3A_969 : memref<1x8x128xf32, #tpu.memory_space<vmem>> -> memref<8x128xf32, #tpu.memory_space<vmem>>
      %dma_start3A_971 = arith.constant 0 : i32
      %dma_start3A_972 = arith.constant 0 : i32
      %dma_start3A_973 = tpu.memref_slice %arg5[%add3A_892, %dma_start3A_966, %add3A, %dma_start3A_971, %dma_start3A_972] : memref<200x8x32x8x128xf32, #tpu.memory_space<hbm>> -> memref<1x1x1x8x128xf32, #tpu.memory_space<hbm>>
      %dma_start3A_974 = tpu.memref_squeeze %dma_start3A_973 : memref<1x1x1x8x128xf32, #tpu.memory_space<hbm>> -> memref<8x128xf32, #tpu.memory_space<hbm>>
      %dma_start3A_975 = arith.constant 0 : i32
      %dma_start3A_976 = arith.constant 0 : i32
      %dma_start3A_977 = tpu.memref_slice %arg5[%add3A_892, %dma_start3A_966, %add3A, %dma_start3A_975, %dma_start3A_976] : memref<200x8x32x8x128xf32, #tpu.memory_space<hbm>> -> memref<1x1x1x8x128xf32, #tpu.memory_space<hbm>>
      %dma_start3A_978 = tpu.memref_squeeze %dma_start3A_977 : memref<1x1x1x8x128xf32, #tpu.memory_space<hbm>> -> memref<8x128xf32, #tpu.memory_space<hbm>>
      %dma_start3A_979 = arith.constant 16 : i32
      %dma_start3A_980 = arith.constant 0 : i32
      %dma_start3A_981 = tpu.memref_slice %arg12[%dma_start3A_965, %dma_start3A_979, %dma_start3A_980] : memref<2x64x129xf32, #tpu.memory_space<vmem>> -> memref<1x8x128xf32, #tpu.memory_space<vmem>>
      %dma_start3A_982 = tpu.memref_squeeze %dma_start3A_981 : memref<1x8x128xf32, #tpu.memory_space<vmem>> -> memref<8x128xf32, #tpu.memory_space<vmem>>
      tpu.enqueue_dma source(%dma_start3A_982 : memref<8x128xf32, #tpu.memory_space<vmem>>) target(%dma_start3A_978 : memref<8x128xf32, #tpu.memory_space<hbm>>) target_semaphore(%arg18 : memref<!tpu.dma_semaphore, #tpu.memory_space<semaphore_mem>>)
      %dma_start3A_983 = arith.constant 1 : i32
      %dma_start3A_984 = arith.constant 3 : i32
      %dma_start3A_985 = arith.constant 24 : i32
      %dma_start3A_986 = arith.constant 0 : i32
      %dma_start3A_987 = tpu.memref_slice %arg12[%dma_start3A_983, %dma_start3A_985, %dma_start3A_986] : memref<2x64x129xf32, #tpu.memory_space<vmem>> -> memref<1x8x128xf32, #tpu.memory_space<vmem>>
      %dma_start3A_988 = tpu.memref_squeeze %dma_start3A_987 : memref<1x8x128xf32, #tpu.memory_space<vmem>> -> memref<8x128xf32, #tpu.memory_space<vmem>>
      %dma_start3A_989 = arith.constant 0 : i32
      %dma_start3A_990 = arith.constant 0 : i32
      %dma_start3A_991 = tpu.memref_slice %arg5[%add3A_892, %dma_start3A_984, %add3A, %dma_start3A_989, %dma_start3A_990] : memref<200x8x32x8x128xf32, #tpu.memory_space<hbm>> -> memref<1x1x1x8x128xf32, #tpu.memory_space<hbm>>
      %dma_start3A_992 = tpu.memref_squeeze %dma_start3A_991 : memref<1x1x1x8x128xf32, #tpu.memory_space<hbm>> -> memref<8x128xf32, #tpu.memory_space<hbm>>
      %dma_start3A_993 = arith.constant 0 : i32
      %dma_start3A_994 = arith.constant 0 : i32
      %dma_start3A_995 = tpu.memref_slice %arg5[%add3A_892, %dma_start3A_984, %add3A, %dma_start3A_993, %dma_start3A_994] : memref<200x8x32x8x128xf32, #tpu.memory_space<hbm>> -> memref<1x1x1x8x128xf32, #tpu.memory_space<hbm>>
      %dma_start3A_996 = tpu.memref_squeeze %dma_start3A_995 : memref<1x1x1x8x128xf32, #tpu.memory_space<hbm>> -> memref<8x128xf32, #tpu.memory_space<hbm>>
      %dma_start3A_997 = arith.constant 24 : i32
      %dma_start3A_998 = arith.constant 0 : i32
      %dma_start3A_999 = tpu.memref_slice %arg12[%dma_start3A_983, %dma_start3A_997, %dma_start3A_998] : memref<2x64x129xf32, #tpu.memory_space<vmem>> -> memref<1x8x128xf32, #tpu.memory_space<vmem>>
      %dma_start3A_1000 = tpu.memref_squeeze %dma_start3A_999 : memref<1x8x128xf32, #tpu.memory_space<vmem>> -> memref<8x128xf32, #tpu.memory_space<vmem>>
      tpu.enqueue_dma source(%dma_start3A_1000 : memref<8x128xf32, #tpu.memory_space<vmem>>) target(%dma_start3A_996 : memref<8x128xf32, #tpu.memory_space<hbm>>) target_semaphore(%arg18 : memref<!tpu.dma_semaphore, #tpu.memory_space<semaphore_mem>>)
      %dma_start3A_1001 = arith.constant 1 : i32
      %dma_start3A_1002 = arith.constant 4 : i32
      %dma_start3A_1003 = arith.constant 32 : i32
      %dma_start3A_1004 = arith.constant 0 : i32
      %dma_start3A_1005 = tpu.memref_slice %arg12[%dma_start3A_1001, %dma_start3A_1003, %dma_start3A_1004] : memref<2x64x129xf32, #tpu.memory_space<vmem>> -> memref<1x8x128xf32, #tpu.memory_space<vmem>>
      %dma_start3A_1006 = tpu.memref_squeeze %dma_start3A_1005 : memref<1x8x128xf32, #tpu.memory_space<vmem>> -> memref<8x128xf32, #tpu.memory_space<vmem>>
      %dma_start3A_1007 = arith.constant 0 : i32
      %dma_start3A_1008 = arith.constant 0 : i32
      %dma_start3A_1009 = tpu.memref_slice %arg5[%add3A_892, %dma_start3A_1002, %add3A, %dma_start3A_1007, %dma_start3A_1008] : memref<200x8x32x8x128xf32, #tpu.memory_space<hbm>> -> memref<1x1x1x8x128xf32, #tpu.memory_space<hbm>>
      %dma_start3A_1010 = tpu.memref_squeeze %dma_start3A_1009 : memref<1x1x1x8x128xf32, #tpu.memory_space<hbm>> -> memref<8x128xf32, #tpu.memory_space<hbm>>
      %dma_start3A_1011 = arith.constant 0 : i32
      %dma_start3A_1012 = arith.constant 0 : i32
      %dma_start3A_1013 = tpu.memref_slice %arg5[%add3A_892, %dma_start3A_1002, %add3A, %dma_start3A_1011, %dma_start3A_1012] : memref<200x8x32x8x128xf32, #tpu.memory_space<hbm>> -> memref<1x1x1x8x128xf32, #tpu.memory_space<hbm>>
      %dma_start3A_1014 = tpu.memref_squeeze %dma_start3A_1013 : memref<1x1x1x8x128xf32, #tpu.memory_space<hbm>> -> memref<8x128xf32, #tpu.memory_space<hbm>>
      %dma_start3A_1015 = arith.constant 32 : i32
      %dma_start3A_1016 = arith.constant 0 : i32
      %dma_start3A_1017 = tpu.memref_slice %arg12[%dma_start3A_1001, %dma_start3A_1015, %dma_start3A_1016] : memref<2x64x129xf32, #tpu.memory_space<vmem>> -> memref<1x8x128xf32, #tpu.memory_space<vmem>>
      %dma_start3A_1018 = tpu.memref_squeeze %dma_start3A_1017 : memref<1x8x128xf32, #tpu.memory_space<vmem>> -> memref<8x128xf32, #tpu.memory_space<vmem>>
      tpu.enqueue_dma source(%dma_start3A_1018 : memref<8x128xf32, #tpu.memory_space<vmem>>) target(%dma_start3A_1014 : memref<8x128xf32, #tpu.memory_space<hbm>>) target_semaphore(%arg18 : memref<!tpu.dma_semaphore, #tpu.memory_space<semaphore_mem>>)
      %dma_start3A_1019 = arith.constant 1 : i32
      %dma_start3A_1020 = arith.constant 5 : i32
      %dma_start3A_1021 = arith.constant 40 : i32
      %dma_start3A_1022 = arith.constant 0 : i32
      %dma_start3A_1023 = tpu.memref_slice %arg12[%dma_start3A_1019, %dma_start3A_1021, %dma_start3A_1022] : memref<2x64x129xf32, #tpu.memory_space<vmem>> -> memref<1x8x128xf32, #tpu.memory_space<vmem>>
      %dma_start3A_1024 = tpu.memref_squeeze %dma_start3A_1023 : memref<1x8x128xf32, #tpu.memory_space<vmem>> -> memref<8x128xf32, #tpu.memory_space<vmem>>
      %dma_start3A_1025 = arith.constant 0 : i32
      %dma_start3A_1026 = arith.constant 0 : i32
      %dma_start3A_1027 = tpu.memref_slice %arg5[%add3A_892, %dma_start3A_1020, %add3A, %dma_start3A_1025, %dma_start3A_1026] : memref<200x8x32x8x128xf32, #tpu.memory_space<hbm>> -> memref<1x1x1x8x128xf32, #tpu.memory_space<hbm>>
      %dma_start3A_1028 = tpu.memref_squeeze %dma_start3A_1027 : memref<1x1x1x8x128xf32, #tpu.memory_space<hbm>> -> memref<8x128xf32, #tpu.memory_space<hbm>>
      %dma_start3A_1029 = arith.constant 0 : i32
      %dma_start3A_1030 = arith.constant 0 : i32
      %dma_start3A_1031 = tpu.memref_slice %arg5[%add3A_892, %dma_start3A_1020, %add3A, %dma_start3A_1029, %dma_start3A_1030] : memref<200x8x32x8x128xf32, #tpu.memory_space<hbm>> -> memref<1x1x1x8x128xf32, #tpu.memory_space<hbm>>
      %dma_start3A_1032 = tpu.memref_squeeze %dma_start3A_1031 : memref<1x1x1x8x128xf32, #tpu.memory_space<hbm>> -> memref<8x128xf32, #tpu.memory_space<hbm>>
      %dma_start3A_1033 = arith.constant 40 : i32
      %dma_start3A_1034 = arith.constant 0 : i32
      %dma_start3A_1035 = tpu.memref_slice %arg12[%dma_start3A_1019, %dma_start3A_1033, %dma_start3A_1034] : memref<2x64x129xf32, #tpu.memory_space<vmem>> -> memref<1x8x128xf32, #tpu.memory_space<vmem>>
      %dma_start3A_1036 = tpu.memref_squeeze %dma_start3A_1035 : memref<1x8x128xf32, #tpu.memory_space<vmem>> -> memref<8x128xf32, #tpu.memory_space<vmem>>
      tpu.enqueue_dma source(%dma_start3A_1036 : memref<8x128xf32, #tpu.memory_space<vmem>>) target(%dma_start3A_1032 : memref<8x128xf32, #tpu.memory_space<hbm>>) target_semaphore(%arg18 : memref<!tpu.dma_semaphore, #tpu.memory_space<semaphore_mem>>)
      %dma_start3A_1037 = arith.constant 1 : i32
      %dma_start3A_1038 = arith.constant 6 : i32
      %dma_start3A_1039 = arith.constant 48 : i32
      %dma_start3A_1040 = arith.constant 0 : i32
      %dma_start3A_1041 = tpu.memref_slice %arg12[%dma_start3A_1037, %dma_start3A_1039, %dma_start3A_1040] : memref<2x64x129xf32, #tpu.memory_space<vmem>> -> memref<1x8x128xf32, #tpu.memory_space<vmem>>
      %dma_start3A_1042 = tpu.memref_squeeze %dma_start3A_1041 : memref<1x8x128xf32, #tpu.memory_space<vmem>> -> memref<8x128xf32, #tpu.memory_space<vmem>>
      %dma_start3A_1043 = arith.constant 0 : i32
      %dma_start3A_1044 = arith.constant 0 : i32
      %dma_start3A_1045 = tpu.memref_slice %arg5[%add3A_892, %dma_start3A_1038, %add3A, %dma_start3A_1043, %dma_start3A_1044] : memref<200x8x32x8x128xf32, #tpu.memory_space<hbm>> -> memref<1x1x1x8x128xf32, #tpu.memory_space<hbm>>
      %dma_start3A_1046 = tpu.memref_squeeze %dma_start3A_1045 : memref<1x1x1x8x128xf32, #tpu.memory_space<hbm>> -> memref<8x128xf32, #tpu.memory_space<hbm>>
      %dma_start3A_1047 = arith.constant 0 : i32
      %dma_start3A_1048 = arith.constant 0 : i32
      %dma_start3A_1049 = tpu.memref_slice %arg5[%add3A_892, %dma_start3A_1038, %add3A, %dma_start3A_1047, %dma_start3A_1048] : memref<200x8x32x8x128xf32, #tpu.memory_space<hbm>> -> memref<1x1x1x8x128xf32, #tpu.memory_space<hbm>>
      %dma_start3A_1050 = tpu.memref_squeeze %dma_start3A_1049 : memref<1x1x1x8x128xf32, #tpu.memory_space<hbm>> -> memref<8x128xf32, #tpu.memory_space<hbm>>
      %dma_start3A_1051 = arith.constant 48 : i32
      %dma_start3A_1052 = arith.constant 0 : i32
      %dma_start3A_1053 = tpu.memref_slice %arg12[%dma_start3A_1037, %dma_start3A_1051, %dma_start3A_1052] : memref<2x64x129xf32, #tpu.memory_space<vmem>> -> memref<1x8x128xf32, #tpu.memory_space<vmem>>
      %dma_start3A_1054 = tpu.memref_squeeze %dma_start3A_1053 : memref<1x8x128xf32, #tpu.memory_space<vmem>> -> memref<8x128xf32, #tpu.memory_space<vmem>>
      tpu.enqueue_dma source(%dma_start3A_1054 : memref<8x128xf32, #tpu.memory_space<vmem>>) target(%dma_start3A_1050 : memref<8x128xf32, #tpu.memory_space<hbm>>) target_semaphore(%arg18 : memref<!tpu.dma_semaphore, #tpu.memory_space<semaphore_mem>>)
      %dma_start3A_1055 = arith.constant 1 : i32
      %dma_start3A_1056 = arith.constant 7 : i32
      %dma_start3A_1057 = arith.constant 56 : i32
      %dma_start3A_1058 = arith.constant 0 : i32
      %dma_start3A_1059 = tpu.memref_slice %arg12[%dma_start3A_1055, %dma_start3A_1057, %dma_start3A_1058] : memref<2x64x129xf32, #tpu.memory_space<vmem>> -> memref<1x8x128xf32, #tpu.memory_space<vmem>>
      %dma_start3A_1060 = tpu.memref_squeeze %dma_start3A_1059 : memref<1x8x128xf32, #tpu.memory_space<vmem>> -> memref<8x128xf32, #tpu.memory_space<vmem>>
      %dma_start3A_1061 = arith.constant 0 : i32
      %dma_start3A_1062 = arith.constant 0 : i32
      %dma_start3A_1063 = tpu.memref_slice %arg5[%add3A_892, %dma_start3A_1056, %add3A, %dma_start3A_1061, %dma_start3A_1062] : memref<200x8x32x8x128xf32, #tpu.memory_space<hbm>> -> memref<1x1x1x8x128xf32, #tpu.memory_space<hbm>>
      %dma_start3A_1064 = tpu.memref_squeeze %dma_start3A_1063 : memref<1x1x1x8x128xf32, #tpu.memory_space<hbm>> -> memref<8x128xf32, #tpu.memory_space<hbm>>
      %dma_start3A_1065 = arith.constant 0 : i32
      %dma_start3A_1066 = arith.constant 0 : i32
      %dma_start3A_1067 = tpu.memref_slice %arg5[%add3A_892, %dma_start3A_1056, %add3A, %dma_start3A_1065, %dma_start3A_1066] : memref<200x8x32x8x128xf32, #tpu.memory_space<hbm>> -> memref<1x1x1x8x128xf32, #tpu.memory_space<hbm>>
      %dma_start3A_1068 = tpu.memref_squeeze %dma_start3A_1067 : memref<1x1x1x8x128xf32, #tpu.memory_space<hbm>> -> memref<8x128xf32, #tpu.memory_space<hbm>>
      %dma_start3A_1069 = arith.constant 56 : i32
      %dma_start3A_1070 = arith.constant 0 : i32
      %dma_start3A_1071 = tpu.memref_slice %arg12[%dma_start3A_1055, %dma_start3A_1069, %dma_start3A_1070] : memref<2x64x129xf32, #tpu.memory_space<vmem>> -> memref<1x8x128xf32, #tpu.memory_space<vmem>>
      %dma_start3A_1072 = tpu.memref_squeeze %dma_start3A_1071 : memref<1x8x128xf32, #tpu.memory_space<vmem>> -> memref<8x128xf32, #tpu.memory_space<vmem>>
      tpu.enqueue_dma source(%dma_start3A_1072 : memref<8x128xf32, #tpu.memory_space<vmem>>) target(%dma_start3A_1068 : memref<8x128xf32, #tpu.memory_space<hbm>>) target_semaphore(%arg18 : memref<!tpu.dma_semaphore, #tpu.memory_space<semaphore_mem>>)
    }
    %scan3A_39 = arith.constant 50 : i32
    %dma_wait3A = arith.constant 0 : i32
    %dma_wait3A_40 = arith.constant 0 : i32
    %dma_wait3A_41 = arith.constant 0 : i32
    %dma_wait3A_42 = arith.constant 0 : i32
    %dma_wait3A_43 = arith.constant 0 : i32
    %dma_wait3A_44 = tpu.memref_slice %arg12[%dma_wait3A, %dma_wait3A_42, %dma_wait3A_43] : memref<2x64x129xf32, #tpu.memory_space<vmem>> -> memref<1x8x128xf32, #tpu.memory_space<vmem>>
    %dma_wait3A_45 = tpu.memref_squeeze %dma_wait3A_44 : memref<1x8x128xf32, #tpu.memory_space<vmem>> -> memref<8x128xf32, #tpu.memory_space<vmem>>
    %dma_wait3A_46 = arith.constant 0 : i32
    %dma_wait3A_47 = arith.constant 0 : i32
    %dma_wait3A_48 = tpu.memref_slice %arg5[%dma_wait3A_40, %dma_wait3A_41, %add3A, %dma_wait3A_46, %dma_wait3A_47] : memref<200x8x32x8x128xf32, #tpu.memory_space<hbm>> -> memref<1x1x1x8x128xf32, #tpu.memory_space<hbm>>
    %dma_wait3A_49 = tpu.memref_squeeze %dma_wait3A_48 : memref<1x1x1x8x128xf32, #tpu.memory_space<hbm>> -> memref<8x128xf32, #tpu.memory_space<hbm>>
    %dma_wait3A_50 = arith.constant 0 : i32
    %dma_wait3A_51 = arith.constant 0 : i32
    %dma_wait3A_52 = tpu.memref_slice %arg5[%dma_wait3A_40, %dma_wait3A_41, %add3A, %dma_wait3A_50, %dma_wait3A_51] : memref<200x8x32x8x128xf32, #tpu.memory_space<hbm>> -> memref<1x1x1x8x128xf32, #tpu.memory_space<hbm>>
    %dma_wait3A_53 = tpu.memref_squeeze %dma_wait3A_52 : memref<1x1x1x8x128xf32, #tpu.memory_space<hbm>> -> memref<8x128xf32, #tpu.memory_space<hbm>>
    %dma_wait3A_54 = arith.constant 0 : i32
    %dma_wait3A_55 = arith.constant 0 : i32
    %dma_wait3A_56 = tpu.memref_slice %arg12[%dma_wait3A, %dma_wait3A_54, %dma_wait3A_55] : memref<2x64x129xf32, #tpu.memory_space<vmem>> -> memref<1x8x128xf32, #tpu.memory_space<vmem>>
    %dma_wait3A_57 = tpu.memref_squeeze %dma_wait3A_56 : memref<1x8x128xf32, #tpu.memory_space<vmem>> -> memref<8x128xf32, #tpu.memory_space<vmem>>
    tpu.wait_dma2 semaphore(%arg17 : memref<!tpu.dma_semaphore, #tpu.memory_space<semaphore_mem>>) src(%dma_wait3A_57 : memref<8x128xf32, #tpu.memory_space<vmem>>) dst(%dma_wait3A_53 : memref<8x128xf32, #tpu.memory_space<hbm>>)
    %dma_wait3A_58 = arith.constant 0 : i32
    %dma_wait3A_59 = arith.constant 0 : i32
    %dma_wait3A_60 = arith.constant 1 : i32
    %dma_wait3A_61 = arith.constant 8 : i32
    %dma_wait3A_62 = arith.constant 0 : i32
    %dma_wait3A_63 = tpu.memref_slice %arg12[%dma_wait3A_58, %dma_wait3A_61, %dma_wait3A_62] : memref<2x64x129xf32, #tpu.memory_space<vmem>> -> memref<1x8x128xf32, #tpu.memory_space<vmem>>
    %dma_wait3A_64 = tpu.memref_squeeze %dma_wait3A_63 : memref<1x8x128xf32, #tpu.memory_space<vmem>> -> memref<8x128xf32, #tpu.memory_space<vmem>>
    %dma_wait3A_65 = arith.constant 0 : i32
    %dma_wait3A_66 = arith.constant 0 : i32
    %dma_wait3A_67 = tpu.memref_slice %arg5[%dma_wait3A_59, %dma_wait3A_60, %add3A, %dma_wait3A_65, %dma_wait3A_66] : memref<200x8x32x8x128xf32, #tpu.memory_space<hbm>> -> memref<1x1x1x8x128xf32, #tpu.memory_space<hbm>>
    %dma_wait3A_68 = tpu.memref_squeeze %dma_wait3A_67 : memref<1x1x1x8x128xf32, #tpu.memory_space<hbm>> -> memref<8x128xf32, #tpu.memory_space<hbm>>
    %dma_wait3A_69 = arith.constant 0 : i32
    %dma_wait3A_70 = arith.constant 0 : i32
    %dma_wait3A_71 = tpu.memref_slice %arg5[%dma_wait3A_59, %dma_wait3A_60, %add3A, %dma_wait3A_69, %dma_wait3A_70] : memref<200x8x32x8x128xf32, #tpu.memory_space<hbm>> -> memref<1x1x1x8x128xf32, #tpu.memory_space<hbm>>
    %dma_wait3A_72 = tpu.memref_squeeze %dma_wait3A_71 : memref<1x1x1x8x128xf32, #tpu.memory_space<hbm>> -> memref<8x128xf32, #tpu.memory_space<hbm>>
    %dma_wait3A_73 = arith.constant 8 : i32
    %dma_wait3A_74 = arith.constant 0 : i32
    %dma_wait3A_75 = tpu.memref_slice %arg12[%dma_wait3A_58, %dma_wait3A_73, %dma_wait3A_74] : memref<2x64x129xf32, #tpu.memory_space<vmem>> -> memref<1x8x128xf32, #tpu.memory_space<vmem>>
    %dma_wait3A_76 = tpu.memref_squeeze %dma_wait3A_75 : memref<1x8x128xf32, #tpu.memory_space<vmem>> -> memref<8x128xf32, #tpu.memory_space<vmem>>
    tpu.wait_dma2 semaphore(%arg17 : memref<!tpu.dma_semaphore, #tpu.memory_space<semaphore_mem>>) src(%dma_wait3A_76 : memref<8x128xf32, #tpu.memory_space<vmem>>) dst(%dma_wait3A_72 : memref<8x128xf32, #tpu.memory_space<hbm>>)
    %dma_wait3A_77 = arith.constant 0 : i32
    %dma_wait3A_78 = arith.constant 0 : i32
    %dma_wait3A_79 = arith.constant 2 : i32
    %dma_wait3A_80 = arith.constant 16 : i32
    %dma_wait3A_81 = arith.constant 0 : i32
    %dma_wait3A_82 = tpu.memref_slice %arg12[%dma_wait3A_77, %dma_wait3A_80, %dma_wait3A_81] : memref<2x64x129xf32, #tpu.memory_space<vmem>> -> memref<1x8x128xf32, #tpu.memory_space<vmem>>
    %dma_wait3A_83 = tpu.memref_squeeze %dma_wait3A_82 : memref<1x8x128xf32, #tpu.memory_space<vmem>> -> memref<8x128xf32, #tpu.memory_space<vmem>>
    %dma_wait3A_84 = arith.constant 0 : i32
    %dma_wait3A_85 = arith.constant 0 : i32
    %dma_wait3A_86 = tpu.memref_slice %arg5[%dma_wait3A_78, %dma_wait3A_79, %add3A, %dma_wait3A_84, %dma_wait3A_85] : memref<200x8x32x8x128xf32, #tpu.memory_space<hbm>> -> memref<1x1x1x8x128xf32, #tpu.memory_space<hbm>>
    %dma_wait3A_87 = tpu.memref_squeeze %dma_wait3A_86 : memref<1x1x1x8x128xf32, #tpu.memory_space<hbm>> -> memref<8x128xf32, #tpu.memory_space<hbm>>
    %dma_wait3A_88 = arith.constant 0 : i32
    %dma_wait3A_89 = arith.constant 0 : i32
    %dma_wait3A_90 = tpu.memref_slice %arg5[%dma_wait3A_78, %dma_wait3A_79, %add3A, %dma_wait3A_88, %dma_wait3A_89] : memref<200x8x32x8x128xf32, #tpu.memory_space<hbm>> -> memref<1x1x1x8x128xf32, #tpu.memory_space<hbm>>
    %dma_wait3A_91 = tpu.memref_squeeze %dma_wait3A_90 : memref<1x1x1x8x128xf32, #tpu.memory_space<hbm>> -> memref<8x128xf32, #tpu.memory_space<hbm>>
    %dma_wait3A_92 = arith.constant 16 : i32
    %dma_wait3A_93 = arith.constant 0 : i32
    %dma_wait3A_94 = tpu.memref_slice %arg12[%dma_wait3A_77, %dma_wait3A_92, %dma_wait3A_93] : memref<2x64x129xf32, #tpu.memory_space<vmem>> -> memref<1x8x128xf32, #tpu.memory_space<vmem>>
    %dma_wait3A_95 = tpu.memref_squeeze %dma_wait3A_94 : memref<1x8x128xf32, #tpu.memory_space<vmem>> -> memref<8x128xf32, #tpu.memory_space<vmem>>
    tpu.wait_dma2 semaphore(%arg17 : memref<!tpu.dma_semaphore, #tpu.memory_space<semaphore_mem>>) src(%dma_wait3A_95 : memref<8x128xf32, #tpu.memory_space<vmem>>) dst(%dma_wait3A_91 : memref<8x128xf32, #tpu.memory_space<hbm>>)
    %dma_wait3A_96 = arith.constant 0 : i32
    %dma_wait3A_97 = arith.constant 0 : i32
    %dma_wait3A_98 = arith.constant 3 : i32
    %dma_wait3A_99 = arith.constant 24 : i32
    %dma_wait3A_100 = arith.constant 0 : i32
    %dma_wait3A_101 = tpu.memref_slice %arg12[%dma_wait3A_96, %dma_wait3A_99, %dma_wait3A_100] : memref<2x64x129xf32, #tpu.memory_space<vmem>> -> memref<1x8x128xf32, #tpu.memory_space<vmem>>
    %dma_wait3A_102 = tpu.memref_squeeze %dma_wait3A_101 : memref<1x8x128xf32, #tpu.memory_space<vmem>> -> memref<8x128xf32, #tpu.memory_space<vmem>>
    %dma_wait3A_103 = arith.constant 0 : i32
    %dma_wait3A_104 = arith.constant 0 : i32
    %dma_wait3A_105 = tpu.memref_slice %arg5[%dma_wait3A_97, %dma_wait3A_98, %add3A, %dma_wait3A_103, %dma_wait3A_104] : memref<200x8x32x8x128xf32, #tpu.memory_space<hbm>> -> memref<1x1x1x8x128xf32, #tpu.memory_space<hbm>>
    %dma_wait3A_106 = tpu.memref_squeeze %dma_wait3A_105 : memref<1x1x1x8x128xf32, #tpu.memory_space<hbm>> -> memref<8x128xf32, #tpu.memory_space<hbm>>
    %dma_wait3A_107 = arith.constant 0 : i32
    %dma_wait3A_108 = arith.constant 0 : i32
    %dma_wait3A_109 = tpu.memref_slice %arg5[%dma_wait3A_97, %dma_wait3A_98, %add3A, %dma_wait3A_107, %dma_wait3A_108] : memref<200x8x32x8x128xf32, #tpu.memory_space<hbm>> -> memref<1x1x1x8x128xf32, #tpu.memory_space<hbm>>
    %dma_wait3A_110 = tpu.memref_squeeze %dma_wait3A_109 : memref<1x1x1x8x128xf32, #tpu.memory_space<hbm>> -> memref<8x128xf32, #tpu.memory_space<hbm>>
    %dma_wait3A_111 = arith.constant 24 : i32
    %dma_wait3A_112 = arith.constant 0 : i32
    %dma_wait3A_113 = tpu.memref_slice %arg12[%dma_wait3A_96, %dma_wait3A_111, %dma_wait3A_112] : memref<2x64x129xf32, #tpu.memory_space<vmem>> -> memref<1x8x128xf32, #tpu.memory_space<vmem>>
    %dma_wait3A_114 = tpu.memref_squeeze %dma_wait3A_113 : memref<1x8x128xf32, #tpu.memory_space<vmem>> -> memref<8x128xf32, #tpu.memory_space<vmem>>
    tpu.wait_dma2 semaphore(%arg17 : memref<!tpu.dma_semaphore, #tpu.memory_space<semaphore_mem>>) src(%dma_wait3A_114 : memref<8x128xf32, #tpu.memory_space<vmem>>) dst(%dma_wait3A_110 : memref<8x128xf32, #tpu.memory_space<hbm>>)
    %dma_wait3A_115 = arith.constant 0 : i32
    %dma_wait3A_116 = arith.constant 0 : i32
    %dma_wait3A_117 = arith.constant 4 : i32
    %dma_wait3A_118 = arith.constant 32 : i32
    %dma_wait3A_119 = arith.constant 0 : i32
    %dma_wait3A_120 = tpu.memref_slice %arg12[%dma_wait3A_115, %dma_wait3A_118, %dma_wait3A_119] : memref<2x64x129xf32, #tpu.memory_space<vmem>> -> memref<1x8x128xf32, #tpu.memory_space<vmem>>
    %dma_wait3A_121 = tpu.memref_squeeze %dma_wait3A_120 : memref<1x8x128xf32, #tpu.memory_space<vmem>> -> memref<8x128xf32, #tpu.memory_space<vmem>>
    %dma_wait3A_122 = arith.constant 0 : i32
    %dma_wait3A_123 = arith.constant 0 : i32
    %dma_wait3A_124 = tpu.memref_slice %arg5[%dma_wait3A_116, %dma_wait3A_117, %add3A, %dma_wait3A_122, %dma_wait3A_123] : memref<200x8x32x8x128xf32, #tpu.memory_space<hbm>> -> memref<1x1x1x8x128xf32, #tpu.memory_space<hbm>>
    %dma_wait3A_125 = tpu.memref_squeeze %dma_wait3A_124 : memref<1x1x1x8x128xf32, #tpu.memory_space<hbm>> -> memref<8x128xf32, #tpu.memory_space<hbm>>
    %dma_wait3A_126 = arith.constant 0 : i32
    %dma_wait3A_127 = arith.constant 0 : i32
    %dma_wait3A_128 = tpu.memref_slice %arg5[%dma_wait3A_116, %dma_wait3A_117, %add3A, %dma_wait3A_126, %dma_wait3A_127] : memref<200x8x32x8x128xf32, #tpu.memory_space<hbm>> -> memref<1x1x1x8x128xf32, #tpu.memory_space<hbm>>
    %dma_wait3A_129 = tpu.memref_squeeze %dma_wait3A_128 : memref<1x1x1x8x128xf32, #tpu.memory_space<hbm>> -> memref<8x128xf32, #tpu.memory_space<hbm>>
    %dma_wait3A_130 = arith.constant 32 : i32
    %dma_wait3A_131 = arith.constant 0 : i32
    %dma_wait3A_132 = tpu.memref_slice %arg12[%dma_wait3A_115, %dma_wait3A_130, %dma_wait3A_131] : memref<2x64x129xf32, #tpu.memory_space<vmem>> -> memref<1x8x128xf32, #tpu.memory_space<vmem>>
    %dma_wait3A_133 = tpu.memref_squeeze %dma_wait3A_132 : memref<1x8x128xf32, #tpu.memory_space<vmem>> -> memref<8x128xf32, #tpu.memory_space<vmem>>
    tpu.wait_dma2 semaphore(%arg17 : memref<!tpu.dma_semaphore, #tpu.memory_space<semaphore_mem>>) src(%dma_wait3A_133 : memref<8x128xf32, #tpu.memory_space<vmem>>) dst(%dma_wait3A_129 : memref<8x128xf32, #tpu.memory_space<hbm>>)
    %dma_wait3A_134 = arith.constant 0 : i32
    %dma_wait3A_135 = arith.constant 0 : i32
    %dma_wait3A_136 = arith.constant 5 : i32
    %dma_wait3A_137 = arith.constant 40 : i32
    %dma_wait3A_138 = arith.constant 0 : i32
    %dma_wait3A_139 = tpu.memref_slice %arg12[%dma_wait3A_134, %dma_wait3A_137, %dma_wait3A_138] : memref<2x64x129xf32, #tpu.memory_space<vmem>> -> memref<1x8x128xf32, #tpu.memory_space<vmem>>
    %dma_wait3A_140 = tpu.memref_squeeze %dma_wait3A_139 : memref<1x8x128xf32, #tpu.memory_space<vmem>> -> memref<8x128xf32, #tpu.memory_space<vmem>>
    %dma_wait3A_141 = arith.constant 0 : i32
    %dma_wait3A_142 = arith.constant 0 : i32
    %dma_wait3A_143 = tpu.memref_slice %arg5[%dma_wait3A_135, %dma_wait3A_136, %add3A, %dma_wait3A_141, %dma_wait3A_142] : memref<200x8x32x8x128xf32, #tpu.memory_space<hbm>> -> memref<1x1x1x8x128xf32, #tpu.memory_space<hbm>>
    %dma_wait3A_144 = tpu.memref_squeeze %dma_wait3A_143 : memref<1x1x1x8x128xf32, #tpu.memory_space<hbm>> -> memref<8x128xf32, #tpu.memory_space<hbm>>
    %dma_wait3A_145 = arith.constant 0 : i32
    %dma_wait3A_146 = arith.constant 0 : i32
    %dma_wait3A_147 = tpu.memref_slice %arg5[%dma_wait3A_135, %dma_wait3A_136, %add3A, %dma_wait3A_145, %dma_wait3A_146] : memref<200x8x32x8x128xf32, #tpu.memory_space<hbm>> -> memref<1x1x1x8x128xf32, #tpu.memory_space<hbm>>
    %dma_wait3A_148 = tpu.memref_squeeze %dma_wait3A_147 : memref<1x1x1x8x128xf32, #tpu.memory_space<hbm>> -> memref<8x128xf32, #tpu.memory_space<hbm>>
    %dma_wait3A_149 = arith.constant 40 : i32
    %dma_wait3A_150 = arith.constant 0 : i32
    %dma_wait3A_151 = tpu.memref_slice %arg12[%dma_wait3A_134, %dma_wait3A_149, %dma_wait3A_150] : memref<2x64x129xf32, #tpu.memory_space<vmem>> -> memref<1x8x128xf32, #tpu.memory_space<vmem>>
    %dma_wait3A_152 = tpu.memref_squeeze %dma_wait3A_151 : memref<1x8x128xf32, #tpu.memory_space<vmem>> -> memref<8x128xf32, #tpu.memory_space<vmem>>
    tpu.wait_dma2 semaphore(%arg17 : memref<!tpu.dma_semaphore, #tpu.memory_space<semaphore_mem>>) src(%dma_wait3A_152 : memref<8x128xf32, #tpu.memory_space<vmem>>) dst(%dma_wait3A_148 : memref<8x128xf32, #tpu.memory_space<hbm>>)
    %dma_wait3A_153 = arith.constant 0 : i32
    %dma_wait3A_154 = arith.constant 0 : i32
    %dma_wait3A_155 = arith.constant 6 : i32
    %dma_wait3A_156 = arith.constant 48 : i32
    %dma_wait3A_157 = arith.constant 0 : i32
    %dma_wait3A_158 = tpu.memref_slice %arg12[%dma_wait3A_153, %dma_wait3A_156, %dma_wait3A_157] : memref<2x64x129xf32, #tpu.memory_space<vmem>> -> memref<1x8x128xf32, #tpu.memory_space<vmem>>
    %dma_wait3A_159 = tpu.memref_squeeze %dma_wait3A_158 : memref<1x8x128xf32, #tpu.memory_space<vmem>> -> memref<8x128xf32, #tpu.memory_space<vmem>>
    %dma_wait3A_160 = arith.constant 0 : i32
    %dma_wait3A_161 = arith.constant 0 : i32
    %dma_wait3A_162 = tpu.memref_slice %arg5[%dma_wait3A_154, %dma_wait3A_155, %add3A, %dma_wait3A_160, %dma_wait3A_161] : memref<200x8x32x8x128xf32, #tpu.memory_space<hbm>> -> memref<1x1x1x8x128xf32, #tpu.memory_space<hbm>>
    %dma_wait3A_163 = tpu.memref_squeeze %dma_wait3A_162 : memref<1x1x1x8x128xf32, #tpu.memory_space<hbm>> -> memref<8x128xf32, #tpu.memory_space<hbm>>
    %dma_wait3A_164 = arith.constant 0 : i32
    %dma_wait3A_165 = arith.constant 0 : i32
    %dma_wait3A_166 = tpu.memref_slice %arg5[%dma_wait3A_154, %dma_wait3A_155, %add3A, %dma_wait3A_164, %dma_wait3A_165] : memref<200x8x32x8x128xf32, #tpu.memory_space<hbm>> -> memref<1x1x1x8x128xf32, #tpu.memory_space<hbm>>
    %dma_wait3A_167 = tpu.memref_squeeze %dma_wait3A_166 : memref<1x1x1x8x128xf32, #tpu.memory_space<hbm>> -> memref<8x128xf32, #tpu.memory_space<hbm>>
    %dma_wait3A_168 = arith.constant 48 : i32
    %dma_wait3A_169 = arith.constant 0 : i32
    %dma_wait3A_170 = tpu.memref_slice %arg12[%dma_wait3A_153, %dma_wait3A_168, %dma_wait3A_169] : memref<2x64x129xf32, #tpu.memory_space<vmem>> -> memref<1x8x128xf32, #tpu.memory_space<vmem>>
    %dma_wait3A_171 = tpu.memref_squeeze %dma_wait3A_170 : memref<1x8x128xf32, #tpu.memory_space<vmem>> -> memref<8x128xf32, #tpu.memory_space<vmem>>
    tpu.wait_dma2 semaphore(%arg17 : memref<!tpu.dma_semaphore, #tpu.memory_space<semaphore_mem>>) src(%dma_wait3A_171 : memref<8x128xf32, #tpu.memory_space<vmem>>) dst(%dma_wait3A_167 : memref<8x128xf32, #tpu.memory_space<hbm>>)
    %dma_wait3A_172 = arith.constant 0 : i32
    %dma_wait3A_173 = arith.constant 0 : i32
    %dma_wait3A_174 = arith.constant 7 : i32
    %dma_wait3A_175 = arith.constant 56 : i32
    %dma_wait3A_176 = arith.constant 0 : i32
    %dma_wait3A_177 = tpu.memref_slice %arg12[%dma_wait3A_172, %dma_wait3A_175, %dma_wait3A_176] : memref<2x64x129xf32, #tpu.memory_space<vmem>> -> memref<1x8x128xf32, #tpu.memory_space<vmem>>
    %dma_wait3A_178 = tpu.memref_squeeze %dma_wait3A_177 : memref<1x8x128xf32, #tpu.memory_space<vmem>> -> memref<8x128xf32, #tpu.memory_space<vmem>>
    %dma_wait3A_179 = arith.constant 0 : i32
    %dma_wait3A_180 = arith.constant 0 : i32
    %dma_wait3A_181 = tpu.memref_slice %arg5[%dma_wait3A_173, %dma_wait3A_174, %add3A, %dma_wait3A_179, %dma_wait3A_180] : memref<200x8x32x8x128xf32, #tpu.memory_space<hbm>> -> memref<1x1x1x8x128xf32, #tpu.memory_space<hbm>>
    %dma_wait3A_182 = tpu.memref_squeeze %dma_wait3A_181 : memref<1x1x1x8x128xf32, #tpu.memory_space<hbm>> -> memref<8x128xf32, #tpu.memory_space<hbm>>
    %dma_wait3A_183 = arith.constant 0 : i32
    %dma_wait3A_184 = arith.constant 0 : i32
    %dma_wait3A_185 = tpu.memref_slice %arg5[%dma_wait3A_173, %dma_wait3A_174, %add3A, %dma_wait3A_183, %dma_wait3A_184] : memref<200x8x32x8x128xf32, #tpu.memory_space<hbm>> -> memref<1x1x1x8x128xf32, #tpu.memory_space<hbm>>
    %dma_wait3A_186 = tpu.memref_squeeze %dma_wait3A_185 : memref<1x1x1x8x128xf32, #tpu.memory_space<hbm>> -> memref<8x128xf32, #tpu.memory_space<hbm>>
    %dma_wait3A_187 = arith.constant 56 : i32
    %dma_wait3A_188 = arith.constant 0 : i32
    %dma_wait3A_189 = tpu.memref_slice %arg12[%dma_wait3A_172, %dma_wait3A_187, %dma_wait3A_188] : memref<2x64x129xf32, #tpu.memory_space<vmem>> -> memref<1x8x128xf32, #tpu.memory_space<vmem>>
    %dma_wait3A_190 = tpu.memref_squeeze %dma_wait3A_189 : memref<1x8x128xf32, #tpu.memory_space<vmem>> -> memref<8x128xf32, #tpu.memory_space<vmem>>
    tpu.wait_dma2 semaphore(%arg17 : memref<!tpu.dma_semaphore, #tpu.memory_space<semaphore_mem>>) src(%dma_wait3A_190 : memref<8x128xf32, #tpu.memory_space<vmem>>) dst(%dma_wait3A_186 : memref<8x128xf32, #tpu.memory_space<hbm>>)
    %dma_wait3A_191 = arith.constant 1 : i32
    %dma_wait3A_192 = arith.constant 0 : i32
    %dma_wait3A_193 = arith.constant 0 : i32
    %dma_wait3A_194 = arith.constant 0 : i32
    %dma_wait3A_195 = arith.constant 0 : i32
    %dma_wait3A_196 = tpu.memref_slice %arg12[%dma_wait3A_191, %dma_wait3A_194, %dma_wait3A_195] : memref<2x64x129xf32, #tpu.memory_space<vmem>> -> memref<1x8x128xf32, #tpu.memory_space<vmem>>
    %dma_wait3A_197 = tpu.memref_squeeze %dma_wait3A_196 : memref<1x8x128xf32, #tpu.memory_space<vmem>> -> memref<8x128xf32, #tpu.memory_space<vmem>>
    %dma_wait3A_198 = arith.constant 0 : i32
    %dma_wait3A_199 = arith.constant 0 : i32
    %dma_wait3A_200 = tpu.memref_slice %arg5[%dma_wait3A_192, %dma_wait3A_193, %add3A, %dma_wait3A_198, %dma_wait3A_199] : memref<200x8x32x8x128xf32, #tpu.memory_space<hbm>> -> memref<1x1x1x8x128xf32, #tpu.memory_space<hbm>>
    %dma_wait3A_201 = tpu.memref_squeeze %dma_wait3A_200 : memref<1x1x1x8x128xf32, #tpu.memory_space<hbm>> -> memref<8x128xf32, #tpu.memory_space<hbm>>
    %dma_wait3A_202 = arith.constant 0 : i32
    %dma_wait3A_203 = arith.constant 0 : i32
    %dma_wait3A_204 = tpu.memref_slice %arg5[%dma_wait3A_192, %dma_wait3A_193, %add3A, %dma_wait3A_202, %dma_wait3A_203] : memref<200x8x32x8x128xf32, #tpu.memory_space<hbm>> -> memref<1x1x1x8x128xf32, #tpu.memory_space<hbm>>
    %dma_wait3A_205 = tpu.memref_squeeze %dma_wait3A_204 : memref<1x1x1x8x128xf32, #tpu.memory_space<hbm>> -> memref<8x128xf32, #tpu.memory_space<hbm>>
    %dma_wait3A_206 = arith.constant 0 : i32
    %dma_wait3A_207 = arith.constant 0 : i32
    %dma_wait3A_208 = tpu.memref_slice %arg12[%dma_wait3A_191, %dma_wait3A_206, %dma_wait3A_207] : memref<2x64x129xf32, #tpu.memory_space<vmem>> -> memref<1x8x128xf32, #tpu.memory_space<vmem>>
    %dma_wait3A_209 = tpu.memref_squeeze %dma_wait3A_208 : memref<1x8x128xf32, #tpu.memory_space<vmem>> -> memref<8x128xf32, #tpu.memory_space<vmem>>
    tpu.wait_dma2 semaphore(%arg18 : memref<!tpu.dma_semaphore, #tpu.memory_space<semaphore_mem>>) src(%dma_wait3A_209 : memref<8x128xf32, #tpu.memory_space<vmem>>) dst(%dma_wait3A_205 : memref<8x128xf32, #tpu.memory_space<hbm>>)
    %dma_wait3A_210 = arith.constant 1 : i32
    %dma_wait3A_211 = arith.constant 0 : i32
    %dma_wait3A_212 = arith.constant 1 : i32
    %dma_wait3A_213 = arith.constant 8 : i32
    %dma_wait3A_214 = arith.constant 0 : i32
    %dma_wait3A_215 = tpu.memref_slice %arg12[%dma_wait3A_210, %dma_wait3A_213, %dma_wait3A_214] : memref<2x64x129xf32, #tpu.memory_space<vmem>> -> memref<1x8x128xf32, #tpu.memory_space<vmem>>
    %dma_wait3A_216 = tpu.memref_squeeze %dma_wait3A_215 : memref<1x8x128xf32, #tpu.memory_space<vmem>> -> memref<8x128xf32, #tpu.memory_space<vmem>>
    %dma_wait3A_217 = arith.constant 0 : i32
    %dma_wait3A_218 = arith.constant 0 : i32
    %dma_wait3A_219 = tpu.memref_slice %arg5[%dma_wait3A_211, %dma_wait3A_212, %add3A, %dma_wait3A_217, %dma_wait3A_218] : memref<200x8x32x8x128xf32, #tpu.memory_space<hbm>> -> memref<1x1x1x8x128xf32, #tpu.memory_space<hbm>>
    %dma_wait3A_220 = tpu.memref_squeeze %dma_wait3A_219 : memref<1x1x1x8x128xf32, #tpu.memory_space<hbm>> -> memref<8x128xf32, #tpu.memory_space<hbm>>
    %dma_wait3A_221 = arith.constant 0 : i32
    %dma_wait3A_222 = arith.constant 0 : i32
    %dma_wait3A_223 = tpu.memref_slice %arg5[%dma_wait3A_211, %dma_wait3A_212, %add3A, %dma_wait3A_221, %dma_wait3A_222] : memref<200x8x32x8x128xf32, #tpu.memory_space<hbm>> -> memref<1x1x1x8x128xf32, #tpu.memory_space<hbm>>
    %dma_wait3A_224 = tpu.memref_squeeze %dma_wait3A_223 : memref<1x1x1x8x128xf32, #tpu.memory_space<hbm>> -> memref<8x128xf32, #tpu.memory_space<hbm>>
    %dma_wait3A_225 = arith.constant 8 : i32
    %dma_wait3A_226 = arith.constant 0 : i32
    %dma_wait3A_227 = tpu.memref_slice %arg12[%dma_wait3A_210, %dma_wait3A_225, %dma_wait3A_226] : memref<2x64x129xf32, #tpu.memory_space<vmem>> -> memref<1x8x128xf32, #tpu.memory_space<vmem>>
    %dma_wait3A_228 = tpu.memref_squeeze %dma_wait3A_227 : memref<1x8x128xf32, #tpu.memory_space<vmem>> -> memref<8x128xf32, #tpu.memory_space<vmem>>
    tpu.wait_dma2 semaphore(%arg18 : memref<!tpu.dma_semaphore, #tpu.memory_space<semaphore_mem>>) src(%dma_wait3A_228 : memref<8x128xf32, #tpu.memory_space<vmem>>) dst(%dma_wait3A_224 : memref<8x128xf32, #tpu.memory_space<hbm>>)
    %dma_wait3A_229 = arith.constant 1 : i32
    %dma_wait3A_230 = arith.constant 0 : i32
    %dma_wait3A_231 = arith.constant 2 : i32
    %dma_wait3A_232 = arith.constant 16 : i32
    %dma_wait3A_233 = arith.constant 0 : i32
    %dma_wait3A_234 = tpu.memref_slice %arg12[%dma_wait3A_229, %dma_wait3A_232, %dma_wait3A_233] : memref<2x64x129xf32, #tpu.memory_space<vmem>> -> memref<1x8x128xf32, #tpu.memory_space<vmem>>
    %dma_wait3A_235 = tpu.memref_squeeze %dma_wait3A_234 : memref<1x8x128xf32, #tpu.memory_space<vmem>> -> memref<8x128xf32, #tpu.memory_space<vmem>>
    %dma_wait3A_236 = arith.constant 0 : i32
    %dma_wait3A_237 = arith.constant 0 : i32
    %dma_wait3A_238 = tpu.memref_slice %arg5[%dma_wait3A_230, %dma_wait3A_231, %add3A, %dma_wait3A_236, %dma_wait3A_237] : memref<200x8x32x8x128xf32, #tpu.memory_space<hbm>> -> memref<1x1x1x8x128xf32, #tpu.memory_space<hbm>>
    %dma_wait3A_239 = tpu.memref_squeeze %dma_wait3A_238 : memref<1x1x1x8x128xf32, #tpu.memory_space<hbm>> -> memref<8x128xf32, #tpu.memory_space<hbm>>
    %dma_wait3A_240 = arith.constant 0 : i32
    %dma_wait3A_241 = arith.constant 0 : i32
    %dma_wait3A_242 = tpu.memref_slice %arg5[%dma_wait3A_230, %dma_wait3A_231, %add3A, %dma_wait3A_240, %dma_wait3A_241] : memref<200x8x32x8x128xf32, #tpu.memory_space<hbm>> -> memref<1x1x1x8x128xf32, #tpu.memory_space<hbm>>
    %dma_wait3A_243 = tpu.memref_squeeze %dma_wait3A_242 : memref<1x1x1x8x128xf32, #tpu.memory_space<hbm>> -> memref<8x128xf32, #tpu.memory_space<hbm>>
    %dma_wait3A_244 = arith.constant 16 : i32
    %dma_wait3A_245 = arith.constant 0 : i32
    %dma_wait3A_246 = tpu.memref_slice %arg12[%dma_wait3A_229, %dma_wait3A_244, %dma_wait3A_245] : memref<2x64x129xf32, #tpu.memory_space<vmem>> -> memref<1x8x128xf32, #tpu.memory_space<vmem>>
    %dma_wait3A_247 = tpu.memref_squeeze %dma_wait3A_246 : memref<1x8x128xf32, #tpu.memory_space<vmem>> -> memref<8x128xf32, #tpu.memory_space<vmem>>
    tpu.wait_dma2 semaphore(%arg18 : memref<!tpu.dma_semaphore, #tpu.memory_space<semaphore_mem>>) src(%dma_wait3A_247 : memref<8x128xf32, #tpu.memory_space<vmem>>) dst(%dma_wait3A_243 : memref<8x128xf32, #tpu.memory_space<hbm>>)
    %dma_wait3A_248 = arith.constant 1 : i32
    %dma_wait3A_249 = arith.constant 0 : i32
    %dma_wait3A_250 = arith.constant 3 : i32
    %dma_wait3A_251 = arith.constant 24 : i32
    %dma_wait3A_252 = arith.constant 0 : i32
    %dma_wait3A_253 = tpu.memref_slice %arg12[%dma_wait3A_248, %dma_wait3A_251, %dma_wait3A_252] : memref<2x64x129xf32, #tpu.memory_space<vmem>> -> memref<1x8x128xf32, #tpu.memory_space<vmem>>
    %dma_wait3A_254 = tpu.memref_squeeze %dma_wait3A_253 : memref<1x8x128xf32, #tpu.memory_space<vmem>> -> memref<8x128xf32, #tpu.memory_space<vmem>>
    %dma_wait3A_255 = arith.constant 0 : i32
    %dma_wait3A_256 = arith.constant 0 : i32
    %dma_wait3A_257 = tpu.memref_slice %arg5[%dma_wait3A_249, %dma_wait3A_250, %add3A, %dma_wait3A_255, %dma_wait3A_256] : memref<200x8x32x8x128xf32, #tpu.memory_space<hbm>> -> memref<1x1x1x8x128xf32, #tpu.memory_space<hbm>>
    %dma_wait3A_258 = tpu.memref_squeeze %dma_wait3A_257 : memref<1x1x1x8x128xf32, #tpu.memory_space<hbm>> -> memref<8x128xf32, #tpu.memory_space<hbm>>
    %dma_wait3A_259 = arith.constant 0 : i32
    %dma_wait3A_260 = arith.constant 0 : i32
    %dma_wait3A_261 = tpu.memref_slice %arg5[%dma_wait3A_249, %dma_wait3A_250, %add3A, %dma_wait3A_259, %dma_wait3A_260] : memref<200x8x32x8x128xf32, #tpu.memory_space<hbm>> -> memref<1x1x1x8x128xf32, #tpu.memory_space<hbm>>
    %dma_wait3A_262 = tpu.memref_squeeze %dma_wait3A_261 : memref<1x1x1x8x128xf32, #tpu.memory_space<hbm>> -> memref<8x128xf32, #tpu.memory_space<hbm>>
    %dma_wait3A_263 = arith.constant 24 : i32
    %dma_wait3A_264 = arith.constant 0 : i32
    %dma_wait3A_265 = tpu.memref_slice %arg12[%dma_wait3A_248, %dma_wait3A_263, %dma_wait3A_264] : memref<2x64x129xf32, #tpu.memory_space<vmem>> -> memref<1x8x128xf32, #tpu.memory_space<vmem>>
    %dma_wait3A_266 = tpu.memref_squeeze %dma_wait3A_265 : memref<1x8x128xf32, #tpu.memory_space<vmem>> -> memref<8x128xf32, #tpu.memory_space<vmem>>
    tpu.wait_dma2 semaphore(%arg18 : memref<!tpu.dma_semaphore, #tpu.memory_space<semaphore_mem>>) src(%dma_wait3A_266 : memref<8x128xf32, #tpu.memory_space<vmem>>) dst(%dma_wait3A_262 : memref<8x128xf32, #tpu.memory_space<hbm>>)
    %dma_wait3A_267 = arith.constant 1 : i32
    %dma_wait3A_268 = arith.constant 0 : i32
    %dma_wait3A_269 = arith.constant 4 : i32
    %dma_wait3A_270 = arith.constant 32 : i32
    %dma_wait3A_271 = arith.constant 0 : i32
    %dma_wait3A_272 = tpu.memref_slice %arg12[%dma_wait3A_267, %dma_wait3A_270, %dma_wait3A_271] : memref<2x64x129xf32, #tpu.memory_space<vmem>> -> memref<1x8x128xf32, #tpu.memory_space<vmem>>
    %dma_wait3A_273 = tpu.memref_squeeze %dma_wait3A_272 : memref<1x8x128xf32, #tpu.memory_space<vmem>> -> memref<8x128xf32, #tpu.memory_space<vmem>>
    %dma_wait3A_274 = arith.constant 0 : i32
    %dma_wait3A_275 = arith.constant 0 : i32
    %dma_wait3A_276 = tpu.memref_slice %arg5[%dma_wait3A_268, %dma_wait3A_269, %add3A, %dma_wait3A_274, %dma_wait3A_275] : memref<200x8x32x8x128xf32, #tpu.memory_space<hbm>> -> memref<1x1x1x8x128xf32, #tpu.memory_space<hbm>>
    %dma_wait3A_277 = tpu.memref_squeeze %dma_wait3A_276 : memref<1x1x1x8x128xf32, #tpu.memory_space<hbm>> -> memref<8x128xf32, #tpu.memory_space<hbm>>
    %dma_wait3A_278 = arith.constant 0 : i32
    %dma_wait3A_279 = arith.constant 0 : i32
    %dma_wait3A_280 = tpu.memref_slice %arg5[%dma_wait3A_268, %dma_wait3A_269, %add3A, %dma_wait3A_278, %dma_wait3A_279] : memref<200x8x32x8x128xf32, #tpu.memory_space<hbm>> -> memref<1x1x1x8x128xf32, #tpu.memory_space<hbm>>
    %dma_wait3A_281 = tpu.memref_squeeze %dma_wait3A_280 : memref<1x1x1x8x128xf32, #tpu.memory_space<hbm>> -> memref<8x128xf32, #tpu.memory_space<hbm>>
    %dma_wait3A_282 = arith.constant 32 : i32
    %dma_wait3A_283 = arith.constant 0 : i32
    %dma_wait3A_284 = tpu.memref_slice %arg12[%dma_wait3A_267, %dma_wait3A_282, %dma_wait3A_283] : memref<2x64x129xf32, #tpu.memory_space<vmem>> -> memref<1x8x128xf32, #tpu.memory_space<vmem>>
    %dma_wait3A_285 = tpu.memref_squeeze %dma_wait3A_284 : memref<1x8x128xf32, #tpu.memory_space<vmem>> -> memref<8x128xf32, #tpu.memory_space<vmem>>
    tpu.wait_dma2 semaphore(%arg18 : memref<!tpu.dma_semaphore, #tpu.memory_space<semaphore_mem>>) src(%dma_wait3A_285 : memref<8x128xf32, #tpu.memory_space<vmem>>) dst(%dma_wait3A_281 : memref<8x128xf32, #tpu.memory_space<hbm>>)
    %dma_wait3A_286 = arith.constant 1 : i32
    %dma_wait3A_287 = arith.constant 0 : i32
    %dma_wait3A_288 = arith.constant 5 : i32
    %dma_wait3A_289 = arith.constant 40 : i32
    %dma_wait3A_290 = arith.constant 0 : i32
    %dma_wait3A_291 = tpu.memref_slice %arg12[%dma_wait3A_286, %dma_wait3A_289, %dma_wait3A_290] : memref<2x64x129xf32, #tpu.memory_space<vmem>> -> memref<1x8x128xf32, #tpu.memory_space<vmem>>
    %dma_wait3A_292 = tpu.memref_squeeze %dma_wait3A_291 : memref<1x8x128xf32, #tpu.memory_space<vmem>> -> memref<8x128xf32, #tpu.memory_space<vmem>>
    %dma_wait3A_293 = arith.constant 0 : i32
    %dma_wait3A_294 = arith.constant 0 : i32
    %dma_wait3A_295 = tpu.memref_slice %arg5[%dma_wait3A_287, %dma_wait3A_288, %add3A, %dma_wait3A_293, %dma_wait3A_294] : memref<200x8x32x8x128xf32, #tpu.memory_space<hbm>> -> memref<1x1x1x8x128xf32, #tpu.memory_space<hbm>>
    %dma_wait3A_296 = tpu.memref_squeeze %dma_wait3A_295 : memref<1x1x1x8x128xf32, #tpu.memory_space<hbm>> -> memref<8x128xf32, #tpu.memory_space<hbm>>
    %dma_wait3A_297 = arith.constant 0 : i32
    %dma_wait3A_298 = arith.constant 0 : i32
    %dma_wait3A_299 = tpu.memref_slice %arg5[%dma_wait3A_287, %dma_wait3A_288, %add3A, %dma_wait3A_297, %dma_wait3A_298] : memref<200x8x32x8x128xf32, #tpu.memory_space<hbm>> -> memref<1x1x1x8x128xf32, #tpu.memory_space<hbm>>
    %dma_wait3A_300 = tpu.memref_squeeze %dma_wait3A_299 : memref<1x1x1x8x128xf32, #tpu.memory_space<hbm>> -> memref<8x128xf32, #tpu.memory_space<hbm>>
    %dma_wait3A_301 = arith.constant 40 : i32
    %dma_wait3A_302 = arith.constant 0 : i32
    %dma_wait3A_303 = tpu.memref_slice %arg12[%dma_wait3A_286, %dma_wait3A_301, %dma_wait3A_302] : memref<2x64x129xf32, #tpu.memory_space<vmem>> -> memref<1x8x128xf32, #tpu.memory_space<vmem>>
    %dma_wait3A_304 = tpu.memref_squeeze %dma_wait3A_303 : memref<1x8x128xf32, #tpu.memory_space<vmem>> -> memref<8x128xf32, #tpu.memory_space<vmem>>
    tpu.wait_dma2 semaphore(%arg18 : memref<!tpu.dma_semaphore, #tpu.memory_space<semaphore_mem>>) src(%dma_wait3A_304 : memref<8x128xf32, #tpu.memory_space<vmem>>) dst(%dma_wait3A_300 : memref<8x128xf32, #tpu.memory_space<hbm>>)
    %dma_wait3A_305 = arith.constant 1 : i32
    %dma_wait3A_306 = arith.constant 0 : i32
    %dma_wait3A_307 = arith.constant 6 : i32
    %dma_wait3A_308 = arith.constant 48 : i32
    %dma_wait3A_309 = arith.constant 0 : i32
    %dma_wait3A_310 = tpu.memref_slice %arg12[%dma_wait3A_305, %dma_wait3A_308, %dma_wait3A_309] : memref<2x64x129xf32, #tpu.memory_space<vmem>> -> memref<1x8x128xf32, #tpu.memory_space<vmem>>
    %dma_wait3A_311 = tpu.memref_squeeze %dma_wait3A_310 : memref<1x8x128xf32, #tpu.memory_space<vmem>> -> memref<8x128xf32, #tpu.memory_space<vmem>>
    %dma_wait3A_312 = arith.constant 0 : i32
    %dma_wait3A_313 = arith.constant 0 : i32
    %dma_wait3A_314 = tpu.memref_slice %arg5[%dma_wait3A_306, %dma_wait3A_307, %add3A, %dma_wait3A_312, %dma_wait3A_313] : memref<200x8x32x8x128xf32, #tpu.memory_space<hbm>> -> memref<1x1x1x8x128xf32, #tpu.memory_space<hbm>>
    %dma_wait3A_315 = tpu.memref_squeeze %dma_wait3A_314 : memref<1x1x1x8x128xf32, #tpu.memory_space<hbm>> -> memref<8x128xf32, #tpu.memory_space<hbm>>
    %dma_wait3A_316 = arith.constant 0 : i32
    %dma_wait3A_317 = arith.constant 0 : i32
    %dma_wait3A_318 = tpu.memref_slice %arg5[%dma_wait3A_306, %dma_wait3A_307, %add3A, %dma_wait3A_316, %dma_wait3A_317] : memref<200x8x32x8x128xf32, #tpu.memory_space<hbm>> -> memref<1x1x1x8x128xf32, #tpu.memory_space<hbm>>
    %dma_wait3A_319 = tpu.memref_squeeze %dma_wait3A_318 : memref<1x1x1x8x128xf32, #tpu.memory_space<hbm>> -> memref<8x128xf32, #tpu.memory_space<hbm>>
    %dma_wait3A_320 = arith.constant 48 : i32
    %dma_wait3A_321 = arith.constant 0 : i32
    %dma_wait3A_322 = tpu.memref_slice %arg12[%dma_wait3A_305, %dma_wait3A_320, %dma_wait3A_321] : memref<2x64x129xf32, #tpu.memory_space<vmem>> -> memref<1x8x128xf32, #tpu.memory_space<vmem>>
    %dma_wait3A_323 = tpu.memref_squeeze %dma_wait3A_322 : memref<1x8x128xf32, #tpu.memory_space<vmem>> -> memref<8x128xf32, #tpu.memory_space<vmem>>
    tpu.wait_dma2 semaphore(%arg18 : memref<!tpu.dma_semaphore, #tpu.memory_space<semaphore_mem>>) src(%dma_wait3A_323 : memref<8x128xf32, #tpu.memory_space<vmem>>) dst(%dma_wait3A_319 : memref<8x128xf32, #tpu.memory_space<hbm>>)
    %dma_wait3A_324 = arith.constant 1 : i32
    %dma_wait3A_325 = arith.constant 0 : i32
    %dma_wait3A_326 = arith.constant 7 : i32
    %dma_wait3A_327 = arith.constant 56 : i32
    %dma_wait3A_328 = arith.constant 0 : i32
    %dma_wait3A_329 = tpu.memref_slice %arg12[%dma_wait3A_324, %dma_wait3A_327, %dma_wait3A_328] : memref<2x64x129xf32, #tpu.memory_space<vmem>> -> memref<1x8x128xf32, #tpu.memory_space<vmem>>
    %dma_wait3A_330 = tpu.memref_squeeze %dma_wait3A_329 : memref<1x8x128xf32, #tpu.memory_space<vmem>> -> memref<8x128xf32, #tpu.memory_space<vmem>>
    %dma_wait3A_331 = arith.constant 0 : i32
    %dma_wait3A_332 = arith.constant 0 : i32
    %dma_wait3A_333 = tpu.memref_slice %arg5[%dma_wait3A_325, %dma_wait3A_326, %add3A, %dma_wait3A_331, %dma_wait3A_332] : memref<200x8x32x8x128xf32, #tpu.memory_space<hbm>> -> memref<1x1x1x8x128xf32, #tpu.memory_space<hbm>>
    %dma_wait3A_334 = tpu.memref_squeeze %dma_wait3A_333 : memref<1x1x1x8x128xf32, #tpu.memory_space<hbm>> -> memref<8x128xf32, #tpu.memory_space<hbm>>
    %dma_wait3A_335 = arith.constant 0 : i32
    %dma_wait3A_336 = arith.constant 0 : i32
    %dma_wait3A_337 = tpu.memref_slice %arg5[%dma_wait3A_325, %dma_wait3A_326, %add3A, %dma_wait3A_335, %dma_wait3A_336] : memref<200x8x32x8x128xf32, #tpu.memory_space<hbm>> -> memref<1x1x1x8x128xf32, #tpu.memory_space<hbm>>
    %dma_wait3A_338 = tpu.memref_squeeze %dma_wait3A_337 : memref<1x1x1x8x128xf32, #tpu.memory_space<hbm>> -> memref<8x128xf32, #tpu.memory_space<hbm>>
    %dma_wait3A_339 = arith.constant 56 : i32
    %dma_wait3A_340 = arith.constant 0 : i32
    %dma_wait3A_341 = tpu.memref_slice %arg12[%dma_wait3A_324, %dma_wait3A_339, %dma_wait3A_340] : memref<2x64x129xf32, #tpu.memory_space<vmem>> -> memref<1x8x128xf32, #tpu.memory_space<vmem>>
    %dma_wait3A_342 = tpu.memref_squeeze %dma_wait3A_341 : memref<1x8x128xf32, #tpu.memory_space<vmem>> -> memref<8x128xf32, #tpu.memory_space<vmem>>
    tpu.wait_dma2 semaphore(%arg18 : memref<!tpu.dma_semaphore, #tpu.memory_space<semaphore_mem>>) src(%dma_wait3A_342 : memref<8x128xf32, #tpu.memory_space<vmem>>) dst(%dma_wait3A_338 : memref<8x128xf32, #tpu.memory_space<hbm>>)
    return
  }
}

</mosaic_0001>

<sc_bundles>
// kernel: _tok_pos_embed.3.cloned.1.call-start
scs
__scs_entry_jumppad:
0x0: {  	(pc) =	sbr.rel $0x88, $3  }
0x1: {  	(tag) =	ssettag $0x0;
	lr =	simm.s32 $0x1  }
0x2: {  	[smem:$0x3F9E] =	sst lr;
	_ =	strace $0xD0000000  }
0x3: {  	_ = 	snop  }
0x4: {  	_ = 	snop  }
0x5: {  	_ = 	snop  }
0x6: {  	_ = 	snop  }
0x7: {  	_ = 	snop  }
__scs_overlays_trampoline_lowered:
0x8: {  	[smem:$0x3FAD] =	sst s0  }
0x9: {  	[smem:$0x3FAE] =	sst s1  }
0xa: {  	[smem:$0x3FAF] =	sst s2  }
0xb: {  	[smem:$0x3FB0] =	sst s3  }
0xc: {  	[smem:$0x3FB1] =	sst s4  }
0xd: {  	[smem:$0x3FB2] =	sst s5  }
0xe: {  	[smem:$0x3FB3] =	sst s6  }
0xf: {  	[smem:$0x3FB4] =	sst s7  }
0x10: {  	[smem:$0x3FB5] =	sst s8  }
0x11: {  	[smem:$0x3FB6] =	sst s9;
	s0 =	simm.s32 @!p0 $0x0  }
0x12: {  	s1 =	sld [smem:$0x3F9C];
	s0 =	simm.s32 @p0 $0x1  }
0x13: {  	[smem:$0x3FB7] =	sst s0;
	s0 =	simm.s32 @!p1 $0x0  }
0x14: {  	s2 =	sld [smem:$0x3F9B];
	s0 =	simm.s32 @p1 $0x1  }
0x15: {  	[smem:$0x3FB8] =	sst s0;
	s0 =	simm.s32 @!p2 $0x0  }
0x16: {  	s3 =	sld [smem:$0x3FDB];
	s0 =	simm.s32 @p2 $0x1  }
0x17: {  	s4 =	simm.s32 $0x1BF5;
	[smem:$0x3FBA] =	sst s0  }
0x18: {  	s0 =	sld [smem:$0x3F9D];
	_ =	swait.ge [sflag:s4], $0x0  }
0x19: {  	s7 =	sld [smem:$0x3F9E]  }
0x1a: {  	s8 =	sadd.s32 $0xFFFFE003, lr  }
0x1b: {  	s9 =	sadd.s32 $0xFFFFFEF7, lr;
	s5 =	simm.s32 $0xFFFFFFFF;
	p2 =	slt.u32 s8, $0xFFFFF086  }
0x1c: {  	p1 =	slt.u32 s9, $0xF7A;
	s5 =	simm.s32 @!p2 $0x0  }
0x1d: {  	s5 =	simm.s32 @p1 $0x1;
	p0 =	seq.s32 s7, s2  }
0x1e: {  	s7 =	smul.u32 @!p0 $0xF7A, s2;
	p2 =	seq.s32 @!p0 s5, $0x0  }
0x1f: {  	s9 =	smul.u32 $0xF7A, s1;
	s8 =	simm.s32 @!p0 $0x1BF5;
	p2 =	por !p2, p0  }
0x20: {  	[sflag:s8] =	ssyncset.s32 @!p0 $0xFFFFF086;
	s6 =	sadd.s32 @!p0 s3, s7;
	s7 =	simm.s32 @!p0 $0x108  }
0x21: {  	s3 =	sadd.s32 s3, s9;
	s6 =	sadd.s32 @!p0 $0x88, s6;
	s7 =	simm.s32 @p2 $0x1082  }
0x22: {  	[simem:s7], [sflag:s8] =	dma.local @!p0 [hbm:s6], $0xF7A  }
0x23: {  	s9 =	sor.u32 $0xD0000000, s2;
	s6 =	simm.s32 $0x108;
	_ =	swait.ge @!p0 [sflag:s8], $0x0  }
0x24: {  	s3 =	sadd.s32 $0x88, s3;
	s6 =	simm.s32 @!p1 $0x1082;
	[sflag:s4] =	ssyncset.s32 $0xFFFFF086  }
0x25: {  	[simem:s6], [sflag:s4] =	dma.local [hbm:s3], $0xF7A  }
0x26: {  	[smem:$0x3F9E] =	sst s1;
	(tag) =	ssettag s2;
	_ =	strace s9  }
0x27: {  	s1 =	sld [smem:$0x3FAE]  }
0x28: {  	s2 =	sld [smem:$0x3FAF]  }
0x29: {  	s4 =	sld [smem:$0x3FB1]  }
0x2a: {  	p0 =	seq.s32 s5, $0x0;
	s5 =	sld [smem:$0x3FB2]  }
0x2b: {  	s6 =	sld [smem:$0x3FB3]  }
0x2c: {  	s7 =	sld [smem:$0x3FB4]  }
0x2d: {  	s3 =	simm.s32 $0x108;
	s8 =	sld [smem:$0x3FB5]  }
0x2e: {  	s3 =	simm.s32 @!p0 $0x1082;
	s9 =	sld [smem:$0x3FB6]  }
0x2f: {  	lr =	sadd.s32 s0, s3;
	s0 =	sld [smem:$0x3FAD]  }
0x30: {  	s3 =	sld [smem:$0x3FB0]  }
0x31: {  	[smem:$0x3FB9] =	sst s10  }
0x32: {  	s10 =	sld [smem:$0x3FB7];
	_ =	sdelay $0x3  }
0x33: {  	p0 =	seq.s32 s10, $0x1;
	s10 =	sld [smem:$0x3FB9];
	_ =	sdelay $0x3  }
0x34: {  	[smem:$0x3FB9] =	sst s10  }
0x35: {  	s10 =	sld [smem:$0x3FB8];
	_ =	sdelay $0x3  }
0x36: {  	p1 =	seq.s32 s10, $0x1;
	s10 =	sld [smem:$0x3FB9];
	_ =	sdelay $0x3  }
0x37: {  	[smem:$0x3FB9] =	sst s10  }
0x38: {  	s10 =	sld [smem:$0x3FBA]  }
0x39: {  	_ = 	snop;
	(pc) =	sbr.ind lr, $3  }
0x3a: {  	_ = 	snop  }
0x3b: {  	_ = 	snop  }
0x3c: {  	p2 =	seq.s32 s10, $0x1;
	s10 =	sld [smem:$0x3FB9]  }
0x3d: {  	_ =	shalt  }
0x3e: {  	_ =	shalt  }
0x3f: {  	_ =	shalt  }
0x40: {  	_ =	shalt  }
0x41: {  	_ =	shalt  }
0x42: {  	_ =	shalt  }
0x43: {  	_ =	shalt  }
0x44: {  	_ =	shalt  }
0x45: {  	_ =	shalt  }
0x46: {  	_ =	shalt  }
0x47: {  	_ =	shalt  }
0x48: {  	_ =	shalt  }
0x49: {  	_ =	shalt  }
0x4a: {  	_ =	shalt  }
0x4b: {  	_ =	shalt  }
0x4c: {  	_ =	shalt  }
0x4d: {  	_ =	shalt  }
0x4e: {  	_ =	shalt  }
0x4f: {  	_ =	shalt  }
0x50: {  	_ =	shalt  }
0x51: {  	_ =	shalt  }
0x52: {  	_ =	shalt  }
0x53: {  	_ =	shalt  }
0x54: {  	_ =	shalt  }
0x55: {  	_ =	shalt  }
0x56: {  	_ =	shalt  }
0x57: {  	_ =	shalt  }
0x58: {  	_ =	shalt  }
0x59: {  	_ =	shalt  }
0x5a: {  	_ =	shalt  }
0x5b: {  	_ =	shalt  }
0x5c: {  	_ =	shalt  }
0x5d: {  	_ =	shalt  }
0x5e: {  	_ =	shalt  }
0x5f: {  	_ =	shalt  }
0x60: {  	_ =	shalt  }
0x61: {  	_ =	shalt  }
0x62: {  	_ =	shalt  }
0x63: {  	_ =	shalt  }
0x64: {  	_ =	shalt  }
0x65: {  	_ =	shalt  }
0x66: {  	_ =	shalt  }
0x67: {  	_ =	shalt  }
0x68: {  	_ =	shalt  }
0x69: {  	_ =	shalt  }
0x6a: {  	_ =	shalt  }
0x6b: {  	_ =	shalt  }
0x6c: {  	_ =	shalt  }
0x6d: {  	_ =	shalt  }
0x6e: {  	_ =	shalt  }
0x6f: {  	_ =	shalt  }
0x70: {  	_ =	shalt  }
0x71: {  	_ =	shalt  }
0x72: {  	_ =	shalt  }
0x73: {  	_ =	shalt  }
0x74: {  	_ =	shalt  }
0x75: {  	_ =	shalt  }
0x76: {  	_ =	shalt  }
0x77: {  	_ =	shalt  }
0x78: {  	_ =	shalt  }
0x79: {  	_ =	shalt  }
0x7a: {  	_ =	shalt  }
0x7b: {  	_ =	shalt  }
0x7c: {  	_ =	shalt  }
0x7d: {  	_ =	shalt  }
0x7e: {  	_ =	shalt  }
0x7f: {  	_ =	shalt  }
0x80: {  	_ =	shalt  }
0x81: {  	_ =	shalt  }
0x82: {  	_ =	shalt  }
0x83: {  	_ =	shalt  }
0x84: {  	_ =	shalt  }
0x85: {  	_ =	shalt  }
0x86: {  	_ =	shalt  }
0x87: {  	_ =	shalt  }
.Lfunc_end0:
.L_simem_size_0:
called_computation_lowered:
.L_overlay_start_0:
0x88: {  	s2 =	sld [smem:$0x3FD9]  }
0x89: {  	s3 =	sld [smem:$0x3FFE];
	_ =	sdelay $0x1  }
0x8a: {  	s1 =	srdreg.scid  }
0x8b: {  	s0 =	sand.u32 $0x1, s1  }
0x8c: {  	s17 =	sshll.u32 s0, $0xA;
	s2 =	sadd.s32 s3, s2  }
0x8d: {  	s2 =	sadd.s32 s2, s17  }
0x8e: {  	[smem:$0x3FC5] =	sst s2  }
0x8f: {  	_ = 	snop  }
0x90: {  	s2 =	sld [smem:$0x3FD0];
	(tm) =	ssettm $0x1  }
0x91: {  	s18 =	sld [smem:$0x3FFB];
	_ =	sdelay $0x3  }
0x92: {  	_ =	strace s18  }
0x93: {  	s3 =	sld [smem:$0x3FFC];
	_ =	sdelay $0x3  }
0x94: {  	_ =	strace s3  }
0x95: {  	s3 =	sld [smem:$0x3FFD];
	_ =	sdelay $0x3  }
0x96: {  	_ =	strace s3  }
0x97: {  	_ =	strace $0x8FFFFFFF  }
0x98: {  	s19 =	sld [smem:$0x3FDB];
	_ =	sdelay $0x1  }
0x99: {  	s4 =	simm.s32 $_scs_section_size  }
0x9a: {  	s5 =	simm.s32 $_size__tile_overlayer_lowered;
	s6 =	simm.s32 $_tile_overlayer_lowered  }
0x9b: {  	s22 =	simm.s32 $0x1BFF;
	s21 =	sshll.u32 s6, $0x1;
	s3 =	sadd.s32 s4, s19  }
0x9c: {  	s7 =	simm.s32 $0x0;
	s20 =	sshll.u32 s5, $0x1;
	s5 =	sadd.s32 s21, s3  }
0x9d: {  	[timem:s7], [sflag:s22] =	dma.local [hbm:s5], s20  }
0x9e: {  	_ =	swait.ge [sflag:s22], s20  }
0x9f: {  	s4 =	ssub.s32 $0x0, s20;
	[sflag:s22] =	ssyncset.done $0x0  }
0xa0: {  	[sflag:s22] =	ssyncadd.s32 s4;
	_ =	sdelay $0x1  }
0xa1: {  	s23 =	simm.s32 $0x1B8B  }
0xa2: {  	_ =	swait.ge [sflag:s23], $0x1  }
0xa3: {  	[sflag:s23] =	ssyncset.done $0x0  }
0xa4: {  	s25 =	simm.s32 $0x1B8E;
	s24 =	sld [smem:$0x3FFE];
	[sflag:s23] =	ssyncadd.s32 $0xFFFFFFFF  }
0xa5: {  	s26 =	simm.s32 $execute0_lowered;
	[smem:$0x3FD2] =	sst s25  }
0xa6: {  	s5 =	sshll.u32 s26, $0x1;
	_ =	strace $0x80000046;
	[dreg:$0x1] =	wrdreg $0xFFFFFFFF  }
0xa7: {  	s28 =	simm.s32 $_size_execute0_lowered;
	s3 =	sadd.s32 s3, s5;
	[dreg:$0x0] =	wrdreg $0x0  }
0xa8: {  	s5 =	sshll.u32 s28, $0x1;
	[dreg:$0x2] =	wrdreg s3  }
0xa9: {  	[dreg:$0x3] =	wrdreg s5  }
0xaa: {  	[dreg:$0x4] =	wrdreg $0xC0  }
0xab: {  	_ =	task [dreg:s7], $0x5FFFF  }
0xac: {  	[dreg:$0x1] =	wrdreg $0xFFFFFFFF  }
0xad: {  	[dreg:$0x0] =	wrdreg $0x60  }
0xae: {  	[dreg:$0x2] =	wrdreg s24  }
0xaf: {  	[dreg:$0x3] =	wrdreg s2  }
0xb0: {  	[dreg:$0x4] =	wrdreg $0x9  }
0xb1: {  	_ =	task.clear_ibuf [dreg:s7], $0x5FFFF;
	_ =	strace $0x90000046  }
0xb2: {  	s29 =	simm.s32 $0x9;
	_ =	strace $0x80000048  }
0xb3: {  	_ =	swait.ge [sflag:s29], $0x1  }
0xb4: {  	[sflag:s29] =	ssyncadd.s32 $0xFFFFFFFF  }
0xb5: {  	_ =	strace $0x90000048  }
0xb6: {  	_ =	sfence  }
0xb7: {  	s30 =	sld [smem:$0x0];
	_ =	sdelay $0x2  }
0xb8: {  	s31 =	sshll.u32 s1, $0xD;
	s1 =	sshrl.u32 s1, $0x2  }
0xb9: {  	s3 =	sand.u32 $0x4000, s31;
	s1 =	sadd.s32 s1, s30  }
0xba: {  	s0 =	sor.u32 s3, s0;
	s1 =	sshll.u32 s1, $0x11  }
0xbb: {  	s0 =	sor.u32 s1, s0  }
0xbc: {  	s0 =	sadd.s32 $0x8F2B, s0  }
0xbd: {  	[sflag:s0] =	ssyncadd.remote.s32 $0x1  }
0xbe: {  	_ =	sfence.sel $0xFFFF  }
0xbf: {  	[dreg:$0x0] =	wrdreg $0xFFFFFFFF;
	(pc) =	sbr.abs _section_cstart, $3  }
0xc0: {  	[dreg:$0x1] =	wrdreg $0xFFFFFFFF  }
0xc1: {  	_ =	task.clear_ibuf [dreg:s7], $0x2FFFF;
	_ =	strace $0x9FFFFFFF  }
0xc2: {  	(tm) =	ssettm $0x7FFFFFFF  }
0xc3: {  	_ =	shalt  }
tec
execute0_lowered:
.L_overlay_start_1:
0x0: {  	(tag) =	ssettag $0x1  }
0x1: {  	v0 =	vlaneseq.u32  }
0x2: {  	s0 =	rddreg [dreg:$0x0];
	s3 =	simm.s32 $0x0;
	v2 =	vmul.u32 $0x88, v0  }
0x3: {  	vm0 =	vcmask $0x300;
	[smem:$0x7FF] =	sst s3;
	v0 =	vimm.s32 $0x0  }
0x4: {  	s2 =	rddreg [dreg:$0x1];
	_ =	strace $0x80000047;
	v1 =	vsel vm0, $0x3, v0;
	v0 =	vadd.s32 $0x1102, v2;
	[tilespmem:$0x1FE50] =	vst v2  }
0x5: {  	v31 =	vadd.s32 $0x1982, v2;
	[tilespmem:$0x1FE00] =	vst v0  }
0x6: {  	v4 =	vadd.s32 $0x1986, v2;
	[tilespmem:$0x1FE60] =	vst v31  }
0x7: {  	v24 =	vadd.s32 $0x880, v2;
	[tilespmem:$0x1FE70] =	vst v4  }
0x8: {  	v21 =	vadd.s32 $0x883, v2;
	[tilespmem:$0x1FE90] =	vst v24  }
0x9: {  	v40 =	vor.u32 $0x5, v2;
	[tilespmem:$0x1FEA0] =	vst v21  }
0xa: {  	v61 =	vadd.s32 $0x882, v2;
	[tilespmem:$0x1FEB0] =	vst v40  }
0xb: {  	v57 =	vadd.s32 $0x1105, v2;
	[tilespmem:$0x1FEC0] =	vst v61  }
0xc: {  	v30 =	vadd.s32 $0x1103, v2;
	[tilespmem:$0x1FED0] =	vst v57  }
0xd: {  	v60 =	vadd.s32 $0x886, v2;
	[tilespmem:$0x1FEE0] =	vst v30  }
0xe: {  	v63 =	vadd.s32 $0x1106, v2;
	[tilespmem:$0x1FEF0] =	vst v60  }
0xf: {  	v10 =	vor.u32 $0x4, v2;
	[tilespmem:$0x1FF00] =	vst v63  }
0x10: {  	v23 =	vor.u32 $0x1, v2;
	[tilespmem:$0x1FF10] =	vst v10  }
0x11: {  	v11 =	vadd.s32 $0x1981, v2;
	[tilespmem:$0x1FF20] =	vst v23  }
0x12: {  	v46 =	vor.u32 $0x2, v2;
	[tilespmem:$0x1FF30] =	vst v11  }
0x13: {  	v25 =	vor.u32 $0x3, v2;
	[tilespmem:$0x1FF40] =	vst v46  }
0x14: {  	v38 =	vor.u32 $0x6, v2;
	[tilespmem:$0x1FF50] =	vst v25  }
0x15: {  	v27 =	vadd.s32 $0x881, v2;
	[tilespmem:$0x1FF60] =	vst v38  }
0x16: {  	v51 =	vadd.s32 $0x885, v2;
	[tilespmem:$0x1FF70] =	vst v27  }
0x17: {  	v19 =	vadd.s32 $0x1101, v2;
	[tilespmem:$0x1FF80] =	vst v51  }
0x18: {  	v58 =	vadd.s32 $0x1100, v2;
	[tilespmem:$0x1FF90] =	vst v19  }
0x19: {  	s1 =	srdreg.scid;
	s4 =	stileid.u32;
	s26 =	simm.s32 $0x11600;
	v53 =	vadd.s32 $0x1104, v2;
	[tilespmem:$0x1FFA0] =	vst v58  }
0x1a: {  	s22 =	simm.s32 $0x6;
	s23 =	simm.s32 $0x2;
	s20 =	simm.s32 $0x5;
	v62 =	vadd.s32 $0x1984, v2;
	[tilespmem:$0x1FFB0] =	vst v53  }
0x1b: {  	s24 =	simm.s32 $0x3;
	s16 =	simm.s32 $0x4;
	s1 =	sand.u32 $0x1, s1;
	v18 =	vadd.s32 $0x1980, v2;
	[tilespmem:$0x1FFC0] =	vst v62  }
0x1c: {  	s4 =	sshll.u32 s4, $0x1;
	s8 =	sadd.s32 $0x1000, s2;
	s9 =	sadd.s32 $0x2000, s2;
	v32 =	vadd.s32 $0x1985, v2;
	[tilespmem:$0x1FFD0] =	vst v18  }
0x1d: {  	s10 =	sadd.s32 $0x3000, s2;
	s11 =	sadd.s32 $0x4000, s2;
	s12 =	sadd.s32 $0x5000, s2;
	v15 =	vadd.s32 $0x1983, v2;
	[tilespmem:$0x1FFE0] =	vst v32  }
0x1e: {  	s13 =	sadd.s32 $0x6000, s2;
	s5 =	sor.u32 s1, s4;
	s1 =	ssub.s32 $0x2, s1;
	v0 =	vadd.s32 $0x884, v2;
	[tilespmem:$0x1FFF0] =	vst v15  }
0x1f: {  	s14 =	sadd.s32 $0x7000, s2;
	s4 =	sshll.u32 s5, $0x4;
	s7 =	sshrl.u32 s1, $0x1;
	[tilespmem:$0x1FE10] =	vst v0;
	v0 =	vor.u32 $0x7, v2  }
0x20: {  	s6 =	sadd.s32 s4, s0;
	s4 =	sadd.s32 $0xF42C00, s0;
	s0 =	sadd.s32 $0x19800, s0;
	[tilespmem:$0x1FE20] =	vst v0;
	v0 =	vadd.s32 $0x887, v2  }
0x21: {  	s30 =	ssub.s32 s1, s7;
	[dreg:$0x3] =	wrdreg s0;
	s31 =	sadd.s32 $0x800, s6;
	[tilespmem:$0x1FE30] =	vst v0;
	v0 =	vadd.s32 $0x1107, v2  }
0x22: {  	s7 =	sshll.u32 s5, $0xA;
	s0 =	smax.u32 s30, $0x1;
	[dreg:$0x4] =	wrdreg s31;
	[tilespmem:$0x1FE40] =	vst v0;
	v0 =	vadd.s32 $0x1987, v2  }
0x23: {  	s5 =	simm.s32 $0x13800;
	s1 =	simm.s32 $0x0;
	[dreg:$0x5] =	wrdreg s0;
	[tilespmem:$0x1FE80] =	vst v0  }
.LBB2_1:
0x24: {  	[dreg:$0x6] =	wrdreg s1  }
0x25: {  	s0 =	rddreg [dreg:$0x4]  }
0x26: {  	s18 =	simm.s32 $0x80;
	s6 =	simm.s32 $0x1000;
	s19 =	simm.s32 $0x7  }
0x27: {  	[tilespmem:s3], [sflag:$0x7] =	stream.strided.gather [hbm4b:s0+s18], $0x6400, s6, s18, $0x38;
	[tilespmem:$0x15A00] =	vst v63  }
0x28: {  	_ =	swait.ge [sflag:s19], $0x6400  }
0x29: {  	[sflag:s19] =	ssyncset.done $0x0  }
0x2a: {  	s15 =	simm.s32 $0x6400;
	s21 =	rddreg [dreg:$0x3];
	[sflag:s19] =	ssyncadd.s32 $0xFFFF9C00  }
0x2b: {  	[tilespmem:s15], [sflag:$0x7] =	stream.linear.gather [hbm4b:s21+s3], $0x3200, $0x38;
	[tilespmem:$0x15A00] =	vst v63  }
0x2c: {  	_ =	swait.ge [sflag:s19], $0x3200  }
0x2d: {  	[sflag:s19] =	ssyncset.done $0x0  }
0x2e: {  	s25 =	simm.s32 $0x9600;
	[sflag:s19] =	ssyncadd.s32 $0xFFFFCE00  }
0x2f: {  	[tilespmem:s25], [sflag:$0x1] =	stream.indirect.gather [hbm4b:s4+s18], $0x40, s3, s18, $0xb8;
	[tilespmem:$0x15A00] =	vst v63  }
0x30: {  	s29 =	simm.s32 $0xB600  }
0x31: {  	[tilespmem:s29], [sflag:$0x2] =	stream.indirect.gather [hbm4b:s4+s18], $0x40, s18, s18, $0xb8;
	[tilespmem:$0x15A00] =	vst v63  }
0x32: {  	s30 =	simm.s32 $0x100;
	s31 =	simm.s32 $0xD600;
	s28 =	simm.s32 $0x0  }
0x33: {  	[tilespmem:s31], [sflag:$0x3] =	stream.indirect.gather [hbm4b:s4+s18], $0x40, s30, s18, $0xb8;
	[tilespmem:$0x15A00] =	vst v63  }
.LBB2_2:
0x34: {  	s29 =	sshllo.u32 s28, $0x2  }
0x35: {  	s1 =	simm.s32 $0x80;
	s0 =	sshll.u32 s29, $0x7  }
0x36: {  	s6 =	simm.s32 $0xF600;
	s18 =	sshll.u32 s28, $0x8;
	s0 =	sand.u32 $0x3FFFFF80, s0  }
0x37: {  	[tilespmem:s6], [sflag:$0x4] =	stream.indirect.gather [hbm4b:s4+s1], $0x40, s0, s1, $0xb8;
	[tilespmem:$0x15A00] =	vst v63  }
0x38: {  	s0 =	sand.u32 $0x3FFFFF00, s18  }
0x39: {  	v36 =	vld [tilespmem:s0+$0x6400]  }
0x3a: {  	v35 =	vld [tilespmem:s0+$0x6410]  }
0x3b: {  	p0 =	seq.s32 s28, $0x0;
	v34 =	vld [tilespmem:s0+$0x6420]  }
0x3c: {  	v33 =	vld [tilespmem:s0+$0x6430];
	s0 =	simm.s32 @!p0 $0x5  }
0x3d: {  	_ =	swait.ge @!p0 [sflag:s0], $0x400  }
0x3e: {  	[sflag:s0] =	ssyncset.done @!p0 $0x0  }
0x3f: {  	[sflag:s0] =	ssyncadd.s32 @!p0 $0xFFFFFC00  }
0x40: {  	_ =	swait.ge @!p0 [sflag:s0], $0x400  }
0x41: {  	[sflag:s0] =	ssyncset.done @!p0 $0x0  }
0x42: {  	[sflag:s0] =	ssyncadd.s32 @!p0 $0xFFFFFC00  }
0x43: {  	_ =	swait.ge @!p0 [sflag:s0], $0x400  }
0x44: {  	[sflag:s0] =	ssyncset.done @!p0 $0x0  }
0x45: {  	[sflag:s0] =	ssyncadd.s32 @!p0 $0xFFFFFC00  }
0x46: {  	_ =	swait.ge @!p0 [sflag:s0], $0x400  }
0x47: {  	[sflag:s0] =	ssyncset.done @!p0 $0x0  }
0x48: {  	[sflag:s0] =	ssyncadd.s32 @!p0 $0xFFFFFC00  }
0x49: {  	_ =	swait.ge @!p0 [sflag:s0], $0x400  }
0x4a: {  	[sflag:s0] =	ssyncset.done @!p0 $0x0  }
0x4b: {  	[sflag:s0] =	ssyncadd.s32 @!p0 $0xFFFFFC00  }
0x4c: {  	_ =	swait.ge @!p0 [sflag:s0], $0x400  }
0x4d: {  	[sflag:s0] =	ssyncset.done @!p0 $0x0  }
0x4e: {  	[sflag:s0] =	ssyncadd.s32 @!p0 $0xFFFFFC00  }
0x4f: {  	_ =	swait.ge @!p0 [sflag:s0], $0x400  }
0x50: {  	[sflag:s0] =	ssyncset.done @!p0 $0x0  }
0x51: {  	[sflag:s0] =	ssyncadd.s32 @!p0 $0xFFFFFC00  }
0x52: {  	_ =	swait.ge @!p0 [sflag:s0], $0x400  }
0x53: {  	s19 =	simm.s32 $0x0;
	s6 =	simm.s32 $0x1;
	[sflag:s0] =	ssyncset.done @!p0 $0x0  }
0x54: {  	s25 =	simm.s32 $0x4;
	s15 =	simm.s32 $0x1;
	v5 =	vmov s6;
	[sflag:s0] =	ssyncadd.s32 @!p0 $0xFFFFFC00  }
0x55: {  	s17 =	simm.s32 $0x5;
	v0 =	vmov s19;
	v3 =	vmov s25;
	v5 =	vshrl.u32 v5, $0x3;
	_ =	swait.ge [sflag:s15], $0x2000  }
0x56: {  	s19 =	simm.s32 $0x2;
	v4 =	vmov s17;
	v3 =	vshrl.u32 v3, $0x3;
	v5 =	vshll.u32 v5, v1;
	[sflag:s15] =	ssyncset.done $0x0  }
0x57: {  	s17 =	simm.s32 $0x3;
	v6 =	vmov s19;
	v3 =	vshll.u32 v3, v1;
	v5 =	vbroadcast v5, $0x0;
	s0 =	simm.s32 $0x9700;
	[sflag:s15] =	ssyncadd.s32 $0xFFFFE000  }
0x58: {  	v6 =	vshrl.u32 v6, $0x3;
	v44 =	vbroadcast v3, $0x0;
	v3 =	vmov s17;
	v7 =	vld [tilespmem:s0+$0x0]  }
0x59: {  	v6 =	vshll.u32 v6, v1;
	v3 =	vshrl.u32 v3, $0x3;
	v12 =	vadd.s32 v11, v5;
	v8 =	vld [tilespmem:s0+$0xFFFFFF40]  }
0x5a: {  	v37 =	vbroadcast v6, $0x0;
	v6 =	vadd.s32 v10, v44;
	v3 =	vshll.u32 v3, v1;
	v9 =	vld [tilespmem:s0+$0xFFFFFF80];
	[tilespmem:$0x1FD90] =	vst v12  }
0x5b: {  	v20 =	vmovc v10;
	v31 =	vmov v11;
	v56 =	vbroadcast v3, $0x0;
	v10 =	vadd.s32 v23, v5;
	v11 =	vld [tilespmem:s0+$0xFFFFFFC0]  }
0x5c: {  	v12 =	vadd.s32 v46, v37  }
0x5d: {  	v0 =	vshrl.u32 v0, $0x3;
	v15 =	vadd.s32 v25, v56;
	v3 =	vld [tilespmem:s0+$0xFFFFFF00];
	v7 =	vadd.f32 v7, v36  }
0x5e: {  	s18 =	simm.s32 $0x6;
	v17 =	vshll.u32 v0, v1;
	v13 =	vld [tilespmem:s0+$0xC0];
	v0 =	vadd.f32 v8, v36  }
0x5f: {  	v4 =	vshrl.u32 v4, $0x3;
	v14 =	vmov s18;
	v16 =	vld [tilespmem:s0+$0x80];
	v9 =	vadd.f32 v9, v36;
	[tilespmem:v6+s26+$0x0] =	vst.idx.msk $0xffff, v7  }
0x60: {  	s21 =	simm.s32 $0x7;
	v4 =	vshll.u32 v4, v1;
	v8 =	vshrl.u32 v14, $0x3;
	v14 =	vld [tilespmem:s0+$0x40];
	[tilespmem:v10+s26+$0x0] =	vst.idx.msk $0xffff, v0;
	v7 =	vadd.f32 v11, v36  }
0x61: {  	v2 =	vmov s21;
	v55 =	vbroadcast v4, $0x0;
	[tilespmem:v12+s26+$0x0] =	vst.idx.msk $0xffff, v9;
	v4 =	vld [tilespmem:s0+$0xFFFFFF50]  }
0x62: {  	v2 =	vshrl.u32 v2, $0x3;
	v10 =	vld [tilespmem:s0+$0xFFFFFF90];
	[tilespmem:v15+s26+$0x0] =	vst.idx.msk $0xffff, v7  }
0x63: {  	v2 =	vshll.u32 v2, v1;
	v22 =	vld [tilespmem:$0x1FE40]  }
0x64: {  	v50 =	vbroadcast v2, $0x0;
	v54 =	vbroadcast v17, $0x0;
	v0 =	vadd.s32 v51, v55;
	v6 =	vld [tilespmem:s0+$0x10]  }
0x65: {  	v17 =	vadd.s32 v61, v37;
	v8 =	vshll.u32 v8, v1;
	v26 =	vld [tilespmem:$0x1FE10];
	[tilespmem:$0x1FD70] =	vst v0;
	v0 =	vadd.s32 v30, v56  }
0x66: {  	v52 =	vbroadcast v8, $0x0;
	v8 =	vadd.f32 v13, v36;
	v13 =	vld [tilespmem:s0+$0xFFFFFFD0];
	[tilespmem:$0x1FDB0] =	vst v0;
	v0 =	vadd.s32 v24, v54  }
0x67: {  	v40 =	vadd.s32 v40, v55;
	v29 =	vld [tilespmem:$0x1FE20];
	[tilespmem:$0x1FD80] =	vst v0;
	v0 =	vadd.s32 v57, v55  }
0x68: {  	v30 =	vld [tilespmem:$0x1FE50];
	v39 =	vadd.f32 v4, v35;
	v4 =	vadd.f32 v10, v35;
	[tilespmem:$0x1FDD0] =	vst v0;
	v0 =	vadd.s32 v22, v50  }
0x69: {  	v43 =	vadd.s32 v21, v56;
	v45 =	vadd.s32 v19, v5;
	v7 =	vadd.s32 v38, v52;
	v21 =	vld [tilespmem:$0x1FE30];
	[tilespmem:$0x1FDA0] =	vst v0  }
0x6a: {  	s31 =	simm.s32 $0x9900;
	v9 =	vadd.s32 v27, v5;
	v5 =	vmov v27;
	v27 =	vld [tilespmem:$0x1FE00];
	v0 =	vadd.s32 v63, v52;
	[tilespmem:v17+s26+$0x0] =	vst.idx.msk $0xffff, v4  }
0x6b: {  	v11 =	vadd.s32 v26, v44;
	v48 =	vld [tilespmem:s31+$0xFFFFFF40];
	[tilespmem:$0x1FDC0] =	vst v0;
	v0 =	vadd.s32 v58, v54  }
0x6c: {  	v16 =	vadd.f32 v16, v36;
	v15 =	vadd.s32 v29, v50;
	[tilespmem:$0x1FDE0] =	vst v0  }
0x6d: {  	s25 =	simm.s32 $0x9;
	v14 =	vadd.f32 v14, v36;
	v49 =	vld [tilespmem:s0+$0xFFFFFFA0]  }
0x6e: {  	v59 =	vmov s25;
	v12 =	vmov v38;
	v38 =	vadd.f32 v6, v35;
	v6 =	vld [tilespmem:s31+$0x80];
	[tilespmem:v7+s26+$0x0] =	vst.idx.msk $0xffff, v16  }
0x6f: {  	v32 =	vmovc v23;
	v59 =	vshrl.u32 v59, $0x3;
	v23 =	vmov v60;
	v42 =	vadd.s32 v60, v52;
	v60 =	vld [tilespmem:s31+$0xFFFFFF80];
	[tilespmem:v40+s26+$0x0] =	vst.idx.msk $0xffff, v14  }
0x70: {  	s15 =	simm.s32 $0xA;
	[tilespmem:v11+s26+$0x0] =	vst.idx.msk $0xffff, v38;
	v0 =	vmov v62;
	v62 =	vshll.u32 v59, v1;
	v59 =	vld [tilespmem:s0+$0x90]  }
0x71: {  	s6 =	simm.s32 $0xC;
	v47 =	vadd.s32 v27, v37;
	v16 =	vmov s15;
	[tilespmem:v15+s26+$0x0] =	vst.idx.msk $0xffff, v8;
	v11 =	vld [tilespmem:s0+$0x50]  }
0x72: {  	v28 =	vmovc v57;
	v41 =	vadd.s32 v30, v54;
	v7 =	vmov s6;
	v16 =	vshrl.u32 v16, $0x3;
	v57 =	vld [tilespmem:s0+$0xD0]  }
0x73: {  	v4 =	vmovc v51;
	[tilespmem:v9+s26+$0x0] =	vst.idx.msk $0xffff, v39;
	v7 =	vshrl.u32 v7, $0x3;
	v14 =	vshll.u32 v16, v1;
	v51 =	vbroadcast v62, $0x0;
	v62 =	vld [tilespmem:s31+$0x0]  }
0x74: {  	s21 =	simm.s32 $0xF;
	v16 =	vld [tilespmem:s0+$0xFFFFFF60];
	v7 =	vshll.u32 v7, v1;
	v39 =	vbroadcast v14, $0x0;
	v14 =	vadd.f32 v49, v34  }
0x75: {  	s19 =	simm.s32 $0x8;
	v13 =	vadd.f32 v13, v35;
	v58 =	vmov s21;
	v40 =	vbroadcast v7, $0x0;
	v7 =	vld [tilespmem:s31+$0xFFFFFF00]  }
0x76: {  	v17 =	vadd.s32 v53, v44;
	v53 =	vmov s19;
	v49 =	vshrl.u32 v58, $0x3;
	[tilespmem:v47+s26+$0x0] =	vst.idx.msk $0xffff, v14;
	v14 =	vld [tilespmem:s31+$0x40]  }
0x77: {  	v3 =	vadd.f32 v3, v36;
	[tilespmem:v43+s26+$0x0] =	vst.idx.msk $0xffff, v13;
	v13 =	vshrl.u32 v53, $0x3;
	v47 =	vshll.u32 v49, v1;
	v49 =	vld [tilespmem:s31+$0xC0]  }
0x78: {  	s21 =	simm.s32 $0xB;
	v8 =	vadd.s32 v20, v40;
	v15 =	vadd.f32 v59, v35;
	v59 =	vadd.f32 v62, v36;
	v62 =	vld [tilespmem:s31+$0xFFFFFFC0]  }
0x79: {  	v38 =	vadd.s32 v31, v51;
	v58 =	vadd.s32 v32, v51;
	v32 =	vmov s21;
	v31 =	vld [tilespmem:$0x1FFF0]  }
0x7a: {  	s25 =	simm.s32 $0xE;
	v53 =	vadd.s32 v46, v39;
	v43 =	vshrl.u32 v32, $0x3;
	v16 =	vadd.f32 v16, v34;
	v32 =	vld [tilespmem:$0x1FFE0];
	[tilespmem:v42+s26+$0x0] =	vst.idx.msk $0xffff, v15  }
0x7b: {  	v10 =	vadd.s32 v21, v50;
	v5 =	vadd.s32 v5, v51;
	v20 =	vmovc v63;
	v15 =	vmov s25;
	[tilespmem:v41+s26+$0x0] =	vst.idx.msk $0xffff, v3;
	v2 =	vld [tilespmem:s0+$0xFFFFFFB0]  }
0x7c: {  	s18 =	simm.s32 $0xD;
	v63 =	vadd.f32 v48, v36;
	v48 =	vadd.f32 v7, v36;
	[tilespmem:v45+s26+$0x0] =	vst.idx.msk $0xffff, v16;
	v16 =	vld [tilespmem:s0+$0x20];
	v15 =	vshrl.u32 v15, $0x3  }
0x7d: {  	v9 =	vmov s18;
	v3 =	vadd.f32 v60, v36;
	v60 =	vld [tilespmem:s0+$0xFFFFFF10];
	v7 =	vshll.u32 v15, v1;
	[tilespmem:v8+s26+$0x0] =	vst.idx.msk $0xffff, v59  }
0x7e: {  	v9 =	vshrl.u32 v9, $0x3;
	v41 =	vbroadcast v7, $0x0;
	v7 =	vld [tilespmem:s0+$0xFFFFFF70];
	[tilespmem:$0x1FDF0] =	vst v5  }
0x7f: {  	v9 =	vshll.u32 v9, v1;
	[tilespmem:v53+s26+$0x0] =	vst.idx.msk $0xffff, v3;
	v3 =	vadd.f32 v57, v35  }
0x80: {  	v42 =	vbroadcast v9, $0x0;
	[tilespmem:v58+s26+$0x0] =	vst.idx.msk $0xffff, v63  }
0x81: {  	[tilespmem:v10+s26+$0x0] =	vst.idx.msk $0xffff, v3  }
0x82: {  	v45 =	vbroadcast v47, $0x0;
	v47 =	vadd.s32 v4, v42;
	v4 =	vld [tilespmem:$0x1FD70];
	_ =	sdelay $0x4  }
0x83: {  	v3 =	vadd.f32 v16, v34  }
0x84: {  	v11 =	vadd.f32 v11, v35  }
0x85: {  	[tilespmem:v17+s26+$0x0] =	vst.idx.msk $0xffff, v3  }
0x86: {  	[tilespmem:v4+s26+$0x0] =	vst.idx.msk $0xffff, v11  }
0x87: {  	v3 =	vld [tilespmem:$0x1FD80]  }
0x88: {  	v15 =	vshll.u32 v43, v1  }
0x89: {  	v43 =	vbroadcast v15, $0x0;
	_ =	sdelay $0x1  }
0x8a: {  	v8 =	vadd.s32 v25, v43;
	_ =	sdelay $0x1  }
0x8b: {  	v11 =	vadd.f32 v60, v35  }
0x8c: {  	v59 =	vadd.s32 v12, v41;
	v12 =	vadd.f32 v62, v36  }
0x8d: {  	[tilespmem:v3+s26+$0x0] =	vst.idx.msk $0xffff, v11  }
0x8e: {  	v53 =	vadd.s32 v29, v45;
	v29 =	vld [tilespmem:$0x1FEE0];
	[tilespmem:v8+s26+$0x0] =	vst.idx.msk $0xffff, v12  }
0x8f: {  	v4 =	vld [tilespmem:$0x1FD90];
	_ =	sdelay $0x5  }
0x90: {  	v7 =	vadd.f32 v7, v33;
	_ =	sdelay $0x1  }
0x91: {  	[tilespmem:v4+s26+$0x0] =	vst.idx.msk $0xffff, v7  }
0x92: {  	v8 =	vadd.f32 v6, v36;
	v6 =	vld [tilespmem:$0x1FDA0]  }
0x93: {  	v10 =	vld [tilespmem:s0+$0xE0];
	_ =	sdelay $0x2  }
0x94: {  	v9 =	vld [tilespmem:s0+$0xA0];
	_ =	sdelay $0x1  }
0x95: {  	v10 =	vadd.f32 v10, v34;
	_ =	sdelay $0x1  }
0x96: {  	[tilespmem:v6+s26+$0x0] =	vst.idx.msk $0xffff, v10  }
0x97: {  	v12 =	vadd.f32 v9, v34;
	v9 =	vld [tilespmem:$0x1FDB0]  }
0x98: {  	v16 =	vld [tilespmem:s0+$0xFFFFFFE0];
	_ =	sdelay $0x3  }
0x99: {  	v57 =	vadd.s32 v26, v40  }
0x9a: {  	v26 =	vmovc v61;
	v3 =	vadd.s32 v61, v39;
	v61 =	vadd.f32 v2, v33;
	v2 =	vadd.f32 v16, v34;
	_ =	sdelay $0x1  }
0x9b: {  	[tilespmem:v9+s26+$0x0] =	vst.idx.msk $0xffff, v2  }
0x9c: {  	v2 =	vld [tilespmem:$0x1FDC0];
	_ =	sdelay $0x3  }
0x9d: {  	v5 =	vld [tilespmem:s0+$0x30];
	_ =	sdelay $0x2  }
0x9e: {  	v11 =	vld [tilespmem:s0+$0x60]  }
0x9f: {  	v9 =	vadd.s32 v31, v56;
	v31 =	vld [tilespmem:$0x1FEA0];
	[tilespmem:v2+s26+$0x0] =	vst.idx.msk $0xffff, v12  }
0xa0: {  	v12 =	vadd.f32 v5, v33;
	v5 =	vld [tilespmem:$0x1FE80];
	_ =	sdelay $0x3  }
0xa1: {  	v17 =	vld [tilespmem:s31+$0xFFFFFF50]  }
0xa2: {  	v10 =	vadd.f32 v11, v34;
	v11 =	vadd.s32 v5, v50;
	v5 =	vld [tilespmem:$0x1FDD0];
	_ =	sdelay $0x2  }
0xa3: {  	v15 =	vld [tilespmem:s31+$0x10]  }
0xa4: {  	v0 =	vadd.s32 v0, v44;
	v7 =	vld [tilespmem:s31+$0xFFFFFF90]  }
0xa5: {  	v4 =	vadd.f32 v17, v35;
	v17 =	vld [tilespmem:s0+$0xFFFFFF20]  }
0xa6: {  	v2 =	vld [tilespmem:s0+$0xF0]  }
0xa7: {  	v13 =	vshll.u32 v13, v1  }
0xa8: {  	v44 =	vbroadcast v13, $0x0;
	v13 =	vadd.f32 v15, v35;
	[tilespmem:v5+s26+$0x0] =	vst.idx.msk $0xffff, v10  }
0xa9: {  	v5 =	vld [tilespmem:$0x1FE70];
	[tilespmem:v0+s26+$0x0] =	vst.idx.msk $0xffff, v12  }
0xaa: {  	v62 =	vadd.f32 v14, v36;
	v14 =	vadd.f32 v7, v35;
	v0 =	vld [tilespmem:$0x1FEB0];
	[tilespmem:v57+s26+$0x0] =	vst.idx.msk $0xffff, v13  }
0xab: {  	v7 =	vadd.f32 v17, v34;
	v17 =	vadd.f32 v2, v33;
	v2 =	vld [tilespmem:$0x1FDE0];
	_ =	sdelay $0x7  }
0xac: {  	v6 =	vld [tilespmem:s31+$0xFFFFFFD0];
	[tilespmem:v2+s26+$0x0] =	vst.idx.msk $0xffff, v7  }
0xad: {  	v7 =	vld [tilespmem:$0x1FDF0];
	_ =	sdelay $0x2  }
0xae: {  	v49 =	vadd.f32 v49, v36  }
0xaf: {  	v58 =	vadd.s32 v23, v41;
	v60 =	vadd.s32 v32, v55;
	v55 =	vadd.s32 v30, v44  }
0xb0: {  	v46 =	vadd.s32 v29, v43;
	v6 =	vadd.f32 v6, v35;
	v15 =	vld [tilespmem:s0+$0xFFFFFFF0];
	v16 =	vadd.s32 v0, v42  }
0xb1: {  	v56 =	vadd.s32 v21, v45;
	v63 =	vadd.s32 v31, v43;
	v50 =	vadd.s32 v28, v42;
	v12 =	vld [tilespmem:s0+$0xB0]  }
0xb2: {  	v10 =	vadd.s32 v5, v52;
	v5 =	vadd.s32 v18, v54;
	v54 =	vadd.s32 v24, v44;
	v2 =	vld [tilespmem:s0+$0x70]  }
0xb3: {  	v52 =	vadd.s32 v22, v45;
	v0 =	vadd.s32 v19, v51;
	v13 =	vld [tilespmem:s0+$0xFFFFFF30];
	[tilespmem:v7+s26+$0x0] =	vst.idx.msk $0xffff, v4  }
0xb4: {  	s30 =	sshll.u32 s28, $0x2;
	s1 =	simm.s32 $0x10;
	s17 =	simm.s32 $0x9B00;
	v28 =	vmovc v29;
	v51 =	vadd.s32 v20, v41;
	v4 =	vadd.s32 v27, v39;
	v27 =	vmovc v26;
	v26 =	vmov v25;
	v30 =	vld [tilespmem:$0x1FF10]  }
.LBB2_3:
0xb5: {  	v21 =	vld [tilespmem:$0x1FE60];
	[tilespmem:v16+s26+$0x0] =	vst.idx.msk $0xffff, v62  }
0xb6: {  	v7 =	vld [tilespmem:$0x1FFA0];
	s21 =	smov.u32 s1;
	[tilespmem:v59+s26+$0x0] =	vst.idx.msk $0xffff, v8  }
0xb7: {  	v62 =	vld [tilespmem:$0x1FF40];
	[tilespmem:v3+s26+$0x0] =	vst.idx.msk $0xffff, v14;
	s18 =	sadd.s32 $0x2, s21  }
0xb8: {  	[tilespmem:v11+s26+$0x0] =	vst.idx.msk $0xffff, v17;
	v8 =	vld [tilespmem:s17+$0x80];
	v17 =	vmov s18;
	v3 =	vadd.f32 v15, v33  }
0xb9: {  	v20 =	vld [tilespmem:s31+$0xFFFFFFA0];
	v16 =	vshrl.u32 v17, $0x3;
	v12 =	vadd.f32 v12, v33  }
0xba: {  	v21 =	vadd.s32 v21, v37;
	[tilespmem:v9+s26+$0x0] =	vst.idx.msk $0xffff, v3;
	v9 =	vshll.u32 v16, v1;
	v16 =	vld [tilespmem:s31+$0x90]  }
0xbb: {  	s6 =	sadd.s32 $0x4, s21;
	[tilespmem:v10+s26+$0x0] =	vst.idx.msk $0xffff, v12;
	v12 =	vld [tilespmem:s31+$0xFFFFFF60]  }
0xbc: {  	v29 =	vmov v18;
	v18 =	vld [tilespmem:s17+$0xFFFFFF40];
	v14 =	vmov s6;
	v3 =	vadd.f32 v2, v33  }
0xbd: {  	v22 =	vld [tilespmem:s17+$0xFFFFFF80];
	v37 =	vmov v39;
	v10 =	vshrl.u32 v14, $0x3;
	v39 =	vbroadcast v9, $0x0  }
0xbe: {  	v17 =	vld [tilespmem:s31+$0x50];
	v13 =	vadd.f32 v13, v33;
	[tilespmem:v60+s26+$0x0] =	vst.idx.msk $0xffff, v3;
	v3 =	vshll.u32 v10, v1  }
0xbf: {  	v25 =	vld [tilespmem:$0x1FE20];
	s25 =	sadd.s32 $0x1, s21;
	v10 =	vadd.f32 v20, v34;
	[tilespmem:v21+s26+$0x0] =	vst.idx.msk $0xffff, v61;
	v21 =	vadd.s32 v62, v39  }
0xc0: {  	s19 =	sadd.s32 $0x7, s1;
	v11 =	vmov s25;
	v57 =	vadd.s32 v7, v44;
	v7 =	vld [tilespmem:$0x1FFB0];
	[tilespmem:v5+s26+$0x0] =	vst.idx.msk $0xffff, v13;
	v12 =	vadd.f32 v12, v34  }
0xc1: {  	v32 =	vmov v19;
	v19 =	vmov s19;
	v11 =	vshrl.u32 v11, $0x3;
	v14 =	vld [tilespmem:$0x1FF20];
	[tilespmem:v4+s26+$0x0] =	vst.idx.msk $0xffff, v10  }
0xc2: {  	v2 =	vshll.u32 v11, v1;
	v11 =	vshrl.u32 v19, $0x3;
	v5 =	vld [tilespmem:s17+$0xFFFFFF00];
	[tilespmem:v0+s26+$0x0] =	vst.idx.msk $0xffff, v12;
	v12 =	vadd.f32 v22, v36  }
0xc3: {  	v11 =	vshll.u32 v11, v1;
	v0 =	vld [tilespmem:s31+$0xFFFFFFB0]  }
0xc4: {  	[tilespmem:v21+s26+$0x0] =	vst.idx.msk $0xffff, v12;
	v21 =	vbroadcast v11, $0x0;
	v11 =	vld [tilespmem:$0x1FE10]  }
0xc5: {  	s15 =	sadd.s32 $0x5, s21;
	v20 =	vld [tilespmem:s17+$0x0];
	v3 =	vbroadcast v3, $0x0  }
0xc6: {  	v59 =	vmov s21;
	s0 =	sadd.s32 $0x6, s21;
	s21 =	sadd.s32 $0x3, s21;
	v15 =	vmov s15;
	v2 =	vbroadcast v2, $0x0;
	v60 =	vld [tilespmem:s31+$0x20]  }
0xc7: {  	v23 =	vmov s21;
	v15 =	vshrl.u32 v15, $0x3;
	[tilespmem:v63+s26+$0x0] =	vst.idx.msk $0xffff, v6;
	v61 =	vld [tilespmem:s17+$0xC0];
	v6 =	vadd.s32 v30, v3  }
0xc8: {  	v13 =	vshrl.u32 v59, $0x3;
	[tilespmem:v53+s26+$0x0] =	vst.idx.msk $0xffff, v49;
	v14 =	vadd.s32 v14, v2;
	v53 =	vadd.s32 v25, v21;
	v25 =	vld [tilespmem:$0x1FFE0]  }
0xc9: {  	v59 =	vshrl.u32 v23, $0x3;
	[tilespmem:v55+s26+$0x0] =	vst.idx.msk $0xffff, v48;
	v16 =	vadd.f32 v16, v35;
	v23 =	vadd.s32 v11, v3;
	v11 =	vld [tilespmem:$0x1FF80]  }
0xca: {  	v15 =	vshll.u32 v15, v1;
	v55 =	vld [tilespmem:s31+$0xFFFFFF10];
	v20 =	vadd.f32 v20, v36  }
0xcb: {  	v9 =	vld [tilespmem:s17+$0x40];
	v7 =	vadd.s32 v7, v40;
	v4 =	vadd.f32 v18, v36;
	[tilespmem:v58+s26+$0x0] =	vst.idx.msk $0xffff, v16  }
0xcc: {  	v22 =	vld [tilespmem:s31+$0xFFFFFF70];
	[tilespmem:v6+s26+$0x0] =	vst.idx.msk $0xffff, v20;
	v6 =	vbroadcast v15, $0x0  }
0xcd: {  	v17 =	vadd.f32 v17, v35;
	[tilespmem:v14+s26+$0x0] =	vst.idx.msk $0xffff, v4;
	v14 =	vld [tilespmem:$0x1FFC0]  }
0xce: {  	v58 =	vadd.f32 v60, v34;
	v60 =	vadd.s32 v25, v42;
	v42 =	vmovc v6;
	v11 =	vadd.s32 v11, v6;
	v6 =	vld [tilespmem:$0x1FE50]  }
0xcf: {  	[tilespmem:v47+s26+$0x0] =	vst.idx.msk $0xffff, v17;
	v12 =	vld [tilespmem:s17+$0x10]  }
0xd0: {  	v13 =	vshll.u32 v13, v1;
	v5 =	vadd.f32 v5, v36;
	[tilespmem:v7+s26+$0x0] =	vst.idx.msk $0xffff, v58;
	v7 =	vld [tilespmem:s31+$0x60]  }
0xd1: {  	v13 =	vbroadcast v13, $0x0;
	v62 =	vshll.u32 v59, v1;
	v15 =	vld [tilespmem:s31+$0xA0]  }
0xd2: {  	v48 =	vmov v5;
	v5 =	vbroadcast v62, $0x0;
	v62 =	vadd.f32 v9, v36  }
0xd3: {  	v9 =	vadd.f32 v55, v35;
	v55 =	vadd.s32 v6, v13;
	v6 =	vadd.f32 v22, v33  }
0xd4: {  	v24 =	vadd.s32 v14, v40;
	v14 =	vld [tilespmem:s17+$0xFFFFFF50]  }
0xd5: {  	v18 =	vmov s0;
	v49 =	vadd.f32 v61, v36;
	[tilespmem:v38+s26+$0x0] =	vst.idx.msk $0xffff, v6;
	v6 =	vadd.f32 v7, v34;
	v7 =	vld [tilespmem:$0x1FEF0]  }
0xd6: {  	v18 =	vshrl.u32 v18, $0x3;
	v16 =	vld [tilespmem:s31+$0xD0];
	v61 =	vadd.f32 v0, v33;
	v0 =	vadd.f32 v15, v34  }
0xd7: {  	v10 =	vld [tilespmem:s17+$0xFFFFFFC0];
	v18 =	vshll.u32 v18, v1  }
0xd8: {  	v18 =	vbroadcast v18, $0x0;
	[tilespmem:v51+s26+$0x0] =	vst.idx.msk $0xffff, v0;
	v0 =	vld [tilespmem:$0x1FE80]  }
0xd9: {  	v47 =	vmov v11;
	v11 =	vld [tilespmem:s31+$0x30]  }
0xda: {  	v58 =	vadd.s32 v7, v18;
	v7 =	vld [tilespmem:$0x1FFF0]  }
0xdb: {  	v16 =	vadd.f32 v16, v35;
	_ =	sdelay $0x1  }
0xdc: {  	v4 =	vadd.f32 v10, v36;
	v10 =	vld [tilespmem:s31+$0xFFFFFFE0];
	[tilespmem:v56+s26+$0x0] =	vst.idx.msk $0xffff, v16;
	v16 =	vadd.s32 v26, v5  }
0xdd: {  	[tilespmem:v54+s26+$0x0] =	vst.idx.msk $0xffff, v9  }
0xde: {  	v9 =	vadd.s32 v7, v43;
	v7 =	vadd.f32 v11, v33;
	v11 =	vadd.s32 v0, v45;
	v0 =	vld [tilespmem:$0x1FE30];
	_ =	sdelay $0x2  }
0xdf: {  	v10 =	vadd.f32 v10, v34;
	[tilespmem:v16+s26+$0x0] =	vst.idx.msk $0xffff, v4  }
0xe0: {  	v56 =	vadd.s32 v28, v5;
	v16 =	vld [tilespmem:s17+$0xFFFFFFD0];
	v45 =	vmov v21  }
0xe1: {  	[tilespmem:v46+s26+$0x0] =	vst.idx.msk $0xffff, v10;
	v46 =	vmov v56;
	v56 =	vadd.s32 v0, v45;
	v0 =	vld [tilespmem:$0x1FE70]  }
0xe2: {  	v17 =	vld [tilespmem:s31+$0xE0]  }
0xe3: {  	v19 =	vld [tilespmem:$0x1FF30]  }
0xe4: {  	v20 =	vld [tilespmem:$0x1FF70]  }
0xe5: {  	v4 =	vld [tilespmem:s31+$0xFFFFFF20]  }
0xe6: {  	v10 =	vadd.s32 v0, v41;
	v0 =	vld [tilespmem:$0x1FEB0]  }
0xe7: {  	v15 =	vadd.f32 v17, v34;
	_ =	sdelay $0x1  }
0xe8: {  	v63 =	vld [tilespmem:$0x1FF60];
	v19 =	vadd.s32 v19, v2;
	v20 =	vadd.s32 v20, v2;
	[tilespmem:v52+s26+$0x0] =	vst.idx.msk $0xffff, v15  }
0xe9: {  	v25 =	vadd.f32 v12, v35;
	v12 =	vld [tilespmem:s17+$0xFFFFFF90];
	v4 =	vadd.f32 v4, v34;
	[tilespmem:v50+s26+$0x0] =	vst.idx.msk $0xffff, v6  }
0xea: {  	v6 =	vadd.f32 v16, v35;
	v16 =	vadd.s32 v0, v42;
	v0 =	vadd.s32 v32, v2;
	v2 =	vld [tilespmem:$0x1FED0]  }
0xeb: {  	v17 =	vld [tilespmem:s31+$0xF0]  }
0xec: {  	[tilespmem:v57+s26+$0x0] =	vst.idx.msk $0xffff, v4;
	v4 =	vld [tilespmem:$0x1FE00]  }
0xed: {  	[tilespmem:v24+s26+$0x0] =	vst.idx.msk $0xffff, v7;
	v24 =	vld [tilespmem:$0x1FE90]  }
0xee: {  	v7 =	vld [tilespmem:$0x1FF00]  }
0xef: {  	p1 =	slt.u32 s1, $0x78;
	v22 =	vadd.f32 v14, v35;
	v50 =	vadd.s32 v2, v42;
	v2 =	vld [tilespmem:$0x1FE40]  }
.Ltmp0:
0xf0: {  	v8 =	vadd.f32 v8, v36;
	v59 =	vadd.s32 v63, v18;
	v40 =	vmov v3;
	(pc) =	sbr.rel @p1 .LBB2_3-.Ltmp0, $4  }
0xf1: {  	v3 =	vadd.s32 v27, v39;
	v15 =	vld [tilespmem:s31+$0xFFFFFFF0];
	v14 =	vadd.f32 v12, v35;
	v38 =	vmov v19;
	[tilespmem:v20+s26+$0x0] =	vst.idx.msk $0xffff, v22  }
0xf2: {  	v12 =	vld [tilespmem:s31+$0xB0];
	v17 =	vadd.f32 v17, v33;
	v4 =	vadd.s32 v4, v39;
	v43 =	vmovc v5;
	v5 =	vadd.s32 v29, v44  }
0xf3: {  	v19 =	vmovc v32;
	v44 =	vmov v13;
	v13 =	vld [tilespmem:s31+$0xFFFFFF30];
	v63 =	vadd.s32 v31, v43;
	[tilespmem:v23+s26+$0x0] =	vst.idx.msk $0xffff, v25;
	v41 =	vmov v18  }
0xf4: {  	s1 =	sadd.s32 $0x8, s1;
	v54 =	vadd.s32 v24, v44;
	v18 =	vmovc v29;
	v51 =	vadd.s32 v7, v41;
	v52 =	vadd.s32 v2, v45;
	v2 =	vld [tilespmem:s31+$0x70];
	s31 =	smov.u32 s17;
	s17 =	sadd.s32 $0x200, s17  }
0xf5: {  	v57 =	vld [tilespmem:$0x1FF60]  }
0xf6: {  	v21 =	vld [tilespmem:$0x1FF80]  }
0xf7: {  	v22 =	vld [tilespmem:$0x1FE00]  }
0xf8: {  	v20 =	vld [tilespmem:$0x1FF40]  }
0xf9: {  	v19 =	vld [tilespmem:$0x1FF30]  }
0xfa: {  	v28 =	vld [tilespmem:$0x1FF70]  }
0xfb: {  	v25 =	vmov v30;
	v30 =	vld [tilespmem:$0x1FF20];
	[tilespmem:v59+s26+$0x0] =	vst.idx.msk $0xffff, v8  }
0xfc: {  	[tilespmem:v3+s26+$0x0] =	vst.idx.msk $0xffff, v14  }
0xfd: {  	[tilespmem:v53+s26+$0x0] =	vst.idx.msk $0xffff, v49  }
0xfe: {  	[tilespmem:v11+s26+$0x0] =	vst.idx.msk $0xffff, v17  }
0xff: {  	v23 =	vmov v26;
	v26 =	vld [tilespmem:$0x1FE60];
	_ =	sdelay $0x1  }
0x100: {  	v7 =	vld [tilespmem:s31+$0xD0]  }
0x101: {  	[tilespmem:v16+s26+$0x0] =	vst.idx.msk $0xffff, v62  }
0x102: {  	v3 =	vadd.f32 v15, v33;
	[tilespmem:v55+s26+$0x0] =	vst.idx.msk $0xffff, v48  }
0x103: {  	[tilespmem:v63+s26+$0x0] =	vst.idx.msk $0xffff, v6;
	v49 =	vadd.f32 v12, v33;
	v37 =	vadd.s32 v26, v37  }
0x104: {  	[tilespmem:v9+s26+$0x0] =	vst.idx.msk $0xffff, v3;
	v2 =	vadd.f32 v2, v33  }
0x105: {  	[tilespmem:v10+s26+$0x0] =	vst.idx.msk $0xffff, v49;
	v7 =	vadd.f32 v7, v35  }
0x106: {  	[tilespmem:v60+s26+$0x0] =	vst.idx.msk $0xffff, v2  }
0x107: {  	v3 =	vld [tilespmem:s31+$0x90];
	[tilespmem:v56+s26+$0x0] =	vst.idx.msk $0xffff, v7  }
0x108: {  	v53 =	vld [tilespmem:s31+$0x50];
	[tilespmem:v37+s26+$0x0] =	vst.idx.msk $0xffff, v61  }
0x109: {  	v49 =	vld [tilespmem:$0x1FFB0]  }
0x10a: {  	v55 =	vld [tilespmem:s31+$0xFFFFFF60]  }
0x10b: {  	v2 =	vld [tilespmem:s31+$0xFFFFFF10]  }
0x10c: {  	v59 =	vld [tilespmem:s31+$0x20];
	v3 =	vadd.f32 v3, v35  }
0x10d: {  	v60 =	vadd.f32 v53, v35  }
0x10e: {  	v62 =	vadd.f32 v13, v33;
	[tilespmem:v58+s26+$0x0] =	vst.idx.msk $0xffff, v3;
	v61 =	vadd.s32 v49, v40  }
0x10f: {  	v15 =	vadd.f32 v55, v34;
	v7 =	vld [tilespmem:s31+$0xE0];
	[tilespmem:v47+s26+$0x0] =	vst.idx.msk $0xffff, v60  }
0x110: {  	v2 =	vadd.f32 v2, v35;
	v3 =	vld [tilespmem:s31+$0xFFFFFFE0];
	[tilespmem:v5+s26+$0x0] =	vst.idx.msk $0xffff, v62  }
0x111: {  	v8 =	vadd.f32 v59, v34;
	[tilespmem:v0+s26+$0x0] =	vst.idx.msk $0xffff, v15;
	v63 =	vld [tilespmem:s31+$0xA0]  }
0x112: {  	v6 =	vld [tilespmem:s31+$0x60];
	[tilespmem:v54+s26+$0x0] =	vst.idx.msk $0xffff, v2  }
0x113: {  	v35 =	vld [tilespmem:s31+$0xFFFFFFA0];
	[tilespmem:v61+s26+$0x0] =	vst.idx.msk $0xffff, v8  }
0x114: {  	v2 =	vadd.f32 v7, v34;
	v31 =	vld [tilespmem:$0x1FFA0]  }
0x115: {  	v5 =	vld [tilespmem:s31+$0xFFFFFF70];
	v3 =	vadd.f32 v3, v34  }
0x116: {  	v0 =	vld [tilespmem:s31+$0xFFFFFF20];
	v37 =	vadd.f32 v63, v34;
	[tilespmem:v52+s26+$0x0] =	vst.idx.msk $0xffff, v2  }
0x117: {  	v8 =	vld [tilespmem:s31+$0x30];
	v2 =	vadd.f32 v6, v34;
	[tilespmem:v46+s26+$0x0] =	vst.idx.msk $0xffff, v3  }
0x118: {  	v47 =	vadd.f32 v35, v34;
	v27 =	vld [tilespmem:$0x1FFC0];
	[tilespmem:v51+s26+$0x0] =	vst.idx.msk $0xffff, v37  }
0x119: {  	v9 =	vld [tilespmem:$0x1FE80];
	[tilespmem:v50+s26+$0x0] =	vst.idx.msk $0xffff, v2;
	v36 =	vadd.s32 v31, v44  }
0x11a: {  	v3 =	vld [tilespmem:s31+$0xF0];
	[tilespmem:v4+s26+$0x0] =	vst.idx.msk $0xffff, v47  }
0x11b: {  	v54 =	vld [tilespmem:$0x1FFF0]  }
0x11c: {  	v0 =	vadd.f32 v0, v34;
	v58 =	vld [tilespmem:$0x1FE70]  }
0x11d: {  	v56 =	vld [tilespmem:s31+$0xFFFFFFB0]  }
0x11e: {  	v2 =	vld [tilespmem:s31+$0xB0];
	v48 =	vadd.s32 v27, v40;
	[tilespmem:v36+s26+$0x0] =	vst.idx.msk $0xffff, v0  }
0x11f: {  	v61 =	vadd.s32 v26, v39;
	v0 =	vld [tilespmem:$0x1FFE0]  }
0x120: {  	v53 =	vadd.f32 v5, v33;
	v52 =	vld [tilespmem:s31+$0xFFFFFFF0];
	v9 =	vadd.s32 v9, v45  }
0x121: {  	v8 =	vadd.f32 v8, v33;
	v13 =	vadd.s32 v58, v41;
	v59 =	vld [tilespmem:s31+$0xFFFFFF30]  }
0x122: {  	v55 =	vld [tilespmem:s31+$0x70];
	v5 =	vadd.s32 v54, v43;
	v63 =	vadd.f32 v56, v33;
	[tilespmem:v38+s26+$0x0] =	vst.idx.msk $0xffff, v53  }
0x123: {  	v62 =	vadd.s32 v18, v44;
	v3 =	vadd.f32 v3, v33;
	[tilespmem:v48+s26+$0x0] =	vst.idx.msk $0xffff, v8  }
0x124: {  	v2 =	vadd.f32 v2, v33;
	[tilespmem:v61+s26+$0x0] =	vst.idx.msk $0xffff, v63;
	v0 =	vadd.s32 v0, v42  }
0x125: {  	v60 =	vadd.f32 v52, v33;
	[tilespmem:v9+s26+$0x0] =	vst.idx.msk $0xffff, v3  }
0x126: {  	s0 =	sshll.u32 s28, $0x14;
	[tilespmem:v13+s26+$0x0] =	vst.idx.msk $0xffff, v2;
	v2 =	vadd.f32 v59, v33  }
0x127: {  	s0 =	sor.u32 s7, s0;
	v3 =	vadd.f32 v55, v33;
	[tilespmem:v5+s26+$0x0] =	vst.idx.msk $0xffff, v60  }
0x128: {  	s0 =	sshrl.u32 s0, $0x3;
	[tilespmem:v62+s26+$0x0] =	vst.idx.msk $0xffff, v2  }
0x129: {  	s1 =	sadd.s32 s2, s0;
	[tilespmem:v0+s26+$0x0] =	vst.idx.msk $0xffff, v3  }
0x12a: {  	[hbm4b:s1+s3] =	stream.linear.scatter [tilespmem:s26], [sflag:$0x5], $0x80, $0x38;
	[tilespmem:$0x15A00] =	vst v63  }
0x12b: {  	s15 =	simm.s32 $0x11688;
	s6 =	sadd.s32 $0x10, s1  }
0x12c: {  	[hbm4b:s6+s3] =	stream.linear.scatter [tilespmem:s15], [sflag:$0x5], $0x80, $0x38;
	[tilespmem:$0x15A00] =	vst v63  }
0x12d: {  	s17 =	simm.s32 $0x11710;
	s15 =	sadd.s32 $0x20, s1  }
0x12e: {  	[hbm4b:s15+s3] =	stream.linear.scatter [tilespmem:s17], [sflag:$0x5], $0x80, $0x38;
	[tilespmem:$0x15A00] =	vst v63  }
0x12f: {  	s19 =	simm.s32 $0x11798;
	s18 =	sadd.s32 $0x30, s1  }
0x130: {  	[hbm4b:s18+s3] =	stream.linear.scatter [tilespmem:s19], [sflag:$0x5], $0x80, $0x38;
	[tilespmem:$0x15A00] =	vst v63  }
0x131: {  	s25 =	simm.s32 $0x11820;
	s21 =	sadd.s32 $0x40, s1  }
0x132: {  	[hbm4b:s21+s3] =	stream.linear.scatter [tilespmem:s25], [sflag:$0x5], $0x80, $0x38;
	[tilespmem:$0x15A00] =	vst v63  }
0x133: {  	s15 =	sadd.s32 $0x50, s1;
	s17 =	simm.s32 $0x118A8  }
0x134: {  	[hbm4b:s15+s3] =	stream.linear.scatter [tilespmem:s17], [sflag:$0x5], $0x80, $0x38;
	[tilespmem:$0x15A00] =	vst v63  }
0x135: {  	s18 =	sadd.s32 $0x60, s1;
	s19 =	simm.s32 $0x11930  }
0x136: {  	[hbm4b:s18+s3] =	stream.linear.scatter [tilespmem:s19], [sflag:$0x5], $0x80, $0x38;
	[tilespmem:$0x15A00] =	vst v63  }
0x137: {  	s1 =	sadd.s32 $0x70, s1;
	s21 =	simm.s32 $0x119B8  }
0x138: {  	[hbm4b:s1+s3] =	stream.linear.scatter [tilespmem:s21], [sflag:$0x5], $0x80, $0x38;
	[tilespmem:$0x15A00] =	vst v63  }
0x139: {  	s25 =	simm.s32 $0x11A40;
	s1 =	sadd.s32 s0, s8  }
0x13a: {  	[hbm4b:s1+s3] =	stream.linear.scatter [tilespmem:s25], [sflag:$0x5], $0x80, $0x38;
	[tilespmem:$0x15A00] =	vst v63  }
0x13b: {  	s17 =	simm.s32 $0x11AC8;
	s15 =	sadd.s32 $0x10, s1  }
0x13c: {  	[hbm4b:s15+s3] =	stream.linear.scatter [tilespmem:s17], [sflag:$0x5], $0x80, $0x38;
	[tilespmem:$0x15A00] =	vst v63  }
0x13d: {  	s19 =	simm.s32 $0x11B50;
	s18 =	sadd.s32 $0x20, s1  }
0x13e: {  	[hbm4b:s18+s3] =	stream.linear.scatter [tilespmem:s19], [sflag:$0x5], $0x80, $0x38;
	[tilespmem:$0x15A00] =	vst v63  }
0x13f: {  	s21 =	sadd.s32 $0x30, s1;
	s25 =	simm.s32 $0x11BD8  }
0x140: {  	[hbm4b:s21+s3] =	stream.linear.scatter [tilespmem:s25], [sflag:$0x5], $0x80, $0x38;
	[tilespmem:$0x15A00] =	vst v63  }
0x141: {  	s15 =	sadd.s32 $0x40, s1;
	s17 =	simm.s32 $0x11C60  }
0x142: {  	[hbm4b:s15+s3] =	stream.linear.scatter [tilespmem:s17], [sflag:$0x5], $0x80, $0x38;
	[tilespmem:$0x15A00] =	vst v63  }
0x143: {  	s18 =	sadd.s32 $0x50, s1;
	s19 =	simm.s32 $0x11CE8  }
0x144: {  	[hbm4b:s18+s3] =	stream.linear.scatter [tilespmem:s19], [sflag:$0x5], $0x80, $0x38;
	[tilespmem:$0x15A00] =	vst v63  }
0x145: {  	s21 =	sadd.s32 $0x60, s1;
	s25 =	simm.s32 $0x11D70  }
0x146: {  	[hbm4b:s21+s3] =	stream.linear.scatter [tilespmem:s25], [sflag:$0x5], $0x80, $0x38;
	[tilespmem:$0x15A00] =	vst v63  }
0x147: {  	s1 =	sadd.s32 $0x70, s1;
	s15 =	simm.s32 $0x11DF8  }
0x148: {  	[hbm4b:s1+s3] =	stream.linear.scatter [tilespmem:s15], [sflag:$0x5], $0x80, $0x38;
	[tilespmem:$0x15A00] =	vst v63  }
0x149: {  	s17 =	simm.s32 $0x11E80;
	s1 =	sadd.s32 s0, s9  }
0x14a: {  	[hbm4b:s1+s3] =	stream.linear.scatter [tilespmem:s17], [sflag:$0x5], $0x80, $0x38;
	[tilespmem:$0x15A00] =	vst v63  }
0x14b: {  	s19 =	simm.s32 $0x11F08;
	s18 =	sadd.s32 $0x10, s1  }
0x14c: {  	[hbm4b:s18+s3] =	stream.linear.scatter [tilespmem:s19], [sflag:$0x5], $0x80, $0x38;
	[tilespmem:$0x15A00] =	vst v63  }
0x14d: {  	s25 =	simm.s32 $0x11F90;
	s21 =	sadd.s32 $0x20, s1  }
0x14e: {  	[hbm4b:s21+s3] =	stream.linear.scatter [tilespmem:s25], [sflag:$0x5], $0x80, $0x38;
	[tilespmem:$0x15A00] =	vst v63  }
0x14f: {  	s15 =	sadd.s32 $0x30, s1;
	s17 =	simm.s32 $0x12018  }
0x150: {  	[hbm4b:s15+s3] =	stream.linear.scatter [tilespmem:s17], [sflag:$0x5], $0x80, $0x38;
	[tilespmem:$0x15A00] =	vst v63  }
0x151: {  	s18 =	sadd.s32 $0x40, s1;
	s19 =	simm.s32 $0x120A0  }
0x152: {  	[hbm4b:s18+s3] =	stream.linear.scatter [tilespmem:s19], [sflag:$0x5], $0x80, $0x38;
	[tilespmem:$0x15A00] =	vst v63  }
0x153: {  	s21 =	sadd.s32 $0x50, s1;
	s25 =	simm.s32 $0x12128  }
0x154: {  	[hbm4b:s21+s3] =	stream.linear.scatter [tilespmem:s25], [sflag:$0x5], $0x80, $0x38;
	[tilespmem:$0x15A00] =	vst v63  }
0x155: {  	s15 =	sadd.s32 $0x60, s1;
	s17 =	simm.s32 $0x121B0  }
0x156: {  	[hbm4b:s15+s3] =	stream.linear.scatter [tilespmem:s17], [sflag:$0x5], $0x80, $0x38;
	[tilespmem:$0x15A00] =	vst v63  }
0x157: {  	s1 =	sadd.s32 $0x70, s1;
	s18 =	simm.s32 $0x12238  }
0x158: {  	[hbm4b:s1+s3] =	stream.linear.scatter [tilespmem:s18], [sflag:$0x5], $0x80, $0x38;
	[tilespmem:$0x15A00] =	vst v63  }
0x159: {  	s19 =	simm.s32 $0x122C0;
	s1 =	sadd.s32 s0, s10  }
0x15a: {  	[hbm4b:s1+s3] =	stream.linear.scatter [tilespmem:s19], [sflag:$0x5], $0x80, $0x38;
	[tilespmem:$0x15A00] =	vst v63  }
0x15b: {  	s25 =	simm.s32 $0x12348;
	s21 =	sadd.s32 $0x10, s1  }
0x15c: {  	[hbm4b:s21+s3] =	stream.linear.scatter [tilespmem:s25], [sflag:$0x5], $0x80, $0x38;
	[tilespmem:$0x15A00] =	vst v63  }
0x15d: {  	s17 =	simm.s32 $0x123D0;
	s15 =	sadd.s32 $0x20, s1  }
0x15e: {  	[hbm4b:s15+s3] =	stream.linear.scatter [tilespmem:s17], [sflag:$0x5], $0x80, $0x38;
	[tilespmem:$0x15A00] =	vst v63  }
0x15f: {  	s18 =	sadd.s32 $0x30, s1;
	s19 =	simm.s32 $0x12458  }
0x160: {  	[hbm4b:s18+s3] =	stream.linear.scatter [tilespmem:s19], [sflag:$0x5], $0x80, $0x38;
	[tilespmem:$0x15A00] =	vst v63  }
0x161: {  	s21 =	sadd.s32 $0x40, s1;
	s25 =	simm.s32 $0x124E0  }
0x162: {  	[hbm4b:s21+s3] =	stream.linear.scatter [tilespmem:s25], [sflag:$0x5], $0x80, $0x38;
	[tilespmem:$0x15A00] =	vst v63  }
0x163: {  	s15 =	sadd.s32 $0x50, s1;
	s17 =	simm.s32 $0x12568  }
0x164: {  	[hbm4b:s15+s3] =	stream.linear.scatter [tilespmem:s17], [sflag:$0x5], $0x80, $0x38;
	[tilespmem:$0x15A00] =	vst v63  }
0x165: {  	s18 =	sadd.s32 $0x60, s1;
	s19 =	simm.s32 $0x125F0  }
0x166: {  	[hbm4b:s18+s3] =	stream.linear.scatter [tilespmem:s19], [sflag:$0x5], $0x80, $0x38;
	[tilespmem:$0x15A00] =	vst v63  }
0x167: {  	s1 =	sadd.s32 $0x70, s1;
	s21 =	simm.s32 $0x12678  }
0x168: {  	[hbm4b:s1+s3] =	stream.linear.scatter [tilespmem:s21], [sflag:$0x5], $0x80, $0x38;
	[tilespmem:$0x15A00] =	vst v63  }
0x169: {  	s25 =	simm.s32 $0x12700;
	s1 =	sadd.s32 s0, s11  }
0x16a: {  	[hbm4b:s1+s3] =	stream.linear.scatter [tilespmem:s25], [sflag:$0x5], $0x80, $0x38;
	[tilespmem:$0x15A00] =	vst v63  }
0x16b: {  	s17 =	simm.s32 $0x12788;
	s15 =	sadd.s32 $0x10, s1  }
0x16c: {  	[hbm4b:s15+s3] =	stream.linear.scatter [tilespmem:s17], [sflag:$0x5], $0x80, $0x38;
	[tilespmem:$0x15A00] =	vst v63  }
0x16d: {  	s19 =	simm.s32 $0x12810;
	s18 =	sadd.s32 $0x20, s1  }
0x16e: {  	[hbm4b:s18+s3] =	stream.linear.scatter [tilespmem:s19], [sflag:$0x5], $0x80, $0x38;
	[tilespmem:$0x15A00] =	vst v63  }
0x16f: {  	s21 =	sadd.s32 $0x30, s1;
	s25 =	simm.s32 $0x12898  }
0x170: {  	[hbm4b:s21+s3] =	stream.linear.scatter [tilespmem:s25], [sflag:$0x5], $0x80, $0x38;
	[tilespmem:$0x15A00] =	vst v63  }
0x171: {  	s15 =	sadd.s32 $0x40, s1;
	s17 =	simm.s32 $0x12920  }
0x172: {  	[hbm4b:s15+s3] =	stream.linear.scatter [tilespmem:s17], [sflag:$0x5], $0x80, $0x38;
	[tilespmem:$0x15A00] =	vst v63  }
0x173: {  	s18 =	sadd.s32 $0x50, s1;
	s19 =	simm.s32 $0x129A8  }
0x174: {  	[hbm4b:s18+s3] =	stream.linear.scatter [tilespmem:s19], [sflag:$0x5], $0x80, $0x38;
	[tilespmem:$0x15A00] =	vst v63  }
0x175: {  	s21 =	sadd.s32 $0x60, s1;
	s25 =	simm.s32 $0x12A30  }
0x176: {  	[hbm4b:s21+s3] =	stream.linear.scatter [tilespmem:s25], [sflag:$0x5], $0x80, $0x38;
	[tilespmem:$0x15A00] =	vst v63  }
0x177: {  	s1 =	sadd.s32 $0x70, s1;
	s15 =	simm.s32 $0x12AB8  }
0x178: {  	[hbm4b:s1+s3] =	stream.linear.scatter [tilespmem:s15], [sflag:$0x5], $0x80, $0x38;
	[tilespmem:$0x15A00] =	vst v63  }
0x179: {  	s17 =	simm.s32 $0x12B40;
	s1 =	sadd.s32 s0, s12  }
0x17a: {  	[hbm4b:s1+s3] =	stream.linear.scatter [tilespmem:s17], [sflag:$0x5], $0x80, $0x38;
	[tilespmem:$0x15A00] =	vst v63  }
0x17b: {  	s19 =	simm.s32 $0x12BC8;
	s18 =	sadd.s32 $0x10, s1  }
0x17c: {  	[hbm4b:s18+s3] =	stream.linear.scatter [tilespmem:s19], [sflag:$0x5], $0x80, $0x38;
	[tilespmem:$0x15A00] =	vst v63  }
0x17d: {  	s25 =	simm.s32 $0x12C50;
	s21 =	sadd.s32 $0x20, s1  }
0x17e: {  	[hbm4b:s21+s3] =	stream.linear.scatter [tilespmem:s25], [sflag:$0x5], $0x80, $0x38;
	[tilespmem:$0x15A00] =	vst v63  }
0x17f: {  	s15 =	sadd.s32 $0x30, s1;
	s17 =	simm.s32 $0x12CD8  }
0x180: {  	[hbm4b:s15+s3] =	stream.linear.scatter [tilespmem:s17], [sflag:$0x5], $0x80, $0x38;
	[tilespmem:$0x15A00] =	vst v63  }
0x181: {  	s18 =	sadd.s32 $0x40, s1;
	s19 =	simm.s32 $0x12D60  }
0x182: {  	[hbm4b:s18+s3] =	stream.linear.scatter [tilespmem:s19], [sflag:$0x5], $0x80, $0x38;
	[tilespmem:$0x15A00] =	vst v63  }
0x183: {  	s21 =	sadd.s32 $0x50, s1;
	s25 =	simm.s32 $0x12DE8  }
0x184: {  	[hbm4b:s21+s3] =	stream.linear.scatter [tilespmem:s25], [sflag:$0x5], $0x80, $0x38;
	[tilespmem:$0x15A00] =	vst v63  }
0x185: {  	s15 =	sadd.s32 $0x60, s1;
	s17 =	simm.s32 $0x12E70  }
0x186: {  	[hbm4b:s15+s3] =	stream.linear.scatter [tilespmem:s17], [sflag:$0x5], $0x80, $0x38;
	[tilespmem:$0x15A00] =	vst v63  }
0x187: {  	s1 =	sadd.s32 $0x70, s1;
	s18 =	simm.s32 $0x12EF8  }
0x188: {  	[hbm4b:s1+s3] =	stream.linear.scatter [tilespmem:s18], [sflag:$0x5], $0x80, $0x38;
	[tilespmem:$0x15A00] =	vst v63  }
0x189: {  	s19 =	simm.s32 $0x12F80;
	s1 =	sadd.s32 s0, s13  }
0x18a: {  	[hbm4b:s1+s3] =	stream.linear.scatter [tilespmem:s19], [sflag:$0x5], $0x80, $0x38;
	[tilespmem:$0x15A00] =	vst v63  }
0x18b: {  	s25 =	simm.s32 $0x13008;
	s21 =	sadd.s32 $0x10, s1  }
0x18c: {  	[hbm4b:s21+s3] =	stream.linear.scatter [tilespmem:s25], [sflag:$0x5], $0x80, $0x38;
	[tilespmem:$0x15A00] =	vst v63  }
0x18d: {  	s17 =	simm.s32 $0x13090;
	s15 =	sadd.s32 $0x20, s1  }
0x18e: {  	[hbm4b:s15+s3] =	stream.linear.scatter [tilespmem:s17], [sflag:$0x5], $0x80, $0x38;
	[tilespmem:$0x15A00] =	vst v63  }
0x18f: {  	s18 =	sadd.s32 $0x30, s1;
	s19 =	simm.s32 $0x13118  }
0x190: {  	[hbm4b:s18+s3] =	stream.linear.scatter [tilespmem:s19], [sflag:$0x5], $0x80, $0x38;
	[tilespmem:$0x15A00] =	vst v63  }
0x191: {  	s21 =	sadd.s32 $0x40, s1;
	s25 =	simm.s32 $0x131A0  }
0x192: {  	[hbm4b:s21+s3] =	stream.linear.scatter [tilespmem:s25], [sflag:$0x5], $0x80, $0x38;
	[tilespmem:$0x15A00] =	vst v63  }
0x193: {  	s17 =	sadd.s32 $0x50, s1;
	s18 =	simm.s32 $0x13228  }
0x194: {  	[hbm4b:s17+s3] =	stream.linear.scatter [tilespmem:s18], [sflag:$0x5], $0x80, $0x38;
	[tilespmem:$0x15A00] =	vst v63  }
0x195: {  	s19 =	sadd.s32 $0x60, s1;
	s21 =	simm.s32 $0x132B0  }
0x196: {  	[hbm4b:s19+s3] =	stream.linear.scatter [tilespmem:s21], [sflag:$0x5], $0x80, $0x38;
	[tilespmem:$0x15A00] =	vst v63  }
0x197: {  	s1 =	sadd.s32 $0x70, s1;
	s25 =	simm.s32 $0x13338  }
0x198: {  	[hbm4b:s1+s3] =	stream.linear.scatter [tilespmem:s25], [sflag:$0x5], $0x80, $0x38;
	[tilespmem:$0x15A00] =	vst v63  }
0x199: {  	s6 =	simm.s32 $0x133C0;
	s0 =	sadd.s32 s0, s14  }
0x19a: {  	[hbm4b:s0+s3] =	stream.linear.scatter [tilespmem:s6], [sflag:$0x5], $0x80, $0x38;
	[tilespmem:$0x15A00] =	vst v63  }
0x19b: {  	s15 =	sadd.s32 $0x10, s0;
	s17 =	simm.s32 $0x13448  }
0x19c: {  	[hbm4b:s15+s3] =	stream.linear.scatter [tilespmem:s17], [sflag:$0x5], $0x80, $0x38;
	[tilespmem:$0x15A00] =	vst v63  }
0x19d: {  	s18 =	sadd.s32 $0x20, s0;
	s19 =	simm.s32 $0x134D0  }
0x19e: {  	[hbm4b:s18+s3] =	stream.linear.scatter [tilespmem:s19], [sflag:$0x5], $0x80, $0x38;
	[tilespmem:$0x15A00] =	vst v63  }
0x19f: {  	s21 =	sadd.s32 $0x30, s0;
	s25 =	simm.s32 $0x13558  }
0x1a0: {  	[hbm4b:s21+s3] =	stream.linear.scatter [tilespmem:s25], [sflag:$0x5], $0x80, $0x38;
	[tilespmem:$0x15A00] =	vst v63  }
0x1a1: {  	s6 =	sadd.s32 $0x40, s0;
	s15 =	simm.s32 $0x135E0  }
0x1a2: {  	[hbm4b:s6+s3] =	stream.linear.scatter [tilespmem:s15], [sflag:$0x5], $0x80, $0x38;
	[tilespmem:$0x15A00] =	vst v63  }
0x1a3: {  	p1 =	sne.s32 s28, $0x31;
	s17 =	sadd.s32 $0x50, s0;
	s18 =	simm.s32 $0x13668  }
0x1a4: {  	[hbm4b:s17+s3] =	stream.linear.scatter [tilespmem:s18], [sflag:$0x5], $0x80, $0x38;
	[tilespmem:$0x15A00] =	vst v63  }
.Ltmp1:
0x1a5: {  	_ = 	snop;
	(pc) =	sbr.rel @p1 .LBB2_6-.Ltmp1, $4  }
0x1a6: {  	s19 =	sadd.s32 $0x60, s0;
	s21 =	simm.s32 $0x136F0  }
0x1a7: {  	[hbm4b:s19+s3] =	stream.linear.scatter [tilespmem:s21], [sflag:$0x5], $0x80, $0x38;
	[tilespmem:$0x15A00] =	vst v63  }
0x1a8: {  	s31 =	sor.u32 $0x1, s30;
	s0 =	sadd.s32 $0x70, s0;
	s25 =	simm.s32 $0x13778  }
0x1a9: {  	[hbm4b:s0+s3] =	stream.linear.scatter [tilespmem:s25], [sflag:$0x5], $0x80, $0x38;
	[tilespmem:$0x15A00] =	vst v63  }
0x1aa: {  	v36 =	vld [tilespmem:$0x9540]  }
0x1ab: {  	v35 =	vld [tilespmem:$0x9550]  }
0x1ac: {  	v34 =	vld [tilespmem:$0x9560]  }
0x1ad: {  	v33 =	vld [tilespmem:$0x9570]  }
.Ltmp2:
0x1ae: {  	v26 =	vld [tilespmem:$0x1FE50];
	(pc) =	sbr.rel .LBB2_7-.Ltmp2, $4  }
0x1af: {  	v61 =	vld [tilespmem:$0x1FE10]  }
0x1b0: {  	v62 =	vld [tilespmem:$0x1FE20]  }
0x1b1: {  	v38 =	vld [tilespmem:$0x1FE30]  }
0x1b2: {  	v40 =	vmov v22;
	v39 =	vld [tilespmem:$0x1FE40]  }
.LBB2_6:
0x1b3: {  	s0 =	sshll.u32 s28, $0x9;
	v26 =	vld [tilespmem:$0x1FE50]  }
0x1b4: {  	s1 =	simm.s32 $0x80;
	v61 =	vld [tilespmem:$0x1FE10];
	s0 =	sand.u32 $0x3FFFFE00, s0  }
0x1b5: {  	s6 =	simm.s32 $0x9600;
	s25 =	sshll.u32 s31, $0x6;
	v62 =	vld [tilespmem:$0x1FE20];
	s0 =	sadd.s32 $0x200, s0  }
0x1b6: {  	v38 =	vld [tilespmem:$0x1FE30];
	[tilespmem:s6], [sflag:$0x1] =	stream.indirect.gather [hbm4b:s4+s1], $0x40, s0, s1, $0xb8  }
.Ltmp3:
0x1b7: {  	v39 =	vld [tilespmem:$0x1FE40];
	s0 =	sand.u32 $0x3FFFFFC0, s25;
	(pc) =	sbr.rel @p0 .LBB2_8-.Ltmp3, $4  }
0x1b8: {  	v36 =	vld [tilespmem:s0+$0x6400]  }
0x1b9: {  	v35 =	vld [tilespmem:s0+$0x6410]  }
0x1ba: {  	v34 =	vld [tilespmem:s0+$0x6420]  }
0x1bb: {  	v40 =	vmov v22;
	v33 =	vld [tilespmem:s0+$0x6430]  }
.LBB2_7:
0x1bc: {  	_ =	swait.ge [sflag:s22], $0x400  }
0x1bd: {  	[sflag:s22] =	ssyncset.done $0x0  }
0x1be: {  	[sflag:s22] =	ssyncadd.s32 $0xFFFFFC00  }
0x1bf: {  	_ =	swait.ge [sflag:s22], $0x400  }
0x1c0: {  	[sflag:s22] =	ssyncset.done $0x0  }
0x1c1: {  	[sflag:s22] =	ssyncadd.s32 $0xFFFFFC00  }
0x1c2: {  	_ =	swait.ge [sflag:s22], $0x400  }
0x1c3: {  	[sflag:s22] =	ssyncset.done $0x0  }
0x1c4: {  	[sflag:s22] =	ssyncadd.s32 $0xFFFFFC00  }
0x1c5: {  	_ =	swait.ge [sflag:s22], $0x400  }
0x1c6: {  	[sflag:s22] =	ssyncset.done $0x0  }
0x1c7: {  	[sflag:s22] =	ssyncadd.s32 $0xFFFFFC00  }
0x1c8: {  	_ =	swait.ge [sflag:s22], $0x400  }
0x1c9: {  	[sflag:s22] =	ssyncset.done $0x0  }
0x1ca: {  	[sflag:s22] =	ssyncadd.s32 $0xFFFFFC00  }
0x1cb: {  	_ =	swait.ge [sflag:s22], $0x400  }
0x1cc: {  	[sflag:s22] =	ssyncset.done $0x0  }
0x1cd: {  	[sflag:s22] =	ssyncadd.s32 $0xFFFFFC00  }
0x1ce: {  	_ =	swait.ge [sflag:s22], $0x400  }
0x1cf: {  	[sflag:s22] =	ssyncset.done $0x0  }
0x1d0: {  	[sflag:s22] =	ssyncadd.s32 $0xFFFFFC00  }
0x1d1: {  	_ =	swait.ge [sflag:s22], $0x400  }
0x1d2: {  	[sflag:s22] =	ssyncset.done $0x0  }
0x1d3: {  	[sflag:s22] =	ssyncadd.s32 $0xFFFFFC00  }
.LBB2_8:
0x1d4: {  	s25 =	simm.s32 $0x1  }
0x1d5: {  	s21 =	simm.s32 $0x4;
	v5 =	vmov s25  }
0x1d6: {  	s1 =	simm.s32 $0x7;
	_ =	swait.ge [sflag:s23], $0x2000;
	v3 =	vmov s21;
	v5 =	vshrl.u32 v5, $0x3  }
0x1d7: {  	s15 =	simm.s32 $0x2;
	v2 =	vmov s1;
	[sflag:s23] =	ssyncset.done $0x0;
	v3 =	vshrl.u32 v3, $0x3;
	v5 =	vshll.u32 v5, v1  }
0x1d8: {  	s17 =	simm.s32 $0x3;
	v6 =	vmov s15;
	s1 =	simm.s32 $0xB700;
	[sflag:s23] =	ssyncadd.s32 $0xFFFFE000;
	v3 =	vshll.u32 v3, v1;
	v5 =	vbroadcast v5, $0x0  }
0x1d9: {  	v6 =	vshrl.u32 v6, $0x3;
	v7 =	vld [tilespmem:s1+$0x0];
	v44 =	vbroadcast v3, $0x0;
	v3 =	vmov s17  }
0x1da: {  	v6 =	vshll.u32 v6, v1;
	v8 =	vld [tilespmem:s1+$0xFFFFFF40];
	v3 =	vshrl.u32 v3, $0x3;
	v11 =	vadd.s32 v19, v5  }
0x1db: {  	v9 =	vld [tilespmem:s1+$0xFFFFFF80];
	v37 =	vbroadcast v6, $0x0;
	v6 =	vadd.s32 v25, v44;
	v3 =	vshll.u32 v3, v1;
	[tilespmem:$0x1FD20] =	vst v11  }
0x1dc: {  	s0 =	simm.s32 $0x0;
	s6 =	simm.s32 $0x5;
	v10 =	vadd.s32 v30, v5;
	v50 =	vbroadcast v3, $0x0;
	v11 =	vld [tilespmem:s1+$0xFFFFFFC0]  }
0x1dd: {  	v0 =	vmov s0;
	v4 =	vmov s6;
	v12 =	vadd.s32 v20, v37;
	v3 =	vld [tilespmem:s1+$0xFFFFFF00]  }
0x1de: {  	s18 =	simm.s32 $0x6;
	v0 =	vshrl.u32 v0, $0x3;
	v13 =	vld [tilespmem:s1+$0xC0];
	v7 =	vadd.f32 v7, v36;
	v15 =	vadd.s32 v23, v50  }
0x1df: {  	v14 =	vmov s18;
	v17 =	vshll.u32 v0, v1;
	v16 =	vld [tilespmem:s1+$0x80];
	v0 =	vadd.f32 v8, v36  }
0x1e0: {  	v4 =	vshrl.u32 v4, $0x3;
	v8 =	vshrl.u32 v14, $0x3;
	v14 =	vld [tilespmem:s1+$0x40];
	v9 =	vadd.f32 v9, v36;
	[tilespmem:v6+s5+$0x0] =	vst.idx.msk $0xffff, v7  }
0x1e1: {  	v2 =	vshrl.u32 v2, $0x3;
	v4 =	vshll.u32 v4, v1;
	[tilespmem:v10+s5+$0x0] =	vst.idx.msk $0xffff, v0;
	v6 =	vld [tilespmem:s1+$0x10];
	v0 =	vadd.f32 v11, v36  }
0x1e2: {  	v2 =	vshll.u32 v2, v1;
	v4 =	vbroadcast v4, $0x0;
	[tilespmem:v12+s5+$0x0] =	vst.idx.msk $0xffff, v9;
	v7 =	vld [tilespmem:s1+$0xFFFFFF50]  }
0x1e3: {  	v54 =	vbroadcast v2, $0x0;
	v2 =	vld [tilespmem:s1+$0xFFFFFF90];
	[tilespmem:v15+s5+$0x0] =	vst.idx.msk $0xffff, v0  }
0x1e4: {  	v60 =	vmov v28;
	v9 =	vadd.s32 v28, v5;
	v0 =	vadd.s32 v21, v4;
	v28 =	vld [tilespmem:$0x1FEC0]  }
0x1e5: {  	[tilespmem:$0x1FD10] =	vst v0;
	v0 =	vld [tilespmem:$0x1FEE0]  }
0x1e6: {  	v48 =	vmov v25;
	v25 =	vadd.s32 v32, v5;
	v8 =	vshll.u32 v8, v1;
	v5 =	vld [tilespmem:$0x1FED0]  }
0x1e7: {  	v52 =	vbroadcast v8, $0x0;
	_ =	sdelay $0x1  }
0x1e8: {  	v59 =	vmovc v57;
	v10 =	vadd.s32 v57, v52;
	v57 =	vbroadcast v17, $0x0;
	v22 =	vld [tilespmem:$0x1FEA0];
	v17 =	vadd.s32 v28, v37  }
0x1e9: {  	v63 =	vld [tilespmem:$0x1FEB0];
	v12 =	vadd.s32 v0, v50  }
0x1ea: {  	v53 =	vmov v19;
	v8 =	vadd.f32 v13, v36;
	v13 =	vld [tilespmem:s1+$0xFFFFFFD0];
	v5 =	vadd.s32 v5, v4;
	[tilespmem:$0x1FD40] =	vst v12  }
0x1eb: {  	v19 =	vadd.f32 v6, v35;
	v6 =	vld [tilespmem:$0x1FEF0];
	v2 =	vadd.f32 v2, v35;
	[tilespmem:$0x1FD50] =	vst v5;
	v5 =	vadd.s32 v39, v54  }
0x1ec: {  	v41 =	vadd.s32 v40, v37;
	v3 =	vadd.f32 v3, v36;
	v11 =	vadd.s32 v61, v44;
	[tilespmem:$0x1FD30] =	vst v5  }
0x1ed: {  	s0 =	simm.s32 $0xB900;
	v16 =	vadd.f32 v16, v36;
	v5 =	vadd.s32 v31, v57;
	[tilespmem:v17+s5+$0x0] =	vst.idx.msk $0xffff, v2  }
0x1ee: {  	s21 =	simm.s32 $0xF;
	v14 =	vadd.f32 v14, v36;
	v56 =	vadd.s32 v24, v57;
	v24 =	vadd.s32 v63, v4;
	v42 =	vld [tilespmem:s0+$0xFFFFFF40];
	[tilespmem:$0x1FD60] =	vst v5  }
0x1ef: {  	v58 =	vmovc v20;
	v40 =	vmov s21;
	v18 =	vadd.s32 v26, v57;
	v15 =	vadd.s32 v62, v54;
	v2 =	vld [tilespmem:$0x1FF00];
	[tilespmem:v10+s5+$0x0] =	vst.idx.msk $0xffff, v16  }
0x1f0: {  	v51 =	vmovc v21;
	s17 =	simm.s32 $0x9;
	v7 =	vadd.f32 v7, v35;
	v21 =	vadd.s32 v22, v50;
	v20 =	vadd.s32 v6, v52;
	v46 =	vld [tilespmem:s1+$0x90]  }
0x1f1: {  	s18 =	simm.s32 $0xA;
	v12 =	vadd.s32 v38, v54;
	v17 =	vadd.s32 v49, v44;
	v49 =	vmov s17  }
0x1f2: {  	s25 =	simm.s32 $0xC;
	v32 =	vmovc v39;
	v13 =	vadd.f32 v13, v35;
	v5 =	vmovc v38;
	v39 =	vshrl.u32 v49, $0x3;
	v38 =	vld [tilespmem:s1+$0xFFFFFFA0];
	v16 =	vmov s18;
	[tilespmem:v9+s5+$0x0] =	vst.idx.msk $0xffff, v7  }
0x1f3: {  	v10 =	vmov s25;
	[tilespmem:v24+s5+$0x0] =	vst.idx.msk $0xffff, v14;
	v9 =	vshrl.u32 v16, $0x3;
	v16 =	vshll.u32 v39, v1;
	v14 =	vld [tilespmem:s1+$0xFFFFFF60]  }
0x1f4: {  	[tilespmem:v11+s5+$0x0] =	vst.idx.msk $0xffff, v19;
	v10 =	vshrl.u32 v10, $0x3;
	v9 =	vshll.u32 v9, v1;
	v24 =	vbroadcast v16, $0x0  }
0x1f5: {  	v45 =	vld [tilespmem:s0+$0xFFFFFF80];
	[tilespmem:v15+s5+$0x0] =	vst.idx.msk $0xffff, v8;
	v39 =	vbroadcast v9, $0x0;
	v9 =	vshll.u32 v10, v1;
	v15 =	vadd.f32 v46, v35  }
0x1f6: {  	v47 =	vld [tilespmem:s0+$0x0];
	[tilespmem:v21+s5+$0x0] =	vst.idx.msk $0xffff, v13;
	v16 =	vshrl.u32 v40, $0x3;
	v19 =	vadd.s32 v30, v24;
	v40 =	vbroadcast v9, $0x0  }
0x1f7: {  	v10 =	vadd.f32 v38, v34;
	v21 =	vadd.s32 v58, v39;
	[tilespmem:v20+s5+$0x0] =	vst.idx.msk $0xffff, v15;
	v20 =	vld [tilespmem:s1+$0xD0]  }
0x1f8: {  	[tilespmem:v18+s5+$0x0] =	vst.idx.msk $0xffff, v3;
	v8 =	vadd.s32 v48, v40;
	v14 =	vadd.f32 v14, v34  }
0x1f9: {  	v46 =	vadd.f32 v42, v36;
	[tilespmem:v41+s5+$0x0] =	vst.idx.msk $0xffff, v10  }
0x1fa: {  	s19 =	simm.s32 $0x8;
	v3 =	vadd.f32 v45, v36;
	[tilespmem:v25+s5+$0x0] =	vst.idx.msk $0xffff, v14  }
0x1fb: {  	v43 =	vmov s19;
	v9 =	vld [tilespmem:s0+$0xFFFFFF00];
	v25 =	vadd.f32 v47, v36;
	[tilespmem:v19+s5+$0x0] =	vst.idx.msk $0xffff, v46  }
0x1fc: {  	v13 =	vshrl.u32 v43, $0x3;
	v43 =	vld [tilespmem:s0+$0xC0];
	[tilespmem:v21+s5+$0x0] =	vst.idx.msk $0xffff, v3;
	v3 =	vadd.f32 v20, v35  }
0x1fd: {  	s21 =	simm.s32 $0xB;
	s25 =	simm.s32 $0xE;
	[tilespmem:v8+s5+$0x0] =	vst.idx.msk $0xffff, v25  }
0x1fe: {  	v58 =	vmov s21;
	v15 =	vmov s25;
	v14 =	vld [tilespmem:s1+$0x20];
	[tilespmem:v12+s5+$0x0] =	vst.idx.msk $0xffff, v3  }
0x1ff: {  	v41 =	vshrl.u32 v58, $0x3;
	v15 =	vshrl.u32 v15, $0x3;
	v12 =	vld [tilespmem:$0x1FD10]  }
0x200: {  	v11 =	vld [tilespmem:s1+$0x50];
	v48 =	vadd.f32 v9, v36;
	v9 =	vshll.u32 v15, v1;
	v15 =	vshll.u32 v41, v1  }
0x201: {  	v38 =	vadd.s32 v53, v24;
	v53 =	vld [tilespmem:s0+$0xFFFFFFC0];
	v49 =	vadd.f32 v43, v36;
	v43 =	vbroadcast v15, $0x0  }
0x202: {  	v18 =	vld [tilespmem:s1+$0xFFFFFF10]  }
0x203: {  	v41 =	vbroadcast v9, $0x0;
	v9 =	vadd.s32 v23, v43  }
0x204: {  	v3 =	vadd.f32 v14, v34  }
0x205: {  	v11 =	vadd.f32 v11, v35  }
0x206: {  	v14 =	vadd.f32 v53, v36;
	[tilespmem:v17+s5+$0x0] =	vst.idx.msk $0xffff, v3  }
0x207: {  	[tilespmem:v12+s5+$0x0] =	vst.idx.msk $0xffff, v11;
	v12 =	vadd.f32 v18, v35  }
0x208: {  	[tilespmem:v9+s5+$0x0] =	vst.idx.msk $0xffff, v14  }
0x209: {  	[tilespmem:v56+s5+$0x0] =	vst.idx.msk $0xffff, v12  }
0x20a: {  	v46 =	vadd.s32 v0, v43;
	v0 =	vld [tilespmem:$0x1FD20]  }
0x20b: {  	v8 =	vld [tilespmem:s1+$0xFFFFFF70];
	_ =	sdelay $0x4  }
0x20c: {  	v12 =	vadd.f32 v8, v33;
	_ =	sdelay $0x1  }
0x20d: {  	v25 =	vadd.s32 v60, v24;
	v60 =	vld [tilespmem:$0x1FFE0];
	[tilespmem:v0+s5+$0x0] =	vst.idx.msk $0xffff, v12  }
0x20e: {  	v0 =	vld [tilespmem:$0x1FD30]  }
0x20f: {  	v11 =	vld [tilespmem:s1+$0xE0];
	_ =	sdelay $0x4  }
0x210: {  	v11 =	vadd.f32 v11, v34  }
0x211: {  	s19 =	simm.s32 $0xD  }
0x212: {  	v7 =	vmov s19;
	[tilespmem:v0+s5+$0x0] =	vst.idx.msk $0xffff, v11  }
0x213: {  	v7 =	vshrl.u32 v7, $0x3;
	v16 =	vshll.u32 v16, v1;
	v0 =	vld [tilespmem:$0x1FD40]  }
0x214: {  	v7 =	vshll.u32 v7, v1;
	v45 =	vbroadcast v16, $0x0;
	v16 =	vld [tilespmem:s1+$0xFFFFFFE0]  }
0x215: {  	v42 =	vbroadcast v7, $0x0;
	v7 =	vld [tilespmem:s1+$0xA0];
	_ =	sdelay $0x1  }
0x216: {  	v2 =	vadd.s32 v2, v52  }
0x217: {  	v13 =	vshll.u32 v13, v1  }
0x218: {  	v18 =	vadd.s32 v27, v44;
	v44 =	vbroadcast v13, $0x0;
	v13 =	vadd.f32 v16, v34  }
0x219: {  	v7 =	vadd.f32 v7, v34  }
0x21a: {  	[tilespmem:v0+s5+$0x0] =	vst.idx.msk $0xffff, v13  }
0x21b: {  	v21 =	vld [tilespmem:$0x1FFF0];
	[tilespmem:v2+s5+$0x0] =	vst.idx.msk $0xffff, v7  }
0x21c: {  	v2 =	vld [tilespmem:$0x1FE80];
	_ =	sdelay $0x3  }
0x21d: {  	v10 =	vld [tilespmem:s0+$0x40]  }
0x21e: {  	v11 =	vadd.s32 v2, v54;
	v2 =	vld [tilespmem:$0x1FD50]  }
0x21f: {  	v9 =	vld [tilespmem:s1+$0x60];
	_ =	sdelay $0x3  }
0x220: {  	v53 =	vadd.s32 v62, v45  }
0x221: {  	v3 =	vadd.s32 v28, v39;
	v28 =	vmovc v62;
	v62 =	vadd.f32 v10, v36;
	v10 =	vld [tilespmem:s1+$0x30];
	v16 =	vadd.f32 v9, v34;
	_ =	sdelay $0x1  }
0x222: {  	[tilespmem:v2+s5+$0x0] =	vst.idx.msk $0xffff, v16  }
0x223: {  	v2 =	vld [tilespmem:$0x1FE70];
	_ =	sdelay $0x1  }
0x224: {  	v13 =	vadd.f32 v10, v33;
	_ =	sdelay $0x1  }
0x225: {  	[tilespmem:v18+s5+$0x0] =	vst.idx.msk $0xffff, v13  }
0x226: {  	v10 =	vadd.s32 v2, v52;
	v2 =	vld [tilespmem:$0x1FE90];
	_ =	sdelay $0x1  }
0x227: {  	v15 =	vld [tilespmem:s0+$0x10];
	_ =	sdelay $0x1  }
0x228: {  	v19 =	vadd.s32 v61, v40  }
0x229: {  	v54 =	vadd.s32 v2, v44;
	v2 =	vld [tilespmem:$0x1FF90];
	_ =	sdelay $0x1  }
0x22a: {  	v60 =	vadd.s32 v60, v4;
	v4 =	vadd.f32 v15, v35;
	_ =	sdelay $0x1  }
0x22b: {  	[tilespmem:v19+s5+$0x0] =	vst.idx.msk $0xffff, v4  }
0x22c: {  	v16 =	vadd.s32 v63, v42;
	v63 =	vadd.s32 v2, v24;
	v2 =	vld [tilespmem:$0x1FED0]  }
0x22d: {  	v17 =	vld [tilespmem:s0+$0xFFFFFF50];
	_ =	sdelay $0x3  }
0x22e: {  	v9 =	vadd.s32 v21, v50;
	v50 =	vadd.s32 v2, v42;
	v2 =	vld [tilespmem:$0x1FD60]  }
0x22f: {  	v20 =	vadd.f32 v17, v35;
	v17 =	vld [tilespmem:s1+$0xFFFFFF20];
	_ =	sdelay $0x2  }
0x230: {  	v58 =	vld [tilespmem:s1+$0xFFFFFFB0]  }
0x231: {  	v7 =	vld [tilespmem:s1+$0xF0]  }
0x232: {  	v15 =	vld [tilespmem:s0+$0xFFFFFFD0];
	v13 =	vadd.f32 v17, v34  }
0x233: {  	v12 =	vld [tilespmem:s0+$0xFFFFFF90];
	[tilespmem:v25+s5+$0x0] =	vst.idx.msk $0xffff, v20  }
0x234: {  	v55 =	vld [tilespmem:s0+$0x80];
	[tilespmem:v2+s5+$0x0] =	vst.idx.msk $0xffff, v13  }
0x235: {  	v4 =	vld [tilespmem:$0x1FE00]  }
0x236: {  	v17 =	vadd.f32 v7, v33;
	v7 =	vld [tilespmem:$0x1FF00]  }
0x237: {  	v30 =	vmovc v61;
	v61 =	vadd.f32 v58, v33;
	v58 =	vadd.s32 v6, v41;
	v6 =	vadd.f32 v15, v35;
	v15 =	vld [tilespmem:s1+$0xFFFFFFF0]  }
0x238: {  	v59 =	vadd.s32 v59, v41;
	v14 =	vadd.f32 v12, v35;
	v12 =	vld [tilespmem:s1+$0xB0]  }
0x239: {  	v47 =	vadd.s32 v51, v42;
	v27 =	vmovc v5;
	v8 =	vadd.f32 v55, v36;
	v55 =	vadd.s32 v26, v44;
	v2 =	vld [tilespmem:s1+$0x70]  }
0x23a: {  	v56 =	vadd.s32 v5, v45;
	v5 =	vadd.s32 v29, v57;
	v29 =	vmovc v32;
	v0 =	vadd.s32 v22, v43;
	v13 =	vld [tilespmem:s1+$0xFFFFFF30]  }
0x23b: {  	s17 =	simm.s32 $0x10;
	s19 =	simm.s32 $0xBB00;
	v52 =	vadd.s32 v32, v45;
	v31 =	vld [tilespmem:$0x1FE60];
	v32 =	vmovc v4;
	v4 =	vadd.s32 v4, v39;
	v51 =	vadd.s32 v7, v41  }
.LBB2_9:
0x23c: {  	_ = 	snop  }
0x23d: {  	v18 =	vld [tilespmem:s19+$0xFFFFFF40];
	[tilespmem:v59+s5+$0x0] =	vst.idx.msk $0xffff, v8  }
0x23e: {  	s15 =	smov.u32 s17;
	[tilespmem:v3+s5+$0x0] =	vst.idx.msk $0xffff, v14;
	v8 =	vld [tilespmem:s19+$0x80]  }
0x23f: {  	s25 =	sadd.s32 $0x2, s15;
	[tilespmem:v11+s5+$0x0] =	vst.idx.msk $0xffff, v17;
	v21 =	vld [tilespmem:s0+$0xFFFFFFA0]  }
0x240: {  	[tilespmem:v16+s5+$0x0] =	vst.idx.msk $0xffff, v62;
	v17 =	vmov s25;
	v24 =	vld [tilespmem:s19+$0xC0];
	v3 =	vadd.f32 v15, v33  }
0x241: {  	v16 =	vshrl.u32 v17, $0x3;
	v17 =	vld [tilespmem:s0+$0x50]  }
0x242: {  	s18 =	sadd.s32 $0x4, s15;
	v12 =	vadd.f32 v12, v33;
	[tilespmem:v9+s5+$0x0] =	vst.idx.msk $0xffff, v3;
	v9 =	vshll.u32 v16, v1;
	v16 =	vld [tilespmem:s0+$0x90]  }
0x243: {  	s6 =	sadd.s32 $0x7, s17;
	v22 =	vadd.s32 v31, v37;
	v14 =	vmov s18;
	v3 =	vadd.f32 v2, v33;
	[tilespmem:v0+s5+$0x0] =	vst.idx.msk $0xffff, v6;
	v0 =	vld [tilespmem:$0x1FF10]  }
0x244: {  	v20 =	vmov s6;
	s6 =	sadd.s32 $0x1, s15;
	[tilespmem:v10+s5+$0x0] =	vst.idx.msk $0xffff, v12;
	v10 =	vshrl.u32 v14, $0x3;
	v12 =	vld [tilespmem:s0+$0xFFFFFF60]  }
0x245: {  	v11 =	vmov s6;
	v14 =	vld [tilespmem:$0x1FF20];
	[tilespmem:v60+s5+$0x0] =	vst.idx.msk $0xffff, v3;
	v3 =	vshll.u32 v10, v1  }
0x246: {  	v11 =	vshrl.u32 v11, $0x3;
	v60 =	vld [tilespmem:s19+$0x0];
	v3 =	vbroadcast v3, $0x0  }
0x247: {  	v7 =	vld [tilespmem:$0x1FFA0];
	[tilespmem:v53+s5+$0x0] =	vst.idx.msk $0xffff, v49;
	v13 =	vadd.f32 v13, v33;
	v2 =	vshll.u32 v11, v1  }
0x248: {  	v19 =	vmov s15;
	s21 =	sadd.s32 $0x5, s15;
	v23 =	vld [tilespmem:s19+$0xFFFFFF80];
	[tilespmem:v22+s5+$0x0] =	vst.idx.msk $0xffff, v61;
	v2 =	vbroadcast v2, $0x0;
	v0 =	vadd.s32 v0, v3  }
0x249: {  	v15 =	vmov s21;
	[tilespmem:v5+s5+$0x0] =	vst.idx.msk $0xffff, v13;
	v13 =	vshrl.u32 v19, $0x3;
	v19 =	vld [tilespmem:$0x1FF40];
	v10 =	vadd.f32 v21, v34  }
0x24a: {  	v49 =	vadd.f32 v24, v36;
	v24 =	vld [tilespmem:$0x1FF80];
	v14 =	vadd.s32 v14, v2;
	v12 =	vadd.f32 v12, v34  }
0x24b: {  	v15 =	vshrl.u32 v15, $0x3;
	v11 =	vshrl.u32 v20, $0x3;
	v5 =	vld [tilespmem:s19+$0xFFFFFF00];
	[tilespmem:v4+s5+$0x0] =	vst.idx.msk $0xffff, v10;
	v21 =	vadd.f32 v60, v36  }
0x24c: {  	v15 =	vshll.u32 v15, v1;
	v6 =	vshll.u32 v11, v1;
	v11 =	vld [tilespmem:s0+$0x20];
	[tilespmem:v63+s5+$0x0] =	vst.idx.msk $0xffff, v12  }
0x24d: {  	v37 =	vmovc v39;
	v39 =	vbroadcast v9, $0x0;
	v9 =	vld [tilespmem:s19+$0x40];
	v4 =	vadd.f32 v18, v36;
	[tilespmem:v0+s5+$0x0] =	vst.idx.msk $0xffff, v21;
	v0 =	vbroadcast v15, $0x0  }
0x24e: {  	v17 =	vadd.f32 v17, v35;
	v25 =	vld [tilespmem:s0+$0xFFFFFF70]  }
0x24f: {  	[tilespmem:v14+s5+$0x0] =	vst.idx.msk $0xffff, v4;
	v14 =	vld [tilespmem:$0x1FFC0];
	v24 =	vadd.s32 v24, v0  }
0x250: {  	s1 =	sadd.s32 $0x6, s15;
	s15 =	sadd.s32 $0x3, s15;
	v57 =	vadd.s32 v7, v44;
	[tilespmem:v47+s5+$0x0] =	vst.idx.msk $0xffff, v17;
	v47 =	vmov v24;
	v24 =	vld [tilespmem:$0x1FFE0]  }
0x251: {  	v7 =	vld [tilespmem:$0x1FFB0];
	v61 =	vmov s15;
	v19 =	vadd.s32 v19, v39;
	v16 =	vadd.f32 v16, v35  }
0x252: {  	v22 =	vshrl.u32 v61, $0x3;
	v5 =	vadd.f32 v5, v36  }
0x253: {  	v22 =	vshll.u32 v22, v1;
	[tilespmem:v58+s5+$0x0] =	vst.idx.msk $0xffff, v16;
	v16 =	vld [tilespmem:s0+$0xD0]  }
0x254: {  	v23 =	vadd.f32 v23, v36;
	[tilespmem:v55+s5+$0x0] =	vst.idx.msk $0xffff, v48;
	v12 =	vld [tilespmem:s0+$0xFFFFFFB0];
	v48 =	vmov v5;
	v5 =	vbroadcast v22, $0x0  }
0x255: {  	v22 =	vadd.s32 v14, v40;
	v14 =	vld [tilespmem:s19+$0xFFFFFF50];
	v60 =	vadd.s32 v24, v42;
	v42 =	vmovc v0;
	v0 =	vadd.f32 v25, v33  }
0x256: {  	v7 =	vadd.s32 v7, v40;
	[tilespmem:v19+s5+$0x0] =	vst.idx.msk $0xffff, v23;
	v23 =	vadd.s32 v30, v3;
	v40 =	vmov v3;
	v3 =	vld [tilespmem:$0x1FF50]  }
0x257: {  	v18 =	vmov s1;
	[tilespmem:v38+s5+$0x0] =	vst.idx.msk $0xffff, v0;
	v0 =	vld [tilespmem:$0x1FEF0]  }
0x258: {  	v62 =	vld [tilespmem:$0x1FF70];
	v18 =	vshrl.u32 v18, $0x3  }
0x259: {  	v55 =	vld [tilespmem:s0+$0xFFFFFF10];
	v18 =	vshll.u32 v18, v1;
	v16 =	vadd.f32 v16, v35  }
0x25a: {  	v10 =	vld [tilespmem:s19+$0xFFFFFFC0];
	v18 =	vbroadcast v18, $0x0  }
0x25b: {  	[tilespmem:v56+s5+$0x0] =	vst.idx.msk $0xffff, v16;
	v16 =	vadd.s32 v3, v5;
	v3 =	vld [tilespmem:$0x1FEE0]  }
0x25c: {  	v11 =	vadd.f32 v11, v34;
	v58 =	vadd.s32 v0, v18;
	v0 =	vld [tilespmem:$0x1FFF0]  }
0x25d: {  	v15 =	vld [tilespmem:s0+$0xA0]  }
0x25e: {  	v19 =	vld [tilespmem:s19+$0x10];
	[tilespmem:v7+s5+$0x0] =	vst.idx.msk $0xffff, v11  }
0x25f: {  	v21 =	vadd.s32 v62, v2;
	v62 =	vadd.f32 v9, v36;
	v9 =	vadd.f32 v55, v35;
	v11 =	vld [tilespmem:s0+$0x30]  }
0x260: {  	v17 =	vld [tilespmem:s0+$0xE0]  }
0x261: {  	[tilespmem:v54+s5+$0x0] =	vst.idx.msk $0xffff, v9;
	v56 =	vadd.s32 v3, v5;
	v9 =	vadd.s32 v0, v43;
	v43 =	vmov v5;
	v5 =	vld [tilespmem:$0x1FE80];
	_ =	sdelay $0x2  }
0x262: {  	v4 =	vadd.f32 v10, v36;
	v10 =	vld [tilespmem:s0+$0xFFFFFFE0]  }
0x263: {  	v7 =	vld [tilespmem:s0+$0x60];
	v61 =	vadd.f32 v12, v33;
	v12 =	vadd.f32 v15, v34  }
0x264: {  	v15 =	vadd.f32 v17, v34;
	v17 =	vadd.f32 v11, v33;
	v11 =	vadd.s32 v5, v45;
	v5 =	vld [tilespmem:$0x1FE70];
	_ =	sdelay $0x2  }
0x265: {  	v10 =	vadd.f32 v10, v34;
	[tilespmem:v16+s5+$0x0] =	vst.idx.msk $0xffff, v4  }
0x266: {  	v7 =	vadd.f32 v7, v34;
	v16 =	vld [tilespmem:s19+$0xFFFFFFD0]  }
0x267: {  	[tilespmem:v46+s5+$0x0] =	vst.idx.msk $0xffff, v10;
	v10 =	vadd.s32 v5, v41;
	v5 =	vld [tilespmem:$0x1FFD0]  }
0x268: {  	[tilespmem:v50+s5+$0x0] =	vst.idx.msk $0xffff, v7;
	v7 =	vld [tilespmem:$0x1FE90]  }
0x269: {  	v13 =	vshll.u32 v13, v1  }
0x26a: {  	v13 =	vbroadcast v13, $0x0;
	_ =	sdelay $0x1  }
0x26b: {  	v59 =	vld [tilespmem:$0x1FF30];
	v5 =	vadd.s32 v5, v44;
	v44 =	vmov v13  }
0x26c: {  	v54 =	vadd.s32 v7, v44;
	v7 =	vld [tilespmem:$0x1FEB0];
	_ =	sdelay $0x1  }
0x26d: {  	v6 =	vbroadcast v6, $0x0  }
0x26e: {  	v63 =	vld [tilespmem:$0x1FF60]  }
0x26f: {  	v20 =	vadd.s32 v59, v2;
	v53 =	vadd.s32 v28, v6;
	v24 =	vld [tilespmem:s19+$0xFFFFFF90]  }
0x270: {  	[tilespmem:v52+s5+$0x0] =	vst.idx.msk $0xffff, v15;
	v45 =	vmov v6;
	v6 =	vadd.f32 v16, v35;
	v16 =	vadd.s32 v7, v42;
	v7 =	vld [tilespmem:$0x1FF90]  }
0x271: {  	v38 =	vmov v20;
	v20 =	vld [tilespmem:s0+$0xF0]  }
0x272: {  	v4 =	vld [tilespmem:s0+$0xFFFFFF20]  }
0x273: {  	v3 =	vld [tilespmem:$0x1FEC0]  }
0x274: {  	v59 =	vadd.s32 v63, v18;
	v0 =	vld [tilespmem:$0x1FEA0]  }
0x275: {  	[tilespmem:v51+s5+$0x0] =	vst.idx.msk $0xffff, v12;
	v25 =	vadd.f32 v14, v35;
	v63 =	vadd.s32 v7, v2;
	v2 =	vld [tilespmem:$0x1FED0]  }
0x276: {  	p0 =	slt.u32 s17, $0x78;
	v19 =	vadd.f32 v19, v35;
	[tilespmem:v22+s5+$0x0] =	vst.idx.msk $0xffff, v17;
	v7 =	vld [tilespmem:$0x1FF00]  }
.Ltmp4:
0x277: {  	v8 =	vadd.f32 v8, v36;
	[tilespmem:v21+s5+$0x0] =	vst.idx.msk $0xffff, v25;
	v4 =	vadd.f32 v4, v34;
	(pc) =	sbr.rel @p0 .LBB2_9-.Ltmp4, $4  }
0x278: {  	v55 =	vadd.s32 v26, v13;
	v12 =	vld [tilespmem:s0+$0xB0];
	[tilespmem:v23+s5+$0x0] =	vst.idx.msk $0xffff, v19;
	v14 =	vadd.f32 v24, v35  }
0x279: {  	v46 =	vmov v56;
	v15 =	vld [tilespmem:s0+$0xFFFFFFF0];
	v17 =	vadd.f32 v20, v33;
	v3 =	vadd.s32 v3, v39;
	[tilespmem:v57+s5+$0x0] =	vst.idx.msk $0xffff, v4  }
0x27a: {  	v4 =	vadd.s32 v32, v39;
	v0 =	vadd.s32 v0, v43;
	v56 =	vadd.s32 v27, v45;
	v41 =	vmovc v18;
	v13 =	vld [tilespmem:s0+$0xFFFFFF30]  }
0x27b: {  	s17 =	sadd.s32 $0x8, s17;
	v52 =	vadd.s32 v29, v45;
	v50 =	vadd.s32 v2, v42;
	v2 =	vld [tilespmem:s0+$0x70];
	v51 =	vadd.s32 v7, v41;
	s0 =	smov.u32 s19;
	s19 =	sadd.s32 $0x200, s19  }
0x27c: {  	_ =	sdelay $0x3  }
0x27d: {  	[tilespmem:v59+s5+$0x0] =	vst.idx.msk $0xffff, v8  }
0x27e: {  	[tilespmem:v3+s5+$0x0] =	vst.idx.msk $0xffff, v14  }
0x27f: {  	[tilespmem:v53+s5+$0x0] =	vst.idx.msk $0xffff, v49  }
0x280: {  	[tilespmem:v11+s5+$0x0] =	vst.idx.msk $0xffff, v17  }
0x281: {  	v8 =	vadd.s32 v31, v37;
	[tilespmem:v16+s5+$0x0] =	vst.idx.msk $0xffff, v62;
	v7 =	vld [tilespmem:s0+$0xD0]  }
0x282: {  	[tilespmem:v55+s5+$0x0] =	vst.idx.msk $0xffff, v48;
	v11 =	vadd.f32 v12, v33  }
0x283: {  	[tilespmem:v0+s5+$0x0] =	vst.idx.msk $0xffff, v6;
	v3 =	vadd.f32 v15, v33  }
0x284: {  	[tilespmem:v10+s5+$0x0] =	vst.idx.msk $0xffff, v11  }
0x285: {  	[tilespmem:v9+s5+$0x0] =	vst.idx.msk $0xffff, v3;
	v2 =	vadd.f32 v2, v33  }
0x286: {  	[tilespmem:v8+s5+$0x0] =	vst.idx.msk $0xffff, v61;
	v7 =	vadd.f32 v7, v35  }
0x287: {  	v3 =	vld [tilespmem:s0+$0x90];
	[tilespmem:v60+s5+$0x0] =	vst.idx.msk $0xffff, v2  }
0x288: {  	v9 =	vld [tilespmem:s0+$0x50];
	[tilespmem:v56+s5+$0x0] =	vst.idx.msk $0xffff, v7  }
0x289: {  	v7 =	vld [tilespmem:$0x1FFB0]  }
0x28a: {  	v2 =	vld [tilespmem:s0+$0xFFFFFF10]  }
0x28b: {  	v10 =	vld [tilespmem:s0+$0xFFFFFF60]  }
0x28c: {  	v8 =	vld [tilespmem:s0+$0x20];
	v3 =	vadd.f32 v3, v35  }
0x28d: {  	v0 =	vadd.f32 v9, v35;
	v6 =	vld [tilespmem:s0+$0xE0]  }
0x28e: {  	v9 =	vadd.f32 v13, v33;
	[tilespmem:v58+s5+$0x0] =	vst.idx.msk $0xffff, v3;
	v3 =	vld [tilespmem:s0+$0xFFFFFFE0];
	v7 =	vadd.s32 v7, v40  }
0x28f: {  	[tilespmem:v47+s5+$0x0] =	vst.idx.msk $0xffff, v0;
	v0 =	vadd.f32 v2, v35  }
0x290: {  	[tilespmem:v5+s5+$0x0] =	vst.idx.msk $0xffff, v9;
	v2 =	vadd.f32 v10, v34;
	v9 =	vld [tilespmem:s0+$0xFFFFFFA0]  }
0x291: {  	v8 =	vadd.f32 v8, v34;
	v5 =	vld [tilespmem:s0+$0x60];
	[tilespmem:v54+s5+$0x0] =	vst.idx.msk $0xffff, v0  }
0x292: {  	[tilespmem:v63+s5+$0x0] =	vst.idx.msk $0xffff, v2;
	v2 =	vadd.f32 v6, v34  }
0x293: {  	v11 =	vld [tilespmem:s0+$0xA0];
	v3 =	vadd.f32 v3, v34;
	[tilespmem:v7+s5+$0x0] =	vst.idx.msk $0xffff, v8  }
0x294: {  	v47 =	vld [tilespmem:$0x1FFA0];
	[tilespmem:v52+s5+$0x0] =	vst.idx.msk $0xffff, v2  }
0x295: {  	[tilespmem:v46+s5+$0x0] =	vst.idx.msk $0xffff, v3  }
0x296: {  	v2 =	vadd.f32 v5, v34;
	v5 =	vadd.f32 v9, v34;
	v9 =	vld [tilespmem:$0x1FFC0]  }
0x297: {  	v0 =	vld [tilespmem:s0+$0xFFFFFF20]  }
0x298: {  	v6 =	vld [tilespmem:s0+$0xFFFFFF70];
	v10 =	vadd.f32 v11, v34  }
0x299: {  	v8 =	vld [tilespmem:s0+$0x30];
	v7 =	vadd.s32 v47, v44  }
0x29a: {  	v3 =	vld [tilespmem:s0+$0xF0];
	[tilespmem:v51+s5+$0x0] =	vst.idx.msk $0xffff, v10  }
0x29b: {  	v10 =	vld [tilespmem:$0x1FE80];
	[tilespmem:v50+s5+$0x0] =	vst.idx.msk $0xffff, v2;
	v9 =	vadd.s32 v9, v40  }
0x29c: {  	v0 =	vadd.f32 v0, v34;
	v11 =	vld [tilespmem:s0+$0xFFFFFFF0];
	[tilespmem:v4+s5+$0x0] =	vst.idx.msk $0xffff, v5  }
0x29d: {  	v4 =	vadd.f32 v6, v33;
	v5 =	vld [tilespmem:$0x1FFF0]  }
0x29e: {  	v13 =	vld [tilespmem:$0x1FE70];
	v8 =	vadd.f32 v8, v33;
	[tilespmem:v7+s5+$0x0] =	vst.idx.msk $0xffff, v0  }
0x29f: {  	v0 =	vld [tilespmem:$0x1FFE0];
	[tilespmem:v38+s5+$0x0] =	vst.idx.msk $0xffff, v4  }
0x2a0: {  	v2 =	vld [tilespmem:s0+$0xB0];
	[tilespmem:v9+s5+$0x0] =	vst.idx.msk $0xffff, v8  }
0x2a1: {  	v10 =	vadd.s32 v10, v45;
	v9 =	vld [tilespmem:$0x1FFD0]  }
0x2a2: {  	v12 =	vld [tilespmem:s0+$0xFFFFFFB0];
	v5 =	vadd.s32 v5, v43  }
0x2a3: {  	v6 =	vld [tilespmem:s0+$0x70];
	v13 =	vadd.s32 v13, v41  }
0x2a4: {  	v3 =	vadd.f32 v3, v33;
	v4 =	vld [tilespmem:s0+$0xFFFFFF30];
	v8 =	vadd.s32 v31, v39  }
0x2a5: {  	v7 =	vadd.f32 v11, v33;
	v0 =	vadd.s32 v0, v42  }
0x2a6: {  	v2 =	vadd.f32 v2, v33;
	[tilespmem:v10+s5+$0x0] =	vst.idx.msk $0xffff, v3;
	v9 =	vadd.s32 v9, v44  }
0x2a7: {  	[tilespmem:v5+s5+$0x0] =	vst.idx.msk $0xffff, v7;
	v5 =	vadd.f32 v12, v33  }
0x2a8: {  	s17 =	sshll.u32 s31, $0x12;
	v3 =	vadd.f32 v6, v33;
	[tilespmem:v13+s5+$0x0] =	vst.idx.msk $0xffff, v2  }
0x2a9: {  	s0 =	sor.u32 s7, s17;
	v2 =	vadd.f32 v4, v33;
	[tilespmem:v8+s5+$0x0] =	vst.idx.msk $0xffff, v5  }
0x2aa: {  	s0 =	sshrl.u32 s0, $0x3;
	[tilespmem:v0+s5+$0x0] =	vst.idx.msk $0xffff, v3  }
0x2ab: {  	s1 =	sadd.s32 s2, s0;
	[tilespmem:v9+s5+$0x0] =	vst.idx.msk $0xffff, v2  }
0x2ac: {  	[hbm4b:s1+s3] =	stream.linear.scatter [tilespmem:s5], [sflag:$0x6], $0x80, $0x38;
	[tilespmem:$0x15A00] =	vst v63  }
0x2ad: {  	s15 =	simm.s32 $0x13888;
	s6 =	sadd.s32 $0x10, s1  }
0x2ae: {  	[hbm4b:s6+s3] =	stream.linear.scatter [tilespmem:s15], [sflag:$0x6], $0x80, $0x38;
	[tilespmem:$0x15A00] =	vst v63  }
0x2af: {  	s19 =	simm.s32 $0x13910;
	s18 =	sadd.s32 $0x20, s1  }
0x2b0: {  	[hbm4b:s18+s3] =	stream.linear.scatter [tilespmem:s19], [sflag:$0x6], $0x80, $0x38;
	[tilespmem:$0x15A00] =	vst v63  }
0x2b1: {  	s25 =	simm.s32 $0x13998;
	s21 =	sadd.s32 $0x30, s1  }
0x2b2: {  	[hbm4b:s21+s3] =	stream.linear.scatter [tilespmem:s25], [sflag:$0x6], $0x80, $0x38;
	[tilespmem:$0x15A00] =	vst v63  }
0x2b3: {  	s17 =	simm.s32 $0x13A20;
	s15 =	sadd.s32 $0x40, s1  }
0x2b4: {  	[hbm4b:s15+s3] =	stream.linear.scatter [tilespmem:s17], [sflag:$0x6], $0x80, $0x38;
	[tilespmem:$0x15A00] =	vst v63  }
0x2b5: {  	s18 =	sadd.s32 $0x50, s1;
	s19 =	simm.s32 $0x13AA8  }
0x2b6: {  	[hbm4b:s18+s3] =	stream.linear.scatter [tilespmem:s19], [sflag:$0x6], $0x80, $0x38;
	[tilespmem:$0x15A00] =	vst v63  }
0x2b7: {  	s21 =	sadd.s32 $0x60, s1;
	s25 =	simm.s32 $0x13B30  }
0x2b8: {  	[hbm4b:s21+s3] =	stream.linear.scatter [tilespmem:s25], [sflag:$0x6], $0x80, $0x38;
	[tilespmem:$0x15A00] =	vst v63  }
0x2b9: {  	s1 =	sadd.s32 $0x70, s1;
	s15 =	simm.s32 $0x13BB8  }
0x2ba: {  	[hbm4b:s1+s3] =	stream.linear.scatter [tilespmem:s15], [sflag:$0x6], $0x80, $0x38;
	[tilespmem:$0x15A00] =	vst v63  }
0x2bb: {  	s17 =	simm.s32 $0x13C40;
	s1 =	sadd.s32 s0, s8  }
0x2bc: {  	[hbm4b:s1+s3] =	stream.linear.scatter [tilespmem:s17], [sflag:$0x6], $0x80, $0x38;
	[tilespmem:$0x15A00] =	vst v63  }
0x2bd: {  	s19 =	simm.s32 $0x13CC8;
	s18 =	sadd.s32 $0x10, s1  }
0x2be: {  	[hbm4b:s18+s3] =	stream.linear.scatter [tilespmem:s19], [sflag:$0x6], $0x80, $0x38;
	[tilespmem:$0x15A00] =	vst v63  }
0x2bf: {  	s25 =	simm.s32 $0x13D50;
	s21 =	sadd.s32 $0x20, s1  }
0x2c0: {  	[hbm4b:s21+s3] =	stream.linear.scatter [tilespmem:s25], [sflag:$0x6], $0x80, $0x38;
	[tilespmem:$0x15A00] =	vst v63  }
0x2c1: {  	s15 =	sadd.s32 $0x30, s1;
	s17 =	simm.s32 $0x13DD8  }
0x2c2: {  	[hbm4b:s15+s3] =	stream.linear.scatter [tilespmem:s17], [sflag:$0x6], $0x80, $0x38;
	[tilespmem:$0x15A00] =	vst v63  }
0x2c3: {  	s18 =	sadd.s32 $0x40, s1;
	s19 =	simm.s32 $0x13E60  }
0x2c4: {  	[hbm4b:s18+s3] =	stream.linear.scatter [tilespmem:s19], [sflag:$0x6], $0x80, $0x38;
	[tilespmem:$0x15A00] =	vst v63  }
0x2c5: {  	s21 =	sadd.s32 $0x50, s1;
	s25 =	simm.s32 $0x13EE8  }
0x2c6: {  	[hbm4b:s21+s3] =	stream.linear.scatter [tilespmem:s25], [sflag:$0x6], $0x80, $0x38;
	[tilespmem:$0x15A00] =	vst v63  }
0x2c7: {  	s15 =	sadd.s32 $0x60, s1;
	s17 =	simm.s32 $0x13F70  }
0x2c8: {  	[hbm4b:s15+s3] =	stream.linear.scatter [tilespmem:s17], [sflag:$0x6], $0x80, $0x38;
	[tilespmem:$0x15A00] =	vst v63  }
0x2c9: {  	s1 =	sadd.s32 $0x70, s1;
	s18 =	simm.s32 $0x13FF8  }
0x2ca: {  	[hbm4b:s1+s3] =	stream.linear.scatter [tilespmem:s18], [sflag:$0x6], $0x80, $0x38;
	[tilespmem:$0x15A00] =	vst v63  }
0x2cb: {  	s19 =	simm.s32 $0x14080;
	s1 =	sadd.s32 s0, s9  }
0x2cc: {  	[hbm4b:s1+s3] =	stream.linear.scatter [tilespmem:s19], [sflag:$0x6], $0x80, $0x38;
	[tilespmem:$0x15A00] =	vst v63  }
0x2cd: {  	s25 =	simm.s32 $0x14108;
	s21 =	sadd.s32 $0x10, s1  }
0x2ce: {  	[hbm4b:s21+s3] =	stream.linear.scatter [tilespmem:s25], [sflag:$0x6], $0x80, $0x38;
	[tilespmem:$0x15A00] =	vst v63  }
0x2cf: {  	s17 =	simm.s32 $0x14190;
	s15 =	sadd.s32 $0x20, s1  }
0x2d0: {  	[hbm4b:s15+s3] =	stream.linear.scatter [tilespmem:s17], [sflag:$0x6], $0x80, $0x38;
	[tilespmem:$0x15A00] =	vst v63  }
0x2d1: {  	s18 =	sadd.s32 $0x30, s1;
	s19 =	simm.s32 $0x14218  }
0x2d2: {  	[hbm4b:s18+s3] =	stream.linear.scatter [tilespmem:s19], [sflag:$0x6], $0x80, $0x38;
	[tilespmem:$0x15A00] =	vst v63  }
0x2d3: {  	s21 =	sadd.s32 $0x40, s1;
	s25 =	simm.s32 $0x142A0  }
0x2d4: {  	[hbm4b:s21+s3] =	stream.linear.scatter [tilespmem:s25], [sflag:$0x6], $0x80, $0x38;
	[tilespmem:$0x15A00] =	vst v63  }
0x2d5: {  	s15 =	sadd.s32 $0x50, s1;
	s17 =	simm.s32 $0x14328  }
0x2d6: {  	[hbm4b:s15+s3] =	stream.linear.scatter [tilespmem:s17], [sflag:$0x6], $0x80, $0x38;
	[tilespmem:$0x15A00] =	vst v63  }
0x2d7: {  	s18 =	sadd.s32 $0x60, s1;
	s19 =	simm.s32 $0x143B0  }
0x2d8: {  	[hbm4b:s18+s3] =	stream.linear.scatter [tilespmem:s19], [sflag:$0x6], $0x80, $0x38;
	[tilespmem:$0x15A00] =	vst v63  }
0x2d9: {  	s1 =	sadd.s32 $0x70, s1;
	s21 =	simm.s32 $0x14438  }
0x2da: {  	[hbm4b:s1+s3] =	stream.linear.scatter [tilespmem:s21], [sflag:$0x6], $0x80, $0x38;
	[tilespmem:$0x15A00] =	vst v63  }
0x2db: {  	s25 =	simm.s32 $0x144C0;
	s1 =	sadd.s32 s0, s10  }
0x2dc: {  	[hbm4b:s1+s3] =	stream.linear.scatter [tilespmem:s25], [sflag:$0x6], $0x80, $0x38;
	[tilespmem:$0x15A00] =	vst v63  }
0x2dd: {  	s17 =	simm.s32 $0x14548;
	s15 =	sadd.s32 $0x10, s1  }
0x2de: {  	[hbm4b:s15+s3] =	stream.linear.scatter [tilespmem:s17], [sflag:$0x6], $0x80, $0x38;
	[tilespmem:$0x15A00] =	vst v63  }
0x2df: {  	s19 =	simm.s32 $0x145D0;
	s18 =	sadd.s32 $0x20, s1  }
0x2e0: {  	[hbm4b:s18+s3] =	stream.linear.scatter [tilespmem:s19], [sflag:$0x6], $0x80, $0x38;
	[tilespmem:$0x15A00] =	vst v63  }
0x2e1: {  	s21 =	sadd.s32 $0x30, s1;
	s25 =	simm.s32 $0x14658  }
0x2e2: {  	[hbm4b:s21+s3] =	stream.linear.scatter [tilespmem:s25], [sflag:$0x6], $0x80, $0x38;
	[tilespmem:$0x15A00] =	vst v63  }
0x2e3: {  	s15 =	sadd.s32 $0x40, s1;
	s17 =	simm.s32 $0x146E0  }
0x2e4: {  	[hbm4b:s15+s3] =	stream.linear.scatter [tilespmem:s17], [sflag:$0x6], $0x80, $0x38;
	[tilespmem:$0x15A00] =	vst v63  }
0x2e5: {  	s18 =	sadd.s32 $0x50, s1;
	s19 =	simm.s32 $0x14768  }
0x2e6: {  	[hbm4b:s18+s3] =	stream.linear.scatter [tilespmem:s19], [sflag:$0x6], $0x80, $0x38;
	[tilespmem:$0x15A00] =	vst v63  }
0x2e7: {  	s21 =	sadd.s32 $0x60, s1;
	s25 =	simm.s32 $0x147F0  }
0x2e8: {  	[hbm4b:s21+s3] =	stream.linear.scatter [tilespmem:s25], [sflag:$0x6], $0x80, $0x38;
	[tilespmem:$0x15A00] =	vst v63  }
0x2e9: {  	s1 =	sadd.s32 $0x70, s1;
	s15 =	simm.s32 $0x14878  }
0x2ea: {  	[hbm4b:s1+s3] =	stream.linear.scatter [tilespmem:s15], [sflag:$0x6], $0x80, $0x38;
	[tilespmem:$0x15A00] =	vst v63  }
0x2eb: {  	s17 =	simm.s32 $0x14900;
	s1 =	sadd.s32 s0, s11  }
0x2ec: {  	[hbm4b:s1+s3] =	stream.linear.scatter [tilespmem:s17], [sflag:$0x6], $0x80, $0x38;
	[tilespmem:$0x15A00] =	vst v63  }
0x2ed: {  	s19 =	simm.s32 $0x14988;
	s18 =	sadd.s32 $0x10, s1  }
0x2ee: {  	[hbm4b:s18+s3] =	stream.linear.scatter [tilespmem:s19], [sflag:$0x6], $0x80, $0x38;
	[tilespmem:$0x15A00] =	vst v63  }
0x2ef: {  	s25 =	simm.s32 $0x14A10;
	s21 =	sadd.s32 $0x20, s1  }
0x2f0: {  	[hbm4b:s21+s3] =	stream.linear.scatter [tilespmem:s25], [sflag:$0x6], $0x80, $0x38;
	[tilespmem:$0x15A00] =	vst v63  }
0x2f1: {  	s15 =	sadd.s32 $0x30, s1;
	s17 =	simm.s32 $0x14A98  }
0x2f2: {  	[hbm4b:s15+s3] =	stream.linear.scatter [tilespmem:s17], [sflag:$0x6], $0x80, $0x38;
	[tilespmem:$0x15A00] =	vst v63  }
0x2f3: {  	s18 =	sadd.s32 $0x40, s1;
	s19 =	simm.s32 $0x14B20  }
0x2f4: {  	[hbm4b:s18+s3] =	stream.linear.scatter [tilespmem:s19], [sflag:$0x6], $0x80, $0x38;
	[tilespmem:$0x15A00] =	vst v63  }
0x2f5: {  	s21 =	sadd.s32 $0x50, s1;
	s25 =	simm.s32 $0x14BA8  }
0x2f6: {  	[hbm4b:s21+s3] =	stream.linear.scatter [tilespmem:s25], [sflag:$0x6], $0x80, $0x38;
	[tilespmem:$0x15A00] =	vst v63  }
0x2f7: {  	s15 =	sadd.s32 $0x60, s1;
	s17 =	simm.s32 $0x14C30  }
0x2f8: {  	[hbm4b:s15+s3] =	stream.linear.scatter [tilespmem:s17], [sflag:$0x6], $0x80, $0x38;
	[tilespmem:$0x15A00] =	vst v63  }
0x2f9: {  	s1 =	sadd.s32 $0x70, s1;
	s18 =	simm.s32 $0x14CB8  }
0x2fa: {  	[hbm4b:s1+s3] =	stream.linear.scatter [tilespmem:s18], [sflag:$0x6], $0x80, $0x38;
	[tilespmem:$0x15A00] =	vst v63  }
0x2fb: {  	s19 =	simm.s32 $0x14D40;
	s1 =	sadd.s32 s0, s12  }
0x2fc: {  	[hbm4b:s1+s3] =	stream.linear.scatter [tilespmem:s19], [sflag:$0x6], $0x80, $0x38;
	[tilespmem:$0x15A00] =	vst v63  }
0x2fd: {  	s25 =	simm.s32 $0x14DC8;
	s21 =	sadd.s32 $0x10, s1  }
0x2fe: {  	[hbm4b:s21+s3] =	stream.linear.scatter [tilespmem:s25], [sflag:$0x6], $0x80, $0x38;
	[tilespmem:$0x15A00] =	vst v63  }
0x2ff: {  	s17 =	simm.s32 $0x14E50;
	s15 =	sadd.s32 $0x20, s1  }
0x300: {  	[hbm4b:s15+s3] =	stream.linear.scatter [tilespmem:s17], [sflag:$0x6], $0x80, $0x38;
	[tilespmem:$0x15A00] =	vst v63  }
0x301: {  	s18 =	sadd.s32 $0x30, s1;
	s19 =	simm.s32 $0x14ED8  }
0x302: {  	[hbm4b:s18+s3] =	stream.linear.scatter [tilespmem:s19], [sflag:$0x6], $0x80, $0x38;
	[tilespmem:$0x15A00] =	vst v63  }
0x303: {  	s21 =	sadd.s32 $0x40, s1;
	s25 =	simm.s32 $0x14F60  }
0x304: {  	[hbm4b:s21+s3] =	stream.linear.scatter [tilespmem:s25], [sflag:$0x6], $0x80, $0x38;
	[tilespmem:$0x15A00] =	vst v63  }
0x305: {  	s15 =	sadd.s32 $0x50, s1;
	s17 =	simm.s32 $0x14FE8  }
0x306: {  	[hbm4b:s15+s3] =	stream.linear.scatter [tilespmem:s17], [sflag:$0x6], $0x80, $0x38;
	[tilespmem:$0x15A00] =	vst v63  }
0x307: {  	s18 =	sadd.s32 $0x60, s1;
	s19 =	simm.s32 $0x15070  }
0x308: {  	[hbm4b:s18+s3] =	stream.linear.scatter [tilespmem:s19], [sflag:$0x6], $0x80, $0x38;
	[tilespmem:$0x15A00] =	vst v63  }
0x309: {  	s1 =	sadd.s32 $0x70, s1;
	s21 =	simm.s32 $0x150F8  }
0x30a: {  	[hbm4b:s1+s3] =	stream.linear.scatter [tilespmem:s21], [sflag:$0x6], $0x80, $0x38;
	[tilespmem:$0x15A00] =	vst v63  }
0x30b: {  	s25 =	simm.s32 $0x15180;
	s1 =	sadd.s32 s0, s13  }
0x30c: {  	[hbm4b:s1+s3] =	stream.linear.scatter [tilespmem:s25], [sflag:$0x6], $0x80, $0x38;
	[tilespmem:$0x15A00] =	vst v63  }
0x30d: {  	s17 =	simm.s32 $0x15208;
	s15 =	sadd.s32 $0x10, s1  }
0x30e: {  	[hbm4b:s15+s3] =	stream.linear.scatter [tilespmem:s17], [sflag:$0x6], $0x80, $0x38;
	[tilespmem:$0x15A00] =	vst v63  }
0x30f: {  	s19 =	simm.s32 $0x15290;
	s18 =	sadd.s32 $0x20, s1  }
0x310: {  	[hbm4b:s18+s3] =	stream.linear.scatter [tilespmem:s19], [sflag:$0x6], $0x80, $0x38;
	[tilespmem:$0x15A00] =	vst v63  }
0x311: {  	s21 =	sadd.s32 $0x30, s1;
	s25 =	simm.s32 $0x15318  }
0x312: {  	[hbm4b:s21+s3] =	stream.linear.scatter [tilespmem:s25], [sflag:$0x6], $0x80, $0x38;
	[tilespmem:$0x15A00] =	vst v63  }
0x313: {  	s15 =	sadd.s32 $0x40, s1;
	s17 =	simm.s32 $0x153A0  }
0x314: {  	[hbm4b:s15+s3] =	stream.linear.scatter [tilespmem:s17], [sflag:$0x6], $0x80, $0x38;
	[tilespmem:$0x15A00] =	vst v63  }
0x315: {  	s18 =	sadd.s32 $0x50, s1;
	s19 =	simm.s32 $0x15428  }
0x316: {  	[hbm4b:s18+s3] =	stream.linear.scatter [tilespmem:s19], [sflag:$0x6], $0x80, $0x38;
	[tilespmem:$0x15A00] =	vst v63  }
0x317: {  	s21 =	sadd.s32 $0x60, s1;
	s25 =	simm.s32 $0x154B0  }
0x318: {  	[hbm4b:s21+s3] =	stream.linear.scatter [tilespmem:s25], [sflag:$0x6], $0x80, $0x38;
	[tilespmem:$0x15A00] =	vst v63  }
0x319: {  	s1 =	sadd.s32 $0x70, s1;
	s15 =	simm.s32 $0x15538  }
0x31a: {  	[hbm4b:s1+s3] =	stream.linear.scatter [tilespmem:s15], [sflag:$0x6], $0x80, $0x38;
	[tilespmem:$0x15A00] =	vst v63  }
0x31b: {  	s0 =	sadd.s32 s0, s14;
	s17 =	simm.s32 $0x155C0  }
0x31c: {  	[hbm4b:s0+s3] =	stream.linear.scatter [tilespmem:s17], [sflag:$0x6], $0x80, $0x38;
	[tilespmem:$0x15A00] =	vst v63  }
0x31d: {  	s18 =	sadd.s32 $0x10, s0;
	s19 =	simm.s32 $0x15648  }
0x31e: {  	[hbm4b:s18+s3] =	stream.linear.scatter [tilespmem:s19], [sflag:$0x6], $0x80, $0x38;
	[tilespmem:$0x15A00] =	vst v63  }
0x31f: {  	s21 =	sadd.s32 $0x20, s0;
	s25 =	simm.s32 $0x156D0  }
0x320: {  	[hbm4b:s21+s3] =	stream.linear.scatter [tilespmem:s25], [sflag:$0x6], $0x80, $0x38;
	[tilespmem:$0x15A00] =	vst v63  }
0x321: {  	s15 =	sadd.s32 $0x30, s0;
	s17 =	simm.s32 $0x15758  }
0x322: {  	[hbm4b:s15+s3] =	stream.linear.scatter [tilespmem:s17], [sflag:$0x6], $0x80, $0x38;
	[tilespmem:$0x15A00] =	vst v63  }
0x323: {  	s18 =	sadd.s32 $0x40, s0;
	s19 =	simm.s32 $0x157E0  }
0x324: {  	[hbm4b:s18+s3] =	stream.linear.scatter [tilespmem:s19], [sflag:$0x6], $0x80, $0x38;
	[tilespmem:$0x15A00] =	vst v63  }
0x325: {  	s21 =	sadd.s32 $0x50, s0;
	s25 =	simm.s32 $0x15868  }
0x326: {  	[hbm4b:s21+s3] =	stream.linear.scatter [tilespmem:s25], [sflag:$0x6], $0x80, $0x38;
	[tilespmem:$0x15A00] =	vst v63  }
0x327: {  	s6 =	sadd.s32 $0x60, s0;
	s15 =	simm.s32 $0x158F0  }
0x328: {  	[hbm4b:s6+s3] =	stream.linear.scatter [tilespmem:s15], [sflag:$0x6], $0x80, $0x38;
	[tilespmem:$0x15A00] =	vst v63  }
0x329: {  	p0 =	seq.s32 s28, $0x31;
	s0 =	sadd.s32 $0x70, s0;
	s17 =	simm.s32 $0x15978  }
0x32a: {  	[hbm4b:s0+s3] =	stream.linear.scatter [tilespmem:s17], [sflag:$0x6], $0x80, $0x38;
	[tilespmem:$0x15A00] =	vst v63  }
0x32b: {  	s0 =	sshll.u32 @!p0 s28, $0x9  }
0x32c: {  	s31 =	sor.u32 $0x2, s30;
	s1 =	simm.s32 @!p0 $0x80;
	s30 =	sand.u32 @!p0 $0x3FFFFE00, s0  }
0x32d: {  	s18 =	sshll.u32 s31, $0x6;
	s6 =	simm.s32 @!p0 $0xB600;
	s0 =	sadd.s32 @!p0 $0x280, s30  }
0x32e: {  	[tilespmem:s6], [sflag:$0x2] =	stream.indirect.gather @!p0 [hbm4b:s4+s1], $0x40, s0, s1, $0xb8;
	[tilespmem:$0x15A00] =	vst v63  }
0x32f: {  	s0 =	sand.u32 $0x3FFFFFC0, s18  }
0x330: {  	v36 =	vld [tilespmem:s0+$0x6400]  }
0x331: {  	v35 =	vld [tilespmem:s0+$0x6410]  }
0x332: {  	v34 =	vld [tilespmem:s0+$0x6420]  }
0x333: {  	v33 =	vld [tilespmem:s0+$0x6430];
	_ =	swait.ge [sflag:s20], $0x400  }
0x334: {  	[sflag:s20] =	ssyncset.done $0x0  }
0x335: {  	[sflag:s20] =	ssyncadd.s32 $0xFFFFFC00  }
0x336: {  	_ =	swait.ge [sflag:s20], $0x400  }
0x337: {  	[sflag:s20] =	ssyncset.done $0x0  }
0x338: {  	[sflag:s20] =	ssyncadd.s32 $0xFFFFFC00  }
0x339: {  	_ =	swait.ge [sflag:s20], $0x400  }
0x33a: {  	[sflag:s20] =	ssyncset.done $0x0  }
0x33b: {  	[sflag:s20] =	ssyncadd.s32 $0xFFFFFC00  }
0x33c: {  	_ =	swait.ge [sflag:s20], $0x400  }
0x33d: {  	[sflag:s20] =	ssyncset.done $0x0  }
0x33e: {  	[sflag:s20] =	ssyncadd.s32 $0xFFFFFC00  }
0x33f: {  	_ =	swait.ge [sflag:s20], $0x400  }
0x340: {  	[sflag:s20] =	ssyncset.done $0x0  }
0x341: {  	[sflag:s20] =	ssyncadd.s32 $0xFFFFFC00  }
0x342: {  	_ =	swait.ge [sflag:s20], $0x400  }
0x343: {  	[sflag:s20] =	ssyncset.done $0x0  }
0x344: {  	[sflag:s20] =	ssyncadd.s32 $0xFFFFFC00  }
0x345: {  	_ =	swait.ge [sflag:s20], $0x400  }
0x346: {  	[sflag:s20] =	ssyncset.done $0x0  }
0x347: {  	[sflag:s20] =	ssyncadd.s32 $0xFFFFFC00  }
0x348: {  	_ =	swait.ge [sflag:s20], $0x400  }
0x349: {  	[sflag:s20] =	ssyncset.done $0x0  }
0x34a: {  	[sflag:s20] =	ssyncadd.s32 $0xFFFFFC00  }
0x34b: {  	_ =	swait.ge [sflag:s24], $0x2000  }
0x34c: {  	v48 =	vld [tilespmem:$0x1FF10]  }
0x34d: {  	s25 =	simm.s32 $0x4;
	v45 =	vld [tilespmem:$0x1FF20]  }
0x34e: {  	v3 =	vmov s25;
	s15 =	simm.s32 $0x2;
	s1 =	simm.s32 $0x1;
	v49 =	vld [tilespmem:$0x1FF30]  }
0x34f: {  	v3 =	vshrl.u32 v3, $0x3;
	v5 =	vmov s15;
	v4 =	vmov s1;
	[sflag:s24] =	ssyncset.done $0x0;
	v53 =	vld [tilespmem:$0x1FF40]  }
0x350: {  	v3 =	vshll.u32 v3, v1;
	s17 =	simm.s32 $0x3;
	v5 =	vshrl.u32 v5, $0x3;
	s1 =	simm.s32 $0xD700;
	v4 =	vshrl.u32 v4, $0x3;
	v60 =	vld [tilespmem:$0x1FF50];
	[sflag:s24] =	ssyncadd.s32 $0xFFFFE000  }
0x351: {  	v44 =	vbroadcast v3, $0x0;
	v3 =	vmov s17;
	v4 =	vshll.u32 v4, v1;
	v6 =	vld [tilespmem:s1+$0x0]  }
0x352: {  	v5 =	vshll.u32 v5, v1;
	v3 =	vshrl.u32 v3, $0x3;
	v4 =	vbroadcast v4, $0x0;
	v7 =	vld [tilespmem:s1+$0xFFFFFF40]  }
0x353: {  	v37 =	vbroadcast v5, $0x0;
	v3 =	vshll.u32 v3, v1;
	v8 =	vld [tilespmem:s1+$0xFFFFFF80];
	v5 =	vadd.s32 v48, v44  }
0x354: {  	s21 =	simm.s32 $0x7;
	v50 =	vbroadcast v3, $0x0;
	v11 =	vld [tilespmem:s1+$0xFFFFFFC0];
	v10 =	vadd.s32 v45, v4  }
0x355: {  	v2 =	vmov s21;
	v3 =	vadd.s32 v49, v4;
	v12 =	vadd.s32 v53, v37  }
0x356: {  	v2 =	vshrl.u32 v2, $0x3;
	v14 =	vadd.s32 v60, v50;
	[tilespmem:$0x1FCC0] =	vst v3;
	v6 =	vadd.f32 v6, v36  }
0x357: {  	s19 =	simm.s32 $0x0;
	v16 =	vshll.u32 v2, v1;
	s18 =	simm.s32 $0x5;
	v3 =	vld [tilespmem:s1+$0xFFFFFF00];
	v2 =	vadd.f32 v7, v36  }
0x358: {  	v0 =	vmov s19;
	s19 =	simm.s32 $0x6;
	v9 =	vmov s18;
	v13 =	vld [tilespmem:s1+$0xC0];
	v8 =	vadd.f32 v8, v36;
	[tilespmem:v5+s26+$0x0] =	vst.idx.msk $0xffff, v6  }
0x359: {  	v15 =	vld [tilespmem:s1+$0x80];
	v7 =	vmov s19;
	v5 =	vshrl.u32 v9, $0x3;
	[tilespmem:v10+s26+$0x0] =	vst.idx.msk $0xffff, v2;
	v9 =	vadd.f32 v11, v36  }
0x35a: {  	v17 =	vld [tilespmem:s1+$0x40];
	v7 =	vshrl.u32 v7, $0x3;
	[tilespmem:v12+s26+$0x0] =	vst.idx.msk $0xffff, v8  }
0x35b: {  	v6 =	vshll.u32 v7, v1;
	v7 =	vld [tilespmem:s1+$0x10];
	[tilespmem:v14+s26+$0x0] =	vst.idx.msk $0xffff, v9  }
0x35c: {  	v63 =	vld [tilespmem:$0x1FEE0]  }
0x35d: {  	v2 =	vshll.u32 v5, v1;
	v5 =	vld [tilespmem:s1+$0xFFFFFF50]  }
0x35e: {  	v8 =	vld [tilespmem:s1+$0xFFFFFF90]  }
0x35f: {  	v0 =	vshrl.u32 v0, $0x3;
	v61 =	vld [tilespmem:$0x1FF70]  }
0x360: {  	v0 =	vshll.u32 v0, v1;
	v43 =	vld [tilespmem:$0x1FF90]  }
0x361: {  	v57 =	vbroadcast v0, $0x0;
	v12 =	vld [tilespmem:s1+$0xFFFFFFD0];
	v0 =	vadd.s32 v63, v50  }
0x362: {  	[tilespmem:$0x1FCD0] =	vst v0;
	v0 =	vld [tilespmem:$0x1FEC0];
	_ =	sdelay $0x2  }
0x363: {  	v9 =	vadd.s32 v61, v4;
	v41 =	vadd.s32 v43, v4;
	v4 =	vld [tilespmem:$0x1FED0];
	_ =	sdelay $0x1  }
0x364: {  	v54 =	vbroadcast v16, $0x0;
	v24 =	vld [tilespmem:$0x1FE90];
	v16 =	vadd.s32 v0, v37  }
0x365: {  	v2 =	vbroadcast v2, $0x0;
	v59 =	vld [tilespmem:$0x1FF60]  }
0x366: {  	v62 =	vld [tilespmem:$0x1FF80]  }
0x367: {  	v23 =	vld [tilespmem:$0x1FEA0];
	v8 =	vadd.f32 v8, v35;
	v4 =	vadd.s32 v4, v2  }
0x368: {  	v19 =	vadd.f32 v5, v35;
	v5 =	vld [tilespmem:$0x1FEF0];
	[tilespmem:$0x1FCF0] =	vst v4  }
0x369: {  	v56 =	vadd.s32 v24, v57;
	v24 =	vld [tilespmem:$0x1FEB0];
	[tilespmem:v16+s26+$0x0] =	vst.idx.msk $0xffff, v8  }
0x36a: {  	v52 =	vbroadcast v6, $0x0;
	v46 =	vld [tilespmem:$0x1FF00];
	_ =	sdelay $0x1  }
0x36b: {  	s21 =	simm.s32 $0x8;
	s25 =	simm.s32 $0xF;
	s0 =	simm.s32 $0xD900;
	v10 =	vadd.s32 v59, v52  }
0x36c: {  	v25 =	vmov s21;
	v38 =	vmov s25;
	s15 =	simm.s32 $0xC;
	v42 =	vld [tilespmem:s0+$0xFFFFFF40]  }
0x36d: {  	v18 =	vadd.s32 v26, v57;
	v39 =	vmov s15;
	v47 =	vadd.s32 v47, v57;
	v40 =	vld [tilespmem:s1+$0xFFFFFFA0]  }
0x36e: {  	v15 =	vadd.f32 v15, v36;
	v24 =	vadd.s32 v24, v2;
	[tilespmem:$0x1FD00] =	vst v47;
	v58 =	vld [tilespmem:$0x1FFB0];
	v43 =	vadd.s32 v46, v52  }
0x36f: {  	s17 =	simm.s32 $0x9;
	v11 =	vadd.s32 v30, v44;
	v6 =	vadd.f32 v13, v36;
	v14 =	vadd.s32 v28, v54;
	[tilespmem:$0x1FCE0] =	vst v43  }
0x370: {  	v51 =	vmov s17;
	v17 =	vadd.f32 v17, v36;
	v21 =	vadd.s32 v23, v50;
	[tilespmem:v10+s26+$0x0] =	vst.idx.msk $0xffff, v15  }
0x371: {  	s18 =	simm.s32 $0xA;
	v7 =	vadd.f32 v7, v35;
	v12 =	vadd.f32 v12, v35;
	v43 =	vshrl.u32 v51, $0x3;
	v51 =	vld [tilespmem:s1+$0x90]  }
0x372: {  	v20 =	vadd.s32 v5, v52;
	v8 =	vadd.s32 v32, v37;
	v10 =	vmov s18;
	[tilespmem:v9+s26+$0x0] =	vst.idx.msk $0xffff, v19  }
0x373: {  	v46 =	vadd.s32 v58, v44;
	v19 =	vshll.u32 v43, v1;
	[tilespmem:v24+s26+$0x0] =	vst.idx.msk $0xffff, v17;
	v10 =	vshrl.u32 v10, $0x3;
	v24 =	vld [tilespmem:s1+$0xFFFFFF60]  }
0x374: {  	v15 =	vld [tilespmem:s0+$0xFFFFFF80];
	[tilespmem:v11+s26+$0x0] =	vst.idx.msk $0xffff, v7;
	v17 =	vbroadcast v19, $0x0;
	v19 =	vshrl.u32 v39, $0x3;
	v10 =	vshll.u32 v10, v1  }
0x375: {  	v11 =	vadd.f32 v40, v34;
	v58 =	vld [tilespmem:s0+$0x0];
	[tilespmem:v21+s26+$0x0] =	vst.idx.msk $0xffff, v12;
	v39 =	vbroadcast v10, $0x0;
	v10 =	vshll.u32 v19, v1  }
0x376: {  	s21 =	simm.s32 $0xB;
	v22 =	vadd.s32 v27, v54;
	[tilespmem:v14+s26+$0x0] =	vst.idx.msk $0xffff, v6;
	v40 =	vbroadcast v10, $0x0;
	v10 =	vld [tilespmem:s0+$0xFFFFFF00];
	v14 =	vadd.f32 v51, v35  }
0x377: {  	v3 =	vadd.f32 v3, v36;
	v7 =	vld [tilespmem:s1+$0x50];
	[tilespmem:v8+s26+$0x0] =	vst.idx.msk $0xffff, v11;
	v11 =	vmov s21;
	v45 =	vadd.s32 v45, v17  }
0x378: {  	s25 =	simm.s32 $0xE;
	v11 =	vshrl.u32 v11, $0x3;
	v21 =	vadd.s32 v53, v39;
	v24 =	vadd.f32 v24, v34;
	[tilespmem:v20+s26+$0x0] =	vst.idx.msk $0xffff, v14;
	v20 =	vld [tilespmem:s1+$0xD0]  }
0x379: {  	v13 =	vadd.s32 v62, v2;
	[tilespmem:v18+s26+$0x0] =	vst.idx.msk $0xffff, v3;
	v11 =	vshll.u32 v11, v1;
	v14 =	vmov s25  }
0x37a: {  	v53 =	vadd.f32 v42, v36;
	v3 =	vadd.f32 v15, v36;
	[tilespmem:v41+s26+$0x0] =	vst.idx.msk $0xffff, v24;
	v24 =	vld [tilespmem:s1+$0x20];
	v14 =	vshrl.u32 v14, $0x3  }
0x37b: {  	v6 =	vadd.s32 v48, v40;
	v48 =	vadd.f32 v10, v36;
	v10 =	vshll.u32 v14, v1;
	v14 =	vld [tilespmem:s1+$0xFFFFFF10]  }
0x37c: {  	v47 =	vadd.f32 v58, v36;
	v58 =	vld [tilespmem:s0+$0xFFFFFFC0];
	v43 =	vbroadcast v11, $0x0;
	v7 =	vadd.f32 v7, v35;
	[tilespmem:v45+s26+$0x0] =	vst.idx.msk $0xffff, v53  }
0x37d: {  	[tilespmem:v21+s26+$0x0] =	vst.idx.msk $0xffff, v3;
	v3 =	vadd.f32 v20, v35  }
0x37e: {  	[tilespmem:v13+s26+$0x0] =	vst.idx.msk $0xffff, v7;
	v41 =	vbroadcast v10, $0x0;
	v10 =	vadd.s32 v60, v43  }
0x37f: {  	[tilespmem:v22+s26+$0x0] =	vst.idx.msk $0xffff, v3;
	v3 =	vadd.f32 v24, v34  }
0x380: {  	[tilespmem:v6+s26+$0x0] =	vst.idx.msk $0xffff, v47;
	v13 =	vadd.f32 v14, v35  }
0x381: {  	v14 =	vadd.f32 v58, v36;
	v21 =	vld [tilespmem:$0x1FFC0];
	[tilespmem:v46+s26+$0x0] =	vst.idx.msk $0xffff, v3  }
0x382: {  	[tilespmem:v56+s26+$0x0] =	vst.idx.msk $0xffff, v13  }
0x383: {  	[tilespmem:v10+s26+$0x0] =	vst.idx.msk $0xffff, v14  }
0x384: {  	v3 =	vadd.s32 v0, v39;
	v0 =	vld [tilespmem:$0x1FFE0];
	_ =	sdelay $0x3  }
0x385: {  	v7 =	vld [tilespmem:s1+$0xE0]  }
0x386: {  	v60 =	vadd.s32 v0, v2;
	v0 =	vld [tilespmem:$0x1FCC0]  }
0x387: {  	v6 =	vld [tilespmem:s1+$0xFFFFFF70]  }
0x388: {  	v16 =	vadd.s32 v29, v54;
	_ =	sdelay $0x2  }
0x389: {  	v7 =	vadd.f32 v7, v34  }
0x38a: {  	v19 =	vshrl.u32 v38, $0x3;
	v6 =	vadd.f32 v6, v33  }
0x38b: {  	v19 =	vshll.u32 v19, v1;
	[tilespmem:v16+s26+$0x0] =	vst.idx.msk $0xffff, v7  }
0x38c: {  	v45 =	vbroadcast v19, $0x0;
	v19 =	vld [tilespmem:s1+$0xFFFFFFE0];
	[tilespmem:v0+s26+$0x0] =	vst.idx.msk $0xffff, v6  }
0x38d: {  	v0 =	vld [tilespmem:$0x1FCD0]  }
0x38e: {  	v11 =	vld [tilespmem:s0+$0x10];
	_ =	sdelay $0x2  }
0x38f: {  	v58 =	vld [tilespmem:s0+$0xFFFFFF50];
	_ =	sdelay $0x1  }
0x390: {  	s19 =	simm.s32 $0xD;
	v2 =	vadd.f32 v11, v35;
	v11 =	vadd.f32 v19, v34  }
0x391: {  	v9 =	vmov s19  }
0x392: {  	v9 =	vshrl.u32 v9, $0x3;
	[tilespmem:v0+s26+$0x0] =	vst.idx.msk $0xffff, v11  }
0x393: {  	v9 =	vshll.u32 v9, v1;
	v19 =	vadd.f32 v58, v35;
	v58 =	vadd.s32 v5, v41;
	v5 =	vld [tilespmem:$0x1FCE0]  }
0x394: {  	v42 =	vbroadcast v9, $0x0;
	v9 =	vld [tilespmem:s1+$0xA0];
	_ =	sdelay $0x4  }
0x395: {  	v13 =	vadd.f32 v9, v34;
	_ =	sdelay $0x1  }
0x396: {  	v0 =	vld [tilespmem:$0x1FFF0];
	[tilespmem:v5+s26+$0x0] =	vst.idx.msk $0xffff, v13  }
0x397: {  	v5 =	vld [tilespmem:$0x1FE80];
	_ =	sdelay $0x4  }
0x398: {  	v11 =	vadd.s32 v5, v54;
	v5 =	vld [tilespmem:$0x1FCF0]  }
0x399: {  	v10 =	vld [tilespmem:s1+$0x60];
	_ =	sdelay $0x3  }
0x39a: {  	v12 =	vshrl.u32 v25, $0x3  }
0x39b: {  	v12 =	vshll.u32 v12, v1;
	v10 =	vadd.f32 v10, v34  }
0x39c: {  	v21 =	vadd.s32 v21, v44;
	v44 =	vbroadcast v12, $0x0;
	v12 =	vld [tilespmem:s1+$0x30]  }
0x39d: {  	v7 =	vld [tilespmem:s0+$0xFFFFFFD0];
	[tilespmem:v5+s26+$0x0] =	vst.idx.msk $0xffff, v10  }
0x39e: {  	v5 =	vld [tilespmem:$0x1FE70]  }
0x39f: {  	v6 =	vld [tilespmem:s0+$0xFFFFFF90];
	_ =	sdelay $0x1  }
0x3a0: {  	v12 =	vadd.f32 v12, v33;
	_ =	sdelay $0x1  }
0x3a1: {  	v10 =	vadd.s32 v5, v52;
	v5 =	vld [tilespmem:$0x1FFD0];
	[tilespmem:v21+s26+$0x0] =	vst.idx.msk $0xffff, v12  }
0x3a2: {  	v20 =	vadd.s32 v30, v40;
	v14 =	vadd.f32 v6, v35;
	v6 =	vadd.f32 v7, v35;
	v7 =	vld [tilespmem:$0x1FE90];
	_ =	sdelay $0x3  }
0x3a3: {  	v21 =	vld [tilespmem:$0x1FF90]  }
0x3a4: {  	v54 =	vadd.s32 v7, v44;
	v7 =	vld [tilespmem:$0x1FEB0];
	[tilespmem:v20+s26+$0x0] =	vst.idx.msk $0xffff, v2  }
0x3a5: {  	v2 =	vld [tilespmem:$0x1FED0];
	_ =	sdelay $0x4  }
0x3a6: {  	v9 =	vadd.s32 v0, v50;
	v50 =	vadd.s32 v2, v42;
	v2 =	vld [tilespmem:$0x1FD00]  }
0x3a7: {  	v46 =	vadd.s32 v63, v43;
	v63 =	vld [tilespmem:s1+$0xFFFFFF20]  }
0x3a8: {  	v18 =	vadd.s32 v61, v17;
	_ =	sdelay $0x1  }
0x3a9: {  	v55 =	vld [tilespmem:s0+$0x80]  }
0x3aa: {  	v25 =	vld [tilespmem:s0+$0xC0]  }
0x3ab: {  	v15 =	vld [tilespmem:s1+$0xFFFFFFB0];
	v16 =	vadd.s32 v7, v42;
	v7 =	vadd.f32 v63, v34  }
0x3ac: {  	v8 =	vld [tilespmem:s0+$0x40];
	[tilespmem:v18+s26+$0x0] =	vst.idx.msk $0xffff, v19  }
0x3ad: {  	v13 =	vld [tilespmem:s1+$0xF0];
	[tilespmem:v2+s26+$0x0] =	vst.idx.msk $0xffff, v7  }
0x3ae: {  	v4 =	vld [tilespmem:$0x1FE00]  }
0x3af: {  	v38 =	vadd.s32 v49, v17;
	v49 =	vadd.f32 v25, v36;
	v7 =	vld [tilespmem:$0x1FF00]  }
0x3b0: {  	v53 =	vadd.s32 v28, v45;
	v61 =	vadd.f32 v15, v33;
	v47 =	vadd.s32 v62, v42  }
0x3b1: {  	v62 =	vadd.f32 v8, v36;
	v8 =	vadd.f32 v55, v36;
	v59 =	vadd.s32 v59, v41;
	v15 =	vld [tilespmem:s1+$0xFFFFFFF0]  }
0x3b2: {  	v56 =	vadd.s32 v27, v45;
	v55 =	vadd.s32 v26, v44;
	v0 =	vadd.s32 v23, v43;
	v12 =	vld [tilespmem:s1+$0xB0]  }
0x3b3: {  	v52 =	vadd.s32 v29, v45;
	v5 =	vadd.s32 v5, v57;
	v63 =	vadd.s32 v21, v17;
	v2 =	vld [tilespmem:s1+$0x70]  }
0x3b4: {  	s17 =	simm.s32 $0x10;
	v17 =	vadd.f32 v13, v33;
	v13 =	vld [tilespmem:s1+$0xFFFFFF30];
	s1 =	simm.s32 $0xDB00;
	v4 =	vadd.s32 v4, v39;
	v51 =	vadd.s32 v7, v41  }
.LBB2_11:
0x3b5: {  	v18 =	vld [tilespmem:s1+$0xFFFFFF40]  }
0x3b6: {  	v7 =	vld [tilespmem:$0x1FFA0];
	[tilespmem:v3+s26+$0x0] =	vst.idx.msk $0xffff, v14  }
0x3b7: {  	[tilespmem:v16+s26+$0x0] =	vst.idx.msk $0xffff, v62;
	v62 =	vld [tilespmem:$0x1FF70]  }
0x3b8: {  	v21 =	vld [tilespmem:s0+$0xFFFFFFA0]  }
0x3b9: {  	v23 =	vld [tilespmem:s1+$0xFFFFFF80]  }
0x3ba: {  	s15 =	smov.u32 s17;
	[tilespmem:v59+s26+$0x0] =	vst.idx.msk $0xffff, v8;
	v59 =	vld [tilespmem:$0x1FF30]  }
0x3bb: {  	s25 =	sadd.s32 $0x2, s15;
	[tilespmem:v11+s26+$0x0] =	vst.idx.msk $0xffff, v17;
	v8 =	vld [tilespmem:s1+$0x80]  }
0x3bc: {  	v17 =	vmov s25;
	v24 =	vld [tilespmem:s1+$0xC0];
	v3 =	vadd.f32 v15, v33  }
0x3bd: {  	v22 =	vadd.s32 v31, v37;
	v16 =	vshrl.u32 v17, $0x3;
	v17 =	vld [tilespmem:s0+$0x50]  }
0x3be: {  	s18 =	sadd.s32 $0x4, s15;
	v12 =	vadd.f32 v12, v33;
	[tilespmem:v9+s26+$0x0] =	vst.idx.msk $0xffff, v3;
	v9 =	vshll.u32 v16, v1;
	v16 =	vld [tilespmem:s0+$0x90]  }
0x3bf: {  	s6 =	sadd.s32 $0x7, s17;
	v14 =	vmov s18;
	v3 =	vadd.f32 v2, v33;
	[tilespmem:v0+s26+$0x0] =	vst.idx.msk $0xffff, v6;
	v0 =	vld [tilespmem:$0x1FF10]  }
0x3c0: {  	v20 =	vmov s6;
	s6 =	sadd.s32 $0x1, s15;
	[tilespmem:v10+s26+$0x0] =	vst.idx.msk $0xffff, v12;
	v10 =	vshrl.u32 v14, $0x3;
	v12 =	vld [tilespmem:s0+$0xFFFFFF60]  }
0x3c1: {  	v11 =	vmov s6;
	v14 =	vld [tilespmem:$0x1FF20];
	[tilespmem:v60+s26+$0x0] =	vst.idx.msk $0xffff, v3;
	v3 =	vshll.u32 v10, v1  }
0x3c2: {  	[tilespmem:v53+s26+$0x0] =	vst.idx.msk $0xffff, v49;
	v11 =	vshrl.u32 v11, $0x3;
	v13 =	vadd.f32 v13, v33;
	v60 =	vld [tilespmem:s1+$0x0];
	v3 =	vbroadcast v3, $0x0  }
0x3c3: {  	v19 =	vmov s15;
	v57 =	vadd.s32 v7, v44;
	v7 =	vld [tilespmem:$0x1FFB0];
	[tilespmem:v22+s26+$0x0] =	vst.idx.msk $0xffff, v61;
	v2 =	vshll.u32 v11, v1  }
0x3c4: {  	s21 =	sadd.s32 $0x5, s15;
	[tilespmem:v5+s26+$0x0] =	vst.idx.msk $0xffff, v13;
	v13 =	vshrl.u32 v19, $0x3;
	v19 =	vld [tilespmem:$0x1FF40];
	v2 =	vbroadcast v2, $0x0;
	v0 =	vadd.s32 v0, v3  }
0x3c5: {  	v15 =	vmov s21;
	v11 =	vshrl.u32 v20, $0x3;
	v5 =	vld [tilespmem:s1+$0xFFFFFF00];
	[tilespmem:v55+s26+$0x0] =	vst.idx.msk $0xffff, v48;
	v10 =	vadd.f32 v21, v34  }
0x3c6: {  	v49 =	vadd.f32 v24, v36;
	v24 =	vld [tilespmem:$0x1FF80];
	v14 =	vadd.s32 v14, v2;
	v12 =	vadd.f32 v12, v34  }
0x3c7: {  	v15 =	vshrl.u32 v15, $0x3;
	v6 =	vshll.u32 v11, v1;
	v11 =	vld [tilespmem:s0+$0x20];
	[tilespmem:v4+s26+$0x0] =	vst.idx.msk $0xffff, v10;
	v21 =	vadd.f32 v60, v36  }
0x3c8: {  	v15 =	vshll.u32 v15, v1;
	v55 =	vld [tilespmem:s0+$0xFFFFFF10];
	[tilespmem:v63+s26+$0x0] =	vst.idx.msk $0xffff, v12  }
0x3c9: {  	v37 =	vmovc v39;
	v39 =	vbroadcast v9, $0x0;
	v9 =	vld [tilespmem:s1+$0x40];
	v4 =	vadd.f32 v18, v36;
	[tilespmem:v0+s26+$0x0] =	vst.idx.msk $0xffff, v21;
	v0 =	vbroadcast v15, $0x0  }
0x3ca: {  	v17 =	vadd.f32 v17, v35;
	v25 =	vld [tilespmem:s0+$0xFFFFFF70]  }
0x3cb: {  	[tilespmem:v14+s26+$0x0] =	vst.idx.msk $0xffff, v4;
	v14 =	vld [tilespmem:$0x1FFC0];
	v24 =	vadd.s32 v24, v0  }
0x3cc: {  	s19 =	sadd.s32 $0x6, s15;
	s15 =	sadd.s32 $0x3, s15;
	[tilespmem:v47+s26+$0x0] =	vst.idx.msk $0xffff, v17;
	v16 =	vadd.f32 v16, v35;
	v47 =	vmov v24;
	v24 =	vld [tilespmem:$0x1FFE0]  }
0x3cd: {  	v61 =	vmov s15;
	v10 =	vld [tilespmem:s1+$0xFFFFFFC0];
	v19 =	vadd.s32 v19, v39  }
0x3ce: {  	v22 =	vshrl.u32 v61, $0x3;
	v5 =	vadd.f32 v5, v36;
	[tilespmem:v58+s26+$0x0] =	vst.idx.msk $0xffff, v16;
	v16 =	vld [tilespmem:s0+$0xD0]  }
0x3cf: {  	v22 =	vshll.u32 v22, v1;
	v7 =	vadd.s32 v7, v40;
	v12 =	vld [tilespmem:s0+$0xFFFFFFB0]  }
0x3d0: {  	v23 =	vadd.f32 v23, v36;
	v48 =	vmov v5;
	v5 =	vbroadcast v22, $0x0;
	v15 =	vld [tilespmem:s0+$0xA0]  }
0x3d1: {  	v22 =	vadd.s32 v14, v40;
	v14 =	vld [tilespmem:s1+$0xFFFFFF50];
	v60 =	vadd.s32 v24, v42;
	v42 =	vmovc v0;
	v0 =	vadd.f32 v25, v33  }
0x3d2: {  	v11 =	vadd.f32 v11, v34;
	[tilespmem:v19+s26+$0x0] =	vst.idx.msk $0xffff, v23;
	v23 =	vadd.s32 v30, v3;
	v40 =	vmov v3;
	v3 =	vld [tilespmem:$0x1FF50]  }
0x3d3: {  	v18 =	vmov s19;
	v16 =	vadd.f32 v16, v35;
	[tilespmem:v38+s26+$0x0] =	vst.idx.msk $0xffff, v0;
	v0 =	vld [tilespmem:$0x1FEF0]  }
0x3d4: {  	v18 =	vshrl.u32 v18, $0x3;
	v19 =	vld [tilespmem:s1+$0x10];
	[tilespmem:v7+s26+$0x0] =	vst.idx.msk $0xffff, v11  }
0x3d5: {  	v18 =	vshll.u32 v18, v1;
	v7 =	vld [tilespmem:s0+$0x60];
	[tilespmem:v56+s26+$0x0] =	vst.idx.msk $0xffff, v16  }
0x3d6: {  	v18 =	vbroadcast v18, $0x0;
	v17 =	vld [tilespmem:s0+$0xE0]  }
0x3d7: {  	v16 =	vadd.s32 v3, v5;
	v3 =	vld [tilespmem:$0x1FEE0]  }
0x3d8: {  	v4 =	vadd.f32 v10, v36;
	v58 =	vadd.s32 v0, v18;
	v0 =	vld [tilespmem:$0x1FFF0]  }
0x3d9: {  	v10 =	vld [tilespmem:s0+$0xFFFFFFE0];
	v21 =	vadd.s32 v62, v2;
	v62 =	vadd.f32 v9, v36;
	v9 =	vadd.f32 v55, v35  }
0x3da: {  	v11 =	vld [tilespmem:s0+$0x30];
	v7 =	vadd.f32 v7, v34  }
0x3db: {  	v61 =	vadd.f32 v12, v33;
	[tilespmem:v54+s26+$0x0] =	vst.idx.msk $0xffff, v9;
	v24 =	vld [tilespmem:s1+$0xFFFFFF90]  }
0x3dc: {  	v12 =	vadd.f32 v15, v34;
	[tilespmem:v50+s26+$0x0] =	vst.idx.msk $0xffff, v7;
	v7 =	vld [tilespmem:$0x1FEB0];
	v15 =	vadd.f32 v17, v34  }
0x3dd: {  	v56 =	vadd.s32 v3, v5;
	[tilespmem:v16+s26+$0x0] =	vst.idx.msk $0xffff, v4;
	v9 =	vadd.s32 v0, v43;
	v43 =	vmov v5;
	v5 =	vld [tilespmem:$0x1FE80]  }
0x3de: {  	v16 =	vld [tilespmem:s1+$0xFFFFFFD0]  }
0x3df: {  	v20 =	vadd.s32 v59, v2;
	v63 =	vld [tilespmem:$0x1FF60];
	[tilespmem:v52+s26+$0x0] =	vst.idx.msk $0xffff, v15  }
0x3e0: {  	v38 =	vmov v20;
	v20 =	vld [tilespmem:s0+$0xF0]  }
0x3e1: {  	v6 =	vbroadcast v6, $0x0;
	v25 =	vadd.f32 v14, v35;
	v14 =	vadd.f32 v24, v35;
	v24 =	vld [tilespmem:$0x1FE90]  }
0x3e2: {  	v17 =	vadd.f32 v11, v33;
	v11 =	vadd.s32 v5, v45;
	v5 =	vld [tilespmem:$0x1FE70]  }
0x3e3: {  	v53 =	vadd.s32 v28, v6;
	v45 =	vmovc v6;
	v6 =	vadd.f32 v16, v35;
	v16 =	vadd.s32 v7, v42;
	v7 =	vld [tilespmem:$0x1FF90]  }
0x3e4: {  	v4 =	vld [tilespmem:s0+$0xFFFFFF20]  }
0x3e5: {  	v10 =	vadd.f32 v10, v34;
	v3 =	vld [tilespmem:$0x1FEC0]  }
0x3e6: {  	v13 =	vshll.u32 v13, v1;
	[tilespmem:v51+s26+$0x0] =	vst.idx.msk $0xffff, v12;
	v0 =	vld [tilespmem:$0x1FEA0]  }
0x3e7: {  	v59 =	vadd.s32 v63, v18;
	[tilespmem:v46+s26+$0x0] =	vst.idx.msk $0xffff, v10;
	v10 =	vadd.s32 v5, v41;
	v5 =	vld [tilespmem:$0x1FFD0]  }
0x3e8: {  	v13 =	vbroadcast v13, $0x0;
	v19 =	vadd.f32 v19, v35;
	[tilespmem:v22+s26+$0x0] =	vst.idx.msk $0xffff, v17;
	v63 =	vadd.s32 v7, v2;
	v2 =	vld [tilespmem:$0x1FED0]  }
0x3e9: {  	p1 =	slt.u32 s17, $0x78;
	[tilespmem:v21+s26+$0x0] =	vst.idx.msk $0xffff, v25;
	v4 =	vadd.f32 v4, v34;
	v7 =	vld [tilespmem:$0x1FF00]  }
.Ltmp5:
0x3ea: {  	v8 =	vadd.f32 v8, v36;
	v55 =	vadd.s32 v26, v13;
	[tilespmem:v23+s26+$0x0] =	vst.idx.msk $0xffff, v19;
	(pc) =	sbr.rel @p1 .LBB2_11-.Ltmp5, $4  }
0x3eb: {  	v12 =	vld [tilespmem:s0+$0xB0];
	v17 =	vadd.f32 v20, v33;
	v3 =	vadd.s32 v3, v39;
	[tilespmem:v57+s26+$0x0] =	vst.idx.msk $0xffff, v4  }
0x3ec: {  	v46 =	vmovc v56;
	v15 =	vld [tilespmem:s0+$0xFFFFFFF0];
	v4 =	vadd.s32 v32, v39;
	v0 =	vadd.s32 v0, v43;
	v56 =	vadd.s32 v27, v45  }
0x3ed: {  	v41 =	vmovc v18;
	v5 =	vadd.s32 v5, v44;
	v44 =	vmov v13;
	v50 =	vadd.s32 v2, v42;
	v2 =	vld [tilespmem:s0+$0x70]  }
0x3ee: {  	s17 =	sadd.s32 $0x8, s17;
	v52 =	vadd.s32 v29, v45;
	v51 =	vadd.s32 v7, v41;
	v13 =	vld [tilespmem:s0+$0xFFFFFF30];
	s0 =	smov.u32 s1;
	s1 =	sadd.s32 $0x200, s1;
	v54 =	vadd.s32 v24, v44  }
0x3ef: {  	_ =	sdelay $0x3  }
0x3f0: {  	[tilespmem:v59+s26+$0x0] =	vst.idx.msk $0xffff, v8  }
0x3f1: {  	[tilespmem:v3+s26+$0x0] =	vst.idx.msk $0xffff, v14  }
0x3f2: {  	[tilespmem:v53+s26+$0x0] =	vst.idx.msk $0xffff, v49  }
0x3f3: {  	[tilespmem:v11+s26+$0x0] =	vst.idx.msk $0xffff, v17  }
0x3f4: {  	[tilespmem:v16+s26+$0x0] =	vst.idx.msk $0xffff, v62;
	v7 =	vld [tilespmem:s0+$0xD0]  }
0x3f5: {  	v8 =	vadd.s32 v31, v37;
	[tilespmem:v55+s26+$0x0] =	vst.idx.msk $0xffff, v48;
	v11 =	vadd.f32 v12, v33  }
0x3f6: {  	[tilespmem:v0+s26+$0x0] =	vst.idx.msk $0xffff, v6;
	v3 =	vadd.f32 v15, v33  }
0x3f7: {  	v2 =	vadd.f32 v2, v33;
	[tilespmem:v10+s26+$0x0] =	vst.idx.msk $0xffff, v11  }
0x3f8: {  	[tilespmem:v9+s26+$0x0] =	vst.idx.msk $0xffff, v3  }
0x3f9: {  	[tilespmem:v60+s26+$0x0] =	vst.idx.msk $0xffff, v2;
	v7 =	vadd.f32 v7, v35  }
0x3fa: {  	v3 =	vld [tilespmem:s0+$0x90];
	[tilespmem:v8+s26+$0x0] =	vst.idx.msk $0xffff, v61  }
0x3fb: {  	v9 =	vld [tilespmem:s0+$0x50];
	[tilespmem:v56+s26+$0x0] =	vst.idx.msk $0xffff, v7  }
0x3fc: {  	v7 =	vld [tilespmem:$0x1FFB0]  }
0x3fd: {  	v2 =	vld [tilespmem:s0+$0xFFFFFF10]  }
0x3fe: {  	v10 =	vld [tilespmem:s0+$0xFFFFFF60]  }
0x3ff: {  	v8 =	vld [tilespmem:s0+$0x20];
	v3 =	vadd.f32 v3, v35  }
0x400: {  	v0 =	vadd.f32 v9, v35;
	v6 =	vld [tilespmem:s0+$0xE0]  }
0x401: {  	v9 =	vadd.f32 v13, v33;
	[tilespmem:v58+s26+$0x0] =	vst.idx.msk $0xffff, v3;
	v3 =	vld [tilespmem:s0+$0xFFFFFFE0];
	v7 =	vadd.s32 v7, v40  }
0x402: {  	[tilespmem:v47+s26+$0x0] =	vst.idx.msk $0xffff, v0;
	v0 =	vadd.f32 v2, v35  }
0x403: {  	[tilespmem:v5+s26+$0x0] =	vst.idx.msk $0xffff, v9;
	v2 =	vadd.f32 v10, v34;
	v9 =	vld [tilespmem:s0+$0xFFFFFFA0]  }
0x404: {  	v8 =	vadd.f32 v8, v34;
	v5 =	vld [tilespmem:s0+$0x60];
	[tilespmem:v54+s26+$0x0] =	vst.idx.msk $0xffff, v0  }
0x405: {  	[tilespmem:v63+s26+$0x0] =	vst.idx.msk $0xffff, v2;
	v2 =	vadd.f32 v6, v34  }
0x406: {  	v11 =	vld [tilespmem:s0+$0xA0];
	v3 =	vadd.f32 v3, v34;
	[tilespmem:v7+s26+$0x0] =	vst.idx.msk $0xffff, v8  }
0x407: {  	v47 =	vld [tilespmem:$0x1FFA0];
	[tilespmem:v52+s26+$0x0] =	vst.idx.msk $0xffff, v2  }
0x408: {  	[tilespmem:v46+s26+$0x0] =	vst.idx.msk $0xffff, v3  }
0x409: {  	v2 =	vadd.f32 v5, v34;
	v5 =	vadd.f32 v9, v34;
	v9 =	vld [tilespmem:$0x1FFC0]  }
0x40a: {  	v0 =	vld [tilespmem:s0+$0xFFFFFF20]  }
0x40b: {  	v6 =	vld [tilespmem:s0+$0xFFFFFF70];
	v10 =	vadd.f32 v11, v34  }
0x40c: {  	v8 =	vld [tilespmem:s0+$0x30];
	v7 =	vadd.s32 v47, v44  }
0x40d: {  	v3 =	vld [tilespmem:s0+$0xF0];
	[tilespmem:v51+s26+$0x0] =	vst.idx.msk $0xffff, v10  }
0x40e: {  	v10 =	vld [tilespmem:$0x1FE80];
	[tilespmem:v50+s26+$0x0] =	vst.idx.msk $0xffff, v2;
	v9 =	vadd.s32 v9, v40  }
0x40f: {  	v0 =	vadd.f32 v0, v34;
	v11 =	vld [tilespmem:s0+$0xFFFFFFF0];
	[tilespmem:v4+s26+$0x0] =	vst.idx.msk $0xffff, v5  }
0x410: {  	v4 =	vadd.f32 v6, v33;
	v5 =	vld [tilespmem:$0x1FFF0]  }
0x411: {  	v13 =	vld [tilespmem:$0x1FE70];
	v8 =	vadd.f32 v8, v33;
	[tilespmem:v7+s26+$0x0] =	vst.idx.msk $0xffff, v0  }
0x412: {  	v0 =	vld [tilespmem:$0x1FFE0];
	[tilespmem:v38+s26+$0x0] =	vst.idx.msk $0xffff, v4  }
0x413: {  	v2 =	vld [tilespmem:s0+$0xB0];
	[tilespmem:v9+s26+$0x0] =	vst.idx.msk $0xffff, v8  }
0x414: {  	v10 =	vadd.s32 v10, v45;
	v9 =	vld [tilespmem:$0x1FFD0]  }
0x415: {  	v12 =	vld [tilespmem:s0+$0xFFFFFFB0];
	v5 =	vadd.s32 v5, v43  }
0x416: {  	v6 =	vld [tilespmem:s0+$0x70];
	v13 =	vadd.s32 v13, v41  }
0x417: {  	v3 =	vadd.f32 v3, v33;
	v4 =	vld [tilespmem:s0+$0xFFFFFF30];
	v8 =	vadd.s32 v31, v39  }
0x418: {  	v7 =	vadd.f32 v11, v33;
	v0 =	vadd.s32 v0, v42  }
0x419: {  	v2 =	vadd.f32 v2, v33;
	[tilespmem:v10+s26+$0x0] =	vst.idx.msk $0xffff, v3;
	v9 =	vadd.s32 v9, v44  }
0x41a: {  	[tilespmem:v5+s26+$0x0] =	vst.idx.msk $0xffff, v7;
	v5 =	vadd.f32 v12, v33  }
0x41b: {  	s18 =	sshll.u32 s31, $0x12;
	v3 =	vadd.f32 v6, v33;
	[tilespmem:v13+s26+$0x0] =	vst.idx.msk $0xffff, v2  }
0x41c: {  	s0 =	sor.u32 s7, s18;
	v2 =	vadd.f32 v4, v33;
	[tilespmem:v8+s26+$0x0] =	vst.idx.msk $0xffff, v5  }
0x41d: {  	s0 =	sshrl.u32 s0, $0x3;
	[tilespmem:v0+s26+$0x0] =	vst.idx.msk $0xffff, v3  }
0x41e: {  	s1 =	sadd.s32 s2, s0;
	[tilespmem:v9+s26+$0x0] =	vst.idx.msk $0xffff, v2  }
0x41f: {  	[hbm4b:s1+s3] =	stream.linear.scatter [tilespmem:s26], [sflag:$0x5], $0x80, $0x38;
	[tilespmem:$0x15A00] =	vst v63  }
0x420: {  	s15 =	simm.s32 $0x11688;
	s6 =	sadd.s32 $0x10, s1  }
0x421: {  	[hbm4b:s6+s3] =	stream.linear.scatter [tilespmem:s15], [sflag:$0x5], $0x80, $0x38;
	[tilespmem:$0x15A00] =	vst v63  }
0x422: {  	s21 =	simm.s32 $0x11710;
	s19 =	sadd.s32 $0x20, s1  }
0x423: {  	[hbm4b:s19+s3] =	stream.linear.scatter [tilespmem:s21], [sflag:$0x5], $0x80, $0x38;
	[tilespmem:$0x15A00] =	vst v63  }
0x424: {  	s31 =	simm.s32 $0x11798;
	s25 =	sadd.s32 $0x30, s1  }
0x425: {  	[hbm4b:s25+s3] =	stream.linear.scatter [tilespmem:s31], [sflag:$0x5], $0x80, $0x38;
	[tilespmem:$0x15A00] =	vst v63  }
0x426: {  	s17 =	simm.s32 $0x11820;
	s15 =	sadd.s32 $0x40, s1  }
0x427: {  	[hbm4b:s15+s3] =	stream.linear.scatter [tilespmem:s17], [sflag:$0x5], $0x80, $0x38;
	[tilespmem:$0x15A00] =	vst v63  }
0x428: {  	s18 =	sadd.s32 $0x50, s1;
	s19 =	simm.s32 $0x118A8  }
0x429: {  	[hbm4b:s18+s3] =	stream.linear.scatter [tilespmem:s19], [sflag:$0x5], $0x80, $0x38;
	[tilespmem:$0x15A00] =	vst v63  }
0x42a: {  	s21 =	sadd.s32 $0x60, s1;
	s25 =	simm.s32 $0x11930  }
0x42b: {  	[hbm4b:s21+s3] =	stream.linear.scatter [tilespmem:s25], [sflag:$0x5], $0x80, $0x38;
	[tilespmem:$0x15A00] =	vst v63  }
0x42c: {  	s1 =	sadd.s32 $0x70, s1;
	s31 =	simm.s32 $0x119B8  }
0x42d: {  	[hbm4b:s1+s3] =	stream.linear.scatter [tilespmem:s31], [sflag:$0x5], $0x80, $0x38;
	[tilespmem:$0x15A00] =	vst v63  }
0x42e: {  	s15 =	simm.s32 $0x11A40;
	s1 =	sadd.s32 s0, s8  }
0x42f: {  	[hbm4b:s1+s3] =	stream.linear.scatter [tilespmem:s15], [sflag:$0x5], $0x80, $0x38;
	[tilespmem:$0x15A00] =	vst v63  }
0x430: {  	s18 =	simm.s32 $0x11AC8;
	s17 =	sadd.s32 $0x10, s1  }
0x431: {  	[hbm4b:s17+s3] =	stream.linear.scatter [tilespmem:s18], [sflag:$0x5], $0x80, $0x38;
	[tilespmem:$0x15A00] =	vst v63  }
0x432: {  	s21 =	simm.s32 $0x11B50;
	s19 =	sadd.s32 $0x20, s1  }
0x433: {  	[hbm4b:s19+s3] =	stream.linear.scatter [tilespmem:s21], [sflag:$0x5], $0x80, $0x38;
	[tilespmem:$0x15A00] =	vst v63  }
0x434: {  	s31 =	simm.s32 $0x11BD8;
	s25 =	sadd.s32 $0x30, s1  }
0x435: {  	[hbm4b:s25+s3] =	stream.linear.scatter [tilespmem:s31], [sflag:$0x5], $0x80, $0x38;
	[tilespmem:$0x15A00] =	vst v63  }
0x436: {  	s15 =	sadd.s32 $0x40, s1;
	s17 =	simm.s32 $0x11C60  }
0x437: {  	[hbm4b:s15+s3] =	stream.linear.scatter [tilespmem:s17], [sflag:$0x5], $0x80, $0x38;
	[tilespmem:$0x15A00] =	vst v63  }
0x438: {  	s18 =	sadd.s32 $0x50, s1;
	s19 =	simm.s32 $0x11CE8  }
0x439: {  	[hbm4b:s18+s3] =	stream.linear.scatter [tilespmem:s19], [sflag:$0x5], $0x80, $0x38;
	[tilespmem:$0x15A00] =	vst v63  }
0x43a: {  	s21 =	sadd.s32 $0x60, s1;
	s25 =	simm.s32 $0x11D70  }
0x43b: {  	[hbm4b:s21+s3] =	stream.linear.scatter [tilespmem:s25], [sflag:$0x5], $0x80, $0x38;
	[tilespmem:$0x15A00] =	vst v63  }
0x43c: {  	s1 =	sadd.s32 $0x70, s1;
	s31 =	simm.s32 $0x11DF8  }
0x43d: {  	[hbm4b:s1+s3] =	stream.linear.scatter [tilespmem:s31], [sflag:$0x5], $0x80, $0x38;
	[tilespmem:$0x15A00] =	vst v63  }
0x43e: {  	s15 =	simm.s32 $0x11E80;
	s1 =	sadd.s32 s0, s9  }
0x43f: {  	[hbm4b:s1+s3] =	stream.linear.scatter [tilespmem:s15], [sflag:$0x5], $0x80, $0x38;
	[tilespmem:$0x15A00] =	vst v63  }
0x440: {  	s18 =	simm.s32 $0x11F08;
	s17 =	sadd.s32 $0x10, s1  }
0x441: {  	[hbm4b:s17+s3] =	stream.linear.scatter [tilespmem:s18], [sflag:$0x5], $0x80, $0x38;
	[tilespmem:$0x15A00] =	vst v63  }
0x442: {  	s21 =	simm.s32 $0x11F90;
	s19 =	sadd.s32 $0x20, s1  }
0x443: {  	[hbm4b:s19+s3] =	stream.linear.scatter [tilespmem:s21], [sflag:$0x5], $0x80, $0x38;
	[tilespmem:$0x15A00] =	vst v63  }
0x444: {  	s31 =	simm.s32 $0x12018;
	s25 =	sadd.s32 $0x30, s1  }
0x445: {  	[hbm4b:s25+s3] =	stream.linear.scatter [tilespmem:s31], [sflag:$0x5], $0x80, $0x38;
	[tilespmem:$0x15A00] =	vst v63  }
0x446: {  	s15 =	sadd.s32 $0x40, s1;
	s17 =	simm.s32 $0x120A0  }
0x447: {  	[hbm4b:s15+s3] =	stream.linear.scatter [tilespmem:s17], [sflag:$0x5], $0x80, $0x38;
	[tilespmem:$0x15A00] =	vst v63  }
0x448: {  	s18 =	sadd.s32 $0x50, s1;
	s19 =	simm.s32 $0x12128  }
0x449: {  	[hbm4b:s18+s3] =	stream.linear.scatter [tilespmem:s19], [sflag:$0x5], $0x80, $0x38;
	[tilespmem:$0x15A00] =	vst v63  }
0x44a: {  	s21 =	sadd.s32 $0x60, s1;
	s25 =	simm.s32 $0x121B0  }
0x44b: {  	[hbm4b:s21+s3] =	stream.linear.scatter [tilespmem:s25], [sflag:$0x5], $0x80, $0x38;
	[tilespmem:$0x15A00] =	vst v63  }
0x44c: {  	s1 =	sadd.s32 $0x70, s1;
	s31 =	simm.s32 $0x12238  }
0x44d: {  	[hbm4b:s1+s3] =	stream.linear.scatter [tilespmem:s31], [sflag:$0x5], $0x80, $0x38;
	[tilespmem:$0x15A00] =	vst v63  }
0x44e: {  	s15 =	simm.s32 $0x122C0;
	s1 =	sadd.s32 s0, s10  }
0x44f: {  	[hbm4b:s1+s3] =	stream.linear.scatter [tilespmem:s15], [sflag:$0x5], $0x80, $0x38;
	[tilespmem:$0x15A00] =	vst v63  }
0x450: {  	s18 =	simm.s32 $0x12348;
	s17 =	sadd.s32 $0x10, s1  }
0x451: {  	[hbm4b:s17+s3] =	stream.linear.scatter [tilespmem:s18], [sflag:$0x5], $0x80, $0x38;
	[tilespmem:$0x15A00] =	vst v63  }
0x452: {  	s21 =	simm.s32 $0x123D0;
	s19 =	sadd.s32 $0x20, s1  }
0x453: {  	[hbm4b:s19+s3] =	stream.linear.scatter [tilespmem:s21], [sflag:$0x5], $0x80, $0x38;
	[tilespmem:$0x15A00] =	vst v63  }
0x454: {  	s31 =	simm.s32 $0x12458;
	s25 =	sadd.s32 $0x30, s1  }
0x455: {  	[hbm4b:s25+s3] =	stream.linear.scatter [tilespmem:s31], [sflag:$0x5], $0x80, $0x38;
	[tilespmem:$0x15A00] =	vst v63  }
0x456: {  	s15 =	sadd.s32 $0x40, s1;
	s17 =	simm.s32 $0x124E0  }
0x457: {  	[hbm4b:s15+s3] =	stream.linear.scatter [tilespmem:s17], [sflag:$0x5], $0x80, $0x38;
	[tilespmem:$0x15A00] =	vst v63  }
0x458: {  	s18 =	sadd.s32 $0x50, s1;
	s19 =	simm.s32 $0x12568  }
0x459: {  	[hbm4b:s18+s3] =	stream.linear.scatter [tilespmem:s19], [sflag:$0x5], $0x80, $0x38;
	[tilespmem:$0x15A00] =	vst v63  }
0x45a: {  	s21 =	sadd.s32 $0x60, s1;
	s25 =	simm.s32 $0x125F0  }
0x45b: {  	[hbm4b:s21+s3] =	stream.linear.scatter [tilespmem:s25], [sflag:$0x5], $0x80, $0x38;
	[tilespmem:$0x15A00] =	vst v63  }
0x45c: {  	s1 =	sadd.s32 $0x70, s1;
	s31 =	simm.s32 $0x12678  }
0x45d: {  	[hbm4b:s1+s3] =	stream.linear.scatter [tilespmem:s31], [sflag:$0x5], $0x80, $0x38;
	[tilespmem:$0x15A00] =	vst v63  }
0x45e: {  	s15 =	simm.s32 $0x12700;
	s1 =	sadd.s32 s0, s11  }
0x45f: {  	[hbm4b:s1+s3] =	stream.linear.scatter [tilespmem:s15], [sflag:$0x5], $0x80, $0x38;
	[tilespmem:$0x15A00] =	vst v63  }
0x460: {  	s18 =	simm.s32 $0x12788;
	s17 =	sadd.s32 $0x10, s1  }
0x461: {  	[hbm4b:s17+s3] =	stream.linear.scatter [tilespmem:s18], [sflag:$0x5], $0x80, $0x38;
	[tilespmem:$0x15A00] =	vst v63  }
0x462: {  	s21 =	simm.s32 $0x12810;
	s19 =	sadd.s32 $0x20, s1  }
0x463: {  	[hbm4b:s19+s3] =	stream.linear.scatter [tilespmem:s21], [sflag:$0x5], $0x80, $0x38;
	[tilespmem:$0x15A00] =	vst v63  }
0x464: {  	s31 =	simm.s32 $0x12898;
	s25 =	sadd.s32 $0x30, s1  }
0x465: {  	[hbm4b:s25+s3] =	stream.linear.scatter [tilespmem:s31], [sflag:$0x5], $0x80, $0x38;
	[tilespmem:$0x15A00] =	vst v63  }
0x466: {  	s15 =	sadd.s32 $0x40, s1;
	s17 =	simm.s32 $0x12920  }
0x467: {  	[hbm4b:s15+s3] =	stream.linear.scatter [tilespmem:s17], [sflag:$0x5], $0x80, $0x38;
	[tilespmem:$0x15A00] =	vst v63  }
0x468: {  	s18 =	sadd.s32 $0x50, s1;
	s19 =	simm.s32 $0x129A8  }
0x469: {  	[hbm4b:s18+s3] =	stream.linear.scatter [tilespmem:s19], [sflag:$0x5], $0x80, $0x38;
	[tilespmem:$0x15A00] =	vst v63  }
0x46a: {  	s21 =	sadd.s32 $0x60, s1;
	s25 =	simm.s32 $0x12A30  }
0x46b: {  	[hbm4b:s21+s3] =	stream.linear.scatter [tilespmem:s25], [sflag:$0x5], $0x80, $0x38;
	[tilespmem:$0x15A00] =	vst v63  }
0x46c: {  	s1 =	sadd.s32 $0x70, s1;
	s31 =	simm.s32 $0x12AB8  }
0x46d: {  	[hbm4b:s1+s3] =	stream.linear.scatter [tilespmem:s31], [sflag:$0x5], $0x80, $0x38;
	[tilespmem:$0x15A00] =	vst v63  }
0x46e: {  	s15 =	simm.s32 $0x12B40;
	s1 =	sadd.s32 s0, s12  }
0x46f: {  	[hbm4b:s1+s3] =	stream.linear.scatter [tilespmem:s15], [sflag:$0x5], $0x80, $0x38;
	[tilespmem:$0x15A00] =	vst v63  }
0x470: {  	s18 =	simm.s32 $0x12BC8;
	s17 =	sadd.s32 $0x10, s1  }
0x471: {  	[hbm4b:s17+s3] =	stream.linear.scatter [tilespmem:s18], [sflag:$0x5], $0x80, $0x38;
	[tilespmem:$0x15A00] =	vst v63  }
0x472: {  	s21 =	simm.s32 $0x12C50;
	s19 =	sadd.s32 $0x20, s1  }
0x473: {  	[hbm4b:s19+s3] =	stream.linear.scatter [tilespmem:s21], [sflag:$0x5], $0x80, $0x38;
	[tilespmem:$0x15A00] =	vst v63  }
0x474: {  	s31 =	simm.s32 $0x12CD8;
	s25 =	sadd.s32 $0x30, s1  }
0x475: {  	[hbm4b:s25+s3] =	stream.linear.scatter [tilespmem:s31], [sflag:$0x5], $0x80, $0x38;
	[tilespmem:$0x15A00] =	vst v63  }
0x476: {  	s15 =	sadd.s32 $0x40, s1;
	s17 =	simm.s32 $0x12D60  }
0x477: {  	[hbm4b:s15+s3] =	stream.linear.scatter [tilespmem:s17], [sflag:$0x5], $0x80, $0x38;
	[tilespmem:$0x15A00] =	vst v63  }
0x478: {  	s18 =	sadd.s32 $0x50, s1;
	s19 =	simm.s32 $0x12DE8  }
0x479: {  	[hbm4b:s18+s3] =	stream.linear.scatter [tilespmem:s19], [sflag:$0x5], $0x80, $0x38;
	[tilespmem:$0x15A00] =	vst v63  }
0x47a: {  	s21 =	sadd.s32 $0x60, s1;
	s25 =	simm.s32 $0x12E70  }
0x47b: {  	[hbm4b:s21+s3] =	stream.linear.scatter [tilespmem:s25], [sflag:$0x5], $0x80, $0x38;
	[tilespmem:$0x15A00] =	vst v63  }
0x47c: {  	s1 =	sadd.s32 $0x70, s1;
	s31 =	simm.s32 $0x12EF8  }
0x47d: {  	[hbm4b:s1+s3] =	stream.linear.scatter [tilespmem:s31], [sflag:$0x5], $0x80, $0x38;
	[tilespmem:$0x15A00] =	vst v63  }
0x47e: {  	s15 =	simm.s32 $0x12F80;
	s1 =	sadd.s32 s0, s13  }
0x47f: {  	[hbm4b:s1+s3] =	stream.linear.scatter [tilespmem:s15], [sflag:$0x5], $0x80, $0x38;
	[tilespmem:$0x15A00] =	vst v63  }
0x480: {  	s18 =	simm.s32 $0x13008;
	s17 =	sadd.s32 $0x10, s1  }
0x481: {  	[hbm4b:s17+s3] =	stream.linear.scatter [tilespmem:s18], [sflag:$0x5], $0x80, $0x38;
	[tilespmem:$0x15A00] =	vst v63  }
0x482: {  	s21 =	simm.s32 $0x13090;
	s19 =	sadd.s32 $0x20, s1  }
0x483: {  	[hbm4b:s19+s3] =	stream.linear.scatter [tilespmem:s21], [sflag:$0x5], $0x80, $0x38;
	[tilespmem:$0x15A00] =	vst v63  }
0x484: {  	s31 =	simm.s32 $0x13118;
	s25 =	sadd.s32 $0x30, s1  }
0x485: {  	[hbm4b:s25+s3] =	stream.linear.scatter [tilespmem:s31], [sflag:$0x5], $0x80, $0x38;
	[tilespmem:$0x15A00] =	vst v63  }
0x486: {  	s17 =	sadd.s32 $0x40, s1;
	s18 =	simm.s32 $0x131A0  }
0x487: {  	[hbm4b:s17+s3] =	stream.linear.scatter [tilespmem:s18], [sflag:$0x5], $0x80, $0x38;
	[tilespmem:$0x15A00] =	vst v63  }
0x488: {  	s19 =	sadd.s32 $0x50, s1;
	s21 =	simm.s32 $0x13228  }
0x489: {  	[hbm4b:s19+s3] =	stream.linear.scatter [tilespmem:s21], [sflag:$0x5], $0x80, $0x38;
	[tilespmem:$0x15A00] =	vst v63  }
0x48a: {  	s25 =	sadd.s32 $0x60, s1;
	s31 =	simm.s32 $0x132B0  }
0x48b: {  	[hbm4b:s25+s3] =	stream.linear.scatter [tilespmem:s31], [sflag:$0x5], $0x80, $0x38;
	[tilespmem:$0x15A00] =	vst v63  }
0x48c: {  	s1 =	sadd.s32 $0x70, s1;
	s17 =	simm.s32 $0x13338  }
0x48d: {  	[hbm4b:s1+s3] =	stream.linear.scatter [tilespmem:s17], [sflag:$0x5], $0x80, $0x38;
	[tilespmem:$0x15A00] =	vst v63  }
0x48e: {  	s0 =	sadd.s32 s0, s14;
	s18 =	simm.s32 $0x133C0  }
0x48f: {  	[hbm4b:s0+s3] =	stream.linear.scatter [tilespmem:s18], [sflag:$0x5], $0x80, $0x38;
	[tilespmem:$0x15A00] =	vst v63  }
0x490: {  	s19 =	sadd.s32 $0x10, s0;
	s21 =	simm.s32 $0x13448  }
0x491: {  	[hbm4b:s19+s3] =	stream.linear.scatter [tilespmem:s21], [sflag:$0x5], $0x80, $0x38;
	[tilespmem:$0x15A00] =	vst v63  }
0x492: {  	s25 =	sadd.s32 $0x20, s0;
	s31 =	simm.s32 $0x134D0  }
0x493: {  	[hbm4b:s25+s3] =	stream.linear.scatter [tilespmem:s31], [sflag:$0x5], $0x80, $0x38;
	[tilespmem:$0x15A00] =	vst v63  }
0x494: {  	s6 =	sadd.s32 $0x30, s0;
	s15 =	simm.s32 $0x13558  }
0x495: {  	[hbm4b:s6+s3] =	stream.linear.scatter [tilespmem:s15], [sflag:$0x5], $0x80, $0x38;
	[tilespmem:$0x15A00] =	vst v63  }
0x496: {  	s17 =	sadd.s32 $0x40, s0;
	s18 =	simm.s32 $0x135E0  }
0x497: {  	[hbm4b:s17+s3] =	stream.linear.scatter [tilespmem:s18], [sflag:$0x5], $0x80, $0x38;
	[tilespmem:$0x15A00] =	vst v63  }
0x498: {  	s19 =	sadd.s32 $0x50, s0;
	s21 =	simm.s32 $0x13668  }
0x499: {  	[hbm4b:s19+s3] =	stream.linear.scatter [tilespmem:s21], [sflag:$0x5], $0x80, $0x38;
	[tilespmem:$0x15A00] =	vst v63  }
0x49a: {  	s25 =	sadd.s32 $0x60, s0;
	s31 =	simm.s32 $0x136F0  }
0x49b: {  	[hbm4b:s25+s3] =	stream.linear.scatter [tilespmem:s31], [sflag:$0x5], $0x80, $0x38;
	[tilespmem:$0x15A00] =	vst v63  }
0x49c: {  	s1 =	simm.s32 @!p0 $0x80;
	s0 =	sadd.s32 $0x70, s0;
	s6 =	simm.s32 $0x13778  }
0x49d: {  	[hbm4b:s0+s3] =	stream.linear.scatter [tilespmem:s6], [sflag:$0x5], $0x80, $0x38;
	[tilespmem:$0x15A00] =	vst v63  }
0x49e: {  	s15 =	sshll.u32 s29, $0x6;
	s0 =	sadd.s32 @!p0 $0x300, s30;
	s6 =	simm.s32 @!p0 $0xD600  }
0x49f: {  	[tilespmem:s6], [sflag:$0x3] =	stream.indirect.gather @!p0 [hbm4b:s4+s1], $0x40, s0, s1, $0xb8;
	[tilespmem:$0x15A00] =	vst v63  }
0x4a0: {  	s0 =	sand.u32 $0x3FFFFFC0, s15  }
0x4a1: {  	v36 =	vld [tilespmem:s0+$0x6400]  }
0x4a2: {  	v35 =	vld [tilespmem:s0+$0x6410]  }
0x4a3: {  	v34 =	vld [tilespmem:s0+$0x6420]  }
0x4a4: {  	v33 =	vld [tilespmem:s0+$0x6430];
	_ =	swait.ge [sflag:s22], $0x400  }
0x4a5: {  	[sflag:s22] =	ssyncset.done $0x0  }
0x4a6: {  	[sflag:s22] =	ssyncadd.s32 $0xFFFFFC00  }
0x4a7: {  	_ =	swait.ge [sflag:s22], $0x400  }
0x4a8: {  	[sflag:s22] =	ssyncset.done $0x0  }
0x4a9: {  	[sflag:s22] =	ssyncadd.s32 $0xFFFFFC00  }
0x4aa: {  	_ =	swait.ge [sflag:s22], $0x400  }
0x4ab: {  	[sflag:s22] =	ssyncset.done $0x0  }
0x4ac: {  	[sflag:s22] =	ssyncadd.s32 $0xFFFFFC00  }
0x4ad: {  	_ =	swait.ge [sflag:s22], $0x400  }
0x4ae: {  	[sflag:s22] =	ssyncset.done $0x0  }
0x4af: {  	[sflag:s22] =	ssyncadd.s32 $0xFFFFFC00  }
0x4b0: {  	_ =	swait.ge [sflag:s22], $0x400  }
0x4b1: {  	[sflag:s22] =	ssyncset.done $0x0  }
0x4b2: {  	[sflag:s22] =	ssyncadd.s32 $0xFFFFFC00  }
0x4b3: {  	_ =	swait.ge [sflag:s22], $0x400  }
0x4b4: {  	[sflag:s22] =	ssyncset.done $0x0  }
0x4b5: {  	[sflag:s22] =	ssyncadd.s32 $0xFFFFFC00  }
0x4b6: {  	_ =	swait.ge [sflag:s22], $0x400  }
0x4b7: {  	[sflag:s22] =	ssyncset.done $0x0  }
0x4b8: {  	[sflag:s22] =	ssyncadd.s32 $0xFFFFFC00  }
0x4b9: {  	_ =	swait.ge [sflag:s22], $0x400  }
0x4ba: {  	[sflag:s22] =	ssyncset.done $0x0  }
0x4bb: {  	[sflag:s22] =	ssyncadd.s32 $0xFFFFFC00  }
0x4bc: {  	_ =	swait.ge [sflag:s16], $0x2000  }
0x4bd: {  	v48 =	vld [tilespmem:$0x1FF10]  }
0x4be: {  	s19 =	simm.s32 $0x4;
	s21 =	simm.s32 $0x1;
	v45 =	vld [tilespmem:$0x1FF20]  }
0x4bf: {  	v3 =	vmov s19;
	v4 =	vmov s21;
	v49 =	vld [tilespmem:$0x1FF30]  }
0x4c0: {  	s25 =	simm.s32 $0x2;
	v3 =	vshrl.u32 v3, $0x3;
	v4 =	vshrl.u32 v4, $0x3;
	[sflag:s16] =	ssyncset.done $0x0;
	v53 =	vld [tilespmem:$0x1FF40]  }
0x4c1: {  	v5 =	vmov s25;
	v3 =	vshll.u32 v3, v1;
	v4 =	vshll.u32 v4, v1;
	s30 =	simm.s32 $0x3;
	s1 =	simm.s32 $0xF700;
	v60 =	vld [tilespmem:$0x1FF50];
	[sflag:s16] =	ssyncadd.s32 $0xFFFFE000  }
0x4c2: {  	v5 =	vshrl.u32 v5, $0x3;
	v44 =	vbroadcast v3, $0x0;
	v3 =	vmov s30;
	v6 =	vld [tilespmem:s1+$0x0]  }
0x4c3: {  	v4 =	vbroadcast v4, $0x0;
	v5 =	vshll.u32 v5, v1;
	v3 =	vshrl.u32 v3, $0x3;
	v7 =	vld [tilespmem:s1+$0xFFFFFF40]  }
0x4c4: {  	v37 =	vbroadcast v5, $0x0;
	v3 =	vshll.u32 v3, v1;
	v8 =	vld [tilespmem:s1+$0xFFFFFF80];
	v5 =	vadd.s32 v48, v44  }
0x4c5: {  	s18 =	simm.s32 $0x7;
	v50 =	vbroadcast v3, $0x0;
	v11 =	vld [tilespmem:s1+$0xFFFFFFC0];
	v10 =	vadd.s32 v45, v4  }
0x4c6: {  	v2 =	vmov s18;
	v3 =	vadd.s32 v49, v4;
	v12 =	vadd.s32 v53, v37  }
0x4c7: {  	v2 =	vshrl.u32 v2, $0x3;
	v14 =	vadd.s32 v60, v50;
	[tilespmem:$0x1FC70] =	vst v3;
	v6 =	vadd.f32 v6, v36  }
0x4c8: {  	v16 =	vshll.u32 v2, v1;
	s31 =	simm.s32 $0x5;
	v3 =	vld [tilespmem:s1+$0xFFFFFF00];
	v2 =	vadd.f32 v7, v36  }
0x4c9: {  	v9 =	vmov s31;
	s6 =	simm.s32 $0x6;
	v13 =	vld [tilespmem:s1+$0xC0];
	v8 =	vadd.f32 v8, v36;
	[tilespmem:v5+s5+$0x0] =	vst.idx.msk $0xffff, v6  }
0x4ca: {  	v15 =	vld [tilespmem:s1+$0x80];
	v7 =	vmov s6;
	v5 =	vshrl.u32 v9, $0x3;
	[tilespmem:v10+s5+$0x0] =	vst.idx.msk $0xffff, v2;
	v9 =	vadd.f32 v11, v36  }
0x4cb: {  	v17 =	vld [tilespmem:s1+$0x40];
	v7 =	vshrl.u32 v7, $0x3;
	[tilespmem:v12+s5+$0x0] =	vst.idx.msk $0xffff, v8  }
0x4cc: {  	v6 =	vshll.u32 v7, v1;
	v7 =	vld [tilespmem:s1+$0x10];
	[tilespmem:v14+s5+$0x0] =	vst.idx.msk $0xffff, v9  }
0x4cd: {  	v63 =	vld [tilespmem:$0x1FEE0]  }
0x4ce: {  	s17 =	simm.s32 $0x0;
	v2 =	vshll.u32 v5, v1;
	v5 =	vld [tilespmem:s1+$0xFFFFFF50]  }
0x4cf: {  	v0 =	vmov s17;
	v8 =	vld [tilespmem:s1+$0xFFFFFF90]  }
0x4d0: {  	v0 =	vshrl.u32 v0, $0x3;
	v61 =	vld [tilespmem:$0x1FF70]  }
0x4d1: {  	v0 =	vshll.u32 v0, v1;
	v43 =	vld [tilespmem:$0x1FF90]  }
0x4d2: {  	v57 =	vbroadcast v0, $0x0;
	v12 =	vld [tilespmem:s1+$0xFFFFFFD0];
	v0 =	vadd.s32 v63, v50  }
0x4d3: {  	[tilespmem:$0x1FC80] =	vst v0;
	v0 =	vld [tilespmem:$0x1FEC0];
	_ =	sdelay $0x2  }
0x4d4: {  	v9 =	vadd.s32 v61, v4;
	v41 =	vadd.s32 v43, v4;
	v4 =	vld [tilespmem:$0x1FED0];
	_ =	sdelay $0x1  }
0x4d5: {  	v54 =	vbroadcast v16, $0x0;
	v16 =	vadd.s32 v0, v37  }
0x4d6: {  	v2 =	vbroadcast v2, $0x0;
	v59 =	vld [tilespmem:$0x1FF60]  }
0x4d7: {  	v62 =	vld [tilespmem:$0x1FF80]  }
0x4d8: {  	v23 =	vld [tilespmem:$0x1FEA0];
	v8 =	vadd.f32 v8, v35;
	v4 =	vadd.s32 v4, v2  }
0x4d9: {  	v56 =	vadd.s32 v24, v57;
	v24 =	vld [tilespmem:$0x1FEB0];
	[tilespmem:$0x1FCA0] =	vst v4  }
0x4da: {  	v19 =	vadd.f32 v5, v35;
	v5 =	vld [tilespmem:$0x1FEF0];
	[tilespmem:v16+s5+$0x0] =	vst.idx.msk $0xffff, v8  }
0x4db: {  	v52 =	vbroadcast v6, $0x0;
	v46 =	vld [tilespmem:$0x1FF00];
	_ =	sdelay $0x1  }
0x4dc: {  	s0 =	simm.s32 $0xF900;
	v10 =	vadd.s32 v59, v52  }
0x4dd: {  	s18 =	simm.s32 $0xC;
	v42 =	vld [tilespmem:s0+$0xFFFFFF40]  }
0x4de: {  	v39 =	vmov s18;
	v18 =	vadd.s32 v26, v57;
	v47 =	vadd.s32 v47, v57;
	v40 =	vld [tilespmem:s1+$0xFFFFFFA0]  }
0x4df: {  	v15 =	vadd.f32 v15, v36;
	v24 =	vadd.s32 v24, v2;
	[tilespmem:$0x1FCB0] =	vst v47;
	v58 =	vld [tilespmem:$0x1FFB0];
	v43 =	vadd.s32 v46, v52  }
0x4e0: {  	s19 =	simm.s32 $0x9;
	v11 =	vadd.s32 v30, v44;
	v6 =	vadd.f32 v13, v36;
	v14 =	vadd.s32 v28, v54;
	[tilespmem:$0x1FC90] =	vst v43  }
0x4e1: {  	v51 =	vmov s19;
	v17 =	vadd.f32 v17, v36;
	v21 =	vadd.s32 v23, v50;
	[tilespmem:v10+s5+$0x0] =	vst.idx.msk $0xffff, v15  }
0x4e2: {  	s21 =	simm.s32 $0xA;
	v7 =	vadd.f32 v7, v35;
	v12 =	vadd.f32 v12, v35;
	v43 =	vshrl.u32 v51, $0x3;
	v51 =	vld [tilespmem:s1+$0x90]  }
0x4e3: {  	v20 =	vadd.s32 v5, v52;
	v8 =	vadd.s32 v32, v37;
	v10 =	vmov s21;
	[tilespmem:v9+s5+$0x0] =	vst.idx.msk $0xffff, v19  }
0x4e4: {  	v46 =	vadd.s32 v58, v44;
	v19 =	vshll.u32 v43, v1;
	[tilespmem:v24+s5+$0x0] =	vst.idx.msk $0xffff, v17;
	v10 =	vshrl.u32 v10, $0x3;
	v24 =	vld [tilespmem:s1+$0xFFFFFF60]  }
0x4e5: {  	v15 =	vld [tilespmem:s0+$0xFFFFFF80];
	[tilespmem:v11+s5+$0x0] =	vst.idx.msk $0xffff, v7;
	v17 =	vbroadcast v19, $0x0;
	v19 =	vshrl.u32 v39, $0x3;
	v10 =	vshll.u32 v10, v1  }
0x4e6: {  	v11 =	vadd.f32 v40, v34;
	v58 =	vld [tilespmem:s0+$0x0];
	[tilespmem:v21+s5+$0x0] =	vst.idx.msk $0xffff, v12;
	v39 =	vbroadcast v10, $0x0;
	v10 =	vshll.u32 v19, v1  }
0x4e7: {  	v22 =	vadd.s32 v27, v54;
	s30 =	simm.s32 $0xB;
	[tilespmem:v14+s5+$0x0] =	vst.idx.msk $0xffff, v6;
	v40 =	vbroadcast v10, $0x0;
	v10 =	vld [tilespmem:s0+$0xFFFFFF00];
	v14 =	vadd.f32 v51, v35  }
0x4e8: {  	v3 =	vadd.f32 v3, v36;
	v7 =	vld [tilespmem:s1+$0x50];
	[tilespmem:v8+s5+$0x0] =	vst.idx.msk $0xffff, v11;
	v11 =	vmov s30;
	v45 =	vadd.s32 v45, v17  }
0x4e9: {  	s31 =	simm.s32 $0xE;
	v11 =	vshrl.u32 v11, $0x3;
	v21 =	vadd.s32 v53, v39;
	v24 =	vadd.f32 v24, v34;
	[tilespmem:v20+s5+$0x0] =	vst.idx.msk $0xffff, v14;
	v20 =	vld [tilespmem:s1+$0xD0]  }
0x4ea: {  	v13 =	vadd.s32 v62, v2;
	[tilespmem:v18+s5+$0x0] =	vst.idx.msk $0xffff, v3;
	v11 =	vshll.u32 v11, v1;
	v14 =	vmov s31  }
0x4eb: {  	v53 =	vadd.f32 v42, v36;
	v3 =	vadd.f32 v15, v36;
	[tilespmem:v41+s5+$0x0] =	vst.idx.msk $0xffff, v24;
	v24 =	vld [tilespmem:s1+$0x20];
	v14 =	vshrl.u32 v14, $0x3  }
0x4ec: {  	v6 =	vadd.s32 v48, v40;
	v48 =	vadd.f32 v10, v36;
	v10 =	vshll.u32 v14, v1;
	v14 =	vld [tilespmem:s1+$0xFFFFFF10]  }
0x4ed: {  	v47 =	vadd.f32 v58, v36;
	v58 =	vld [tilespmem:s0+$0xFFFFFFC0];
	v43 =	vbroadcast v11, $0x0;
	v7 =	vadd.f32 v7, v35;
	[tilespmem:v45+s5+$0x0] =	vst.idx.msk $0xffff, v53  }
0x4ee: {  	[tilespmem:v21+s5+$0x0] =	vst.idx.msk $0xffff, v3;
	v3 =	vadd.f32 v20, v35  }
0x4ef: {  	[tilespmem:v13+s5+$0x0] =	vst.idx.msk $0xffff, v7;
	v41 =	vbroadcast v10, $0x0;
	v10 =	vadd.s32 v60, v43  }
0x4f0: {  	[tilespmem:v22+s5+$0x0] =	vst.idx.msk $0xffff, v3;
	v3 =	vadd.f32 v24, v34  }
0x4f1: {  	[tilespmem:v6+s5+$0x0] =	vst.idx.msk $0xffff, v47;
	v13 =	vadd.f32 v14, v35  }
0x4f2: {  	v14 =	vadd.f32 v58, v36;
	v21 =	vld [tilespmem:$0x1FFC0];
	[tilespmem:v46+s5+$0x0] =	vst.idx.msk $0xffff, v3  }
0x4f3: {  	[tilespmem:v56+s5+$0x0] =	vst.idx.msk $0xffff, v13  }
0x4f4: {  	[tilespmem:v10+s5+$0x0] =	vst.idx.msk $0xffff, v14  }
0x4f5: {  	v3 =	vadd.s32 v0, v39;
	v0 =	vld [tilespmem:$0x1FFE0];
	_ =	sdelay $0x3  }
0x4f6: {  	v7 =	vld [tilespmem:s1+$0xE0]  }
0x4f7: {  	v60 =	vadd.s32 v0, v2;
	v0 =	vld [tilespmem:$0x1FC70]  }
0x4f8: {  	v6 =	vld [tilespmem:s1+$0xFFFFFF70]  }
0x4f9: {  	v16 =	vadd.s32 v29, v54;
	_ =	sdelay $0x1  }
0x4fa: {  	s17 =	simm.s32 $0xF  }
0x4fb: {  	v38 =	vmov s17;
	v7 =	vadd.f32 v7, v34  }
0x4fc: {  	v19 =	vshrl.u32 v38, $0x3;
	v6 =	vadd.f32 v6, v33  }
0x4fd: {  	v19 =	vshll.u32 v19, v1;
	[tilespmem:v16+s5+$0x0] =	vst.idx.msk $0xffff, v7  }
0x4fe: {  	v45 =	vbroadcast v19, $0x0;
	v19 =	vld [tilespmem:s1+$0xFFFFFFE0];
	[tilespmem:v0+s5+$0x0] =	vst.idx.msk $0xffff, v6  }
0x4ff: {  	v0 =	vld [tilespmem:$0x1FC80]  }
0x500: {  	v11 =	vld [tilespmem:s0+$0x10];
	_ =	sdelay $0x2  }
0x501: {  	v58 =	vld [tilespmem:s0+$0xFFFFFF50];
	_ =	sdelay $0x1  }
0x502: {  	s25 =	simm.s32 $0xD;
	v2 =	vadd.f32 v11, v35;
	v11 =	vadd.f32 v19, v34  }
0x503: {  	v9 =	vmov s25  }
0x504: {  	v9 =	vshrl.u32 v9, $0x3;
	[tilespmem:v0+s5+$0x0] =	vst.idx.msk $0xffff, v11  }
0x505: {  	v9 =	vshll.u32 v9, v1;
	v19 =	vadd.f32 v58, v35;
	v58 =	vadd.s32 v5, v41;
	v5 =	vld [tilespmem:$0x1FC90]  }
0x506: {  	v42 =	vbroadcast v9, $0x0;
	v9 =	vld [tilespmem:s1+$0xA0];
	_ =	sdelay $0x4  }
0x507: {  	v13 =	vadd.f32 v9, v34;
	_ =	sdelay $0x1  }
0x508: {  	v0 =	vld [tilespmem:$0x1FFF0];
	[tilespmem:v5+s5+$0x0] =	vst.idx.msk $0xffff, v13  }
0x509: {  	v5 =	vld [tilespmem:$0x1FE80];
	_ =	sdelay $0x4  }
0x50a: {  	v11 =	vadd.s32 v5, v54;
	v5 =	vld [tilespmem:$0x1FCA0]  }
0x50b: {  	v10 =	vld [tilespmem:s1+$0x60];
	_ =	sdelay $0x1  }
0x50c: {  	s15 =	simm.s32 $0x8  }
0x50d: {  	v25 =	vmov s15  }
0x50e: {  	v12 =	vshrl.u32 v25, $0x3  }
0x50f: {  	v12 =	vshll.u32 v12, v1;
	v10 =	vadd.f32 v10, v34  }
0x510: {  	v21 =	vadd.s32 v21, v44;
	v44 =	vbroadcast v12, $0x0;
	v12 =	vld [tilespmem:s1+$0x30]  }
0x511: {  	v7 =	vld [tilespmem:s0+$0xFFFFFFD0];
	[tilespmem:v5+s5+$0x0] =	vst.idx.msk $0xffff, v10  }
0x512: {  	v5 =	vld [tilespmem:$0x1FE70]  }
0x513: {  	v6 =	vld [tilespmem:s0+$0xFFFFFF90];
	_ =	sdelay $0x1  }
0x514: {  	v12 =	vadd.f32 v12, v33;
	_ =	sdelay $0x1  }
0x515: {  	v10 =	vadd.s32 v5, v52;
	v5 =	vld [tilespmem:$0x1FFD0];
	[tilespmem:v21+s5+$0x0] =	vst.idx.msk $0xffff, v12  }
0x516: {  	v20 =	vadd.s32 v30, v40;
	v14 =	vadd.f32 v6, v35;
	v6 =	vadd.f32 v7, v35;
	v7 =	vld [tilespmem:$0x1FE90];
	_ =	sdelay $0x3  }
0x517: {  	v21 =	vld [tilespmem:$0x1FF90]  }
0x518: {  	v54 =	vadd.s32 v7, v44;
	v7 =	vld [tilespmem:$0x1FEB0];
	[tilespmem:v20+s5+$0x0] =	vst.idx.msk $0xffff, v2  }
0x519: {  	v2 =	vld [tilespmem:$0x1FED0];
	_ =	sdelay $0x4  }
0x51a: {  	v9 =	vadd.s32 v0, v50;
	v50 =	vadd.s32 v2, v42;
	v2 =	vld [tilespmem:$0x1FCB0]  }
0x51b: {  	v46 =	vadd.s32 v63, v43;
	v63 =	vld [tilespmem:s1+$0xFFFFFF20]  }
0x51c: {  	v18 =	vadd.s32 v61, v17;
	_ =	sdelay $0x1  }
0x51d: {  	v55 =	vld [tilespmem:s0+$0x80]  }
0x51e: {  	v25 =	vld [tilespmem:s0+$0xC0]  }
0x51f: {  	v15 =	vld [tilespmem:s1+$0xFFFFFFB0];
	v16 =	vadd.s32 v7, v42;
	v7 =	vadd.f32 v63, v34  }
0x520: {  	v8 =	vld [tilespmem:s0+$0x40];
	[tilespmem:v18+s5+$0x0] =	vst.idx.msk $0xffff, v19  }
0x521: {  	v13 =	vld [tilespmem:s1+$0xF0];
	[tilespmem:v2+s5+$0x0] =	vst.idx.msk $0xffff, v7  }
0x522: {  	v4 =	vld [tilespmem:$0x1FE00]  }
0x523: {  	v38 =	vadd.s32 v49, v17;
	v49 =	vadd.f32 v25, v36;
	v7 =	vld [tilespmem:$0x1FF00]  }
0x524: {  	v53 =	vadd.s32 v28, v45;
	v61 =	vadd.f32 v15, v33;
	v47 =	vadd.s32 v62, v42  }
0x525: {  	v62 =	vadd.f32 v8, v36;
	v8 =	vadd.f32 v55, v36;
	v59 =	vadd.s32 v59, v41;
	v15 =	vld [tilespmem:s1+$0xFFFFFFF0]  }
0x526: {  	v56 =	vadd.s32 v27, v45;
	v55 =	vadd.s32 v26, v44;
	v0 =	vadd.s32 v23, v43;
	v12 =	vld [tilespmem:s1+$0xB0]  }
0x527: {  	v52 =	vadd.s32 v29, v45;
	v5 =	vadd.s32 v5, v57;
	v63 =	vadd.s32 v21, v17;
	v2 =	vld [tilespmem:s1+$0x70]  }
0x528: {  	s17 =	simm.s32 $0x10;
	v17 =	vadd.f32 v13, v33;
	v13 =	vld [tilespmem:s1+$0xFFFFFF30];
	s1 =	simm.s32 $0xFB00;
	v4 =	vadd.s32 v4, v39;
	v51 =	vadd.s32 v7, v41  }
.LBB2_13:
0x529: {  	v18 =	vld [tilespmem:s1+$0xFFFFFF40]  }
0x52a: {  	v7 =	vld [tilespmem:$0x1FFA0];
	[tilespmem:v3+s5+$0x0] =	vst.idx.msk $0xffff, v14  }
0x52b: {  	[tilespmem:v16+s5+$0x0] =	vst.idx.msk $0xffff, v62;
	v62 =	vld [tilespmem:$0x1FF70]  }
0x52c: {  	v21 =	vld [tilespmem:s0+$0xFFFFFFA0]  }
0x52d: {  	v23 =	vld [tilespmem:s1+$0xFFFFFF80]  }
0x52e: {  	s15 =	smov.u32 s17;
	[tilespmem:v59+s5+$0x0] =	vst.idx.msk $0xffff, v8;
	v59 =	vld [tilespmem:$0x1FF30]  }
0x52f: {  	s25 =	sadd.s32 $0x2, s15;
	[tilespmem:v11+s5+$0x0] =	vst.idx.msk $0xffff, v17;
	v8 =	vld [tilespmem:s1+$0x80]  }
0x530: {  	v17 =	vmov s25;
	v24 =	vld [tilespmem:s1+$0xC0];
	v3 =	vadd.f32 v15, v33  }
0x531: {  	v22 =	vadd.s32 v31, v37;
	v16 =	vshrl.u32 v17, $0x3;
	v17 =	vld [tilespmem:s0+$0x50]  }
0x532: {  	s18 =	sadd.s32 $0x4, s15;
	v12 =	vadd.f32 v12, v33;
	[tilespmem:v9+s5+$0x0] =	vst.idx.msk $0xffff, v3;
	v9 =	vshll.u32 v16, v1;
	v16 =	vld [tilespmem:s0+$0x90]  }
0x533: {  	v14 =	vmov s18;
	v3 =	vadd.f32 v2, v33;
	[tilespmem:v0+s5+$0x0] =	vst.idx.msk $0xffff, v6;
	v0 =	vld [tilespmem:$0x1FF10]  }
0x534: {  	s31 =	sadd.s32 $0x1, s15;
	[tilespmem:v10+s5+$0x0] =	vst.idx.msk $0xffff, v12;
	v10 =	vshrl.u32 v14, $0x3;
	v12 =	vld [tilespmem:s0+$0xFFFFFF60]  }
0x535: {  	v19 =	vmov s15;
	v11 =	vmov s31;
	v14 =	vld [tilespmem:$0x1FF20];
	[tilespmem:v60+s5+$0x0] =	vst.idx.msk $0xffff, v3;
	v3 =	vshll.u32 v10, v1  }
0x536: {  	s6 =	sadd.s32 $0x7, s17;
	[tilespmem:v53+s5+$0x0] =	vst.idx.msk $0xffff, v49;
	v11 =	vshrl.u32 v11, $0x3;
	v13 =	vadd.f32 v13, v33;
	v60 =	vld [tilespmem:s1+$0x0];
	v3 =	vbroadcast v3, $0x0  }
0x537: {  	v20 =	vmov s6;
	v57 =	vadd.s32 v7, v44;
	v7 =	vld [tilespmem:$0x1FFB0];
	[tilespmem:v22+s5+$0x0] =	vst.idx.msk $0xffff, v61;
	v2 =	vshll.u32 v11, v1  }
0x538: {  	s21 =	sadd.s32 $0x5, s15;
	[tilespmem:v5+s5+$0x0] =	vst.idx.msk $0xffff, v13;
	v13 =	vshrl.u32 v19, $0x3;
	v19 =	vld [tilespmem:$0x1FF40];
	v2 =	vbroadcast v2, $0x0;
	v0 =	vadd.s32 v0, v3  }
0x539: {  	v15 =	vmov s21;
	v11 =	vshrl.u32 v20, $0x3;
	v5 =	vld [tilespmem:s1+$0xFFFFFF00];
	[tilespmem:v55+s5+$0x0] =	vst.idx.msk $0xffff, v48;
	v10 =	vadd.f32 v21, v34  }
0x53a: {  	v49 =	vadd.f32 v24, v36;
	v24 =	vld [tilespmem:$0x1FF80];
	v14 =	vadd.s32 v14, v2;
	v12 =	vadd.f32 v12, v34  }
0x53b: {  	v15 =	vshrl.u32 v15, $0x3;
	v6 =	vshll.u32 v11, v1;
	v11 =	vld [tilespmem:s0+$0x20];
	[tilespmem:v4+s5+$0x0] =	vst.idx.msk $0xffff, v10;
	v21 =	vadd.f32 v60, v36  }
0x53c: {  	v15 =	vshll.u32 v15, v1;
	v55 =	vld [tilespmem:s0+$0xFFFFFF10];
	[tilespmem:v63+s5+$0x0] =	vst.idx.msk $0xffff, v12  }
0x53d: {  	v37 =	vmovc v39;
	v39 =	vbroadcast v9, $0x0;
	v9 =	vld [tilespmem:s1+$0x40];
	v4 =	vadd.f32 v18, v36;
	[tilespmem:v0+s5+$0x0] =	vst.idx.msk $0xffff, v21;
	v0 =	vbroadcast v15, $0x0  }
0x53e: {  	v17 =	vadd.f32 v17, v35;
	v25 =	vld [tilespmem:s0+$0xFFFFFF70]  }
0x53f: {  	[tilespmem:v14+s5+$0x0] =	vst.idx.msk $0xffff, v4;
	v14 =	vld [tilespmem:$0x1FFC0];
	v24 =	vadd.s32 v24, v0  }
0x540: {  	s19 =	sadd.s32 $0x6, s15;
	s15 =	sadd.s32 $0x3, s15;
	[tilespmem:v47+s5+$0x0] =	vst.idx.msk $0xffff, v17;
	v16 =	vadd.f32 v16, v35;
	v47 =	vmov v24;
	v24 =	vld [tilespmem:$0x1FFE0]  }
0x541: {  	v61 =	vmov s15;
	v10 =	vld [tilespmem:s1+$0xFFFFFFC0];
	v19 =	vadd.s32 v19, v39  }
0x542: {  	v22 =	vshrl.u32 v61, $0x3;
	v5 =	vadd.f32 v5, v36;
	[tilespmem:v58+s5+$0x0] =	vst.idx.msk $0xffff, v16;
	v16 =	vld [tilespmem:s0+$0xD0]  }
0x543: {  	v22 =	vshll.u32 v22, v1;
	v7 =	vadd.s32 v7, v40;
	v12 =	vld [tilespmem:s0+$0xFFFFFFB0]  }
0x544: {  	v23 =	vadd.f32 v23, v36;
	v48 =	vmov v5;
	v5 =	vbroadcast v22, $0x0;
	v15 =	vld [tilespmem:s0+$0xA0]  }
0x545: {  	v22 =	vadd.s32 v14, v40;
	v14 =	vld [tilespmem:s1+$0xFFFFFF50];
	v60 =	vadd.s32 v24, v42;
	v42 =	vmovc v0;
	v0 =	vadd.f32 v25, v33  }
0x546: {  	v11 =	vadd.f32 v11, v34;
	[tilespmem:v19+s5+$0x0] =	vst.idx.msk $0xffff, v23;
	v23 =	vadd.s32 v30, v3;
	v40 =	vmov v3;
	v3 =	vld [tilespmem:$0x1FF50]  }
0x547: {  	v18 =	vmov s19;
	v16 =	vadd.f32 v16, v35;
	[tilespmem:v38+s5+$0x0] =	vst.idx.msk $0xffff, v0;
	v0 =	vld [tilespmem:$0x1FEF0]  }
0x548: {  	v18 =	vshrl.u32 v18, $0x3;
	v19 =	vld [tilespmem:s1+$0x10];
	[tilespmem:v7+s5+$0x0] =	vst.idx.msk $0xffff, v11  }
0x549: {  	v18 =	vshll.u32 v18, v1;
	v7 =	vld [tilespmem:s0+$0x60];
	[tilespmem:v56+s5+$0x0] =	vst.idx.msk $0xffff, v16  }
0x54a: {  	v18 =	vbroadcast v18, $0x0;
	v17 =	vld [tilespmem:s0+$0xE0]  }
0x54b: {  	v16 =	vadd.s32 v3, v5;
	v3 =	vld [tilespmem:$0x1FEE0]  }
0x54c: {  	v4 =	vadd.f32 v10, v36;
	v58 =	vadd.s32 v0, v18;
	v0 =	vld [tilespmem:$0x1FFF0]  }
0x54d: {  	v10 =	vld [tilespmem:s0+$0xFFFFFFE0];
	v21 =	vadd.s32 v62, v2;
	v62 =	vadd.f32 v9, v36;
	v9 =	vadd.f32 v55, v35  }
0x54e: {  	v11 =	vld [tilespmem:s0+$0x30];
	v7 =	vadd.f32 v7, v34  }
0x54f: {  	v61 =	vadd.f32 v12, v33;
	[tilespmem:v54+s5+$0x0] =	vst.idx.msk $0xffff, v9;
	v24 =	vld [tilespmem:s1+$0xFFFFFF90]  }
0x550: {  	v12 =	vadd.f32 v15, v34;
	[tilespmem:v50+s5+$0x0] =	vst.idx.msk $0xffff, v7;
	v7 =	vld [tilespmem:$0x1FEB0];
	v15 =	vadd.f32 v17, v34  }
0x551: {  	v56 =	vadd.s32 v3, v5;
	[tilespmem:v16+s5+$0x0] =	vst.idx.msk $0xffff, v4;
	v9 =	vadd.s32 v0, v43;
	v43 =	vmov v5;
	v5 =	vld [tilespmem:$0x1FE80]  }
0x552: {  	v16 =	vld [tilespmem:s1+$0xFFFFFFD0]  }
0x553: {  	v20 =	vadd.s32 v59, v2;
	v63 =	vld [tilespmem:$0x1FF60];
	[tilespmem:v52+s5+$0x0] =	vst.idx.msk $0xffff, v15  }
0x554: {  	v38 =	vmov v20;
	v20 =	vld [tilespmem:s0+$0xF0]  }
0x555: {  	v6 =	vbroadcast v6, $0x0;
	v25 =	vadd.f32 v14, v35;
	v14 =	vadd.f32 v24, v35;
	v24 =	vld [tilespmem:$0x1FE90]  }
0x556: {  	v17 =	vadd.f32 v11, v33;
	v11 =	vadd.s32 v5, v45;
	v5 =	vld [tilespmem:$0x1FE70]  }
0x557: {  	v53 =	vadd.s32 v28, v6;
	v45 =	vmovc v6;
	v6 =	vadd.f32 v16, v35;
	v16 =	vadd.s32 v7, v42;
	v7 =	vld [tilespmem:$0x1FF90]  }
0x558: {  	v4 =	vld [tilespmem:s0+$0xFFFFFF20]  }
0x559: {  	v10 =	vadd.f32 v10, v34;
	v3 =	vld [tilespmem:$0x1FEC0]  }
0x55a: {  	v13 =	vshll.u32 v13, v1;
	[tilespmem:v51+s5+$0x0] =	vst.idx.msk $0xffff, v12;
	v0 =	vld [tilespmem:$0x1FEA0]  }
0x55b: {  	v59 =	vadd.s32 v63, v18;
	[tilespmem:v46+s5+$0x0] =	vst.idx.msk $0xffff, v10;
	v10 =	vadd.s32 v5, v41;
	v5 =	vld [tilespmem:$0x1FFD0]  }
0x55c: {  	v13 =	vbroadcast v13, $0x0;
	v19 =	vadd.f32 v19, v35;
	[tilespmem:v22+s5+$0x0] =	vst.idx.msk $0xffff, v17;
	v63 =	vadd.s32 v7, v2;
	v2 =	vld [tilespmem:$0x1FED0]  }
0x55d: {  	p0 =	slt.u32 s17, $0x78;
	[tilespmem:v21+s5+$0x0] =	vst.idx.msk $0xffff, v25;
	v4 =	vadd.f32 v4, v34;
	v7 =	vld [tilespmem:$0x1FF00]  }
.Ltmp6:
0x55e: {  	v8 =	vadd.f32 v8, v36;
	v55 =	vadd.s32 v26, v13;
	[tilespmem:v23+s5+$0x0] =	vst.idx.msk $0xffff, v19;
	(pc) =	sbr.rel @p0 .LBB2_13-.Ltmp6, $4  }
0x55f: {  	v12 =	vld [tilespmem:s0+$0xB0];
	v17 =	vadd.f32 v20, v33;
	v3 =	vadd.s32 v3, v39;
	[tilespmem:v57+s5+$0x0] =	vst.idx.msk $0xffff, v4  }
0x560: {  	v46 =	vmovc v56;
	v15 =	vld [tilespmem:s0+$0xFFFFFFF0];
	v4 =	vadd.s32 v32, v39;
	v0 =	vadd.s32 v0, v43;
	v56 =	vadd.s32 v27, v45  }
0x561: {  	v41 =	vmovc v18;
	v5 =	vadd.s32 v5, v44;
	v44 =	vmov v13;
	v50 =	vadd.s32 v2, v42;
	v2 =	vld [tilespmem:s0+$0x70]  }
0x562: {  	s17 =	sadd.s32 $0x8, s17;
	v52 =	vadd.s32 v29, v45;
	v51 =	vadd.s32 v7, v41;
	v13 =	vld [tilespmem:s0+$0xFFFFFF30];
	s0 =	smov.u32 s1;
	s1 =	sadd.s32 $0x200, s1;
	v54 =	vadd.s32 v24, v44  }
0x563: {  	_ =	sdelay $0x3  }
0x564: {  	[tilespmem:v59+s5+$0x0] =	vst.idx.msk $0xffff, v8  }
0x565: {  	[tilespmem:v3+s5+$0x0] =	vst.idx.msk $0xffff, v14  }
0x566: {  	[tilespmem:v53+s5+$0x0] =	vst.idx.msk $0xffff, v49  }
0x567: {  	[tilespmem:v11+s5+$0x0] =	vst.idx.msk $0xffff, v17  }
0x568: {  	[tilespmem:v16+s5+$0x0] =	vst.idx.msk $0xffff, v62;
	v7 =	vld [tilespmem:s0+$0xD0]  }
0x569: {  	v8 =	vadd.s32 v31, v37;
	[tilespmem:v55+s5+$0x0] =	vst.idx.msk $0xffff, v48;
	v11 =	vadd.f32 v12, v33  }
0x56a: {  	[tilespmem:v0+s5+$0x0] =	vst.idx.msk $0xffff, v6;
	v3 =	vadd.f32 v15, v33  }
0x56b: {  	v2 =	vadd.f32 v2, v33;
	[tilespmem:v10+s5+$0x0] =	vst.idx.msk $0xffff, v11  }
0x56c: {  	[tilespmem:v9+s5+$0x0] =	vst.idx.msk $0xffff, v3  }
0x56d: {  	[tilespmem:v60+s5+$0x0] =	vst.idx.msk $0xffff, v2;
	v7 =	vadd.f32 v7, v35  }
0x56e: {  	v3 =	vld [tilespmem:s0+$0x90];
	[tilespmem:v8+s5+$0x0] =	vst.idx.msk $0xffff, v61  }
0x56f: {  	v9 =	vld [tilespmem:s0+$0x50];
	[tilespmem:v56+s5+$0x0] =	vst.idx.msk $0xffff, v7  }
0x570: {  	v53 =	vld [tilespmem:$0x1FFB0]  }
0x571: {  	v2 =	vld [tilespmem:s0+$0xFFFFFF10]  }
0x572: {  	v10 =	vld [tilespmem:s0+$0xFFFFFF60]  }
0x573: {  	v8 =	vld [tilespmem:s0+$0x20];
	v3 =	vadd.f32 v3, v35  }
0x574: {  	v0 =	vadd.f32 v9, v35;
	v32 =	vld [tilespmem:s0+$0xE0]  }
0x575: {  	v9 =	vadd.f32 v13, v33;
	[tilespmem:v58+s5+$0x0] =	vst.idx.msk $0xffff, v3;
	v3 =	vld [tilespmem:s0+$0xFFFFFFE0];
	v36 =	vadd.s32 v53, v40  }
0x576: {  	[tilespmem:v47+s5+$0x0] =	vst.idx.msk $0xffff, v0;
	v0 =	vadd.f32 v2, v35  }
0x577: {  	[tilespmem:v5+s5+$0x0] =	vst.idx.msk $0xffff, v9;
	v2 =	vadd.f32 v10, v34  }
0x578: {  	v8 =	vadd.f32 v8, v34;
	[tilespmem:v54+s5+$0x0] =	vst.idx.msk $0xffff, v0  }
0x579: {  	v11 =	vld [tilespmem:s0+$0xA0];
	[tilespmem:v63+s5+$0x0] =	vst.idx.msk $0xffff, v2;
	v2 =	vadd.f32 v32, v34  }
0x57a: {  	v37 =	vld [tilespmem:s0+$0x60];
	v3 =	vadd.f32 v3, v34;
	[tilespmem:v36+s5+$0x0] =	vst.idx.msk $0xffff, v8  }
0x57b: {  	v58 =	vld [tilespmem:$0x1FFA0];
	[tilespmem:v52+s5+$0x0] =	vst.idx.msk $0xffff, v2  }
0x57c: {  	v9 =	vld [tilespmem:s0+$0xFFFFFFA0];
	[tilespmem:v46+s5+$0x0] =	vst.idx.msk $0xffff, v3  }
0x57d: {  	v62 =	vld [tilespmem:$0x1FFC0]  }
0x57e: {  	v0 =	vld [tilespmem:s0+$0xFFFFFF20]  }
0x57f: {  	v47 =	vld [tilespmem:s0+$0xFFFFFF70];
	v10 =	vadd.f32 v11, v34  }
0x580: {  	v8 =	vld [tilespmem:s0+$0x30];
	v2 =	vadd.f32 v37, v34;
	v48 =	vadd.s32 v58, v44  }
0x581: {  	v49 =	vadd.f32 v9, v34;
	v3 =	vld [tilespmem:s0+$0xF0];
	[tilespmem:v51+s5+$0x0] =	vst.idx.msk $0xffff, v10  }
0x582: {  	v14 =	vld [tilespmem:$0x1FE80];
	[tilespmem:v50+s5+$0x0] =	vst.idx.msk $0xffff, v2;
	v9 =	vadd.s32 v62, v40  }
0x583: {  	v0 =	vadd.f32 v0, v34;
	v11 =	vld [tilespmem:s0+$0xFFFFFFF0];
	[tilespmem:v4+s5+$0x0] =	vst.idx.msk $0xffff, v49  }
0x584: {  	v52 =	vadd.f32 v47, v33;
	v54 =	vld [tilespmem:$0x1FFF0]  }
0x585: {  	v28 =	vld [tilespmem:$0x1FE70];
	v8 =	vadd.f32 v8, v33;
	[tilespmem:v48+s5+$0x0] =	vst.idx.msk $0xffff, v0  }
0x586: {  	v32 =	vld [tilespmem:$0x1FFE0];
	[tilespmem:v38+s5+$0x0] =	vst.idx.msk $0xffff, v52  }
0x587: {  	v2 =	vld [tilespmem:s0+$0xB0];
	[tilespmem:v9+s5+$0x0] =	vst.idx.msk $0xffff, v8  }
0x588: {  	v10 =	vadd.s32 v14, v45;
	v18 =	vld [tilespmem:$0x1FFD0]  }
0x589: {  	v57 =	vld [tilespmem:s0+$0xFFFFFFB0];
	v55 =	vadd.s32 v54, v43  }
0x58a: {  	v56 =	vld [tilespmem:s0+$0x70];
	v59 =	vadd.s32 v28, v41  }
0x58b: {  	v3 =	vadd.f32 v3, v33;
	v60 =	vld [tilespmem:s0+$0xFFFFFF30];
	v8 =	vadd.s32 v31, v39  }
0x58c: {  	v61 =	vadd.f32 v11, v33;
	v0 =	vadd.s32 v32, v42  }
0x58d: {  	v2 =	vadd.f32 v2, v33;
	[tilespmem:v10+s5+$0x0] =	vst.idx.msk $0xffff, v3;
	v9 =	vadd.s32 v18, v44  }
0x58e: {  	v63 =	vadd.f32 v57, v33;
	[tilespmem:v55+s5+$0x0] =	vst.idx.msk $0xffff, v61  }
0x58f: {  	s15 =	sshll.u32 s29, $0x12;
	v3 =	vadd.f32 v56, v33;
	[tilespmem:v59+s5+$0x0] =	vst.idx.msk $0xffff, v2  }
0x590: {  	s0 =	sor.u32 s7, s15;
	v2 =	vadd.f32 v60, v33;
	[tilespmem:v8+s5+$0x0] =	vst.idx.msk $0xffff, v63  }
0x591: {  	s0 =	sshrl.u32 s0, $0x3;
	[tilespmem:v0+s5+$0x0] =	vst.idx.msk $0xffff, v3  }
0x592: {  	s1 =	sadd.s32 s2, s0;
	[tilespmem:v9+s5+$0x0] =	vst.idx.msk $0xffff, v2  }
0x593: {  	[hbm4b:s1+s3] =	stream.linear.scatter [tilespmem:s5], [sflag:$0x6], $0x80, $0x38;
	[tilespmem:$0x15A00] =	vst v63  }
0x594: {  	s15 =	simm.s32 $0x13888;
	s6 =	sadd.s32 $0x10, s1  }
0x595: {  	[hbm4b:s6+s3] =	stream.linear.scatter [tilespmem:s15], [sflag:$0x6], $0x80, $0x38;
	[tilespmem:$0x15A00] =	vst v63  }
0x596: {  	s18 =	simm.s32 $0x13910;
	s17 =	sadd.s32 $0x20, s1  }
0x597: {  	[hbm4b:s17+s3] =	stream.linear.scatter [tilespmem:s18], [sflag:$0x6], $0x80, $0x38;
	[tilespmem:$0x15A00] =	vst v63  }
0x598: {  	s21 =	simm.s32 $0x13998;
	s19 =	sadd.s32 $0x30, s1  }
0x599: {  	[hbm4b:s19+s3] =	stream.linear.scatter [tilespmem:s21], [sflag:$0x6], $0x80, $0x38;
	[tilespmem:$0x15A00] =	vst v63  }
0x59a: {  	s29 =	simm.s32 $0x13A20;
	s25 =	sadd.s32 $0x40, s1  }
0x59b: {  	[hbm4b:s25+s3] =	stream.linear.scatter [tilespmem:s29], [sflag:$0x6], $0x80, $0x38;
	[tilespmem:$0x15A00] =	vst v63  }
0x59c: {  	s31 =	simm.s32 $0x13AA8;
	s30 =	sadd.s32 $0x50, s1  }
0x59d: {  	[hbm4b:s30+s3] =	stream.linear.scatter [tilespmem:s31], [sflag:$0x6], $0x80, $0x38;
	[tilespmem:$0x15A00] =	vst v63  }
0x59e: {  	s17 =	sadd.s32 $0x60, s1;
	s18 =	simm.s32 $0x13B30  }
0x59f: {  	[hbm4b:s17+s3] =	stream.linear.scatter [tilespmem:s18], [sflag:$0x6], $0x80, $0x38;
	[tilespmem:$0x15A00] =	vst v63  }
0x5a0: {  	s1 =	sadd.s32 $0x70, s1;
	s19 =	simm.s32 $0x13BB8  }
0x5a1: {  	[hbm4b:s1+s3] =	stream.linear.scatter [tilespmem:s19], [sflag:$0x6], $0x80, $0x38;
	[tilespmem:$0x15A00] =	vst v63  }
0x5a2: {  	s21 =	simm.s32 $0x13C40;
	s1 =	sadd.s32 s0, s8  }
0x5a3: {  	[hbm4b:s1+s3] =	stream.linear.scatter [tilespmem:s21], [sflag:$0x6], $0x80, $0x38;
	[tilespmem:$0x15A00] =	vst v63  }
0x5a4: {  	s29 =	simm.s32 $0x13CC8;
	s25 =	sadd.s32 $0x10, s1  }
0x5a5: {  	[hbm4b:s25+s3] =	stream.linear.scatter [tilespmem:s29], [sflag:$0x6], $0x80, $0x38;
	[tilespmem:$0x15A00] =	vst v63  }
0x5a6: {  	s31 =	simm.s32 $0x13D50;
	s30 =	sadd.s32 $0x20, s1  }
0x5a7: {  	[hbm4b:s30+s3] =	stream.linear.scatter [tilespmem:s31], [sflag:$0x6], $0x80, $0x38;
	[tilespmem:$0x15A00] =	vst v63  }
0x5a8: {  	s17 =	simm.s32 $0x13DD8;
	s15 =	sadd.s32 $0x30, s1  }
0x5a9: {  	[hbm4b:s15+s3] =	stream.linear.scatter [tilespmem:s17], [sflag:$0x6], $0x80, $0x38;
	[tilespmem:$0x15A00] =	vst v63  }
0x5aa: {  	s19 =	simm.s32 $0x13E60;
	s18 =	sadd.s32 $0x40, s1  }
0x5ab: {  	[hbm4b:s18+s3] =	stream.linear.scatter [tilespmem:s19], [sflag:$0x6], $0x80, $0x38;
	[tilespmem:$0x15A00] =	vst v63  }
0x5ac: {  	s21 =	sadd.s32 $0x50, s1;
	s25 =	simm.s32 $0x13EE8  }
0x5ad: {  	[hbm4b:s21+s3] =	stream.linear.scatter [tilespmem:s25], [sflag:$0x6], $0x80, $0x38;
	[tilespmem:$0x15A00] =	vst v63  }
0x5ae: {  	s29 =	sadd.s32 $0x60, s1;
	s30 =	simm.s32 $0x13F70  }
0x5af: {  	[hbm4b:s29+s3] =	stream.linear.scatter [tilespmem:s30], [sflag:$0x6], $0x80, $0x38;
	[tilespmem:$0x15A00] =	vst v63  }
0x5b0: {  	s1 =	sadd.s32 $0x70, s1;
	s31 =	simm.s32 $0x13FF8  }
0x5b1: {  	[hbm4b:s1+s3] =	stream.linear.scatter [tilespmem:s31], [sflag:$0x6], $0x80, $0x38;
	[tilespmem:$0x15A00] =	vst v63  }
0x5b2: {  	s15 =	simm.s32 $0x14080;
	s1 =	sadd.s32 s0, s9  }
0x5b3: {  	[hbm4b:s1+s3] =	stream.linear.scatter [tilespmem:s15], [sflag:$0x6], $0x80, $0x38;
	[tilespmem:$0x15A00] =	vst v63  }
0x5b4: {  	s18 =	simm.s32 $0x14108;
	s17 =	sadd.s32 $0x10, s1  }
0x5b5: {  	[hbm4b:s17+s3] =	stream.linear.scatter [tilespmem:s18], [sflag:$0x6], $0x80, $0x38;
	[tilespmem:$0x15A00] =	vst v63  }
0x5b6: {  	s21 =	simm.s32 $0x14190;
	s19 =	sadd.s32 $0x20, s1  }
0x5b7: {  	[hbm4b:s19+s3] =	stream.linear.scatter [tilespmem:s21], [sflag:$0x6], $0x80, $0x38;
	[tilespmem:$0x15A00] =	vst v63  }
0x5b8: {  	s29 =	simm.s32 $0x14218;
	s25 =	sadd.s32 $0x30, s1  }
0x5b9: {  	[hbm4b:s25+s3] =	stream.linear.scatter [tilespmem:s29], [sflag:$0x6], $0x80, $0x38;
	[tilespmem:$0x15A00] =	vst v63  }
0x5ba: {  	s31 =	simm.s32 $0x142A0;
	s30 =	sadd.s32 $0x40, s1  }
0x5bb: {  	[hbm4b:s30+s3] =	stream.linear.scatter [tilespmem:s31], [sflag:$0x6], $0x80, $0x38;
	[tilespmem:$0x15A00] =	vst v63  }
0x5bc: {  	s17 =	sadd.s32 $0x50, s1;
	s18 =	simm.s32 $0x14328  }
0x5bd: {  	[hbm4b:s17+s3] =	stream.linear.scatter [tilespmem:s18], [sflag:$0x6], $0x80, $0x38;
	[tilespmem:$0x15A00] =	vst v63  }
0x5be: {  	s19 =	sadd.s32 $0x60, s1;
	s21 =	simm.s32 $0x143B0  }
0x5bf: {  	[hbm4b:s19+s3] =	stream.linear.scatter [tilespmem:s21], [sflag:$0x6], $0x80, $0x38;
	[tilespmem:$0x15A00] =	vst v63  }
0x5c0: {  	s1 =	sadd.s32 $0x70, s1;
	s25 =	simm.s32 $0x14438  }
0x5c1: {  	[hbm4b:s1+s3] =	stream.linear.scatter [tilespmem:s25], [sflag:$0x6], $0x80, $0x38;
	[tilespmem:$0x15A00] =	vst v63  }
0x5c2: {  	s29 =	simm.s32 $0x144C0;
	s1 =	sadd.s32 s0, s10  }
0x5c3: {  	[hbm4b:s1+s3] =	stream.linear.scatter [tilespmem:s29], [sflag:$0x6], $0x80, $0x38;
	[tilespmem:$0x15A00] =	vst v63  }
0x5c4: {  	s31 =	simm.s32 $0x14548;
	s30 =	sadd.s32 $0x10, s1  }
0x5c5: {  	[hbm4b:s30+s3] =	stream.linear.scatter [tilespmem:s31], [sflag:$0x6], $0x80, $0x38;
	[tilespmem:$0x15A00] =	vst v63  }
0x5c6: {  	s18 =	simm.s32 $0x145D0;
	s17 =	sadd.s32 $0x20, s1  }
0x5c7: {  	[hbm4b:s17+s3] =	stream.linear.scatter [tilespmem:s18], [sflag:$0x6], $0x80, $0x38;
	[tilespmem:$0x15A00] =	vst v63  }
0x5c8: {  	s21 =	simm.s32 $0x14658;
	s19 =	sadd.s32 $0x30, s1  }
0x5c9: {  	[hbm4b:s19+s3] =	stream.linear.scatter [tilespmem:s21], [sflag:$0x6], $0x80, $0x38;
	[tilespmem:$0x15A00] =	vst v63  }
0x5ca: {  	s25 =	sadd.s32 $0x40, s1;
	s29 =	simm.s32 $0x146E0  }
0x5cb: {  	[hbm4b:s25+s3] =	stream.linear.scatter [tilespmem:s29], [sflag:$0x6], $0x80, $0x38;
	[tilespmem:$0x15A00] =	vst v63  }
0x5cc: {  	s30 =	sadd.s32 $0x50, s1;
	s31 =	simm.s32 $0x14768  }
0x5cd: {  	[hbm4b:s30+s3] =	stream.linear.scatter [tilespmem:s31], [sflag:$0x6], $0x80, $0x38;
	[tilespmem:$0x15A00] =	vst v63  }
0x5ce: {  	s17 =	sadd.s32 $0x60, s1;
	s18 =	simm.s32 $0x147F0  }
0x5cf: {  	[hbm4b:s17+s3] =	stream.linear.scatter [tilespmem:s18], [sflag:$0x6], $0x80, $0x38;
	[tilespmem:$0x15A00] =	vst v63  }
0x5d0: {  	s1 =	sadd.s32 $0x70, s1;
	s19 =	simm.s32 $0x14878  }
0x5d1: {  	[hbm4b:s1+s3] =	stream.linear.scatter [tilespmem:s19], [sflag:$0x6], $0x80, $0x38;
	[tilespmem:$0x15A00] =	vst v63  }
0x5d2: {  	s21 =	simm.s32 $0x14900;
	s1 =	sadd.s32 s0, s11  }
0x5d3: {  	[hbm4b:s1+s3] =	stream.linear.scatter [tilespmem:s21], [sflag:$0x6], $0x80, $0x38;
	[tilespmem:$0x15A00] =	vst v63  }
0x5d4: {  	s29 =	simm.s32 $0x14988;
	s25 =	sadd.s32 $0x10, s1  }
0x5d5: {  	[hbm4b:s25+s3] =	stream.linear.scatter [tilespmem:s29], [sflag:$0x6], $0x80, $0x38;
	[tilespmem:$0x15A00] =	vst v63  }
0x5d6: {  	s31 =	simm.s32 $0x14A10;
	s30 =	sadd.s32 $0x20, s1  }
0x5d7: {  	[hbm4b:s30+s3] =	stream.linear.scatter [tilespmem:s31], [sflag:$0x6], $0x80, $0x38;
	[tilespmem:$0x15A00] =	vst v63  }
0x5d8: {  	s17 =	simm.s32 $0x14A98;
	s15 =	sadd.s32 $0x30, s1  }
0x5d9: {  	[hbm4b:s15+s3] =	stream.linear.scatter [tilespmem:s17], [sflag:$0x6], $0x80, $0x38;
	[tilespmem:$0x15A00] =	vst v63  }
0x5da: {  	s19 =	simm.s32 $0x14B20;
	s18 =	sadd.s32 $0x40, s1  }
0x5db: {  	[hbm4b:s18+s3] =	stream.linear.scatter [tilespmem:s19], [sflag:$0x6], $0x80, $0x38;
	[tilespmem:$0x15A00] =	vst v63  }
0x5dc: {  	s21 =	sadd.s32 $0x50, s1;
	s25 =	simm.s32 $0x14BA8  }
0x5dd: {  	[hbm4b:s21+s3] =	stream.linear.scatter [tilespmem:s25], [sflag:$0x6], $0x80, $0x38;
	[tilespmem:$0x15A00] =	vst v63  }
0x5de: {  	s29 =	sadd.s32 $0x60, s1;
	s30 =	simm.s32 $0x14C30  }
0x5df: {  	[hbm4b:s29+s3] =	stream.linear.scatter [tilespmem:s30], [sflag:$0x6], $0x80, $0x38;
	[tilespmem:$0x15A00] =	vst v63  }
0x5e0: {  	s1 =	sadd.s32 $0x70, s1;
	s31 =	simm.s32 $0x14CB8  }
0x5e1: {  	[hbm4b:s1+s3] =	stream.linear.scatter [tilespmem:s31], [sflag:$0x6], $0x80, $0x38;
	[tilespmem:$0x15A00] =	vst v63  }
0x5e2: {  	s15 =	simm.s32 $0x14D40;
	s1 =	sadd.s32 s0, s12  }
0x5e3: {  	[hbm4b:s1+s3] =	stream.linear.scatter [tilespmem:s15], [sflag:$0x6], $0x80, $0x38;
	[tilespmem:$0x15A00] =	vst v63  }
0x5e4: {  	s18 =	simm.s32 $0x14DC8;
	s17 =	sadd.s32 $0x10, s1  }
0x5e5: {  	[hbm4b:s17+s3] =	stream.linear.scatter [tilespmem:s18], [sflag:$0x6], $0x80, $0x38;
	[tilespmem:$0x15A00] =	vst v63  }
0x5e6: {  	s21 =	simm.s32 $0x14E50;
	s19 =	sadd.s32 $0x20, s1  }
0x5e7: {  	[hbm4b:s19+s3] =	stream.linear.scatter [tilespmem:s21], [sflag:$0x6], $0x80, $0x38;
	[tilespmem:$0x15A00] =	vst v63  }
0x5e8: {  	s29 =	simm.s32 $0x14ED8;
	s25 =	sadd.s32 $0x30, s1  }
0x5e9: {  	[hbm4b:s25+s3] =	stream.linear.scatter [tilespmem:s29], [sflag:$0x6], $0x80, $0x38;
	[tilespmem:$0x15A00] =	vst v63  }
0x5ea: {  	s31 =	simm.s32 $0x14F60;
	s30 =	sadd.s32 $0x40, s1  }
0x5eb: {  	[hbm4b:s30+s3] =	stream.linear.scatter [tilespmem:s31], [sflag:$0x6], $0x80, $0x38;
	[tilespmem:$0x15A00] =	vst v63  }
0x5ec: {  	s17 =	sadd.s32 $0x50, s1;
	s18 =	simm.s32 $0x14FE8  }
0x5ed: {  	[hbm4b:s17+s3] =	stream.linear.scatter [tilespmem:s18], [sflag:$0x6], $0x80, $0x38;
	[tilespmem:$0x15A00] =	vst v63  }
0x5ee: {  	s19 =	sadd.s32 $0x60, s1;
	s21 =	simm.s32 $0x15070  }
0x5ef: {  	[hbm4b:s19+s3] =	stream.linear.scatter [tilespmem:s21], [sflag:$0x6], $0x80, $0x38;
	[tilespmem:$0x15A00] =	vst v63  }
0x5f0: {  	s1 =	sadd.s32 $0x70, s1;
	s25 =	simm.s32 $0x150F8  }
0x5f1: {  	[hbm4b:s1+s3] =	stream.linear.scatter [tilespmem:s25], [sflag:$0x6], $0x80, $0x38;
	[tilespmem:$0x15A00] =	vst v63  }
0x5f2: {  	s29 =	simm.s32 $0x15180;
	s1 =	sadd.s32 s0, s13  }
0x5f3: {  	[hbm4b:s1+s3] =	stream.linear.scatter [tilespmem:s29], [sflag:$0x6], $0x80, $0x38;
	[tilespmem:$0x15A00] =	vst v63  }
0x5f4: {  	s31 =	simm.s32 $0x15208;
	s30 =	sadd.s32 $0x10, s1  }
0x5f5: {  	[hbm4b:s30+s3] =	stream.linear.scatter [tilespmem:s31], [sflag:$0x6], $0x80, $0x38;
	[tilespmem:$0x15A00] =	vst v63  }
0x5f6: {  	s18 =	simm.s32 $0x15290;
	s17 =	sadd.s32 $0x20, s1  }
0x5f7: {  	[hbm4b:s17+s3] =	stream.linear.scatter [tilespmem:s18], [sflag:$0x6], $0x80, $0x38;
	[tilespmem:$0x15A00] =	vst v63  }
0x5f8: {  	s21 =	simm.s32 $0x15318;
	s19 =	sadd.s32 $0x30, s1  }
0x5f9: {  	[hbm4b:s19+s3] =	stream.linear.scatter [tilespmem:s21], [sflag:$0x6], $0x80, $0x38;
	[tilespmem:$0x15A00] =	vst v63  }
0x5fa: {  	s25 =	sadd.s32 $0x40, s1;
	s29 =	simm.s32 $0x153A0  }
0x5fb: {  	[hbm4b:s25+s3] =	stream.linear.scatter [tilespmem:s29], [sflag:$0x6], $0x80, $0x38;
	[tilespmem:$0x15A00] =	vst v63  }
0x5fc: {  	s30 =	sadd.s32 $0x50, s1;
	s31 =	simm.s32 $0x15428  }
0x5fd: {  	[hbm4b:s30+s3] =	stream.linear.scatter [tilespmem:s31], [sflag:$0x6], $0x80, $0x38;
	[tilespmem:$0x15A00] =	vst v63  }
0x5fe: {  	s17 =	sadd.s32 $0x60, s1;
	s18 =	simm.s32 $0x154B0  }
0x5ff: {  	[hbm4b:s17+s3] =	stream.linear.scatter [tilespmem:s18], [sflag:$0x6], $0x80, $0x38;
	[tilespmem:$0x15A00] =	vst v63  }
0x600: {  	s1 =	sadd.s32 $0x70, s1;
	s19 =	simm.s32 $0x15538  }
0x601: {  	[hbm4b:s1+s3] =	stream.linear.scatter [tilespmem:s19], [sflag:$0x6], $0x80, $0x38;
	[tilespmem:$0x15A00] =	vst v63  }
0x602: {  	s0 =	sadd.s32 s0, s14;
	s21 =	simm.s32 $0x155C0  }
0x603: {  	v23 =	vld [tilespmem:$0x1FF20];
	[hbm4b:s0+s3] =	stream.linear.scatter [tilespmem:s21], [sflag:$0x6], $0x80, $0x38  }
0x604: {  	v27 =	vld [tilespmem:$0x1FF70];
	s25 =	sadd.s32 $0x10, s0;
	s29 =	simm.s32 $0x15648  }
0x605: {  	v19 =	vld [tilespmem:$0x1FF90];
	[hbm4b:s25+s3] =	stream.linear.scatter [tilespmem:s29], [sflag:$0x6], $0x80, $0x38  }
0x606: {  	v11 =	vld [tilespmem:$0x1FF30];
	s30 =	sadd.s32 $0x20, s0;
	s31 =	simm.s32 $0x156D0  }
0x607: {  	v46 =	vld [tilespmem:$0x1FF40];
	[hbm4b:s30+s3] =	stream.linear.scatter [tilespmem:s31], [sflag:$0x6], $0x80, $0x38  }
0x608: {  	v61 =	vld [tilespmem:$0x1FEC0];
	s15 =	sadd.s32 $0x30, s0;
	s17 =	simm.s32 $0x15758  }
0x609: {  	v25 =	vld [tilespmem:$0x1FF50];
	[hbm4b:s15+s3] =	stream.linear.scatter [tilespmem:s17], [sflag:$0x6], $0x80, $0x38  }
0x60a: {  	s28 =	sadd.s32 $0x1, s28;
	v21 =	vld [tilespmem:$0x1FEA0];
	s18 =	sadd.s32 $0x40, s0;
	s19 =	simm.s32 $0x157E0  }
0x60b: {  	v30 =	vld [tilespmem:$0x1FEE0];
	[hbm4b:s18+s3] =	stream.linear.scatter [tilespmem:s19], [sflag:$0x6], $0x80, $0x38  }
0x60c: {  	p0 =	sne.s32 s28, $0x32;
	v10 =	vld [tilespmem:$0x1FF10];
	s21 =	sadd.s32 $0x50, s0;
	s25 =	simm.s32 $0x15868  }
0x60d: {  	v40 =	vld [tilespmem:$0x1FEB0];
	[hbm4b:s21+s3] =	stream.linear.scatter [tilespmem:s25], [sflag:$0x6], $0x80, $0x38  }
.Ltmp7:
0x60e: {  	v51 =	vld [tilespmem:$0x1FF80];
	(pc) =	sbr.rel @p0 .LBB2_2-.Ltmp7, $4  }
0x60f: {  	v57 =	vld [tilespmem:$0x1FED0];
	s29 =	sadd.s32 $0x60, s0;
	s30 =	simm.s32 $0x158F0  }
0x610: {  	v38 =	vld [tilespmem:$0x1FF60];
	[hbm4b:s29+s3] =	stream.linear.scatter [tilespmem:s30], [sflag:$0x6], $0x80, $0x38  }
0x611: {  	v60 =	vld [tilespmem:$0x1FEF0];
	s0 =	sadd.s32 $0x70, s0;
	s31 =	simm.s32 $0x15978  }
0x612: {  	v63 =	vld [tilespmem:$0x1FF00];
	[hbm4b:s0+s3] =	stream.linear.scatter [tilespmem:s31], [sflag:$0x6], $0x80, $0x38  }
0x613: {  	_ =	swait.ge [sflag:s20], $0x400  }
0x614: {  	[sflag:s20] =	ssyncset.done $0x0  }
0x615: {  	[sflag:s20] =	ssyncadd.s32 $0xFFFFFC00  }
0x616: {  	_ =	swait.ge [sflag:s20], $0x400  }
0x617: {  	[sflag:s20] =	ssyncset.done $0x0  }
0x618: {  	[sflag:s20] =	ssyncadd.s32 $0xFFFFFC00  }
0x619: {  	_ =	swait.ge [sflag:s20], $0x400  }
0x61a: {  	[sflag:s20] =	ssyncset.done $0x0  }
0x61b: {  	[sflag:s20] =	ssyncadd.s32 $0xFFFFFC00  }
0x61c: {  	_ =	swait.ge [sflag:s20], $0x400  }
0x61d: {  	[sflag:s20] =	ssyncset.done $0x0  }
0x61e: {  	[sflag:s20] =	ssyncadd.s32 $0xFFFFFC00  }
0x61f: {  	_ =	swait.ge [sflag:s20], $0x400  }
0x620: {  	[sflag:s20] =	ssyncset.done $0x0  }
0x621: {  	[sflag:s20] =	ssyncadd.s32 $0xFFFFFC00  }
0x622: {  	_ =	swait.ge [sflag:s20], $0x400  }
0x623: {  	[sflag:s20] =	ssyncset.done $0x0  }
0x624: {  	[sflag:s20] =	ssyncadd.s32 $0xFFFFFC00  }
0x625: {  	_ =	swait.ge [sflag:s20], $0x400  }
0x626: {  	[sflag:s20] =	ssyncset.done $0x0  }
0x627: {  	[sflag:s20] =	ssyncadd.s32 $0xFFFFFC00  }
0x628: {  	_ =	swait.ge [sflag:s20], $0x400  }
0x629: {  	[sflag:s20] =	ssyncset.done $0x0  }
0x62a: {  	[sflag:s20] =	ssyncadd.s32 $0xFFFFFC00  }
0x62b: {  	_ =	swait.ge [sflag:s22], $0x400  }
0x62c: {  	[sflag:s22] =	ssyncset.done $0x0  }
0x62d: {  	[sflag:s22] =	ssyncadd.s32 $0xFFFFFC00  }
0x62e: {  	_ =	swait.ge [sflag:s22], $0x400  }
0x62f: {  	[sflag:s22] =	ssyncset.done $0x0  }
0x630: {  	[sflag:s22] =	ssyncadd.s32 $0xFFFFFC00  }
0x631: {  	_ =	swait.ge [sflag:s22], $0x400  }
0x632: {  	[sflag:s22] =	ssyncset.done $0x0  }
0x633: {  	[sflag:s22] =	ssyncadd.s32 $0xFFFFFC00  }
0x634: {  	_ =	swait.ge [sflag:s22], $0x400  }
0x635: {  	[sflag:s22] =	ssyncset.done $0x0  }
0x636: {  	[sflag:s22] =	ssyncadd.s32 $0xFFFFFC00  }
0x637: {  	_ =	swait.ge [sflag:s22], $0x400  }
0x638: {  	[sflag:s22] =	ssyncset.done $0x0  }
0x639: {  	[sflag:s22] =	ssyncadd.s32 $0xFFFFFC00  }
0x63a: {  	_ =	swait.ge [sflag:s22], $0x400  }
0x63b: {  	[sflag:s22] =	ssyncset.done $0x0  }
0x63c: {  	[sflag:s22] =	ssyncadd.s32 $0xFFFFFC00  }
0x63d: {  	_ =	swait.ge [sflag:s22], $0x400  }
0x63e: {  	[sflag:s22] =	ssyncset.done $0x0  }
0x63f: {  	[sflag:s22] =	ssyncadd.s32 $0xFFFFFC00  }
0x640: {  	_ =	swait.ge [sflag:s22], $0x400  }
0x641: {  	s1 =	rddreg [dreg:$0x6]  }
0x642: {  	s0 =	rddreg [dreg:$0x5];
	s1 =	sadd.s32 $0x1, s1  }
0x643: {  	p0 =	sne.s32 s1, s0  }
.Ltmp8:
0x644: {  	_ = 	snop;
	(pc) =	sbr.rel @p0 .LBB2_1-.Ltmp8, $3  }
0x645: {  	_ =	sdelay $0x1  }
0x646: {  	[sflag:s22] =	ssyncset.done $0x0  }
0x647: {  	[sflag:s22] =	ssyncadd.s32 $0xFFFFFC00  }
0x648: {  	_ =	sfence.sel $0x180000  }
0x649: {  	[bflag:$0x0] =	sbarrier.arrive $0xFFFF  }
0x64a: {  	_ =	strace $0x90000047  }
0x64b: {  	s0 =	stileid.u32;
	[bflag:$0x2] =	sbarrier.arrive $0xFFFF  }
0x64c: {  	p0 =	sne.s32 s0, $0x0;
	s0 =	rddreg [dreg:$0x2]  }
0x64d: {  	s0 =	sadd.s32 @!p0 $0x100000, s0  }
0x64e: {  	[sflag:s0] =	ssyncadd.tile.s32 @!p0 $0x1;
	_ =	shalt  }
.Lfunc_end2:
_tile_overlayer_lowered:
.L_overlay_start_2:
0x64f: {  	(tag) =	ssettag $0x2  }
0x650: {  	s0 =	rddreg [dreg:$0x0];
	s2 =	stileid.u32  }
0x651: {  	s1 =	rddreg [dreg:$0x1];
	p0 =	sne.s32 s2, $0x0  }
0x652: {  	s3 =	rddreg [dreg:$0x2];
	[bflag:$0x3] =	sbarrier.arrive $0xFFFF;
	s2 =	simm.s32 @!p0 $0x1C07  }
0x653: {  	[timem:s3], [sflag:s2] =	dma.local @!p0 [hbm:s0], s1  }
0x654: {  	s0 =	simm.s32 @!p0 $0x7  }
0x655: {  	_ =	swait.ge @!p0 [sflag:s0], s1  }
0x656: {  	s1 =	ssub.s32 @!p0 $0x0, s1;
	[sflag:s0] =	ssyncset.done @!p0 $0x0  }
0x657: {  	[sflag:s0] =	ssyncadd.s32 @!p0 s1  }
0x658: {  	[bflag:$0x3] =	sbarrier.arrive $0xFFFF  }
0x659: {  	_ =	shalt  }

</sc_bundles>
